<compile_context>
chip_gen: v7x
topology: tpu7x:2x2x1
jax: 0.10.2.dev20260603
libtpu: 0.0.44.dev20260713+nightly
codegen_flags: <defaults>
</compile_context>

<pallas_src>
import functools

import jax
import jax.numpy as jnp
import numpy as np
from jax import lax
from jax.experimental import pallas as pl
from jax.experimental.pallas import tpu as pltpu
from jax.experimental.pallas import tpu_sc as plsc

B, N_DOCS, L_Q, L_D, D = 1024, 50, 20, 50, 32
SEGS = B * N_DOCS
VOCAB = 1000000 + 10

NC, NS = 2, 16
NW = NC * NS

SEG_W = SEGS // NW
CH_SEGS = 32
CHUNKS = SEG_W // CH_SEGS
CH_TOK = CH_SEGS * L_D
GATHER_N = 80
N_GATHERS = CH_TOK // GATHER_N

QB_W = B // NW
Q_TOK_W = QB_W * L_Q
QGATHER_N = 80
NQ_GATHERS = Q_TOK_W // QGATHER_N

_F32 = jnp.float32


def _sc_pool_kernel(qtok, dtok, table, x_out,
                    idx0, idx1, rows0, rows1, xbuf0, xbuf1, qpool, qidx,
                    sem0, sem1):
    wid = lax.axis_index("s") * NC + lax.axis_index("c")

    z = jnp.zeros((16,), _F32)
    def zpad_body(si, _):
        for c in range(4, 8):
            xbuf0[si, c * 16:(c + 1) * 16] = z
            xbuf1[si, c * 16:(c + 1) * 16] = z
        return 0
    lax.fori_loop(0, CH_SEGS, zpad_body, 0, unroll=False)

    pltpu.sync_copy(qtok.at[pl.ds(wid * Q_TOK_W, Q_TOK_W)], qidx)
    qd = [
        pltpu.async_copy(
            table.at[qidx.at[pl.ds(j * QGATHER_N, QGATHER_N)]],
            rows0.at[pl.ds(j * QGATHER_N, QGATHER_N)],
            sem0,
        )
        for j in range(NQ_GATHERS)
    ]
    for d in qd:
        d.wait()

    def q_body(qb, _):
        a0 = jnp.zeros((16,), _F32)
        a1 = jnp.zeros((16,), _F32)
        for l in range(L_Q):
            r = qb * L_Q + l
            a0 = a0 + rows0[r, 0:16]
            a1 = a1 + rows0[r, 16:32]
        qpool[qb, 0:16] = a0
        qpool[qb, 16:32] = a1
        return 0

    lax.fori_loop(0, QB_W, q_body, 0, unroll=False)

    def fire(ci, idx, rows, sem):
        tok_base = wid * (SEG_W * L_D) + ci * CH_TOK
        pltpu.sync_copy(dtok.at[pl.ds(tok_base, CH_TOK)], idx)
        for j in range(N_GATHERS):
            pltpu.async_copy(
                table.at[idx.at[pl.ds(j * GATHER_N, GATHER_N)]],
                rows.at[pl.ds(j * GATHER_N, GATHER_N)],
                sem,
            )

    def drain(rows, sem):
        for j in range(N_GATHERS):
            pltpu.make_async_copy(
                table.at[pl.ds(0, GATHER_N)],
                rows.at[pl.ds(j * GATHER_N, GATHER_N)],
                sem,
            ).wait()

    def compute(ci, rows, xbuf):
        seg_base = wid * SEG_W + ci * CH_SEGS

        def seg_body(si, _):
            a0 = jnp.zeros((16,), _F32)
            a1 = jnp.zeros((16,), _F32)
            for l in range(L_D):
                r = si * L_D + l
                a0 = a0 + rows[r, 0:16]
                a1 = a1 + rows[r, 16:32]
            qb = (seg_base + si) // N_DOCS - wid * QB_W
            xbuf[si, 0:16] = qpool[qb, 0:16]
            xbuf[si, 16:32] = qpool[qb, 16:32]
            xbuf[si, 32:48] = a0
            xbuf[si, 48:64] = a1
            return 0

        lax.fori_loop(0, CH_SEGS, seg_body, 0, unroll=False)
        pltpu.sync_copy(xbuf, x_out.at[pl.ds(seg_base, CH_SEGS)])

    fire(0, idx0, rows0, sem0)

    def pair_body(i, _):
        fire(2 * i + 1, idx1, rows1, sem1)
        drain(rows0, sem0)
        compute(2 * i, rows0, xbuf0)

        @pl.when(i < CHUNKS // 2 - 1)
        def _():
            fire(2 * i + 2, idx0, rows0, sem0)

        drain(rows1, sem1)
        compute(2 * i + 1, rows1, xbuf1)
        return 0

    lax.fori_loop(0, CHUNKS // 2, pair_body, 0, unroll=False)


@functools.lru_cache(maxsize=1)
def _make_sc_pool():
    mesh = plsc.VectorSubcoreMesh(
        core_axis_name="c", subcore_axis_name="s", num_cores=NC, num_subcores=NS
    )
    return pl.kernel(
        _sc_pool_kernel,
        out_type=jax.ShapeDtypeStruct((SEGS, 128), _F32),
        mesh=mesh,
        scratch_types=[
            pltpu.VMEM((CH_TOK,), jnp.int32),
            pltpu.VMEM((CH_TOK,), jnp.int32),
            pltpu.VMEM((CH_TOK, D), _F32),
            pltpu.VMEM((CH_TOK, D), _F32),
            pltpu.VMEM((CH_SEGS, 128), _F32),
            pltpu.VMEM((CH_SEGS, 128), _F32),
            pltpu.VMEM((QB_W, D), _F32),
            pltpu.VMEM((Q_TOK_W,), jnp.int32),
            pltpu.SemaphoreType.DMA,
            pltpu.SemaphoreType.DMA,
        ],
        compiler_params=pltpu.CompilerParams(
            use_tc_tiling_on_sc=False, needs_layout_passes=False
        ),
    )


_CB = 8192
_CBQ = _CB // 4
_CBQ_SHIFT = _CBQ.bit_length() - 1
_RP_GRID = -(-VOCAB // _CB)
_RP_ROWS = _RP_GRID * _CB // 4


def _repack_body(in_ref, eye_ref, o_ref):
    q = _CBQ
    acc = None
    for a in range(4):
        part = lax.dot_general(
            in_ref[:, a * q:(a + 1) * q],
            eye_ref[32 * a:32 * a + 32, :],
            (((0,), (0,)), ((), ())),
            preferred_element_type=_F32,
        )
        acc = part if acc is None else acc + part
    o_ref[...] = acc


def _gather_index(t):
    return (t & -_CB) + ((t & (_CBQ - 1)) << 2) + ((t >> _CBQ_SHIFT) & 3)


def _repack(tableT):
    return pl.pallas_call(
        _repack_body,
        grid=(_RP_GRID,),
        in_specs=[
            pl.BlockSpec((D, _CB), lambda i: (0, i)),
            pl.BlockSpec((128, 128), lambda i: (0, 0)),
        ],
        out_specs=pl.BlockSpec((_CBQ, 128), lambda i: (i, 0)),
        out_shape=jax.ShapeDtypeStruct((_RP_ROWS, 128), _F32),
    )(tableT, jnp.eye(128, dtype=_F32))


def _mlp_body(x_ref, w1_ref, b1_ref, w2_ref, b2_ref, w3_ref, b3_ref, o_ref):
    h = jnp.maximum(
        jnp.dot(x_ref[...], w1_ref[...], preferred_element_type=_F32) + b1_ref[...], 0.0
    )
    h = jnp.maximum(
        jnp.dot(h, w2_ref[...], preferred_element_type=_F32) + b2_ref[...], 0.0
    )
    o_ref[...] = jnp.sum(h * w3_ref[...], axis=1) + b3_ref[0, 0]


def _mlp(x, w1, b1, w2, b2, w3row, b3):
    rows_blk = SEGS // 10
    return pl.pallas_call(
        _mlp_body,
        grid=(10,),
        in_specs=[
            pl.BlockSpec((rows_blk, 128), lambda i: (i, 0)),
            pl.BlockSpec((128, 64), lambda i: (0, 0)),
            pl.BlockSpec((1, 64), lambda i: (0, 0)),
            pl.BlockSpec((64, 32), lambda i: (0, 0)),
            pl.BlockSpec((1, 32), lambda i: (0, 0)),
            pl.BlockSpec((1, 32), lambda i: (0, 0)),
            pl.BlockSpec((1, 1), lambda i: (0, 0)),
        ],
        out_specs=pl.BlockSpec((rows_blk,), lambda i: (i,)),
        out_shape=jax.ShapeDtypeStruct((SEGS,), _F32),
    )(x, w1, b1, w2, b2, w3row, b3)


def kernel(query_tokens, document_tokens, table, bn_gamma, bn_beta, bn_mean, bn_var,
           W1, b1, W2, b2, W3, b3):
    qtok = _gather_index(query_tokens.reshape(-1))
    dtok = _gather_index(document_tokens.reshape(-1))
    table_lin = _repack(table.T).reshape(_RP_ROWS * 4, D)

    x = _make_sc_pool()(qtok, dtok, table_lin)

    inv_std = lax.rsqrt(bn_var + 1e-3)
    scale = bn_gamma * inv_std
    shift = bn_beta - bn_mean * scale
    div = jnp.concatenate(
        [jnp.full((D,), 1.0 / L_Q, _F32), jnp.full((D,), 1.0 / L_D, _F32)]
    )
    w1p = (scale * div)[:, None] * W1
    b1p = (shift @ W1 + b1).reshape(1, 64)

    w1pad = jnp.zeros((128, 64), _F32).at[0:2 * D, :].set(w1p)
    scores = _mlp(
        x, w1pad, b1p, W2, b2.reshape(1, 32), W3.reshape(1, 32), b3.reshape(1, 1)
    )
    return scores.reshape(B, N_DOCS)

# --- scband reference (transcript-rebuilt; emitter-appended) ---
"""Pipeline reference for scband-antique-embedding-ranking-model-40853728920250 (READ-ONLY COPY).

The authoritative reference and input builder live on the scoring server;
editing this copy changes nothing except your own understanding.
"""

import jax, jax.numpy as jnp
import numpy as np

VOCAB = 1000000 + 10  # vocab_size + 10 OOV buckets
D = 32
HIDDEN = [64, 32]
B, N_DOCS, L_Q, L_D = 1024, 50, 20, 50


def setup_inputs(seed: int = 0) -> dict:
    key = jax.random.key(seed)
    ks = jax.random.split(key, 12)
    inp = {}
    # StringLookup output is modeled directly as integer token ids
    inp["query_tokens"] = jax.random.randint(ks[0], (B, L_Q), 0, VOCAB, dtype=jnp.int32)
    inp["document_tokens"] = jax.random.randint(ks[1], (B, N_DOCS, L_D), 0, VOCAB, dtype=jnp.int32)
    # Embedding table
    inp["table"] = jax.random.normal(ks[2], (VOCAB, D), dtype=jnp.float32) * 0.05
    # BatchNorm params (inference mode, keras defaults eps=1e-3)
    inp["bn_gamma"] = jnp.ones((2 * D,), jnp.float32)
    inp["bn_beta"] = jnp.zeros((2 * D,), jnp.float32)
    inp["bn_mean"] = jnp.zeros((2 * D,), jnp.float32)
    inp["bn_var"] = jnp.ones((2 * D,), jnp.float32)
    # Dense tower: 2D -> 64 -> 32 -> 1
    inp["W1"] = jax.random.normal(ks[3], (2 * D, HIDDEN[0]), dtype=jnp.float32) * 0.05
    inp["b1"] = jnp.zeros((HIDDEN[0],), jnp.float32)
    inp["W2"] = jax.random.normal(ks[4], (HIDDEN[0], HIDDEN[1]), dtype=jnp.float32) * 0.05
    inp["b2"] = jnp.zeros((HIDDEN[1],), jnp.float32)
    inp["W3"] = jax.random.normal(ks[5], (HIDDEN[1], 1), dtype=jnp.float32) * 0.05
    inp["b3"] = jnp.zeros((1,), jnp.float32)
    return inp


def reference(query_tokens, document_tokens, table, bn_gamma, bn_beta, bn_mean, bn_var,
              W1, b1, W2, b2, W3, b3):
    # Embedding lookups (the SparseCore-relevant gathers)
    q_emb = jnp.take(table, query_tokens, axis=0)        # [B, Lq, D]
    d_emb = jnp.take(table, document_tokens, axis=0)     # [B, N, Ld, D]
    # Mean pooling
    q_mean = jnp.mean(q_emb, axis=1)                     # [B, D]
    d_mean = jnp.mean(d_emb, axis=2)                     # [B, N, D]
    # Broadcast query embedding over the doc list dimension
    q_bcast = jnp.ones_like(d_mean) * q_mean[:, None, :]  # [B, N, D]
    final = jnp.concatenate([q_bcast, d_mean], axis=2)    # [B, N, 2D]
    # TimeDistributed tower: BatchNorm (inference) + Dense(64, relu) + Dense(32, relu) + Dense(1)
    h = (final - bn_mean) / jnp.sqrt(bn_var + 1e-3) * bn_gamma + bn_beta
    h = jax.nn.relu(h @ W1 + b1)
    h = jax.nn.relu(h @ W2 + b2)
    scores = h @ W3 + b3                                  # [B, N, 1]
    return jnp.squeeze(scores, axis=2)                    # [B, N]

if __name__ == "__main__":
    import jax
    _d = setup_inputs()
    print(jax.jit(kernel)(*tuple(_d.values())))

</pallas_src>

<mosaic_0001>
#map = affine_map<(d0, d1) -> (0)>
#map1 = affine_map<(d0, d1) -> (0, 0)>
module attributes {stable_mosaic.version = 14 : i64} {
  func.func @_sc_pool_kernel(%arg0: i32, %arg1: i32, %arg2: memref<20480xi32, #tpu.memory_space<hbm>>, %arg3: memref<2560000xi32, #tpu.memory_space<hbm>>, %arg4: memref<1007616x32xf32, #tpu.memory_space<hbm>>, %arg5: memref<51200x128xf32, #tpu.memory_space<hbm>>, %arg6: memref<1600xi32, #tpu.memory_space<vmem>>, %arg7: memref<1600xi32, #tpu.memory_space<vmem>>, %arg8: memref<1600x32xf32, #tpu.memory_space<vmem>>, %arg9: memref<1600x32xf32, #tpu.memory_space<vmem>>, %arg10: memref<32x128xf32, #tpu.memory_space<vmem>>, %arg11: memref<32x128xf32, #tpu.memory_space<vmem>>, %arg12: memref<32x32xf32, #tpu.memory_space<vmem>>, %arg13: memref<640xi32, #tpu.memory_space<vmem>>, %arg14: memref<!tpu.dma_semaphore, #tpu.memory_space<semaphore_mem>>, %arg15: memref<!tpu.dma_semaphore, #tpu.memory_space<semaphore_mem>>) attributes {dimension_semantics = [#tpu.dimension_semantics<core_parallel>, #tpu.dimension_semantics<subcore_parallel>], iteration_bounds = array<i64: 2, 16>, scalar_prefetch = 0 : i64, scratch_operands = 10 : i64, tpu.core_type = #tpu.core_type<sc_vector_subcore>, window_params = [{transform_indices = #map}, {transform_indices = #map}, {transform_indices = #map1}, {transform_indices = #map1}]} {
    %mul3A = arith.constant 2 : i32
    %mul3A_0 = arith.muli %arg1, %mul3A : i32
    %add3A = arith.addi %mul3A_0, %arg0 : i32
    %broadcast_in_dim3A = arith.constant 0.000000e+00 : f32
    %broadcast_in_dim3A_1 = vector.broadcast %broadcast_in_dim3A : f32 to vector<16xf32>
    %scan3A = arith.constant 0 : i32
    %scan3A_2 = arith.constant 0 : i32
    %scan3A_3 = arith.constant 32 : i32
    %scan3A_4 = arith.addi %scan3A_2, %scan3A_3 : i32
    %scan3A_5 = arith.constant 1 : i32
    %scan3A_6 = scf.for %scan3A_314 = %scan3A_2 to %scan3A_4 step %scan3A_5 iter_args(%scan3A_315 = %scan3A) -> (i32)  : i32 {
      %swap3A = arith.index_cast %scan3A_314 : i32 to index
      %swap3A_316 = arith.constant 64 : index
      %swap3A_317 = tpu.vector_load %arg10[%swap3A, %swap3A_316] {strides = array<i32>} : memref<32x128xf32, #tpu.memory_space<vmem>>, vector<16xf32>,
      tpu.vector_store %arg10[%swap3A, %swap3A_316], %broadcast_in_dim3A_1 {strides = array<i32>} : memref<32x128xf32, #tpu.memory_space<vmem>>, vector<16xf32>,
      %swap3A_318 = arith.index_cast %scan3A_314 : i32 to index
      %swap3A_319 = arith.constant 64 : index
      %swap3A_320 = tpu.vector_load %arg11[%swap3A_318, %swap3A_319] {strides = array<i32>} : memref<32x128xf32, #tpu.memory_space<vmem>>, vector<16xf32>,
      tpu.vector_store %arg11[%swap3A_318, %swap3A_319], %broadcast_in_dim3A_1 {strides = array<i32>} : memref<32x128xf32, #tpu.memory_space<vmem>>, vector<16xf32>,
      %swap3A_321 = arith.index_cast %scan3A_314 : i32 to index
      %swap3A_322 = arith.constant 80 : index
      %swap3A_323 = tpu.vector_load %arg10[%swap3A_321, %swap3A_322] {strides = array<i32>} : memref<32x128xf32, #tpu.memory_space<vmem>>, vector<16xf32>,
      tpu.vector_store %arg10[%swap3A_321, %swap3A_322], %broadcast_in_dim3A_1 {strides = array<i32>} : memref<32x128xf32, #tpu.memory_space<vmem>>, vector<16xf32>,
      %swap3A_324 = arith.index_cast %scan3A_314 : i32 to index
      %swap3A_325 = arith.constant 80 : index
      %swap3A_326 = tpu.vector_load %arg11[%swap3A_324, %swap3A_325] {strides = array<i32>} : memref<32x128xf32, #tpu.memory_space<vmem>>, vector<16xf32>,
      tpu.vector_store %arg11[%swap3A_324, %swap3A_325], %broadcast_in_dim3A_1 {strides = array<i32>} : memref<32x128xf32, #tpu.memory_space<vmem>>, vector<16xf32>,
      %swap3A_327 = arith.index_cast %scan3A_314 : i32 to index
      %swap3A_328 = arith.constant 96 : index
      %swap3A_329 = tpu.vector_load %arg10[%swap3A_327, %swap3A_328] {strides = array<i32>} : memref<32x128xf32, #tpu.memory_space<vmem>>, vector<16xf32>,
      tpu.vector_store %arg10[%swap3A_327, %swap3A_328], %broadcast_in_dim3A_1 {strides = array<i32>} : memref<32x128xf32, #tpu.memory_space<vmem>>, vector<16xf32>,
      %swap3A_330 = arith.index_cast %scan3A_314 : i32 to index
      %swap3A_331 = arith.constant 96 : index
      %swap3A_332 = tpu.vector_load %arg11[%swap3A_330, %swap3A_331] {strides = array<i32>} : memref<32x128xf32, #tpu.memory_space<vmem>>, vector<16xf32>,
      tpu.vector_store %arg11[%swap3A_330, %swap3A_331], %broadcast_in_dim3A_1 {strides = array<i32>} : memref<32x128xf32, #tpu.memory_space<vmem>>, vector<16xf32>,
      %swap3A_333 = arith.index_cast %scan3A_314 : i32 to index
      %swap3A_334 = arith.constant 112 : index
      %swap3A_335 = tpu.vector_load %arg10[%swap3A_333, %swap3A_334] {strides = array<i32>} : memref<32x128xf32, #tpu.memory_space<vmem>>, vector<16xf32>,
      tpu.vector_store %arg10[%swap3A_333, %swap3A_334], %broadcast_in_dim3A_1 {strides = array<i32>} : memref<32x128xf32, #tpu.memory_space<vmem>>, vector<16xf32>,
      %swap3A_336 = arith.index_cast %scan3A_314 : i32 to index
      %swap3A_337 = arith.constant 112 : index
      %swap3A_338 = tpu.vector_load %arg11[%swap3A_336, %swap3A_337] {strides = array<i32>} : memref<32x128xf32, #tpu.memory_space<vmem>>, vector<16xf32>,
      tpu.vector_store %arg11[%swap3A_336, %swap3A_337], %broadcast_in_dim3A_1 {strides = array<i32>} : memref<32x128xf32, #tpu.memory_space<vmem>>, vector<16xf32>,
      %scan3A_339 = arith.constant 0 : i32
      scf.yield %scan3A_339 : i32
    }
    %scan3A_7 = arith.constant 32 : i32
    %mul3A_8 = arith.constant 640 : i32
    %mul3A_9 = arith.muli %add3A, %mul3A_8 : i32
    "tpu.region"() ({
      %run_scoped3A = tpu.sem_alloc : memref<!tpu.dma_semaphore, #tpu.memory_space<semaphore_mem>>
      %dma_start3A_314 = tpu.memref_slice %arg2[%mul3A_9] : memref<20480xi32, #tpu.memory_space<hbm>> -> memref<640xi32, #tpu.memory_space<hbm>>
      %dma_start3A_315 = tpu.memref_slice %arg2[%mul3A_9] : memref<20480xi32, #tpu.memory_space<hbm>> -> memref<640xi32, #tpu.memory_space<hbm>>
      tpu.enqueue_dma source(%dma_start3A_315 : memref<640xi32, #tpu.memory_space<hbm>>) target(%arg13 : memref<640xi32, #tpu.memory_space<vmem>>) target_semaphore(%run_scoped3A : memref<!tpu.dma_semaphore, #tpu.memory_space<semaphore_mem>>)
      %dma_wait3A_316 = tpu.memref_slice %arg2[%mul3A_9] : memref<20480xi32, #tpu.memory_space<hbm>> -> memref<640xi32, #tpu.memory_space<hbm>>
      %dma_wait3A_317 = tpu.memref_slice %arg2[%mul3A_9] : memref<20480xi32, #tpu.memory_space<hbm>> -> memref<640xi32, #tpu.memory_space<hbm>>
      tpu.wait_dma2 semaphore(%run_scoped3A : memref<!tpu.dma_semaphore, #tpu.memory_space<semaphore_mem>>) src(%dma_wait3A_317 : memref<640xi32, #tpu.memory_space<hbm>>) dst(%arg13 : memref<640xi32, #tpu.memory_space<vmem>>)
      tpu.yield
    }) : () -> ()
    %dma_start3A = arith.constant 0 : i32
    %dma_start3A_10 = arith.constant 0 : i32
    %dma_start3A_11 = tpu.memref_slice %arg8[%dma_start3A, %dma_start3A_10] : memref<1600x32xf32, #tpu.memory_space<vmem>> -> memref<80x32xf32, #tpu.memory_space<vmem>>
    %dma_start3A_12 = arith.constant 0 : i32
    %dma_start3A_13 = tpu.memref_slice %arg13[%dma_start3A_12] : memref<640xi32, #tpu.memory_space<vmem>> -> memref<80xi32, #tpu.memory_space<vmem>>
    %dma_start3A_14 = arith.constant 0 : i32
    %dma_start3A_15 = arith.constant 0 : i32
    %dma_start3A_16 = tpu.memref_slice %arg4[%dma_start3A_14, %dma_start3A_15] : memref<1007616x32xf32, #tpu.memory_space<hbm>> -> memref<1007616x32xf32, #tpu.memory_space<hbm>>
    tpu.enqueue_indirect_dma source(%dma_start3A_16 : memref<1007616x32xf32, #tpu.memory_space<hbm>>) target(%dma_start3A_11 : memref<80x32xf32, #tpu.memory_space<vmem>>) offsets(%dma_start3A_13 : memref<80xi32, #tpu.memory_space<vmem>>) semaphore(%arg14 : memref<!tpu.dma_semaphore, #tpu.memory_space<semaphore_mem>>)
    %dma_start3A_17 = arith.constant 80 : i32
    %dma_start3A_18 = arith.constant 0 : i32
    %dma_start3A_19 = tpu.memref_slice %arg8[%dma_start3A_17, %dma_start3A_18] : memref<1600x32xf32, #tpu.memory_space<vmem>> -> memref<80x32xf32, #tpu.memory_space<vmem>>
    %dma_start3A_20 = arith.constant 80 : i32
    %dma_start3A_21 = tpu.memref_slice %arg13[%dma_start3A_20] : memref<640xi32, #tpu.memory_space<vmem>> -> memref<80xi32, #tpu.memory_space<vmem>>
    %dma_start3A_22 = arith.constant 0 : i32
    %dma_start3A_23 = arith.constant 0 : i32
    %dma_start3A_24 = tpu.memref_slice %arg4[%dma_start3A_22, %dma_start3A_23] : memref<1007616x32xf32, #tpu.memory_space<hbm>> -> memref<1007616x32xf32, #tpu.memory_space<hbm>>
    tpu.enqueue_indirect_dma source(%dma_start3A_24 : memref<1007616x32xf32, #tpu.memory_space<hbm>>) target(%dma_start3A_19 : memref<80x32xf32, #tpu.memory_space<vmem>>) offsets(%dma_start3A_21 : memref<80xi32, #tpu.memory_space<vmem>>) semaphore(%arg14 : memref<!tpu.dma_semaphore, #tpu.memory_space<semaphore_mem>>)
    %dma_start3A_25 = arith.constant 160 : i32
    %dma_start3A_26 = arith.constant 0 : i32
    %dma_start3A_27 = tpu.memref_slice %arg8[%dma_start3A_25, %dma_start3A_26] : memref<1600x32xf32, #tpu.memory_space<vmem>> -> memref<80x32xf32, #tpu.memory_space<vmem>>
    %dma_start3A_28 = arith.constant 160 : i32
    %dma_start3A_29 = tpu.memref_slice %arg13[%dma_start3A_28] : memref<640xi32, #tpu.memory_space<vmem>> -> memref<80xi32, #tpu.memory_space<vmem>>
    %dma_start3A_30 = arith.constant 0 : i32
    %dma_start3A_31 = arith.constant 0 : i32
    %dma_start3A_32 = tpu.memref_slice %arg4[%dma_start3A_30, %dma_start3A_31] : memref<1007616x32xf32, #tpu.memory_space<hbm>> -> memref<1007616x32xf32, #tpu.memory_space<hbm>>
    tpu.enqueue_indirect_dma source(%dma_start3A_32 : memref<1007616x32xf32, #tpu.memory_space<hbm>>) target(%dma_start3A_27 : memref<80x32xf32, #tpu.memory_space<vmem>>) offsets(%dma_start3A_29 : memref<80xi32, #tpu.memory_space<vmem>>) semaphore(%arg14 : memref<!tpu.dma_semaphore, #tpu.memory_space<semaphore_mem>>)
    %dma_start3A_33 = arith.constant 240 : i32
    %dma_start3A_34 = arith.constant 0 : i32
    %dma_start3A_35 = tpu.memref_slice %arg8[%dma_start3A_33, %dma_start3A_34] : memref<1600x32xf32, #tpu.memory_space<vmem>> -> memref<80x32xf32, #tpu.memory_space<vmem>>
    %dma_start3A_36 = arith.constant 240 : i32
    %dma_start3A_37 = tpu.memref_slice %arg13[%dma_start3A_36] : memref<640xi32, #tpu.memory_space<vmem>> -> memref<80xi32, #tpu.memory_space<vmem>>
    %dma_start3A_38 = arith.constant 0 : i32
    %dma_start3A_39 = arith.constant 0 : i32
    %dma_start3A_40 = tpu.memref_slice %arg4[%dma_start3A_38, %dma_start3A_39] : memref<1007616x32xf32, #tpu.memory_space<hbm>> -> memref<1007616x32xf32, #tpu.memory_space<hbm>>
    tpu.enqueue_indirect_dma source(%dma_start3A_40 : memref<1007616x32xf32, #tpu.memory_space<hbm>>) target(%dma_start3A_35 : memref<80x32xf32, #tpu.memory_space<vmem>>) offsets(%dma_start3A_37 : memref<80xi32, #tpu.memory_space<vmem>>) semaphore(%arg14 : memref<!tpu.dma_semaphore, #tpu.memory_space<semaphore_mem>>)
    %dma_start3A_41 = arith.constant 320 : i32
    %dma_start3A_42 = arith.constant 0 : i32
    %dma_start3A_43 = tpu.memref_slice %arg8[%dma_start3A_41, %dma_start3A_42] : memref<1600x32xf32, #tpu.memory_space<vmem>> -> memref<80x32xf32, #tpu.memory_space<vmem>>
    %dma_start3A_44 = arith.constant 320 : i32
    %dma_start3A_45 = tpu.memref_slice %arg13[%dma_start3A_44] : memref<640xi32, #tpu.memory_space<vmem>> -> memref<80xi32, #tpu.memory_space<vmem>>
    %dma_start3A_46 = arith.constant 0 : i32
    %dma_start3A_47 = arith.constant 0 : i32
    %dma_start3A_48 = tpu.memref_slice %arg4[%dma_start3A_46, %dma_start3A_47] : memref<1007616x32xf32, #tpu.memory_space<hbm>> -> memref<1007616x32xf32, #tpu.memory_space<hbm>>
    tpu.enqueue_indirect_dma source(%dma_start3A_48 : memref<1007616x32xf32, #tpu.memory_space<hbm>>) target(%dma_start3A_43 : memref<80x32xf32, #tpu.memory_space<vmem>>) offsets(%dma_start3A_45 : memref<80xi32, #tpu.memory_space<vmem>>) semaphore(%arg14 : memref<!tpu.dma_semaphore, #tpu.memory_space<semaphore_mem>>)
    %dma_start3A_49 = arith.constant 400 : i32
    %dma_start3A_50 = arith.constant 0 : i32
    %dma_start3A_51 = tpu.memref_slice %arg8[%dma_start3A_49, %dma_start3A_50] : memref<1600x32xf32, #tpu.memory_space<vmem>> -> memref<80x32xf32, #tpu.memory_space<vmem>>
    %dma_start3A_52 = arith.constant 400 : i32
    %dma_start3A_53 = tpu.memref_slice %arg13[%dma_start3A_52] : memref<640xi32, #tpu.memory_space<vmem>> -> memref<80xi32, #tpu.memory_space<vmem>>
    %dma_start3A_54 = arith.constant 0 : i32
    %dma_start3A_55 = arith.constant 0 : i32
    %dma_start3A_56 = tpu.memref_slice %arg4[%dma_start3A_54, %dma_start3A_55] : memref<1007616x32xf32, #tpu.memory_space<hbm>> -> memref<1007616x32xf32, #tpu.memory_space<hbm>>
    tpu.enqueue_indirect_dma source(%dma_start3A_56 : memref<1007616x32xf32, #tpu.memory_space<hbm>>) target(%dma_start3A_51 : memref<80x32xf32, #tpu.memory_space<vmem>>) offsets(%dma_start3A_53 : memref<80xi32, #tpu.memory_space<vmem>>) semaphore(%arg14 : memref<!tpu.dma_semaphore, #tpu.memory_space<semaphore_mem>>)
    %dma_start3A_57 = arith.constant 480 : i32
    %dma_start3A_58 = arith.constant 0 : i32
    %dma_start3A_59 = tpu.memref_slice %arg8[%dma_start3A_57, %dma_start3A_58] : memref<1600x32xf32, #tpu.memory_space<vmem>> -> memref<80x32xf32, #tpu.memory_space<vmem>>
    %dma_start3A_60 = arith.constant 480 : i32
    %dma_start3A_61 = tpu.memref_slice %arg13[%dma_start3A_60] : memref<640xi32, #tpu.memory_space<vmem>> -> memref<80xi32, #tpu.memory_space<vmem>>
    %dma_start3A_62 = arith.constant 0 : i32
    %dma_start3A_63 = arith.constant 0 : i32
    %dma_start3A_64 = tpu.memref_slice %arg4[%dma_start3A_62, %dma_start3A_63] : memref<1007616x32xf32, #tpu.memory_space<hbm>> -> memref<1007616x32xf32, #tpu.memory_space<hbm>>
    tpu.enqueue_indirect_dma source(%dma_start3A_64 : memref<1007616x32xf32, #tpu.memory_space<hbm>>) target(%dma_start3A_59 : memref<80x32xf32, #tpu.memory_space<vmem>>) offsets(%dma_start3A_61 : memref<80xi32, #tpu.memory_space<vmem>>) semaphore(%arg14 : memref<!tpu.dma_semaphore, #tpu.memory_space<semaphore_mem>>)
    %dma_start3A_65 = arith.constant 560 : i32
    %dma_start3A_66 = arith.constant 0 : i32
    %dma_start3A_67 = tpu.memref_slice %arg8[%dma_start3A_65, %dma_start3A_66] : memref<1600x32xf32, #tpu.memory_space<vmem>> -> memref<80x32xf32, #tpu.memory_space<vmem>>
    %dma_start3A_68 = arith.constant 560 : i32
    %dma_start3A_69 = tpu.memref_slice %arg13[%dma_start3A_68] : memref<640xi32, #tpu.memory_space<vmem>> -> memref<80xi32, #tpu.memory_space<vmem>>
    %dma_start3A_70 = arith.constant 0 : i32
    %dma_start3A_71 = arith.constant 0 : i32
    %dma_start3A_72 = tpu.memref_slice %arg4[%dma_start3A_70, %dma_start3A_71] : memref<1007616x32xf32, #tpu.memory_space<hbm>> -> memref<1007616x32xf32, #tpu.memory_space<hbm>>
    tpu.enqueue_indirect_dma source(%dma_start3A_72 : memref<1007616x32xf32, #tpu.memory_space<hbm>>) target(%dma_start3A_67 : memref<80x32xf32, #tpu.memory_space<vmem>>) offsets(%dma_start3A_69 : memref<80xi32, #tpu.memory_space<vmem>>) semaphore(%arg14 : memref<!tpu.dma_semaphore, #tpu.memory_space<semaphore_mem>>)
    %dma_wait3A = arith.constant 0 : i32
    %dma_wait3A_73 = arith.constant 0 : i32
    %dma_wait3A_74 = tpu.memref_slice %arg8[%dma_wait3A, %dma_wait3A_73] : memref<1600x32xf32, #tpu.memory_space<vmem>> -> memref<80x32xf32, #tpu.memory_space<vmem>>
    %dma_wait3A_75 = arith.constant 0 : i32
    %dma_wait3A_76 = tpu.memref_slice %arg13[%dma_wait3A_75] : memref<640xi32, #tpu.memory_space<vmem>> -> memref<80xi32, #tpu.memory_space<vmem>>
    %dma_wait3A_77 = arith.constant 0 : i32
    %dma_wait3A_78 = arith.constant 0 : i32
    %dma_wait3A_79 = tpu.memref_slice %arg4[%dma_wait3A_77, %dma_wait3A_78] : memref<1007616x32xf32, #tpu.memory_space<hbm>> -> memref<1007616x32xf32, #tpu.memory_space<hbm>>
    tpu.wait_indirect_dma semaphore(%arg14 : memref<!tpu.dma_semaphore, #tpu.memory_space<semaphore_mem>>) src(%dma_wait3A_79 : memref<1007616x32xf32, #tpu.memory_space<hbm>>) dst(%dma_wait3A_74 : memref<80x32xf32, #tpu.memory_space<vmem>>)
    %dma_wait3A_80 = arith.constant 80 : i32
    %dma_wait3A_81 = arith.constant 0 : i32
    %dma_wait3A_82 = tpu.memref_slice %arg8[%dma_wait3A_80, %dma_wait3A_81] : memref<1600x32xf32, #tpu.memory_space<vmem>> -> memref<80x32xf32, #tpu.memory_space<vmem>>
    %dma_wait3A_83 = arith.constant 80 : i32
    %dma_wait3A_84 = tpu.memref_slice %arg13[%dma_wait3A_83] : memref<640xi32, #tpu.memory_space<vmem>> -> memref<80xi32, #tpu.memory_space<vmem>>
    %dma_wait3A_85 = arith.constant 0 : i32
    %dma_wait3A_86 = arith.constant 0 : i32
    %dma_wait3A_87 = tpu.memref_slice %arg4[%dma_wait3A_85, %dma_wait3A_86] : memref<1007616x32xf32, #tpu.memory_space<hbm>> -> memref<1007616x32xf32, #tpu.memory_space<hbm>>
    tpu.wait_indirect_dma semaphore(%arg14 : memref<!tpu.dma_semaphore, #tpu.memory_space<semaphore_mem>>) src(%dma_wait3A_87 : memref<1007616x32xf32, #tpu.memory_space<hbm>>) dst(%dma_wait3A_82 : memref<80x32xf32, #tpu.memory_space<vmem>>)
    %dma_wait3A_88 = arith.constant 160 : i32
    %dma_wait3A_89 = arith.constant 0 : i32
    %dma_wait3A_90 = tpu.memref_slice %arg8[%dma_wait3A_88, %dma_wait3A_89] : memref<1600x32xf32, #tpu.memory_space<vmem>> -> memref<80x32xf32, #tpu.memory_space<vmem>>
    %dma_wait3A_91 = arith.constant 160 : i32
    %dma_wait3A_92 = tpu.memref_slice %arg13[%dma_wait3A_91] : memref<640xi32, #tpu.memory_space<vmem>> -> memref<80xi32, #tpu.memory_space<vmem>>
    %dma_wait3A_93 = arith.constant 0 : i32
    %dma_wait3A_94 = arith.constant 0 : i32
    %dma_wait3A_95 = tpu.memref_slice %arg4[%dma_wait3A_93, %dma_wait3A_94] : memref<1007616x32xf32, #tpu.memory_space<hbm>> -> memref<1007616x32xf32, #tpu.memory_space<hbm>>
    tpu.wait_indirect_dma semaphore(%arg14 : memref<!tpu.dma_semaphore, #tpu.memory_space<semaphore_mem>>) src(%dma_wait3A_95 : memref<1007616x32xf32, #tpu.memory_space<hbm>>) dst(%dma_wait3A_90 : memref<80x32xf32, #tpu.memory_space<vmem>>)
    %dma_wait3A_96 = arith.constant 240 : i32
    %dma_wait3A_97 = arith.constant 0 : i32
    %dma_wait3A_98 = tpu.memref_slice %arg8[%dma_wait3A_96, %dma_wait3A_97] : memref<1600x32xf32, #tpu.memory_space<vmem>> -> memref<80x32xf32, #tpu.memory_space<vmem>>
    %dma_wait3A_99 = arith.constant 240 : i32
    %dma_wait3A_100 = tpu.memref_slice %arg13[%dma_wait3A_99] : memref<640xi32, #tpu.memory_space<vmem>> -> memref<80xi32, #tpu.memory_space<vmem>>
    %dma_wait3A_101 = arith.constant 0 : i32
    %dma_wait3A_102 = arith.constant 0 : i32
    %dma_wait3A_103 = tpu.memref_slice %arg4[%dma_wait3A_101, %dma_wait3A_102] : memref<1007616x32xf32, #tpu.memory_space<hbm>> -> memref<1007616x32xf32, #tpu.memory_space<hbm>>
    tpu.wait_indirect_dma semaphore(%arg14 : memref<!tpu.dma_semaphore, #tpu.memory_space<semaphore_mem>>) src(%dma_wait3A_103 : memref<1007616x32xf32, #tpu.memory_space<hbm>>) dst(%dma_wait3A_98 : memref<80x32xf32, #tpu.memory_space<vmem>>)
    %dma_wait3A_104 = arith.constant 320 : i32
    %dma_wait3A_105 = arith.constant 0 : i32
    %dma_wait3A_106 = tpu.memref_slice %arg8[%dma_wait3A_104, %dma_wait3A_105] : memref<1600x32xf32, #tpu.memory_space<vmem>> -> memref<80x32xf32, #tpu.memory_space<vmem>>
    %dma_wait3A_107 = arith.constant 320 : i32
    %dma_wait3A_108 = tpu.memref_slice %arg13[%dma_wait3A_107] : memref<640xi32, #tpu.memory_space<vmem>> -> memref<80xi32, #tpu.memory_space<vmem>>
    %dma_wait3A_109 = arith.constant 0 : i32
    %dma_wait3A_110 = arith.constant 0 : i32
    %dma_wait3A_111 = tpu.memref_slice %arg4[%dma_wait3A_109, %dma_wait3A_110] : memref<1007616x32xf32, #tpu.memory_space<hbm>> -> memref<1007616x32xf32, #tpu.memory_space<hbm>>
    tpu.wait_indirect_dma semaphore(%arg14 : memref<!tpu.dma_semaphore, #tpu.memory_space<semaphore_mem>>) src(%dma_wait3A_111 : memref<1007616x32xf32, #tpu.memory_space<hbm>>) dst(%dma_wait3A_106 : memref<80x32xf32, #tpu.memory_space<vmem>>)
    %dma_wait3A_112 = arith.constant 400 : i32
    %dma_wait3A_113 = arith.constant 0 : i32
    %dma_wait3A_114 = tpu.memref_slice %arg8[%dma_wait3A_112, %dma_wait3A_113] : memref<1600x32xf32, #tpu.memory_space<vmem>> -> memref<80x32xf32, #tpu.memory_space<vmem>>
    %dma_wait3A_115 = arith.constant 400 : i32
    %dma_wait3A_116 = tpu.memref_slice %arg13[%dma_wait3A_115] : memref<640xi32, #tpu.memory_space<vmem>> -> memref<80xi32, #tpu.memory_space<vmem>>
    %dma_wait3A_117 = arith.constant 0 : i32
    %dma_wait3A_118 = arith.constant 0 : i32
    %dma_wait3A_119 = tpu.memref_slice %arg4[%dma_wait3A_117, %dma_wait3A_118] : memref<1007616x32xf32, #tpu.memory_space<hbm>> -> memref<1007616x32xf32, #tpu.memory_space<hbm>>
    tpu.wait_indirect_dma semaphore(%arg14 : memref<!tpu.dma_semaphore, #tpu.memory_space<semaphore_mem>>) src(%dma_wait3A_119 : memref<1007616x32xf32, #tpu.memory_space<hbm>>) dst(%dma_wait3A_114 : memref<80x32xf32, #tpu.memory_space<vmem>>)
    %dma_wait3A_120 = arith.constant 480 : i32
    %dma_wait3A_121 = arith.constant 0 : i32
    %dma_wait3A_122 = tpu.memref_slice %arg8[%dma_wait3A_120, %dma_wait3A_121] : memref<1600x32xf32, #tpu.memory_space<vmem>> -> memref<80x32xf32, #tpu.memory_space<vmem>>
    %dma_wait3A_123 = arith.constant 480 : i32
    %dma_wait3A_124 = tpu.memref_slice %arg13[%dma_wait3A_123] : memref<640xi32, #tpu.memory_space<vmem>> -> memref<80xi32, #tpu.memory_space<vmem>>
    %dma_wait3A_125 = arith.constant 0 : i32
    %dma_wait3A_126 = arith.constant 0 : i32
    %dma_wait3A_127 = tpu.memref_slice %arg4[%dma_wait3A_125, %dma_wait3A_126] : memref<1007616x32xf32, #tpu.memory_space<hbm>> -> memref<1007616x32xf32, #tpu.memory_space<hbm>>
    tpu.wait_indirect_dma semaphore(%arg14 : memref<!tpu.dma_semaphore, #tpu.memory_space<semaphore_mem>>) src(%dma_wait3A_127 : memref<1007616x32xf32, #tpu.memory_space<hbm>>) dst(%dma_wait3A_122 : memref<80x32xf32, #tpu.memory_space<vmem>>)
    %dma_wait3A_128 = arith.constant 560 : i32
    %dma_wait3A_129 = arith.constant 0 : i32
    %dma_wait3A_130 = tpu.memref_slice %arg8[%dma_wait3A_128, %dma_wait3A_129] : memref<1600x32xf32, #tpu.memory_space<vmem>> -> memref<80x32xf32, #tpu.memory_space<vmem>>
    %dma_wait3A_131 = arith.constant 560 : i32
    %dma_wait3A_132 = tpu.memref_slice %arg13[%dma_wait3A_131] : memref<640xi32, #tpu.memory_space<vmem>> -> memref<80xi32, #tpu.memory_space<vmem>>
    %dma_wait3A_133 = arith.constant 0 : i32
    %dma_wait3A_134 = arith.constant 0 : i32
    %dma_wait3A_135 = tpu.memref_slice %arg4[%dma_wait3A_133, %dma_wait3A_134] : memref<1007616x32xf32, #tpu.memory_space<hbm>> -> memref<1007616x32xf32, #tpu.memory_space<hbm>>
    tpu.wait_indirect_dma semaphore(%arg14 : memref<!tpu.dma_semaphore, #tpu.memory_space<semaphore_mem>>) src(%dma_wait3A_135 : memref<1007616x32xf32, #tpu.memory_space<hbm>>) dst(%dma_wait3A_130 : memref<80x32xf32, #tpu.memory_space<vmem>>)
    %scan3A_136 = arith.constant 0 : i32
    %scan3A_137 = arith.constant 0 : i32
    %scan3A_138 = arith.constant 32 : i32
    %scan3A_139 = arith.addi %scan3A_137, %scan3A_138 : i32
    %scan3A_140 = arith.constant 1 : i32
    %scan3A_141 = scf.for %scan3A_314 = %scan3A_137 to %scan3A_139 step %scan3A_140 iter_args(%scan3A_315 = %scan3A_136) -> (i32)  : i32 {
      %broadcast_in_dim3A_316 = arith.constant 0.000000e+00 : f32
      %broadcast_in_dim3A_317 = vector.broadcast %broadcast_in_dim3A_316 : f32 to vector<16xf32>
      %broadcast_in_dim3A_318 = arith.constant 0.000000e+00 : f32
      %broadcast_in_dim3A_319 = vector.broadcast %broadcast_in_dim3A_318 : f32 to vector<16xf32>
      %mul3A_320 = arith.constant 20 : i32
      %mul3A_321 = arith.muli %scan3A_314, %mul3A_320 : i32
      %add3A_322 = arith.constant 0 : i32
      %add3A_323 = arith.addi %mul3A_321, %add3A_322 : i32
      %get3A = arith.index_cast %add3A_323 : i32 to index
      %get3A_324 = arith.constant 0 : index
      %get3A_325 = tpu.vector_load %arg8[%get3A, %get3A_324] {strides = array<i32>} : memref<1600x32xf32, #tpu.memory_space<vmem>>, vector<16xf32>,
      %add3A_326 = arith.addf %broadcast_in_dim3A_317, %get3A_325 : vector<16xf32>
      %get3A_327 = arith.index_cast %add3A_323 : i32 to index
      %get3A_328 = arith.constant 16 : index
      %get3A_329 = tpu.vector_load %arg8[%get3A_327, %get3A_328] {strides = array<i32>} : memref<1600x32xf32, #tpu.memory_space<vmem>>, vector<16xf32>,
      %add3A_330 = arith.addf %broadcast_in_dim3A_319, %get3A_329 : vector<16xf32>
      %mul3A_331 = arith.constant 20 : i32
      %mul3A_332 = arith.muli %scan3A_314, %mul3A_331 : i32
      %add3A_333 = arith.constant 1 : i32
      %add3A_334 = arith.addi %mul3A_332, %add3A_333 : i32
      %get3A_335 = arith.index_cast %add3A_334 : i32 to index
      %get3A_336 = arith.constant 0 : index
      %get3A_337 = tpu.vector_load %arg8[%get3A_335, %get3A_336] {strides = array<i32>} : memref<1600x32xf32, #tpu.memory_space<vmem>>, vector<16xf32>,
      %add3A_338 = arith.addf %add3A_326, %get3A_337 : vector<16xf32>
      %get3A_339 = arith.index_cast %add3A_334 : i32 to index
      %get3A_340 = arith.constant 16 : index
      %get3A_341 = tpu.vector_load %arg8[%get3A_339, %get3A_340] {strides = array<i32>} : memref<1600x32xf32, #tpu.memory_space<vmem>>, vector<16xf32>,
      %add3A_342 = arith.addf %add3A_330, %get3A_341 : vector<16xf32>
      %mul3A_343 = arith.constant 20 : i32
      %mul3A_344 = arith.muli %scan3A_314, %mul3A_343 : i32
      %add3A_345 = arith.constant 2 : i32
      %add3A_346 = arith.addi %mul3A_344, %add3A_345 : i32
      %get3A_347 = arith.index_cast %add3A_346 : i32 to index
      %get3A_348 = arith.constant 0 : index
      %get3A_349 = tpu.vector_load %arg8[%get3A_347, %get3A_348] {strides = array<i32>} : memref<1600x32xf32, #tpu.memory_space<vmem>>, vector<16xf32>,
      %add3A_350 = arith.addf %add3A_338, %get3A_349 : vector<16xf32>
      %get3A_351 = arith.index_cast %add3A_346 : i32 to index
      %get3A_352 = arith.constant 16 : index
      %get3A_353 = tpu.vector_load %arg8[%get3A_351, %get3A_352] {strides = array<i32>} : memref<1600x32xf32, #tpu.memory_space<vmem>>, vector<16xf32>,
      %add3A_354 = arith.addf %add3A_342, %get3A_353 : vector<16xf32>
      %mul3A_355 = arith.constant 20 : i32
      %mul3A_356 = arith.muli %scan3A_314, %mul3A_355 : i32
      %add3A_357 = arith.constant 3 : i32
      %add3A_358 = arith.addi %mul3A_356, %add3A_357 : i32
      %get3A_359 = arith.index_cast %add3A_358 : i32 to index
      %get3A_360 = arith.constant 0 : index
      %get3A_361 = tpu.vector_load %arg8[%get3A_359, %get3A_360] {strides = array<i32>} : memref<1600x32xf32, #tpu.memory_space<vmem>>, vector<16xf32>,
      %add3A_362 = arith.addf %add3A_350, %get3A_361 : vector<16xf32>
      %get3A_363 = arith.index_cast %add3A_358 : i32 to index
      %get3A_364 = arith.constant 16 : index
      %get3A_365 = tpu.vector_load %arg8[%get3A_363, %get3A_364] {strides = array<i32>} : memref<1600x32xf32, #tpu.memory_space<vmem>>, vector<16xf32>,
      %add3A_366 = arith.addf %add3A_354, %get3A_365 : vector<16xf32>
      %mul3A_367 = arith.constant 20 : i32
      %mul3A_368 = arith.muli %scan3A_314, %mul3A_367 : i32
      %add3A_369 = arith.constant 4 : i32
      %add3A_370 = arith.addi %mul3A_368, %add3A_369 : i32
      %get3A_371 = arith.index_cast %add3A_370 : i32 to index
      %get3A_372 = arith.constant 0 : index
      %get3A_373 = tpu.vector_load %arg8[%get3A_371, %get3A_372] {strides = array<i32>} : memref<1600x32xf32, #tpu.memory_space<vmem>>, vector<16xf32>,
      %add3A_374 = arith.addf %add3A_362, %get3A_373 : vector<16xf32>
      %get3A_375 = arith.index_cast %add3A_370 : i32 to index
      %get3A_376 = arith.constant 16 : index
      %get3A_377 = tpu.vector_load %arg8[%get3A_375, %get3A_376] {strides = array<i32>} : memref<1600x32xf32, #tpu.memory_space<vmem>>, vector<16xf32>,
      %add3A_378 = arith.addf %add3A_366, %get3A_377 : vector<16xf32>
      %mul3A_379 = arith.constant 20 : i32
      %mul3A_380 = arith.muli %scan3A_314, %mul3A_379 : i32
      %add3A_381 = arith.constant 5 : i32
      %add3A_382 = arith.addi %mul3A_380, %add3A_381 : i32
      %get3A_383 = arith.index_cast %add3A_382 : i32 to index
      %get3A_384 = arith.constant 0 : index
      %get3A_385 = tpu.vector_load %arg8[%get3A_383, %get3A_384] {strides = array<i32>} : memref<1600x32xf32, #tpu.memory_space<vmem>>, vector<16xf32>,
      %add3A_386 = arith.addf %add3A_374, %get3A_385 : vector<16xf32>
      %get3A_387 = arith.index_cast %add3A_382 : i32 to index
      %get3A_388 = arith.constant 16 : index
      %get3A_389 = tpu.vector_load %arg8[%get3A_387, %get3A_388] {strides = array<i32>} : memref<1600x32xf32, #tpu.memory_space<vmem>>, vector<16xf32>,
      %add3A_390 = arith.addf %add3A_378, %get3A_389 : vector<16xf32>
      %mul3A_391 = arith.constant 20 : i32
      %mul3A_392 = arith.muli %scan3A_314, %mul3A_391 : i32
      %add3A_393 = arith.constant 6 : i32
      %add3A_394 = arith.addi %mul3A_392, %add3A_393 : i32
      %get3A_395 = arith.index_cast %add3A_394 : i32 to index
      %get3A_396 = arith.constant 0 : index
      %get3A_397 = tpu.vector_load %arg8[%get3A_395, %get3A_396] {strides = array<i32>} : memref<1600x32xf32, #tpu.memory_space<vmem>>, vector<16xf32>,
      %add3A_398 = arith.addf %add3A_386, %get3A_397 : vector<16xf32>
      %get3A_399 = arith.index_cast %add3A_394 : i32 to index
      %get3A_400 = arith.constant 16 : index
      %get3A_401 = tpu.vector_load %arg8[%get3A_399, %get3A_400] {strides = array<i32>} : memref<1600x32xf32, #tpu.memory_space<vmem>>, vector<16xf32>,
      %add3A_402 = arith.addf %add3A_390, %get3A_401 : vector<16xf32>
      %mul3A_403 = arith.constant 20 : i32
      %mul3A_404 = arith.muli %scan3A_314, %mul3A_403 : i32
      %add3A_405 = arith.constant 7 : i32
      %add3A_406 = arith.addi %mul3A_404, %add3A_405 : i32
      %get3A_407 = arith.index_cast %add3A_406 : i32 to index
      %get3A_408 = arith.constant 0 : index
      %get3A_409 = tpu.vector_load %arg8[%get3A_407, %get3A_408] {strides = array<i32>} : memref<1600x32xf32, #tpu.memory_space<vmem>>, vector<16xf32>,
      %add3A_410 = arith.addf %add3A_398, %get3A_409 : vector<16xf32>
      %get3A_411 = arith.index_cast %add3A_406 : i32 to index
      %get3A_412 = arith.constant 16 : index
      %get3A_413 = tpu.vector_load %arg8[%get3A_411, %get3A_412] {strides = array<i32>} : memref<1600x32xf32, #tpu.memory_space<vmem>>, vector<16xf32>,
      %add3A_414 = arith.addf %add3A_402, %get3A_413 : vector<16xf32>
      %mul3A_415 = arith.constant 20 : i32
      %mul3A_416 = arith.muli %scan3A_314, %mul3A_415 : i32
      %add3A_417 = arith.constant 8 : i32
      %add3A_418 = arith.addi %mul3A_416, %add3A_417 : i32
      %get3A_419 = arith.index_cast %add3A_418 : i32 to index
      %get3A_420 = arith.constant 0 : index
      %get3A_421 = tpu.vector_load %arg8[%get3A_419, %get3A_420] {strides = array<i32>} : memref<1600x32xf32, #tpu.memory_space<vmem>>, vector<16xf32>,
      %add3A_422 = arith.addf %add3A_410, %get3A_421 : vector<16xf32>
      %get3A_423 = arith.index_cast %add3A_418 : i32 to index
      %get3A_424 = arith.constant 16 : index
      %get3A_425 = tpu.vector_load %arg8[%get3A_423, %get3A_424] {strides = array<i32>} : memref<1600x32xf32, #tpu.memory_space<vmem>>, vector<16xf32>,
      %add3A_426 = arith.addf %add3A_414, %get3A_425 : vector<16xf32>
      %mul3A_427 = arith.constant 20 : i32
      %mul3A_428 = arith.muli %scan3A_314, %mul3A_427 : i32
      %add3A_429 = arith.constant 9 : i32
      %add3A_430 = arith.addi %mul3A_428, %add3A_429 : i32
      %get3A_431 = arith.index_cast %add3A_430 : i32 to index
      %get3A_432 = arith.constant 0 : index
      %get3A_433 = tpu.vector_load %arg8[%get3A_431, %get3A_432] {strides = array<i32>} : memref<1600x32xf32, #tpu.memory_space<vmem>>, vector<16xf32>,
      %add3A_434 = arith.addf %add3A_422, %get3A_433 : vector<16xf32>
      %get3A_435 = arith.index_cast %add3A_430 : i32 to index
      %get3A_436 = arith.constant 16 : index
      %get3A_437 = tpu.vector_load %arg8[%get3A_435, %get3A_436] {strides = array<i32>} : memref<1600x32xf32, #tpu.memory_space<vmem>>, vector<16xf32>,
      %add3A_438 = arith.addf %add3A_426, %get3A_437 : vector<16xf32>
      %mul3A_439 = arith.constant 20 : i32
      %mul3A_440 = arith.muli %scan3A_314, %mul3A_439 : i32
      %add3A_441 = arith.constant 10 : i32
      %add3A_442 = arith.addi %mul3A_440, %add3A_441 : i32
      %get3A_443 = arith.index_cast %add3A_442 : i32 to index
      %get3A_444 = arith.constant 0 : index
      %get3A_445 = tpu.vector_load %arg8[%get3A_443, %get3A_444] {strides = array<i32>} : memref<1600x32xf32, #tpu.memory_space<vmem>>, vector<16xf32>,
      %add3A_446 = arith.addf %add3A_434, %get3A_445 : vector<16xf32>
      %get3A_447 = arith.index_cast %add3A_442 : i32 to index
      %get3A_448 = arith.constant 16 : index
      %get3A_449 = tpu.vector_load %arg8[%get3A_447, %get3A_448] {strides = array<i32>} : memref<1600x32xf32, #tpu.memory_space<vmem>>, vector<16xf32>,
      %add3A_450 = arith.addf %add3A_438, %get3A_449 : vector<16xf32>
      %mul3A_451 = arith.constant 20 : i32
      %mul3A_452 = arith.muli %scan3A_314, %mul3A_451 : i32
      %add3A_453 = arith.constant 11 : i32
      %add3A_454 = arith.addi %mul3A_452, %add3A_453 : i32
      %get3A_455 = arith.index_cast %add3A_454 : i32 to index
      %get3A_456 = arith.constant 0 : index
      %get3A_457 = tpu.vector_load %arg8[%get3A_455, %get3A_456] {strides = array<i32>} : memref<1600x32xf32, #tpu.memory_space<vmem>>, vector<16xf32>,
      %add3A_458 = arith.addf %add3A_446, %get3A_457 : vector<16xf32>
      %get3A_459 = arith.index_cast %add3A_454 : i32 to index
      %get3A_460 = arith.constant 16 : index
      %get3A_461 = tpu.vector_load %arg8[%get3A_459, %get3A_460] {strides = array<i32>} : memref<1600x32xf32, #tpu.memory_space<vmem>>, vector<16xf32>,
      %add3A_462 = arith.addf %add3A_450, %get3A_461 : vector<16xf32>
      %mul3A_463 = arith.constant 20 : i32
      %mul3A_464 = arith.muli %scan3A_314, %mul3A_463 : i32
      %add3A_465 = arith.constant 12 : i32
      %add3A_466 = arith.addi %mul3A_464, %add3A_465 : i32
      %get3A_467 = arith.index_cast %add3A_466 : i32 to index
      %get3A_468 = arith.constant 0 : index
      %get3A_469 = tpu.vector_load %arg8[%get3A_467, %get3A_468] {strides = array<i32>} : memref<1600x32xf32, #tpu.memory_space<vmem>>, vector<16xf32>,
      %add3A_470 = arith.addf %add3A_458, %get3A_469 : vector<16xf32>
      %get3A_471 = arith.index_cast %add3A_466 : i32 to index
      %get3A_472 = arith.constant 16 : index
      %get3A_473 = tpu.vector_load %arg8[%get3A_471, %get3A_472] {strides = array<i32>} : memref<1600x32xf32, #tpu.memory_space<vmem>>, vector<16xf32>,
      %add3A_474 = arith.addf %add3A_462, %get3A_473 : vector<16xf32>
      %mul3A_475 = arith.constant 20 : i32
      %mul3A_476 = arith.muli %scan3A_314, %mul3A_475 : i32
      %add3A_477 = arith.constant 13 : i32
      %add3A_478 = arith.addi %mul3A_476, %add3A_477 : i32
      %get3A_479 = arith.index_cast %add3A_478 : i32 to index
      %get3A_480 = arith.constant 0 : index
      %get3A_481 = tpu.vector_load %arg8[%get3A_479, %get3A_480] {strides = array<i32>} : memref<1600x32xf32, #tpu.memory_space<vmem>>, vector<16xf32>,
      %add3A_482 = arith.addf %add3A_470, %get3A_481 : vector<16xf32>
      %get3A_483 = arith.index_cast %add3A_478 : i32 to index
      %get3A_484 = arith.constant 16 : index
      %get3A_485 = tpu.vector_load %arg8[%get3A_483, %get3A_484] {strides = array<i32>} : memref<1600x32xf32, #tpu.memory_space<vmem>>, vector<16xf32>,
      %add3A_486 = arith.addf %add3A_474, %get3A_485 : vector<16xf32>
      %mul3A_487 = arith.constant 20 : i32
      %mul3A_488 = arith.muli %scan3A_314, %mul3A_487 : i32
      %add3A_489 = arith.constant 14 : i32
      %add3A_490 = arith.addi %mul3A_488, %add3A_489 : i32
      %get3A_491 = arith.index_cast %add3A_490 : i32 to index
      %get3A_492 = arith.constant 0 : index
      %get3A_493 = tpu.vector_load %arg8[%get3A_491, %get3A_492] {strides = array<i32>} : memref<1600x32xf32, #tpu.memory_space<vmem>>, vector<16xf32>,
      %add3A_494 = arith.addf %add3A_482, %get3A_493 : vector<16xf32>
      %get3A_495 = arith.index_cast %add3A_490 : i32 to index
      %get3A_496 = arith.constant 16 : index
      %get3A_497 = tpu.vector_load %arg8[%get3A_495, %get3A_496] {strides = array<i32>} : memref<1600x32xf32, #tpu.memory_space<vmem>>, vector<16xf32>,
      %add3A_498 = arith.addf %add3A_486, %get3A_497 : vector<16xf32>
      %mul3A_499 = arith.constant 20 : i32
      %mul3A_500 = arith.muli %scan3A_314, %mul3A_499 : i32
      %add3A_501 = arith.constant 15 : i32
      %add3A_502 = arith.addi %mul3A_500, %add3A_501 : i32
      %get3A_503 = arith.index_cast %add3A_502 : i32 to index
      %get3A_504 = arith.constant 0 : index
      %get3A_505 = tpu.vector_load %arg8[%get3A_503, %get3A_504] {strides = array<i32>} : memref<1600x32xf32, #tpu.memory_space<vmem>>, vector<16xf32>,
      %add3A_506 = arith.addf %add3A_494, %get3A_505 : vector<16xf32>
      %get3A_507 = arith.index_cast %add3A_502 : i32 to index
      %get3A_508 = arith.constant 16 : index
      %get3A_509 = tpu.vector_load %arg8[%get3A_507, %get3A_508] {strides = array<i32>} : memref<1600x32xf32, #tpu.memory_space<vmem>>, vector<16xf32>,
      %add3A_510 = arith.addf %add3A_498, %get3A_509 : vector<16xf32>
      %mul3A_511 = arith.constant 20 : i32
      %mul3A_512 = arith.muli %scan3A_314, %mul3A_511 : i32
      %add3A_513 = arith.constant 16 : i32
      %add3A_514 = arith.addi %mul3A_512, %add3A_513 : i32
      %get3A_515 = arith.index_cast %add3A_514 : i32 to index
      %get3A_516 = arith.constant 0 : index
      %get3A_517 = tpu.vector_load %arg8[%get3A_515, %get3A_516] {strides = array<i32>} : memref<1600x32xf32, #tpu.memory_space<vmem>>, vector<16xf32>,
      %add3A_518 = arith.addf %add3A_506, %get3A_517 : vector<16xf32>
      %get3A_519 = arith.index_cast %add3A_514 : i32 to index
      %get3A_520 = arith.constant 16 : index
      %get3A_521 = tpu.vector_load %arg8[%get3A_519, %get3A_520] {strides = array<i32>} : memref<1600x32xf32, #tpu.memory_space<vmem>>, vector<16xf32>,
      %add3A_522 = arith.addf %add3A_510, %get3A_521 : vector<16xf32>
      %mul3A_523 = arith.constant 20 : i32
      %mul3A_524 = arith.muli %scan3A_314, %mul3A_523 : i32
      %add3A_525 = arith.constant 17 : i32
      %add3A_526 = arith.addi %mul3A_524, %add3A_525 : i32
      %get3A_527 = arith.index_cast %add3A_526 : i32 to index
      %get3A_528 = arith.constant 0 : index
      %get3A_529 = tpu.vector_load %arg8[%get3A_527, %get3A_528] {strides = array<i32>} : memref<1600x32xf32, #tpu.memory_space<vmem>>, vector<16xf32>,
      %add3A_530 = arith.addf %add3A_518, %get3A_529 : vector<16xf32>
      %get3A_531 = arith.index_cast %add3A_526 : i32 to index
      %get3A_532 = arith.constant 16 : index
      %get3A_533 = tpu.vector_load %arg8[%get3A_531, %get3A_532] {strides = array<i32>} : memref<1600x32xf32, #tpu.memory_space<vmem>>, vector<16xf32>,
      %add3A_534 = arith.addf %add3A_522, %get3A_533 : vector<16xf32>
      %mul3A_535 = arith.constant 20 : i32
      %mul3A_536 = arith.muli %scan3A_314, %mul3A_535 : i32
      %add3A_537 = arith.constant 18 : i32
      %add3A_538 = arith.addi %mul3A_536, %add3A_537 : i32
      %get3A_539 = arith.index_cast %add3A_538 : i32 to index
      %get3A_540 = arith.constant 0 : index
      %get3A_541 = tpu.vector_load %arg8[%get3A_539, %get3A_540] {strides = array<i32>} : memref<1600x32xf32, #tpu.memory_space<vmem>>, vector<16xf32>,
      %add3A_542 = arith.addf %add3A_530, %get3A_541 : vector<16xf32>
      %get3A_543 = arith.index_cast %add3A_538 : i32 to index
      %get3A_544 = arith.constant 16 : index
      %get3A_545 = tpu.vector_load %arg8[%get3A_543, %get3A_544] {strides = array<i32>} : memref<1600x32xf32, #tpu.memory_space<vmem>>, vector<16xf32>,
      %add3A_546 = arith.addf %add3A_534, %get3A_545 : vector<16xf32>
      %mul3A_547 = arith.constant 20 : i32
      %mul3A_548 = arith.muli %scan3A_314, %mul3A_547 : i32
      %add3A_549 = arith.constant 19 : i32
      %add3A_550 = arith.addi %mul3A_548, %add3A_549 : i32
      %get3A_551 = arith.index_cast %add3A_550 : i32 to index
      %get3A_552 = arith.constant 0 : index
      %get3A_553 = tpu.vector_load %arg8[%get3A_551, %get3A_552] {strides = array<i32>} : memref<1600x32xf32, #tpu.memory_space<vmem>>, vector<16xf32>,
      %add3A_554 = arith.addf %add3A_542, %get3A_553 : vector<16xf32>
      %get3A_555 = arith.index_cast %add3A_550 : i32 to index
      %get3A_556 = arith.constant 16 : index
      %get3A_557 = tpu.vector_load %arg8[%get3A_555, %get3A_556] {strides = array<i32>} : memref<1600x32xf32, #tpu.memory_space<vmem>>, vector<16xf32>,
      %add3A_558 = arith.addf %add3A_546, %get3A_557 : vector<16xf32>
      %swap3A = arith.index_cast %scan3A_314 : i32 to index
      %swap3A_559 = arith.constant 0 : index
      %swap3A_560 = tpu.vector_load %arg12[%swap3A, %swap3A_559] {strides = array<i32>} : memref<32x32xf32, #tpu.memory_space<vmem>>, vector<16xf32>,
      tpu.vector_store %arg12[%swap3A, %swap3A_559], %add3A_554 {strides = array<i32>} : memref<32x32xf32, #tpu.memory_space<vmem>>, vector<16xf32>,
      %swap3A_561 = arith.index_cast %scan3A_314 : i32 to index
      %swap3A_562 = arith.constant 16 : index
      %swap3A_563 = tpu.vector_load %arg12[%swap3A_561, %swap3A_562] {strides = array<i32>} : memref<32x32xf32, #tpu.memory_space<vmem>>, vector<16xf32>,
      tpu.vector_store %arg12[%swap3A_561, %swap3A_562], %add3A_558 {strides = array<i32>} : memref<32x32xf32, #tpu.memory_space<vmem>>, vector<16xf32>,
      %scan3A_564 = arith.constant 0 : i32
      scf.yield %scan3A_564 : i32
    }
    %scan3A_142 = arith.constant 32 : i32
    %mul3A_143 = arith.constant 80000 : i32
    %mul3A_144 = arith.muli %add3A, %mul3A_143 : i32
    %add3A_145 = arith.constant 0 : i32
    %add3A_146 = arith.addi %mul3A_144, %add3A_145 : i32
    "tpu.region"() ({
      %run_scoped3A = tpu.sem_alloc : memref<!tpu.dma_semaphore, #tpu.memory_space<semaphore_mem>>
      %dma_start3A_314 = tpu.memref_slice %arg3[%add3A_146] : memref<2560000xi32, #tpu.memory_space<hbm>> -> memref<1600xi32, #tpu.memory_space<hbm>>
      %dma_start3A_315 = tpu.memref_slice %arg3[%add3A_146] : memref<2560000xi32, #tpu.memory_space<hbm>> -> memref<1600xi32, #tpu.memory_space<hbm>>
      tpu.enqueue_dma source(%dma_start3A_315 : memref<1600xi32, #tpu.memory_space<hbm>>) target(%arg6 : memref<1600xi32, #tpu.memory_space<vmem>>) target_semaphore(%run_scoped3A : memref<!tpu.dma_semaphore, #tpu.memory_space<semaphore_mem>>)
      %dma_wait3A_316 = tpu.memref_slice %arg3[%add3A_146] : memref<2560000xi32, #tpu.memory_space<hbm>> -> memref<1600xi32, #tpu.memory_space<hbm>>
      %dma_wait3A_317 = tpu.memref_slice %arg3[%add3A_146] : memref<2560000xi32, #tpu.memory_space<hbm>> -> memref<1600xi32, #tpu.memory_space<hbm>>
      tpu.wait_dma2 semaphore(%run_scoped3A : memref<!tpu.dma_semaphore, #tpu.memory_space<semaphore_mem>>) src(%dma_wait3A_317 : memref<1600xi32, #tpu.memory_space<hbm>>) dst(%arg6 : memref<1600xi32, #tpu.memory_space<vmem>>)
      tpu.yield
    }) : () -> ()
    %dma_start3A_147 = arith.constant 0 : i32
    %dma_start3A_148 = arith.constant 0 : i32
    %dma_start3A_149 = tpu.memref_slice %arg8[%dma_start3A_147, %dma_start3A_148] : memref<1600x32xf32, #tpu.memory_space<vmem>> -> memref<80x32xf32, #tpu.memory_space<vmem>>
    %dma_start3A_150 = arith.constant 0 : i32
    %dma_start3A_151 = tpu.memref_slice %arg6[%dma_start3A_150] : memref<1600xi32, #tpu.memory_space<vmem>> -> memref<80xi32, #tpu.memory_space<vmem>>
    %dma_start3A_152 = arith.constant 0 : i32
    %dma_start3A_153 = arith.constant 0 : i32
    %dma_start3A_154 = tpu.memref_slice %arg4[%dma_start3A_152, %dma_start3A_153] : memref<1007616x32xf32, #tpu.memory_space<hbm>> -> memref<1007616x32xf32, #tpu.memory_space<hbm>>
    tpu.enqueue_indirect_dma source(%dma_start3A_154 : memref<1007616x32xf32, #tpu.memory_space<hbm>>) target(%dma_start3A_149 : memref<80x32xf32, #tpu.memory_space<vmem>>) offsets(%dma_start3A_151 : memref<80xi32, #tpu.memory_space<vmem>>) semaphore(%arg14 : memref<!tpu.dma_semaphore, #tpu.memory_space<semaphore_mem>>)
    %dma_start3A_155 = arith.constant 80 : i32
    %dma_start3A_156 = arith.constant 0 : i32
    %dma_start3A_157 = tpu.memref_slice %arg8[%dma_start3A_155, %dma_start3A_156] : memref<1600x32xf32, #tpu.memory_space<vmem>> -> memref<80x32xf32, #tpu.memory_space<vmem>>
    %dma_start3A_158 = arith.constant 80 : i32
    %dma_start3A_159 = tpu.memref_slice %arg6[%dma_start3A_158] : memref<1600xi32, #tpu.memory_space<vmem>> -> memref<80xi32, #tpu.memory_space<vmem>>
    %dma_start3A_160 = arith.constant 0 : i32
    %dma_start3A_161 = arith.constant 0 : i32
    %dma_start3A_162 = tpu.memref_slice %arg4[%dma_start3A_160, %dma_start3A_161] : memref<1007616x32xf32, #tpu.memory_space<hbm>> -> memref<1007616x32xf32, #tpu.memory_space<hbm>>
    tpu.enqueue_indirect_dma source(%dma_start3A_162 : memref<1007616x32xf32, #tpu.memory_space<hbm>>) target(%dma_start3A_157 : memref<80x32xf32, #tpu.memory_space<vmem>>) offsets(%dma_start3A_159 : memref<80xi32, #tpu.memory_space<vmem>>) semaphore(%arg14 : memref<!tpu.dma_semaphore, #tpu.memory_space<semaphore_mem>>)
    %dma_start3A_163 = arith.constant 160 : i32
    %dma_start3A_164 = arith.constant 0 : i32
    %dma_start3A_165 = tpu.memref_slice %arg8[%dma_start3A_163, %dma_start3A_164] : memref<1600x32xf32, #tpu.memory_space<vmem>> -> memref<80x32xf32, #tpu.memory_space<vmem>>
    %dma_start3A_166 = arith.constant 160 : i32
    %dma_start3A_167 = tpu.memref_slice %arg6[%dma_start3A_166] : memref<1600xi32, #tpu.memory_space<vmem>> -> memref<80xi32, #tpu.memory_space<vmem>>
    %dma_start3A_168 = arith.constant 0 : i32
    %dma_start3A_169 = arith.constant 0 : i32
    %dma_start3A_170 = tpu.memref_slice %arg4[%dma_start3A_168, %dma_start3A_169] : memref<1007616x32xf32, #tpu.memory_space<hbm>> -> memref<1007616x32xf32, #tpu.memory_space<hbm>>
    tpu.enqueue_indirect_dma source(%dma_start3A_170 : memref<1007616x32xf32, #tpu.memory_space<hbm>>) target(%dma_start3A_165 : memref<80x32xf32, #tpu.memory_space<vmem>>) offsets(%dma_start3A_167 : memref<80xi32, #tpu.memory_space<vmem>>) semaphore(%arg14 : memref<!tpu.dma_semaphore, #tpu.memory_space<semaphore_mem>>)
    %dma_start3A_171 = arith.constant 240 : i32
    %dma_start3A_172 = arith.constant 0 : i32
    %dma_start3A_173 = tpu.memref_slice %arg8[%dma_start3A_171, %dma_start3A_172] : memref<1600x32xf32, #tpu.memory_space<vmem>> -> memref<80x32xf32, #tpu.memory_space<vmem>>
    %dma_start3A_174 = arith.constant 240 : i32
    %dma_start3A_175 = tpu.memref_slice %arg6[%dma_start3A_174] : memref<1600xi32, #tpu.memory_space<vmem>> -> memref<80xi32, #tpu.memory_space<vmem>>
    %dma_start3A_176 = arith.constant 0 : i32
    %dma_start3A_177 = arith.constant 0 : i32
    %dma_start3A_178 = tpu.memref_slice %arg4[%dma_start3A_176, %dma_start3A_177] : memref<1007616x32xf32, #tpu.memory_space<hbm>> -> memref<1007616x32xf32, #tpu.memory_space<hbm>>
    tpu.enqueue_indirect_dma source(%dma_start3A_178 : memref<1007616x32xf32, #tpu.memory_space<hbm>>) target(%dma_start3A_173 : memref<80x32xf32, #tpu.memory_space<vmem>>) offsets(%dma_start3A_175 : memref<80xi32, #tpu.memory_space<vmem>>) semaphore(%arg14 : memref<!tpu.dma_semaphore, #tpu.memory_space<semaphore_mem>>)
    %dma_start3A_179 = arith.constant 320 : i32
    %dma_start3A_180 = arith.constant 0 : i32
    %dma_start3A_181 = tpu.memref_slice %arg8[%dma_start3A_179, %dma_start3A_180] : memref<1600x32xf32, #tpu.memory_space<vmem>> -> memref<80x32xf32, #tpu.memory_space<vmem>>
    %dma_start3A_182 = arith.constant 320 : i32
    %dma_start3A_183 = tpu.memref_slice %arg6[%dma_start3A_182] : memref<1600xi32, #tpu.memory_space<vmem>> -> memref<80xi32, #tpu.memory_space<vmem>>
    %dma_start3A_184 = arith.constant 0 : i32
    %dma_start3A_185 = arith.constant 0 : i32
    %dma_start3A_186 = tpu.memref_slice %arg4[%dma_start3A_184, %dma_start3A_185] : memref<1007616x32xf32, #tpu.memory_space<hbm>> -> memref<1007616x32xf32, #tpu.memory_space<hbm>>
    tpu.enqueue_indirect_dma source(%dma_start3A_186 : memref<1007616x32xf32, #tpu.memory_space<hbm>>) target(%dma_start3A_181 : memref<80x32xf32, #tpu.memory_space<vmem>>) offsets(%dma_start3A_183 : memref<80xi32, #tpu.memory_space<vmem>>) semaphore(%arg14 : memref<!tpu.dma_semaphore, #tpu.memory_space<semaphore_mem>>)
    %dma_start3A_187 = arith.constant 400 : i32
    %dma_start3A_188 = arith.constant 0 : i32
    %dma_start3A_189 = tpu.memref_slice %arg8[%dma_start3A_187, %dma_start3A_188] : memref<1600x32xf32, #tpu.memory_space<vmem>> -> memref<80x32xf32, #tpu.memory_space<vmem>>
    %dma_start3A_190 = arith.constant 400 : i32
    %dma_start3A_191 = tpu.memref_slice %arg6[%dma_start3A_190] : memref<1600xi32, #tpu.memory_space<vmem>> -> memref<80xi32, #tpu.memory_space<vmem>>
    %dma_start3A_192 = arith.constant 0 : i32
    %dma_start3A_193 = arith.constant 0 : i32
    %dma_start3A_194 = tpu.memref_slice %arg4[%dma_start3A_192, %dma_start3A_193] : memref<1007616x32xf32, #tpu.memory_space<hbm>> -> memref<1007616x32xf32, #tpu.memory_space<hbm>>
    tpu.enqueue_indirect_dma source(%dma_start3A_194 : memref<1007616x32xf32, #tpu.memory_space<hbm>>) target(%dma_start3A_189 : memref<80x32xf32, #tpu.memory_space<vmem>>) offsets(%dma_start3A_191 : memref<80xi32, #tpu.memory_space<vmem>>) semaphore(%arg14 : memref<!tpu.dma_semaphore, #tpu.memory_space<semaphore_mem>>)
    %dma_start3A_195 = arith.constant 480 : i32
    %dma_start3A_196 = arith.constant 0 : i32
    %dma_start3A_197 = tpu.memref_slice %arg8[%dma_start3A_195, %dma_start3A_196] : memref<1600x32xf32, #tpu.memory_space<vmem>> -> memref<80x32xf32, #tpu.memory_space<vmem>>
    %dma_start3A_198 = arith.constant 480 : i32
    %dma_start3A_199 = tpu.memref_slice %arg6[%dma_start3A_198] : memref<1600xi32, #tpu.memory_space<vmem>> -> memref<80xi32, #tpu.memory_space<vmem>>
    %dma_start3A_200 = arith.constant 0 : i32
    %dma_start3A_201 = arith.constant 0 : i32
    %dma_start3A_202 = tpu.memref_slice %arg4[%dma_start3A_200, %dma_start3A_201] : memref<1007616x32xf32, #tpu.memory_space<hbm>> -> memref<1007616x32xf32, #tpu.memory_space<hbm>>
    tpu.enqueue_indirect_dma source(%dma_start3A_202 : memref<1007616x32xf32, #tpu.memory_space<hbm>>) target(%dma_start3A_197 : memref<80x32xf32, #tpu.memory_space<vmem>>) offsets(%dma_start3A_199 : memref<80xi32, #tpu.memory_space<vmem>>) semaphore(%arg14 : memref<!tpu.dma_semaphore, #tpu.memory_space<semaphore_mem>>)
    %dma_start3A_203 = arith.constant 560 : i32
    %dma_start3A_204 = arith.constant 0 : i32
    %dma_start3A_205 = tpu.memref_slice %arg8[%dma_start3A_203, %dma_start3A_204] : memref<1600x32xf32, #tpu.memory_space<vmem>> -> memref<80x32xf32, #tpu.memory_space<vmem>>
    %dma_start3A_206 = arith.constant 560 : i32
    %dma_start3A_207 = tpu.memref_slice %arg6[%dma_start3A_206] : memref<1600xi32, #tpu.memory_space<vmem>> -> memref<80xi32, #tpu.memory_space<vmem>>
    %dma_start3A_208 = arith.constant 0 : i32
    %dma_start3A_209 = arith.constant 0 : i32
    %dma_start3A_210 = tpu.memref_slice %arg4[%dma_start3A_208, %dma_start3A_209] : memref<1007616x32xf32, #tpu.memory_space<hbm>> -> memref<1007616x32xf32, #tpu.memory_space<hbm>>
    tpu.enqueue_indirect_dma source(%dma_start3A_210 : memref<1007616x32xf32, #tpu.memory_space<hbm>>) target(%dma_start3A_205 : memref<80x32xf32, #tpu.memory_space<vmem>>) offsets(%dma_start3A_207 : memref<80xi32, #tpu.memory_space<vmem>>) semaphore(%arg14 : memref<!tpu.dma_semaphore, #tpu.memory_space<semaphore_mem>>)
    %dma_start3A_211 = arith.constant 640 : i32
    %dma_start3A_212 = arith.constant 0 : i32
    %dma_start3A_213 = tpu.memref_slice %arg8[%dma_start3A_211, %dma_start3A_212] : memref<1600x32xf32, #tpu.memory_space<vmem>> -> memref<80x32xf32, #tpu.memory_space<vmem>>
    %dma_start3A_214 = arith.constant 640 : i32
    %dma_start3A_215 = tpu.memref_slice %arg6[%dma_start3A_214] : memref<1600xi32, #tpu.memory_space<vmem>> -> memref<80xi32, #tpu.memory_space<vmem>>
    %dma_start3A_216 = arith.constant 0 : i32
    %dma_start3A_217 = arith.constant 0 : i32
    %dma_start3A_218 = tpu.memref_slice %arg4[%dma_start3A_216, %dma_start3A_217] : memref<1007616x32xf32, #tpu.memory_space<hbm>> -> memref<1007616x32xf32, #tpu.memory_space<hbm>>
    tpu.enqueue_indirect_dma source(%dma_start3A_218 : memref<1007616x32xf32, #tpu.memory_space<hbm>>) target(%dma_start3A_213 : memref<80x32xf32, #tpu.memory_space<vmem>>) offsets(%dma_start3A_215 : memref<80xi32, #tpu.memory_space<vmem>>) semaphore(%arg14 : memref<!tpu.dma_semaphore, #tpu.memory_space<semaphore_mem>>)
    %dma_start3A_219 = arith.constant 720 : i32
    %dma_start3A_220 = arith.constant 0 : i32
    %dma_start3A_221 = tpu.memref_slice %arg8[%dma_start3A_219, %dma_start3A_220] : memref<1600x32xf32, #tpu.memory_space<vmem>> -> memref<80x32xf32, #tpu.memory_space<vmem>>
    %dma_start3A_222 = arith.constant 720 : i32
    %dma_start3A_223 = tpu.memref_slice %arg6[%dma_start3A_222] : memref<1600xi32, #tpu.memory_space<vmem>> -> memref<80xi32, #tpu.memory_space<vmem>>
    %dma_start3A_224 = arith.constant 0 : i32
    %dma_start3A_225 = arith.constant 0 : i32
    %dma_start3A_226 = tpu.memref_slice %arg4[%dma_start3A_224, %dma_start3A_225] : memref<1007616x32xf32, #tpu.memory_space<hbm>> -> memref<1007616x32xf32, #tpu.memory_space<hbm>>
    tpu.enqueue_indirect_dma source(%dma_start3A_226 : memref<1007616x32xf32, #tpu.memory_space<hbm>>) target(%dma_start3A_221 : memref<80x32xf32, #tpu.memory_space<vmem>>) offsets(%dma_start3A_223 : memref<80xi32, #tpu.memory_space<vmem>>) semaphore(%arg14 : memref<!tpu.dma_semaphore, #tpu.memory_space<semaphore_mem>>)
    %dma_start3A_227 = arith.constant 800 : i32
    %dma_start3A_228 = arith.constant 0 : i32
    %dma_start3A_229 = tpu.memref_slice %arg8[%dma_start3A_227, %dma_start3A_228] : memref<1600x32xf32, #tpu.memory_space<vmem>> -> memref<80x32xf32, #tpu.memory_space<vmem>>
    %dma_start3A_230 = arith.constant 800 : i32
    %dma_start3A_231 = tpu.memref_slice %arg6[%dma_start3A_230] : memref<1600xi32, #tpu.memory_space<vmem>> -> memref<80xi32, #tpu.memory_space<vmem>>
    %dma_start3A_232 = arith.constant 0 : i32
    %dma_start3A_233 = arith.constant 0 : i32
    %dma_start3A_234 = tpu.memref_slice %arg4[%dma_start3A_232, %dma_start3A_233] : memref<1007616x32xf32, #tpu.memory_space<hbm>> -> memref<1007616x32xf32, #tpu.memory_space<hbm>>
    tpu.enqueue_indirect_dma source(%dma_start3A_234 : memref<1007616x32xf32, #tpu.memory_space<hbm>>) target(%dma_start3A_229 : memref<80x32xf32, #tpu.memory_space<vmem>>) offsets(%dma_start3A_231 : memref<80xi32, #tpu.memory_space<vmem>>) semaphore(%arg14 : memref<!tpu.dma_semaphore, #tpu.memory_space<semaphore_mem>>)
    %dma_start3A_235 = arith.constant 880 : i32
    %dma_start3A_236 = arith.constant 0 : i32
    %dma_start3A_237 = tpu.memref_slice %arg8[%dma_start3A_235, %dma_start3A_236] : memref<1600x32xf32, #tpu.memory_space<vmem>> -> memref<80x32xf32, #tpu.memory_space<vmem>>
    %dma_start3A_238 = arith.constant 880 : i32
    %dma_start3A_239 = tpu.memref_slice %arg6[%dma_start3A_238] : memref<1600xi32, #tpu.memory_space<vmem>> -> memref<80xi32, #tpu.memory_space<vmem>>
    %dma_start3A_240 = arith.constant 0 : i32
    %dma_start3A_241 = arith.constant 0 : i32
    %dma_start3A_242 = tpu.memref_slice %arg4[%dma_start3A_240, %dma_start3A_241] : memref<1007616x32xf32, #tpu.memory_space<hbm>> -> memref<1007616x32xf32, #tpu.memory_space<hbm>>
    tpu.enqueue_indirect_dma source(%dma_start3A_242 : memref<1007616x32xf32, #tpu.memory_space<hbm>>) target(%dma_start3A_237 : memref<80x32xf32, #tpu.memory_space<vmem>>) offsets(%dma_start3A_239 : memref<80xi32, #tpu.memory_space<vmem>>) semaphore(%arg14 : memref<!tpu.dma_semaphore, #tpu.memory_space<semaphore_mem>>)
    %dma_start3A_243 = arith.constant 960 : i32
    %dma_start3A_244 = arith.constant 0 : i32
    %dma_start3A_245 = tpu.memref_slice %arg8[%dma_start3A_243, %dma_start3A_244] : memref<1600x32xf32, #tpu.memory_space<vmem>> -> memref<80x32xf32, #tpu.memory_space<vmem>>
    %dma_start3A_246 = arith.constant 960 : i32
    %dma_start3A_247 = tpu.memref_slice %arg6[%dma_start3A_246] : memref<1600xi32, #tpu.memory_space<vmem>> -> memref<80xi32, #tpu.memory_space<vmem>>
    %dma_start3A_248 = arith.constant 0 : i32
    %dma_start3A_249 = arith.constant 0 : i32
    %dma_start3A_250 = tpu.memref_slice %arg4[%dma_start3A_248, %dma_start3A_249] : memref<1007616x32xf32, #tpu.memory_space<hbm>> -> memref<1007616x32xf32, #tpu.memory_space<hbm>>
    tpu.enqueue_indirect_dma source(%dma_start3A_250 : memref<1007616x32xf32, #tpu.memory_space<hbm>>) target(%dma_start3A_245 : memref<80x32xf32, #tpu.memory_space<vmem>>) offsets(%dma_start3A_247 : memref<80xi32, #tpu.memory_space<vmem>>) semaphore(%arg14 : memref<!tpu.dma_semaphore, #tpu.memory_space<semaphore_mem>>)
    %dma_start3A_251 = arith.constant 1040 : i32
    %dma_start3A_252 = arith.constant 0 : i32
    %dma_start3A_253 = tpu.memref_slice %arg8[%dma_start3A_251, %dma_start3A_252] : memref<1600x32xf32, #tpu.memory_space<vmem>> -> memref<80x32xf32, #tpu.memory_space<vmem>>
    %dma_start3A_254 = arith.constant 1040 : i32
    %dma_start3A_255 = tpu.memref_slice %arg6[%dma_start3A_254] : memref<1600xi32, #tpu.memory_space<vmem>> -> memref<80xi32, #tpu.memory_space<vmem>>
    %dma_start3A_256 = arith.constant 0 : i32
    %dma_start3A_257 = arith.constant 0 : i32
    %dma_start3A_258 = tpu.memref_slice %arg4[%dma_start3A_256, %dma_start3A_257] : memref<1007616x32xf32, #tpu.memory_space<hbm>> -> memref<1007616x32xf32, #tpu.memory_space<hbm>>
    tpu.enqueue_indirect_dma source(%dma_start3A_258 : memref<1007616x32xf32, #tpu.memory_space<hbm>>) target(%dma_start3A_253 : memref<80x32xf32, #tpu.memory_space<vmem>>) offsets(%dma_start3A_255 : memref<80xi32, #tpu.memory_space<vmem>>) semaphore(%arg14 : memref<!tpu.dma_semaphore, #tpu.memory_space<semaphore_mem>>)
    %dma_start3A_259 = arith.constant 1120 : i32
    %dma_start3A_260 = arith.constant 0 : i32
    %dma_start3A_261 = tpu.memref_slice %arg8[%dma_start3A_259, %dma_start3A_260] : memref<1600x32xf32, #tpu.memory_space<vmem>> -> memref<80x32xf32, #tpu.memory_space<vmem>>
    %dma_start3A_262 = arith.constant 1120 : i32
    %dma_start3A_263 = tpu.memref_slice %arg6[%dma_start3A_262] : memref<1600xi32, #tpu.memory_space<vmem>> -> memref<80xi32, #tpu.memory_space<vmem>>
    %dma_start3A_264 = arith.constant 0 : i32
    %dma_start3A_265 = arith.constant 0 : i32
    %dma_start3A_266 = tpu.memref_slice %arg4[%dma_start3A_264, %dma_start3A_265] : memref<1007616x32xf32, #tpu.memory_space<hbm>> -> memref<1007616x32xf32, #tpu.memory_space<hbm>>
    tpu.enqueue_indirect_dma source(%dma_start3A_266 : memref<1007616x32xf32, #tpu.memory_space<hbm>>) target(%dma_start3A_261 : memref<80x32xf32, #tpu.memory_space<vmem>>) offsets(%dma_start3A_263 : memref<80xi32, #tpu.memory_space<vmem>>) semaphore(%arg14 : memref<!tpu.dma_semaphore, #tpu.memory_space<semaphore_mem>>)
    %dma_start3A_267 = arith.constant 1200 : i32
    %dma_start3A_268 = arith.constant 0 : i32
    %dma_start3A_269 = tpu.memref_slice %arg8[%dma_start3A_267, %dma_start3A_268] : memref<1600x32xf32, #tpu.memory_space<vmem>> -> memref<80x32xf32, #tpu.memory_space<vmem>>
    %dma_start3A_270 = arith.constant 1200 : i32
    %dma_start3A_271 = tpu.memref_slice %arg6[%dma_start3A_270] : memref<1600xi32, #tpu.memory_space<vmem>> -> memref<80xi32, #tpu.memory_space<vmem>>
    %dma_start3A_272 = arith.constant 0 : i32
    %dma_start3A_273 = arith.constant 0 : i32
    %dma_start3A_274 = tpu.memref_slice %arg4[%dma_start3A_272, %dma_start3A_273] : memref<1007616x32xf32, #tpu.memory_space<hbm>> -> memref<1007616x32xf32, #tpu.memory_space<hbm>>
    tpu.enqueue_indirect_dma source(%dma_start3A_274 : memref<1007616x32xf32, #tpu.memory_space<hbm>>) target(%dma_start3A_269 : memref<80x32xf32, #tpu.memory_space<vmem>>) offsets(%dma_start3A_271 : memref<80xi32, #tpu.memory_space<vmem>>) semaphore(%arg14 : memref<!tpu.dma_semaphore, #tpu.memory_space<semaphore_mem>>)
    %dma_start3A_275 = arith.constant 1280 : i32
    %dma_start3A_276 = arith.constant 0 : i32
    %dma_start3A_277 = tpu.memref_slice %arg8[%dma_start3A_275, %dma_start3A_276] : memref<1600x32xf32, #tpu.memory_space<vmem>> -> memref<80x32xf32, #tpu.memory_space<vmem>>
    %dma_start3A_278 = arith.constant 1280 : i32
    %dma_start3A_279 = tpu.memref_slice %arg6[%dma_start3A_278] : memref<1600xi32, #tpu.memory_space<vmem>> -> memref<80xi32, #tpu.memory_space<vmem>>
    %dma_start3A_280 = arith.constant 0 : i32
    %dma_start3A_281 = arith.constant 0 : i32
    %dma_start3A_282 = tpu.memref_slice %arg4[%dma_start3A_280, %dma_start3A_281] : memref<1007616x32xf32, #tpu.memory_space<hbm>> -> memref<1007616x32xf32, #tpu.memory_space<hbm>>
    tpu.enqueue_indirect_dma source(%dma_start3A_282 : memref<1007616x32xf32, #tpu.memory_space<hbm>>) target(%dma_start3A_277 : memref<80x32xf32, #tpu.memory_space<vmem>>) offsets(%dma_start3A_279 : memref<80xi32, #tpu.memory_space<vmem>>) semaphore(%arg14 : memref<!tpu.dma_semaphore, #tpu.memory_space<semaphore_mem>>)
    %dma_start3A_283 = arith.constant 1360 : i32
    %dma_start3A_284 = arith.constant 0 : i32
    %dma_start3A_285 = tpu.memref_slice %arg8[%dma_start3A_283, %dma_start3A_284] : memref<1600x32xf32, #tpu.memory_space<vmem>> -> memref<80x32xf32, #tpu.memory_space<vmem>>
    %dma_start3A_286 = arith.constant 1360 : i32
    %dma_start3A_287 = tpu.memref_slice %arg6[%dma_start3A_286] : memref<1600xi32, #tpu.memory_space<vmem>> -> memref<80xi32, #tpu.memory_space<vmem>>
    %dma_start3A_288 = arith.constant 0 : i32
    %dma_start3A_289 = arith.constant 0 : i32
    %dma_start3A_290 = tpu.memref_slice %arg4[%dma_start3A_288, %dma_start3A_289] : memref<1007616x32xf32, #tpu.memory_space<hbm>> -> memref<1007616x32xf32, #tpu.memory_space<hbm>>
    tpu.enqueue_indirect_dma source(%dma_start3A_290 : memref<1007616x32xf32, #tpu.memory_space<hbm>>) target(%dma_start3A_285 : memref<80x32xf32, #tpu.memory_space<vmem>>) offsets(%dma_start3A_287 : memref<80xi32, #tpu.memory_space<vmem>>) semaphore(%arg14 : memref<!tpu.dma_semaphore, #tpu.memory_space<semaphore_mem>>)
    %dma_start3A_291 = arith.constant 1440 : i32
    %dma_start3A_292 = arith.constant 0 : i32
    %dma_start3A_293 = tpu.memref_slice %arg8[%dma_start3A_291, %dma_start3A_292] : memref<1600x32xf32, #tpu.memory_space<vmem>> -> memref<80x32xf32, #tpu.memory_space<vmem>>
    %dma_start3A_294 = arith.constant 1440 : i32
    %dma_start3A_295 = tpu.memref_slice %arg6[%dma_start3A_294] : memref<1600xi32, #tpu.memory_space<vmem>> -> memref<80xi32, #tpu.memory_space<vmem>>
    %dma_start3A_296 = arith.constant 0 : i32
    %dma_start3A_297 = arith.constant 0 : i32
    %dma_start3A_298 = tpu.memref_slice %arg4[%dma_start3A_296, %dma_start3A_297] : memref<1007616x32xf32, #tpu.memory_space<hbm>> -> memref<1007616x32xf32, #tpu.memory_space<hbm>>
    tpu.enqueue_indirect_dma source(%dma_start3A_298 : memref<1007616x32xf32, #tpu.memory_space<hbm>>) target(%dma_start3A_293 : memref<80x32xf32, #tpu.memory_space<vmem>>) offsets(%dma_start3A_295 : memref<80xi32, #tpu.memory_space<vmem>>) semaphore(%arg14 : memref<!tpu.dma_semaphore, #tpu.memory_space<semaphore_mem>>)
    %dma_start3A_299 = arith.constant 1520 : i32
    %dma_start3A_300 = arith.constant 0 : i32
    %dma_start3A_301 = tpu.memref_slice %arg8[%dma_start3A_299, %dma_start3A_300] : memref<1600x32xf32, #tpu.memory_space<vmem>> -> memref<80x32xf32, #tpu.memory_space<vmem>>
    %dma_start3A_302 = arith.constant 1520 : i32
    %dma_start3A_303 = tpu.memref_slice %arg6[%dma_start3A_302] : memref<1600xi32, #tpu.memory_space<vmem>> -> memref<80xi32, #tpu.memory_space<vmem>>
    %dma_start3A_304 = arith.constant 0 : i32
    %dma_start3A_305 = arith.constant 0 : i32
    %dma_start3A_306 = tpu.memref_slice %arg4[%dma_start3A_304, %dma_start3A_305] : memref<1007616x32xf32, #tpu.memory_space<hbm>> -> memref<1007616x32xf32, #tpu.memory_space<hbm>>
    tpu.enqueue_indirect_dma source(%dma_start3A_306 : memref<1007616x32xf32, #tpu.memory_space<hbm>>) target(%dma_start3A_301 : memref<80x32xf32, #tpu.memory_space<vmem>>) offsets(%dma_start3A_303 : memref<80xi32, #tpu.memory_space<vmem>>) semaphore(%arg14 : memref<!tpu.dma_semaphore, #tpu.memory_space<semaphore_mem>>)
    %scan3A_307 = arith.constant 0 : i32
    %scan3A_308 = arith.constant 0 : i32
    %scan3A_309 = arith.constant 25 : i32
    %scan3A_310 = arith.addi %scan3A_308, %scan3A_309 : i32
    %scan3A_311 = arith.constant 1 : i32
    %scan3A_312 = scf.for %scan3A_314 = %scan3A_308 to %scan3A_310 step %scan3A_311 iter_args(%scan3A_315 = %scan3A_307) -> (i32)  : i32 {
      %mul3A_316 = arith.constant 2 : i32
      %mul3A_317 = arith.muli %mul3A_316, %scan3A_314 : i32
      %add3A_318 = arith.constant 1 : i32
      %add3A_319 = arith.addi %mul3A_317, %add3A_318 : i32
      %mul3A_320 = arith.constant 80000 : i32
      %mul3A_321 = arith.muli %add3A, %mul3A_320 : i32
      %mul3A_322 = arith.constant 1600 : i32
      %mul3A_323 = arith.muli %add3A_319, %mul3A_322 : i32
      %add3A_324 = arith.addi %mul3A_321, %mul3A_323 : i32
      "tpu.region"() ({
        %run_scoped3A = tpu.sem_alloc : memref<!tpu.dma_semaphore, #tpu.memory_space<semaphore_mem>>
        %dma_start3A_998 = tpu.memref_slice %arg3[%add3A_324] : memref<2560000xi32, #tpu.memory_space<hbm>> -> memref<1600xi32, #tpu.memory_space<hbm>>
        %dma_start3A_999 = tpu.memref_slice %arg3[%add3A_324] : memref<2560000xi32, #tpu.memory_space<hbm>> -> memref<1600xi32, #tpu.memory_space<hbm>>
        tpu.enqueue_dma source(%dma_start3A_999 : memref<1600xi32, #tpu.memory_space<hbm>>) target(%arg7 : memref<1600xi32, #tpu.memory_space<vmem>>) target_semaphore(%run_scoped3A : memref<!tpu.dma_semaphore, #tpu.memory_space<semaphore_mem>>)
        %dma_wait3A_1000 = tpu.memref_slice %arg3[%add3A_324] : memref<2560000xi32, #tpu.memory_space<hbm>> -> memref<1600xi32, #tpu.memory_space<hbm>>
        %dma_wait3A_1001 = tpu.memref_slice %arg3[%add3A_324] : memref<2560000xi32, #tpu.memory_space<hbm>> -> memref<1600xi32, #tpu.memory_space<hbm>>
        tpu.wait_dma2 semaphore(%run_scoped3A : memref<!tpu.dma_semaphore, #tpu.memory_space<semaphore_mem>>) src(%dma_wait3A_1001 : memref<1600xi32, #tpu.memory_space<hbm>>) dst(%arg7 : memref<1600xi32, #tpu.memory_space<vmem>>)
        tpu.yield
      }) : () -> ()
      %dma_start3A_325 = arith.constant 0 : i32
      %dma_start3A_326 = arith.constant 0 : i32
      %dma_start3A_327 = tpu.memref_slice %arg9[%dma_start3A_325, %dma_start3A_326] : memref<1600x32xf32, #tpu.memory_space<vmem>> -> memref<80x32xf32, #tpu.memory_space<vmem>>
      %dma_start3A_328 = arith.constant 0 : i32
      %dma_start3A_329 = tpu.memref_slice %arg7[%dma_start3A_328] : memref<1600xi32, #tpu.memory_space<vmem>> -> memref<80xi32, #tpu.memory_space<vmem>>
      %dma_start3A_330 = arith.constant 0 : i32
      %dma_start3A_331 = arith.constant 0 : i32
      %dma_start3A_332 = tpu.memref_slice %arg4[%dma_start3A_330, %dma_start3A_331] : memref<1007616x32xf32, #tpu.memory_space<hbm>> -> memref<1007616x32xf32, #tpu.memory_space<hbm>>
      tpu.enqueue_indirect_dma source(%dma_start3A_332 : memref<1007616x32xf32, #tpu.memory_space<hbm>>) target(%dma_start3A_327 : memref<80x32xf32, #tpu.memory_space<vmem>>) offsets(%dma_start3A_329 : memref<80xi32, #tpu.memory_space<vmem>>) semaphore(%arg15 : memref<!tpu.dma_semaphore, #tpu.memory_space<semaphore_mem>>)
      %dma_start3A_333 = arith.constant 80 : i32
      %dma_start3A_334 = arith.constant 0 : i32
      %dma_start3A_335 = tpu.memref_slice %arg9[%dma_start3A_333, %dma_start3A_334] : memref<1600x32xf32, #tpu.memory_space<vmem>> -> memref<80x32xf32, #tpu.memory_space<vmem>>
      %dma_start3A_336 = arith.constant 80 : i32
      %dma_start3A_337 = tpu.memref_slice %arg7[%dma_start3A_336] : memref<1600xi32, #tpu.memory_space<vmem>> -> memref<80xi32, #tpu.memory_space<vmem>>
      %dma_start3A_338 = arith.constant 0 : i32
      %dma_start3A_339 = arith.constant 0 : i32
      %dma_start3A_340 = tpu.memref_slice %arg4[%dma_start3A_338, %dma_start3A_339] : memref<1007616x32xf32, #tpu.memory_space<hbm>> -> memref<1007616x32xf32, #tpu.memory_space<hbm>>
      tpu.enqueue_indirect_dma source(%dma_start3A_340 : memref<1007616x32xf32, #tpu.memory_space<hbm>>) target(%dma_start3A_335 : memref<80x32xf32, #tpu.memory_space<vmem>>) offsets(%dma_start3A_337 : memref<80xi32, #tpu.memory_space<vmem>>) semaphore(%arg15 : memref<!tpu.dma_semaphore, #tpu.memory_space<semaphore_mem>>)
      %dma_start3A_341 = arith.constant 160 : i32
      %dma_start3A_342 = arith.constant 0 : i32
      %dma_start3A_343 = tpu.memref_slice %arg9[%dma_start3A_341, %dma_start3A_342] : memref<1600x32xf32, #tpu.memory_space<vmem>> -> memref<80x32xf32, #tpu.memory_space<vmem>>
      %dma_start3A_344 = arith.constant 160 : i32
      %dma_start3A_345 = tpu.memref_slice %arg7[%dma_start3A_344] : memref<1600xi32, #tpu.memory_space<vmem>> -> memref<80xi32, #tpu.memory_space<vmem>>
      %dma_start3A_346 = arith.constant 0 : i32
      %dma_start3A_347 = arith.constant 0 : i32
      %dma_start3A_348 = tpu.memref_slice %arg4[%dma_start3A_346, %dma_start3A_347] : memref<1007616x32xf32, #tpu.memory_space<hbm>> -> memref<1007616x32xf32, #tpu.memory_space<hbm>>
      tpu.enqueue_indirect_dma source(%dma_start3A_348 : memref<1007616x32xf32, #tpu.memory_space<hbm>>) target(%dma_start3A_343 : memref<80x32xf32, #tpu.memory_space<vmem>>) offsets(%dma_start3A_345 : memref<80xi32, #tpu.memory_space<vmem>>) semaphore(%arg15 : memref<!tpu.dma_semaphore, #tpu.memory_space<semaphore_mem>>)
      %dma_start3A_349 = arith.constant 240 : i32
      %dma_start3A_350 = arith.constant 0 : i32
      %dma_start3A_351 = tpu.memref_slice %arg9[%dma_start3A_349, %dma_start3A_350] : memref<1600x32xf32, #tpu.memory_space<vmem>> -> memref<80x32xf32, #tpu.memory_space<vmem>>
      %dma_start3A_352 = arith.constant 240 : i32
      %dma_start3A_353 = tpu.memref_slice %arg7[%dma_start3A_352] : memref<1600xi32, #tpu.memory_space<vmem>> -> memref<80xi32, #tpu.memory_space<vmem>>
      %dma_start3A_354 = arith.constant 0 : i32
      %dma_start3A_355 = arith.constant 0 : i32
      %dma_start3A_356 = tpu.memref_slice %arg4[%dma_start3A_354, %dma_start3A_355] : memref<1007616x32xf32, #tpu.memory_space<hbm>> -> memref<1007616x32xf32, #tpu.memory_space<hbm>>
      tpu.enqueue_indirect_dma source(%dma_start3A_356 : memref<1007616x32xf32, #tpu.memory_space<hbm>>) target(%dma_start3A_351 : memref<80x32xf32, #tpu.memory_space<vmem>>) offsets(%dma_start3A_353 : memref<80xi32, #tpu.memory_space<vmem>>) semaphore(%arg15 : memref<!tpu.dma_semaphore, #tpu.memory_space<semaphore_mem>>)
      %dma_start3A_357 = arith.constant 320 : i32
      %dma_start3A_358 = arith.constant 0 : i32
      %dma_start3A_359 = tpu.memref_slice %arg9[%dma_start3A_357, %dma_start3A_358] : memref<1600x32xf32, #tpu.memory_space<vmem>> -> memref<80x32xf32, #tpu.memory_space<vmem>>
      %dma_start3A_360 = arith.constant 320 : i32
      %dma_start3A_361 = tpu.memref_slice %arg7[%dma_start3A_360] : memref<1600xi32, #tpu.memory_space<vmem>> -> memref<80xi32, #tpu.memory_space<vmem>>
      %dma_start3A_362 = arith.constant 0 : i32
      %dma_start3A_363 = arith.constant 0 : i32
      %dma_start3A_364 = tpu.memref_slice %arg4[%dma_start3A_362, %dma_start3A_363] : memref<1007616x32xf32, #tpu.memory_space<hbm>> -> memref<1007616x32xf32, #tpu.memory_space<hbm>>
      tpu.enqueue_indirect_dma source(%dma_start3A_364 : memref<1007616x32xf32, #tpu.memory_space<hbm>>) target(%dma_start3A_359 : memref<80x32xf32, #tpu.memory_space<vmem>>) offsets(%dma_start3A_361 : memref<80xi32, #tpu.memory_space<vmem>>) semaphore(%arg15 : memref<!tpu.dma_semaphore, #tpu.memory_space<semaphore_mem>>)
      %dma_start3A_365 = arith.constant 400 : i32
      %dma_start3A_366 = arith.constant 0 : i32
      %dma_start3A_367 = tpu.memref_slice %arg9[%dma_start3A_365, %dma_start3A_366] : memref<1600x32xf32, #tpu.memory_space<vmem>> -> memref<80x32xf32, #tpu.memory_space<vmem>>
      %dma_start3A_368 = arith.constant 400 : i32
      %dma_start3A_369 = tpu.memref_slice %arg7[%dma_start3A_368] : memref<1600xi32, #tpu.memory_space<vmem>> -> memref<80xi32, #tpu.memory_space<vmem>>
      %dma_start3A_370 = arith.constant 0 : i32
      %dma_start3A_371 = arith.constant 0 : i32
      %dma_start3A_372 = tpu.memref_slice %arg4[%dma_start3A_370, %dma_start3A_371] : memref<1007616x32xf32, #tpu.memory_space<hbm>> -> memref<1007616x32xf32, #tpu.memory_space<hbm>>
      tpu.enqueue_indirect_dma source(%dma_start3A_372 : memref<1007616x32xf32, #tpu.memory_space<hbm>>) target(%dma_start3A_367 : memref<80x32xf32, #tpu.memory_space<vmem>>) offsets(%dma_start3A_369 : memref<80xi32, #tpu.memory_space<vmem>>) semaphore(%arg15 : memref<!tpu.dma_semaphore, #tpu.memory_space<semaphore_mem>>)
      %dma_start3A_373 = arith.constant 480 : i32
      %dma_start3A_374 = arith.constant 0 : i32
      %dma_start3A_375 = tpu.memref_slice %arg9[%dma_start3A_373, %dma_start3A_374] : memref<1600x32xf32, #tpu.memory_space<vmem>> -> memref<80x32xf32, #tpu.memory_space<vmem>>
      %dma_start3A_376 = arith.constant 480 : i32
      %dma_start3A_377 = tpu.memref_slice %arg7[%dma_start3A_376] : memref<1600xi32, #tpu.memory_space<vmem>> -> memref<80xi32, #tpu.memory_space<vmem>>
      %dma_start3A_378 = arith.constant 0 : i32
      %dma_start3A_379 = arith.constant 0 : i32
      %dma_start3A_380 = tpu.memref_slice %arg4[%dma_start3A_378, %dma_start3A_379] : memref<1007616x32xf32, #tpu.memory_space<hbm>> -> memref<1007616x32xf32, #tpu.memory_space<hbm>>
      tpu.enqueue_indirect_dma source(%dma_start3A_380 : memref<1007616x32xf32, #tpu.memory_space<hbm>>) target(%dma_start3A_375 : memref<80x32xf32, #tpu.memory_space<vmem>>) offsets(%dma_start3A_377 : memref<80xi32, #tpu.memory_space<vmem>>) semaphore(%arg15 : memref<!tpu.dma_semaphore, #tpu.memory_space<semaphore_mem>>)
      %dma_start3A_381 = arith.constant 560 : i32
      %dma_start3A_382 = arith.constant 0 : i32
      %dma_start3A_383 = tpu.memref_slice %arg9[%dma_start3A_381, %dma_start3A_382] : memref<1600x32xf32, #tpu.memory_space<vmem>> -> memref<80x32xf32, #tpu.memory_space<vmem>>
      %dma_start3A_384 = arith.constant 560 : i32
      %dma_start3A_385 = tpu.memref_slice %arg7[%dma_start3A_384] : memref<1600xi32, #tpu.memory_space<vmem>> -> memref<80xi32, #tpu.memory_space<vmem>>
      %dma_start3A_386 = arith.constant 0 : i32
      %dma_start3A_387 = arith.constant 0 : i32
      %dma_start3A_388 = tpu.memref_slice %arg4[%dma_start3A_386, %dma_start3A_387] : memref<1007616x32xf32, #tpu.memory_space<hbm>> -> memref<1007616x32xf32, #tpu.memory_space<hbm>>
      tpu.enqueue_indirect_dma source(%dma_start3A_388 : memref<1007616x32xf32, #tpu.memory_space<hbm>>) target(%dma_start3A_383 : memref<80x32xf32, #tpu.memory_space<vmem>>) offsets(%dma_start3A_385 : memref<80xi32, #tpu.memory_space<vmem>>) semaphore(%arg15 : memref<!tpu.dma_semaphore, #tpu.memory_space<semaphore_mem>>)
      %dma_start3A_389 = arith.constant 640 : i32
      %dma_start3A_390 = arith.constant 0 : i32
      %dma_start3A_391 = tpu.memref_slice %arg9[%dma_start3A_389, %dma_start3A_390] : memref<1600x32xf32, #tpu.memory_space<vmem>> -> memref<80x32xf32, #tpu.memory_space<vmem>>
      %dma_start3A_392 = arith.constant 640 : i32
      %dma_start3A_393 = tpu.memref_slice %arg7[%dma_start3A_392] : memref<1600xi32, #tpu.memory_space<vmem>> -> memref<80xi32, #tpu.memory_space<vmem>>
      %dma_start3A_394 = arith.constant 0 : i32
      %dma_start3A_395 = arith.constant 0 : i32
      %dma_start3A_396 = tpu.memref_slice %arg4[%dma_start3A_394, %dma_start3A_395] : memref<1007616x32xf32, #tpu.memory_space<hbm>> -> memref<1007616x32xf32, #tpu.memory_space<hbm>>
      tpu.enqueue_indirect_dma source(%dma_start3A_396 : memref<1007616x32xf32, #tpu.memory_space<hbm>>) target(%dma_start3A_391 : memref<80x32xf32, #tpu.memory_space<vmem>>) offsets(%dma_start3A_393 : memref<80xi32, #tpu.memory_space<vmem>>) semaphore(%arg15 : memref<!tpu.dma_semaphore, #tpu.memory_space<semaphore_mem>>)
      %dma_start3A_397 = arith.constant 720 : i32
      %dma_start3A_398 = arith.constant 0 : i32
      %dma_start3A_399 = tpu.memref_slice %arg9[%dma_start3A_397, %dma_start3A_398] : memref<1600x32xf32, #tpu.memory_space<vmem>> -> memref<80x32xf32, #tpu.memory_space<vmem>>
      %dma_start3A_400 = arith.constant 720 : i32
      %dma_start3A_401 = tpu.memref_slice %arg7[%dma_start3A_400] : memref<1600xi32, #tpu.memory_space<vmem>> -> memref<80xi32, #tpu.memory_space<vmem>>
      %dma_start3A_402 = arith.constant 0 : i32
      %dma_start3A_403 = arith.constant 0 : i32
      %dma_start3A_404 = tpu.memref_slice %arg4[%dma_start3A_402, %dma_start3A_403] : memref<1007616x32xf32, #tpu.memory_space<hbm>> -> memref<1007616x32xf32, #tpu.memory_space<hbm>>
      tpu.enqueue_indirect_dma source(%dma_start3A_404 : memref<1007616x32xf32, #tpu.memory_space<hbm>>) target(%dma_start3A_399 : memref<80x32xf32, #tpu.memory_space<vmem>>) offsets(%dma_start3A_401 : memref<80xi32, #tpu.memory_space<vmem>>) semaphore(%arg15 : memref<!tpu.dma_semaphore, #tpu.memory_space<semaphore_mem>>)
      %dma_start3A_405 = arith.constant 800 : i32
      %dma_start3A_406 = arith.constant 0 : i32
      %dma_start3A_407 = tpu.memref_slice %arg9[%dma_start3A_405, %dma_start3A_406] : memref<1600x32xf32, #tpu.memory_space<vmem>> -> memref<80x32xf32, #tpu.memory_space<vmem>>
      %dma_start3A_408 = arith.constant 800 : i32
      %dma_start3A_409 = tpu.memref_slice %arg7[%dma_start3A_408] : memref<1600xi32, #tpu.memory_space<vmem>> -> memref<80xi32, #tpu.memory_space<vmem>>
      %dma_start3A_410 = arith.constant 0 : i32
      %dma_start3A_411 = arith.constant 0 : i32
      %dma_start3A_412 = tpu.memref_slice %arg4[%dma_start3A_410, %dma_start3A_411] : memref<1007616x32xf32, #tpu.memory_space<hbm>> -> memref<1007616x32xf32, #tpu.memory_space<hbm>>
      tpu.enqueue_indirect_dma source(%dma_start3A_412 : memref<1007616x32xf32, #tpu.memory_space<hbm>>) target(%dma_start3A_407 : memref<80x32xf32, #tpu.memory_space<vmem>>) offsets(%dma_start3A_409 : memref<80xi32, #tpu.memory_space<vmem>>) semaphore(%arg15 : memref<!tpu.dma_semaphore, #tpu.memory_space<semaphore_mem>>)
      %dma_start3A_413 = arith.constant 880 : i32
      %dma_start3A_414 = arith.constant 0 : i32
      %dma_start3A_415 = tpu.memref_slice %arg9[%dma_start3A_413, %dma_start3A_414] : memref<1600x32xf32, #tpu.memory_space<vmem>> -> memref<80x32xf32, #tpu.memory_space<vmem>>
      %dma_start3A_416 = arith.constant 880 : i32
      %dma_start3A_417 = tpu.memref_slice %arg7[%dma_start3A_416] : memref<1600xi32, #tpu.memory_space<vmem>> -> memref<80xi32, #tpu.memory_space<vmem>>
      %dma_start3A_418 = arith.constant 0 : i32
      %dma_start3A_419 = arith.constant 0 : i32
      %dma_start3A_420 = tpu.memref_slice %arg4[%dma_start3A_418, %dma_start3A_419] : memref<1007616x32xf32, #tpu.memory_space<hbm>> -> memref<1007616x32xf32, #tpu.memory_space<hbm>>
      tpu.enqueue_indirect_dma source(%dma_start3A_420 : memref<1007616x32xf32, #tpu.memory_space<hbm>>) target(%dma_start3A_415 : memref<80x32xf32, #tpu.memory_space<vmem>>) offsets(%dma_start3A_417 : memref<80xi32, #tpu.memory_space<vmem>>) semaphore(%arg15 : memref<!tpu.dma_semaphore, #tpu.memory_space<semaphore_mem>>)
      %dma_start3A_421 = arith.constant 960 : i32
      %dma_start3A_422 = arith.constant 0 : i32
      %dma_start3A_423 = tpu.memref_slice %arg9[%dma_start3A_421, %dma_start3A_422] : memref<1600x32xf32, #tpu.memory_space<vmem>> -> memref<80x32xf32, #tpu.memory_space<vmem>>
      %dma_start3A_424 = arith.constant 960 : i32
      %dma_start3A_425 = tpu.memref_slice %arg7[%dma_start3A_424] : memref<1600xi32, #tpu.memory_space<vmem>> -> memref<80xi32, #tpu.memory_space<vmem>>
      %dma_start3A_426 = arith.constant 0 : i32
      %dma_start3A_427 = arith.constant 0 : i32
      %dma_start3A_428 = tpu.memref_slice %arg4[%dma_start3A_426, %dma_start3A_427] : memref<1007616x32xf32, #tpu.memory_space<hbm>> -> memref<1007616x32xf32, #tpu.memory_space<hbm>>
      tpu.enqueue_indirect_dma source(%dma_start3A_428 : memref<1007616x32xf32, #tpu.memory_space<hbm>>) target(%dma_start3A_423 : memref<80x32xf32, #tpu.memory_space<vmem>>) offsets(%dma_start3A_425 : memref<80xi32, #tpu.memory_space<vmem>>) semaphore(%arg15 : memref<!tpu.dma_semaphore, #tpu.memory_space<semaphore_mem>>)
      %dma_start3A_429 = arith.constant 1040 : i32
      %dma_start3A_430 = arith.constant 0 : i32
      %dma_start3A_431 = tpu.memref_slice %arg9[%dma_start3A_429, %dma_start3A_430] : memref<1600x32xf32, #tpu.memory_space<vmem>> -> memref<80x32xf32, #tpu.memory_space<vmem>>
      %dma_start3A_432 = arith.constant 1040 : i32
      %dma_start3A_433 = tpu.memref_slice %arg7[%dma_start3A_432] : memref<1600xi32, #tpu.memory_space<vmem>> -> memref<80xi32, #tpu.memory_space<vmem>>
      %dma_start3A_434 = arith.constant 0 : i32
      %dma_start3A_435 = arith.constant 0 : i32
      %dma_start3A_436 = tpu.memref_slice %arg4[%dma_start3A_434, %dma_start3A_435] : memref<1007616x32xf32, #tpu.memory_space<hbm>> -> memref<1007616x32xf32, #tpu.memory_space<hbm>>
      tpu.enqueue_indirect_dma source(%dma_start3A_436 : memref<1007616x32xf32, #tpu.memory_space<hbm>>) target(%dma_start3A_431 : memref<80x32xf32, #tpu.memory_space<vmem>>) offsets(%dma_start3A_433 : memref<80xi32, #tpu.memory_space<vmem>>) semaphore(%arg15 : memref<!tpu.dma_semaphore, #tpu.memory_space<semaphore_mem>>)
      %dma_start3A_437 = arith.constant 1120 : i32
      %dma_start3A_438 = arith.constant 0 : i32
      %dma_start3A_439 = tpu.memref_slice %arg9[%dma_start3A_437, %dma_start3A_438] : memref<1600x32xf32, #tpu.memory_space<vmem>> -> memref<80x32xf32, #tpu.memory_space<vmem>>
      %dma_start3A_440 = arith.constant 1120 : i32
      %dma_start3A_441 = tpu.memref_slice %arg7[%dma_start3A_440] : memref<1600xi32, #tpu.memory_space<vmem>> -> memref<80xi32, #tpu.memory_space<vmem>>
      %dma_start3A_442 = arith.constant 0 : i32
      %dma_start3A_443 = arith.constant 0 : i32
      %dma_start3A_444 = tpu.memref_slice %arg4[%dma_start3A_442, %dma_start3A_443] : memref<1007616x32xf32, #tpu.memory_space<hbm>> -> memref<1007616x32xf32, #tpu.memory_space<hbm>>
      tpu.enqueue_indirect_dma source(%dma_start3A_444 : memref<1007616x32xf32, #tpu.memory_space<hbm>>) target(%dma_start3A_439 : memref<80x32xf32, #tpu.memory_space<vmem>>) offsets(%dma_start3A_441 : memref<80xi32, #tpu.memory_space<vmem>>) semaphore(%arg15 : memref<!tpu.dma_semaphore, #tpu.memory_space<semaphore_mem>>)
      %dma_start3A_445 = arith.constant 1200 : i32
      %dma_start3A_446 = arith.constant 0 : i32
      %dma_start3A_447 = tpu.memref_slice %arg9[%dma_start3A_445, %dma_start3A_446] : memref<1600x32xf32, #tpu.memory_space<vmem>> -> memref<80x32xf32, #tpu.memory_space<vmem>>
      %dma_start3A_448 = arith.constant 1200 : i32
      %dma_start3A_449 = tpu.memref_slice %arg7[%dma_start3A_448] : memref<1600xi32, #tpu.memory_space<vmem>> -> memref<80xi32, #tpu.memory_space<vmem>>
      %dma_start3A_450 = arith.constant 0 : i32
      %dma_start3A_451 = arith.constant 0 : i32
      %dma_start3A_452 = tpu.memref_slice %arg4[%dma_start3A_450, %dma_start3A_451] : memref<1007616x32xf32, #tpu.memory_space<hbm>> -> memref<1007616x32xf32, #tpu.memory_space<hbm>>
      tpu.enqueue_indirect_dma source(%dma_start3A_452 : memref<1007616x32xf32, #tpu.memory_space<hbm>>) target(%dma_start3A_447 : memref<80x32xf32, #tpu.memory_space<vmem>>) offsets(%dma_start3A_449 : memref<80xi32, #tpu.memory_space<vmem>>) semaphore(%arg15 : memref<!tpu.dma_semaphore, #tpu.memory_space<semaphore_mem>>)
      %dma_start3A_453 = arith.constant 1280 : i32
      %dma_start3A_454 = arith.constant 0 : i32
      %dma_start3A_455 = tpu.memref_slice %arg9[%dma_start3A_453, %dma_start3A_454] : memref<1600x32xf32, #tpu.memory_space<vmem>> -> memref<80x32xf32, #tpu.memory_space<vmem>>
      %dma_start3A_456 = arith.constant 1280 : i32
      %dma_start3A_457 = tpu.memref_slice %arg7[%dma_start3A_456] : memref<1600xi32, #tpu.memory_space<vmem>> -> memref<80xi32, #tpu.memory_space<vmem>>
      %dma_start3A_458 = arith.constant 0 : i32
      %dma_start3A_459 = arith.constant 0 : i32
      %dma_start3A_460 = tpu.memref_slice %arg4[%dma_start3A_458, %dma_start3A_459] : memref<1007616x32xf32, #tpu.memory_space<hbm>> -> memref<1007616x32xf32, #tpu.memory_space<hbm>>
      tpu.enqueue_indirect_dma source(%dma_start3A_460 : memref<1007616x32xf32, #tpu.memory_space<hbm>>) target(%dma_start3A_455 : memref<80x32xf32, #tpu.memory_space<vmem>>) offsets(%dma_start3A_457 : memref<80xi32, #tpu.memory_space<vmem>>) semaphore(%arg15 : memref<!tpu.dma_semaphore, #tpu.memory_space<semaphore_mem>>)
      %dma_start3A_461 = arith.constant 1360 : i32
      %dma_start3A_462 = arith.constant 0 : i32
      %dma_start3A_463 = tpu.memref_slice %arg9[%dma_start3A_461, %dma_start3A_462] : memref<1600x32xf32, #tpu.memory_space<vmem>> -> memref<80x32xf32, #tpu.memory_space<vmem>>
      %dma_start3A_464 = arith.constant 1360 : i32
      %dma_start3A_465 = tpu.memref_slice %arg7[%dma_start3A_464] : memref<1600xi32, #tpu.memory_space<vmem>> -> memref<80xi32, #tpu.memory_space<vmem>>
      %dma_start3A_466 = arith.constant 0 : i32
      %dma_start3A_467 = arith.constant 0 : i32
      %dma_start3A_468 = tpu.memref_slice %arg4[%dma_start3A_466, %dma_start3A_467] : memref<1007616x32xf32, #tpu.memory_space<hbm>> -> memref<1007616x32xf32, #tpu.memory_space<hbm>>
      tpu.enqueue_indirect_dma source(%dma_start3A_468 : memref<1007616x32xf32, #tpu.memory_space<hbm>>) target(%dma_start3A_463 : memref<80x32xf32, #tpu.memory_space<vmem>>) offsets(%dma_start3A_465 : memref<80xi32, #tpu.memory_space<vmem>>) semaphore(%arg15 : memref<!tpu.dma_semaphore, #tpu.memory_space<semaphore_mem>>)
      %dma_start3A_469 = arith.constant 1440 : i32
      %dma_start3A_470 = arith.constant 0 : i32
      %dma_start3A_471 = tpu.memref_slice %arg9[%dma_start3A_469, %dma_start3A_470] : memref<1600x32xf32, #tpu.memory_space<vmem>> -> memref<80x32xf32, #tpu.memory_space<vmem>>
      %dma_start3A_472 = arith.constant 1440 : i32
      %dma_start3A_473 = tpu.memref_slice %arg7[%dma_start3A_472] : memref<1600xi32, #tpu.memory_space<vmem>> -> memref<80xi32, #tpu.memory_space<vmem>>
      %dma_start3A_474 = arith.constant 0 : i32
      %dma_start3A_475 = arith.constant 0 : i32
      %dma_start3A_476 = tpu.memref_slice %arg4[%dma_start3A_474, %dma_start3A_475] : memref<1007616x32xf32, #tpu.memory_space<hbm>> -> memref<1007616x32xf32, #tpu.memory_space<hbm>>
      tpu.enqueue_indirect_dma source(%dma_start3A_476 : memref<1007616x32xf32, #tpu.memory_space<hbm>>) target(%dma_start3A_471 : memref<80x32xf32, #tpu.memory_space<vmem>>) offsets(%dma_start3A_473 : memref<80xi32, #tpu.memory_space<vmem>>) semaphore(%arg15 : memref<!tpu.dma_semaphore, #tpu.memory_space<semaphore_mem>>)
      %dma_start3A_477 = arith.constant 1520 : i32
      %dma_start3A_478 = arith.constant 0 : i32
      %dma_start3A_479 = tpu.memref_slice %arg9[%dma_start3A_477, %dma_start3A_478] : memref<1600x32xf32, #tpu.memory_space<vmem>> -> memref<80x32xf32, #tpu.memory_space<vmem>>
      %dma_start3A_480 = arith.constant 1520 : i32
      %dma_start3A_481 = tpu.memref_slice %arg7[%dma_start3A_480] : memref<1600xi32, #tpu.memory_space<vmem>> -> memref<80xi32, #tpu.memory_space<vmem>>
      %dma_start3A_482 = arith.constant 0 : i32
      %dma_start3A_483 = arith.constant 0 : i32
      %dma_start3A_484 = tpu.memref_slice %arg4[%dma_start3A_482, %dma_start3A_483] : memref<1007616x32xf32, #tpu.memory_space<hbm>> -> memref<1007616x32xf32, #tpu.memory_space<hbm>>
      tpu.enqueue_indirect_dma source(%dma_start3A_484 : memref<1007616x32xf32, #tpu.memory_space<hbm>>) target(%dma_start3A_479 : memref<80x32xf32, #tpu.memory_space<vmem>>) offsets(%dma_start3A_481 : memref<80xi32, #tpu.memory_space<vmem>>) semaphore(%arg15 : memref<!tpu.dma_semaphore, #tpu.memory_space<semaphore_mem>>)
      %dma_wait3A_485 = arith.constant 0 : i32
      %dma_wait3A_486 = arith.constant 0 : i32
      %dma_wait3A_487 = tpu.memref_slice %arg8[%dma_wait3A_485, %dma_wait3A_486] : memref<1600x32xf32, #tpu.memory_space<vmem>> -> memref<80x32xf32, #tpu.memory_space<vmem>>
      %dma_wait3A_488 = arith.constant 0 : i32
      %dma_wait3A_489 = arith.constant 0 : i32
      %dma_wait3A_490 = tpu.memref_slice %arg4[%dma_wait3A_488, %dma_wait3A_489] : memref<1007616x32xf32, #tpu.memory_space<hbm>> -> memref<80x32xf32, #tpu.memory_space<hbm>>
      %dma_wait3A_491 = arith.constant 0 : i32
      %dma_wait3A_492 = arith.constant 0 : i32
      %dma_wait3A_493 = tpu.memref_slice %arg8[%dma_wait3A_491, %dma_wait3A_492] : memref<1600x32xf32, #tpu.memory_space<vmem>> -> memref<80x32xf32, #tpu.memory_space<vmem>>
      %dma_wait3A_494 = arith.constant 0 : i32
      %dma_wait3A_495 = arith.constant 0 : i32
      %dma_wait3A_496 = tpu.memref_slice %arg4[%dma_wait3A_494, %dma_wait3A_495] : memref<1007616x32xf32, #tpu.memory_space<hbm>> -> memref<80x32xf32, #tpu.memory_space<hbm>>
      tpu.wait_dma2 semaphore(%arg14 : memref<!tpu.dma_semaphore, #tpu.memory_space<semaphore_mem>>) src(%dma_wait3A_496 : memref<80x32xf32, #tpu.memory_space<hbm>>) dst(%dma_wait3A_493 : memref<80x32xf32, #tpu.memory_space<vmem>>)
      %dma_wait3A_497 = arith.constant 80 : i32
      %dma_wait3A_498 = arith.constant 0 : i32
      %dma_wait3A_499 = tpu.memref_slice %arg8[%dma_wait3A_497, %dma_wait3A_498] : memref<1600x32xf32, #tpu.memory_space<vmem>> -> memref<80x32xf32, #tpu.memory_space<vmem>>
      %dma_wait3A_500 = arith.constant 0 : i32
      %dma_wait3A_501 = arith.constant 0 : i32
      %dma_wait3A_502 = tpu.memref_slice %arg4[%dma_wait3A_500, %dma_wait3A_501] : memref<1007616x32xf32, #tpu.memory_space<hbm>> -> memref<80x32xf32, #tpu.memory_space<hbm>>
      %dma_wait3A_503 = arith.constant 80 : i32
      %dma_wait3A_504 = arith.constant 0 : i32
      %dma_wait3A_505 = tpu.memref_slice %arg8[%dma_wait3A_503, %dma_wait3A_504] : memref<1600x32xf32, #tpu.memory_space<vmem>> -> memref<80x32xf32, #tpu.memory_space<vmem>>
      %dma_wait3A_506 = arith.constant 0 : i32
      %dma_wait3A_507 = arith.constant 0 : i32
      %dma_wait3A_508 = tpu.memref_slice %arg4[%dma_wait3A_506, %dma_wait3A_507] : memref<1007616x32xf32, #tpu.memory_space<hbm>> -> memref<80x32xf32, #tpu.memory_space<hbm>>
      tpu.wait_dma2 semaphore(%arg14 : memref<!tpu.dma_semaphore, #tpu.memory_space<semaphore_mem>>) src(%dma_wait3A_508 : memref<80x32xf32, #tpu.memory_space<hbm>>) dst(%dma_wait3A_505 : memref<80x32xf32, #tpu.memory_space<vmem>>)
      %dma_wait3A_509 = arith.constant 160 : i32
      %dma_wait3A_510 = arith.constant 0 : i32
      %dma_wait3A_511 = tpu.memref_slice %arg8[%dma_wait3A_509, %dma_wait3A_510] : memref<1600x32xf32, #tpu.memory_space<vmem>> -> memref<80x32xf32, #tpu.memory_space<vmem>>
      %dma_wait3A_512 = arith.constant 0 : i32
      %dma_wait3A_513 = arith.constant 0 : i32
      %dma_wait3A_514 = tpu.memref_slice %arg4[%dma_wait3A_512, %dma_wait3A_513] : memref<1007616x32xf32, #tpu.memory_space<hbm>> -> memref<80x32xf32, #tpu.memory_space<hbm>>
      %dma_wait3A_515 = arith.constant 160 : i32
      %dma_wait3A_516 = arith.constant 0 : i32
      %dma_wait3A_517 = tpu.memref_slice %arg8[%dma_wait3A_515, %dma_wait3A_516] : memref<1600x32xf32, #tpu.memory_space<vmem>> -> memref<80x32xf32, #tpu.memory_space<vmem>>
      %dma_wait3A_518 = arith.constant 0 : i32
      %dma_wait3A_519 = arith.constant 0 : i32
      %dma_wait3A_520 = tpu.memref_slice %arg4[%dma_wait3A_518, %dma_wait3A_519] : memref<1007616x32xf32, #tpu.memory_space<hbm>> -> memref<80x32xf32, #tpu.memory_space<hbm>>
      tpu.wait_dma2 semaphore(%arg14 : memref<!tpu.dma_semaphore, #tpu.memory_space<semaphore_mem>>) src(%dma_wait3A_520 : memref<80x32xf32, #tpu.memory_space<hbm>>) dst(%dma_wait3A_517 : memref<80x32xf32, #tpu.memory_space<vmem>>)
      %dma_wait3A_521 = arith.constant 240 : i32
      %dma_wait3A_522 = arith.constant 0 : i32
      %dma_wait3A_523 = tpu.memref_slice %arg8[%dma_wait3A_521, %dma_wait3A_522] : memref<1600x32xf32, #tpu.memory_space<vmem>> -> memref<80x32xf32, #tpu.memory_space<vmem>>
      %dma_wait3A_524 = arith.constant 0 : i32
      %dma_wait3A_525 = arith.constant 0 : i32
      %dma_wait3A_526 = tpu.memref_slice %arg4[%dma_wait3A_524, %dma_wait3A_525] : memref<1007616x32xf32, #tpu.memory_space<hbm>> -> memref<80x32xf32, #tpu.memory_space<hbm>>
      %dma_wait3A_527 = arith.constant 240 : i32
      %dma_wait3A_528 = arith.constant 0 : i32
      %dma_wait3A_529 = tpu.memref_slice %arg8[%dma_wait3A_527, %dma_wait3A_528] : memref<1600x32xf32, #tpu.memory_space<vmem>> -> memref<80x32xf32, #tpu.memory_space<vmem>>
      %dma_wait3A_530 = arith.constant 0 : i32
      %dma_wait3A_531 = arith.constant 0 : i32
      %dma_wait3A_532 = tpu.memref_slice %arg4[%dma_wait3A_530, %dma_wait3A_531] : memref<1007616x32xf32, #tpu.memory_space<hbm>> -> memref<80x32xf32, #tpu.memory_space<hbm>>
      tpu.wait_dma2 semaphore(%arg14 : memref<!tpu.dma_semaphore, #tpu.memory_space<semaphore_mem>>) src(%dma_wait3A_532 : memref<80x32xf32, #tpu.memory_space<hbm>>) dst(%dma_wait3A_529 : memref<80x32xf32, #tpu.memory_space<vmem>>)
      %dma_wait3A_533 = arith.constant 320 : i32
      %dma_wait3A_534 = arith.constant 0 : i32
      %dma_wait3A_535 = tpu.memref_slice %arg8[%dma_wait3A_533, %dma_wait3A_534] : memref<1600x32xf32, #tpu.memory_space<vmem>> -> memref<80x32xf32, #tpu.memory_space<vmem>>
      %dma_wait3A_536 = arith.constant 0 : i32
      %dma_wait3A_537 = arith.constant 0 : i32
      %dma_wait3A_538 = tpu.memref_slice %arg4[%dma_wait3A_536, %dma_wait3A_537] : memref<1007616x32xf32, #tpu.memory_space<hbm>> -> memref<80x32xf32, #tpu.memory_space<hbm>>
      %dma_wait3A_539 = arith.constant 320 : i32
      %dma_wait3A_540 = arith.constant 0 : i32
      %dma_wait3A_541 = tpu.memref_slice %arg8[%dma_wait3A_539, %dma_wait3A_540] : memref<1600x32xf32, #tpu.memory_space<vmem>> -> memref<80x32xf32, #tpu.memory_space<vmem>>
      %dma_wait3A_542 = arith.constant 0 : i32
      %dma_wait3A_543 = arith.constant 0 : i32
      %dma_wait3A_544 = tpu.memref_slice %arg4[%dma_wait3A_542, %dma_wait3A_543] : memref<1007616x32xf32, #tpu.memory_space<hbm>> -> memref<80x32xf32, #tpu.memory_space<hbm>>
      tpu.wait_dma2 semaphore(%arg14 : memref<!tpu.dma_semaphore, #tpu.memory_space<semaphore_mem>>) src(%dma_wait3A_544 : memref<80x32xf32, #tpu.memory_space<hbm>>) dst(%dma_wait3A_541 : memref<80x32xf32, #tpu.memory_space<vmem>>)
      %dma_wait3A_545 = arith.constant 400 : i32
      %dma_wait3A_546 = arith.constant 0 : i32
      %dma_wait3A_547 = tpu.memref_slice %arg8[%dma_wait3A_545, %dma_wait3A_546] : memref<1600x32xf32, #tpu.memory_space<vmem>> -> memref<80x32xf32, #tpu.memory_space<vmem>>
      %dma_wait3A_548 = arith.constant 0 : i32
      %dma_wait3A_549 = arith.constant 0 : i32
      %dma_wait3A_550 = tpu.memref_slice %arg4[%dma_wait3A_548, %dma_wait3A_549] : memref<1007616x32xf32, #tpu.memory_space<hbm>> -> memref<80x32xf32, #tpu.memory_space<hbm>>
      %dma_wait3A_551 = arith.constant 400 : i32
      %dma_wait3A_552 = arith.constant 0 : i32
      %dma_wait3A_553 = tpu.memref_slice %arg8[%dma_wait3A_551, %dma_wait3A_552] : memref<1600x32xf32, #tpu.memory_space<vmem>> -> memref<80x32xf32, #tpu.memory_space<vmem>>
      %dma_wait3A_554 = arith.constant 0 : i32
      %dma_wait3A_555 = arith.constant 0 : i32
      %dma_wait3A_556 = tpu.memref_slice %arg4[%dma_wait3A_554, %dma_wait3A_555] : memref<1007616x32xf32, #tpu.memory_space<hbm>> -> memref<80x32xf32, #tpu.memory_space<hbm>>
      tpu.wait_dma2 semaphore(%arg14 : memref<!tpu.dma_semaphore, #tpu.memory_space<semaphore_mem>>) src(%dma_wait3A_556 : memref<80x32xf32, #tpu.memory_space<hbm>>) dst(%dma_wait3A_553 : memref<80x32xf32, #tpu.memory_space<vmem>>)
      %dma_wait3A_557 = arith.constant 480 : i32
      %dma_wait3A_558 = arith.constant 0 : i32
      %dma_wait3A_559 = tpu.memref_slice %arg8[%dma_wait3A_557, %dma_wait3A_558] : memref<1600x32xf32, #tpu.memory_space<vmem>> -> memref<80x32xf32, #tpu.memory_space<vmem>>
      %dma_wait3A_560 = arith.constant 0 : i32
      %dma_wait3A_561 = arith.constant 0 : i32
      %dma_wait3A_562 = tpu.memref_slice %arg4[%dma_wait3A_560, %dma_wait3A_561] : memref<1007616x32xf32, #tpu.memory_space<hbm>> -> memref<80x32xf32, #tpu.memory_space<hbm>>
      %dma_wait3A_563 = arith.constant 480 : i32
      %dma_wait3A_564 = arith.constant 0 : i32
      %dma_wait3A_565 = tpu.memref_slice %arg8[%dma_wait3A_563, %dma_wait3A_564] : memref<1600x32xf32, #tpu.memory_space<vmem>> -> memref<80x32xf32, #tpu.memory_space<vmem>>
      %dma_wait3A_566 = arith.constant 0 : i32
      %dma_wait3A_567 = arith.constant 0 : i32
      %dma_wait3A_568 = tpu.memref_slice %arg4[%dma_wait3A_566, %dma_wait3A_567] : memref<1007616x32xf32, #tpu.memory_space<hbm>> -> memref<80x32xf32, #tpu.memory_space<hbm>>
      tpu.wait_dma2 semaphore(%arg14 : memref<!tpu.dma_semaphore, #tpu.memory_space<semaphore_mem>>) src(%dma_wait3A_568 : memref<80x32xf32, #tpu.memory_space<hbm>>) dst(%dma_wait3A_565 : memref<80x32xf32, #tpu.memory_space<vmem>>)
      %dma_wait3A_569 = arith.constant 560 : i32
      %dma_wait3A_570 = arith.constant 0 : i32
      %dma_wait3A_571 = tpu.memref_slice %arg8[%dma_wait3A_569, %dma_wait3A_570] : memref<1600x32xf32, #tpu.memory_space<vmem>> -> memref<80x32xf32, #tpu.memory_space<vmem>>
      %dma_wait3A_572 = arith.constant 0 : i32
      %dma_wait3A_573 = arith.constant 0 : i32
      %dma_wait3A_574 = tpu.memref_slice %arg4[%dma_wait3A_572, %dma_wait3A_573] : memref<1007616x32xf32, #tpu.memory_space<hbm>> -> memref<80x32xf32, #tpu.memory_space<hbm>>
      %dma_wait3A_575 = arith.constant 560 : i32
      %dma_wait3A_576 = arith.constant 0 : i32
      %dma_wait3A_577 = tpu.memref_slice %arg8[%dma_wait3A_575, %dma_wait3A_576] : memref<1600x32xf32, #tpu.memory_space<vmem>> -> memref<80x32xf32, #tpu.memory_space<vmem>>
      %dma_wait3A_578 = arith.constant 0 : i32
      %dma_wait3A_579 = arith.constant 0 : i32
      %dma_wait3A_580 = tpu.memref_slice %arg4[%dma_wait3A_578, %dma_wait3A_579] : memref<1007616x32xf32, #tpu.memory_space<hbm>> -> memref<80x32xf32, #tpu.memory_space<hbm>>
      tpu.wait_dma2 semaphore(%arg14 : memref<!tpu.dma_semaphore, #tpu.memory_space<semaphore_mem>>) src(%dma_wait3A_580 : memref<80x32xf32, #tpu.memory_space<hbm>>) dst(%dma_wait3A_577 : memref<80x32xf32, #tpu.memory_space<vmem>>)
      %dma_wait3A_581 = arith.constant 640 : i32
      %dma_wait3A_582 = arith.constant 0 : i32
      %dma_wait3A_583 = tpu.memref_slice %arg8[%dma_wait3A_581, %dma_wait3A_582] : memref<1600x32xf32, #tpu.memory_space<vmem>> -> memref<80x32xf32, #tpu.memory_space<vmem>>
      %dma_wait3A_584 = arith.constant 0 : i32
      %dma_wait3A_585 = arith.constant 0 : i32
      %dma_wait3A_586 = tpu.memref_slice %arg4[%dma_wait3A_584, %dma_wait3A_585] : memref<1007616x32xf32, #tpu.memory_space<hbm>> -> memref<80x32xf32, #tpu.memory_space<hbm>>
      %dma_wait3A_587 = arith.constant 640 : i32
      %dma_wait3A_588 = arith.constant 0 : i32
      %dma_wait3A_589 = tpu.memref_slice %arg8[%dma_wait3A_587, %dma_wait3A_588] : memref<1600x32xf32, #tpu.memory_space<vmem>> -> memref<80x32xf32, #tpu.memory_space<vmem>>
      %dma_wait3A_590 = arith.constant 0 : i32
      %dma_wait3A_591 = arith.constant 0 : i32
      %dma_wait3A_592 = tpu.memref_slice %arg4[%dma_wait3A_590, %dma_wait3A_591] : memref<1007616x32xf32, #tpu.memory_space<hbm>> -> memref<80x32xf32, #tpu.memory_space<hbm>>
      tpu.wait_dma2 semaphore(%arg14 : memref<!tpu.dma_semaphore, #tpu.memory_space<semaphore_mem>>) src(%dma_wait3A_592 : memref<80x32xf32, #tpu.memory_space<hbm>>) dst(%dma_wait3A_589 : memref<80x32xf32, #tpu.memory_space<vmem>>)
      %dma_wait3A_593 = arith.constant 720 : i32
      %dma_wait3A_594 = arith.constant 0 : i32
      %dma_wait3A_595 = tpu.memref_slice %arg8[%dma_wait3A_593, %dma_wait3A_594] : memref<1600x32xf32, #tpu.memory_space<vmem>> -> memref<80x32xf32, #tpu.memory_space<vmem>>
      %dma_wait3A_596 = arith.constant 0 : i32
      %dma_wait3A_597 = arith.constant 0 : i32
      %dma_wait3A_598 = tpu.memref_slice %arg4[%dma_wait3A_596, %dma_wait3A_597] : memref<1007616x32xf32, #tpu.memory_space<hbm>> -> memref<80x32xf32, #tpu.memory_space<hbm>>
      %dma_wait3A_599 = arith.constant 720 : i32
      %dma_wait3A_600 = arith.constant 0 : i32
      %dma_wait3A_601 = tpu.memref_slice %arg8[%dma_wait3A_599, %dma_wait3A_600] : memref<1600x32xf32, #tpu.memory_space<vmem>> -> memref<80x32xf32, #tpu.memory_space<vmem>>
      %dma_wait3A_602 = arith.constant 0 : i32
      %dma_wait3A_603 = arith.constant 0 : i32
      %dma_wait3A_604 = tpu.memref_slice %arg4[%dma_wait3A_602, %dma_wait3A_603] : memref<1007616x32xf32, #tpu.memory_space<hbm>> -> memref<80x32xf32, #tpu.memory_space<hbm>>
      tpu.wait_dma2 semaphore(%arg14 : memref<!tpu.dma_semaphore, #tpu.memory_space<semaphore_mem>>) src(%dma_wait3A_604 : memref<80x32xf32, #tpu.memory_space<hbm>>) dst(%dma_wait3A_601 : memref<80x32xf32, #tpu.memory_space<vmem>>)
      %dma_wait3A_605 = arith.constant 800 : i32
      %dma_wait3A_606 = arith.constant 0 : i32
      %dma_wait3A_607 = tpu.memref_slice %arg8[%dma_wait3A_605, %dma_wait3A_606] : memref<1600x32xf32, #tpu.memory_space<vmem>> -> memref<80x32xf32, #tpu.memory_space<vmem>>
      %dma_wait3A_608 = arith.constant 0 : i32
      %dma_wait3A_609 = arith.constant 0 : i32
      %dma_wait3A_610 = tpu.memref_slice %arg4[%dma_wait3A_608, %dma_wait3A_609] : memref<1007616x32xf32, #tpu.memory_space<hbm>> -> memref<80x32xf32, #tpu.memory_space<hbm>>
      %dma_wait3A_611 = arith.constant 800 : i32
      %dma_wait3A_612 = arith.constant 0 : i32
      %dma_wait3A_613 = tpu.memref_slice %arg8[%dma_wait3A_611, %dma_wait3A_612] : memref<1600x32xf32, #tpu.memory_space<vmem>> -> memref<80x32xf32, #tpu.memory_space<vmem>>
      %dma_wait3A_614 = arith.constant 0 : i32
      %dma_wait3A_615 = arith.constant 0 : i32
      %dma_wait3A_616 = tpu.memref_slice %arg4[%dma_wait3A_614, %dma_wait3A_615] : memref<1007616x32xf32, #tpu.memory_space<hbm>> -> memref<80x32xf32, #tpu.memory_space<hbm>>
      tpu.wait_dma2 semaphore(%arg14 : memref<!tpu.dma_semaphore, #tpu.memory_space<semaphore_mem>>) src(%dma_wait3A_616 : memref<80x32xf32, #tpu.memory_space<hbm>>) dst(%dma_wait3A_613 : memref<80x32xf32, #tpu.memory_space<vmem>>)
      %dma_wait3A_617 = arith.constant 880 : i32
      %dma_wait3A_618 = arith.constant 0 : i32
      %dma_wait3A_619 = tpu.memref_slice %arg8[%dma_wait3A_617, %dma_wait3A_618] : memref<1600x32xf32, #tpu.memory_space<vmem>> -> memref<80x32xf32, #tpu.memory_space<vmem>>
      %dma_wait3A_620 = arith.constant 0 : i32
      %dma_wait3A_621 = arith.constant 0 : i32
      %dma_wait3A_622 = tpu.memref_slice %arg4[%dma_wait3A_620, %dma_wait3A_621] : memref<1007616x32xf32, #tpu.memory_space<hbm>> -> memref<80x32xf32, #tpu.memory_space<hbm>>
      %dma_wait3A_623 = arith.constant 880 : i32
      %dma_wait3A_624 = arith.constant 0 : i32
      %dma_wait3A_625 = tpu.memref_slice %arg8[%dma_wait3A_623, %dma_wait3A_624] : memref<1600x32xf32, #tpu.memory_space<vmem>> -> memref<80x32xf32, #tpu.memory_space<vmem>>
      %dma_wait3A_626 = arith.constant 0 : i32
      %dma_wait3A_627 = arith.constant 0 : i32
      %dma_wait3A_628 = tpu.memref_slice %arg4[%dma_wait3A_626, %dma_wait3A_627] : memref<1007616x32xf32, #tpu.memory_space<hbm>> -> memref<80x32xf32, #tpu.memory_space<hbm>>
      tpu.wait_dma2 semaphore(%arg14 : memref<!tpu.dma_semaphore, #tpu.memory_space<semaphore_mem>>) src(%dma_wait3A_628 : memref<80x32xf32, #tpu.memory_space<hbm>>) dst(%dma_wait3A_625 : memref<80x32xf32, #tpu.memory_space<vmem>>)
      %dma_wait3A_629 = arith.constant 960 : i32
      %dma_wait3A_630 = arith.constant 0 : i32
      %dma_wait3A_631 = tpu.memref_slice %arg8[%dma_wait3A_629, %dma_wait3A_630] : memref<1600x32xf32, #tpu.memory_space<vmem>> -> memref<80x32xf32, #tpu.memory_space<vmem>>
      %dma_wait3A_632 = arith.constant 0 : i32
      %dma_wait3A_633 = arith.constant 0 : i32
      %dma_wait3A_634 = tpu.memref_slice %arg4[%dma_wait3A_632, %dma_wait3A_633] : memref<1007616x32xf32, #tpu.memory_space<hbm>> -> memref<80x32xf32, #tpu.memory_space<hbm>>
      %dma_wait3A_635 = arith.constant 960 : i32
      %dma_wait3A_636 = arith.constant 0 : i32
      %dma_wait3A_637 = tpu.memref_slice %arg8[%dma_wait3A_635, %dma_wait3A_636] : memref<1600x32xf32, #tpu.memory_space<vmem>> -> memref<80x32xf32, #tpu.memory_space<vmem>>
      %dma_wait3A_638 = arith.constant 0 : i32
      %dma_wait3A_639 = arith.constant 0 : i32
      %dma_wait3A_640 = tpu.memref_slice %arg4[%dma_wait3A_638, %dma_wait3A_639] : memref<1007616x32xf32, #tpu.memory_space<hbm>> -> memref<80x32xf32, #tpu.memory_space<hbm>>
      tpu.wait_dma2 semaphore(%arg14 : memref<!tpu.dma_semaphore, #tpu.memory_space<semaphore_mem>>) src(%dma_wait3A_640 : memref<80x32xf32, #tpu.memory_space<hbm>>) dst(%dma_wait3A_637 : memref<80x32xf32, #tpu.memory_space<vmem>>)
      %dma_wait3A_641 = arith.constant 1040 : i32
      %dma_wait3A_642 = arith.constant 0 : i32
      %dma_wait3A_643 = tpu.memref_slice %arg8[%dma_wait3A_641, %dma_wait3A_642] : memref<1600x32xf32, #tpu.memory_space<vmem>> -> memref<80x32xf32, #tpu.memory_space<vmem>>
      %dma_wait3A_644 = arith.constant 0 : i32
      %dma_wait3A_645 = arith.constant 0 : i32
      %dma_wait3A_646 = tpu.memref_slice %arg4[%dma_wait3A_644, %dma_wait3A_645] : memref<1007616x32xf32, #tpu.memory_space<hbm>> -> memref<80x32xf32, #tpu.memory_space<hbm>>
      %dma_wait3A_647 = arith.constant 1040 : i32
      %dma_wait3A_648 = arith.constant 0 : i32
      %dma_wait3A_649 = tpu.memref_slice %arg8[%dma_wait3A_647, %dma_wait3A_648] : memref<1600x32xf32, #tpu.memory_space<vmem>> -> memref<80x32xf32, #tpu.memory_space<vmem>>
      %dma_wait3A_650 = arith.constant 0 : i32
      %dma_wait3A_651 = arith.constant 0 : i32
      %dma_wait3A_652 = tpu.memref_slice %arg4[%dma_wait3A_650, %dma_wait3A_651] : memref<1007616x32xf32, #tpu.memory_space<hbm>> -> memref<80x32xf32, #tpu.memory_space<hbm>>
      tpu.wait_dma2 semaphore(%arg14 : memref<!tpu.dma_semaphore, #tpu.memory_space<semaphore_mem>>) src(%dma_wait3A_652 : memref<80x32xf32, #tpu.memory_space<hbm>>) dst(%dma_wait3A_649 : memref<80x32xf32, #tpu.memory_space<vmem>>)
      %dma_wait3A_653 = arith.constant 1120 : i32
      %dma_wait3A_654 = arith.constant 0 : i32
      %dma_wait3A_655 = tpu.memref_slice %arg8[%dma_wait3A_653, %dma_wait3A_654] : memref<1600x32xf32, #tpu.memory_space<vmem>> -> memref<80x32xf32, #tpu.memory_space<vmem>>
      %dma_wait3A_656 = arith.constant 0 : i32
      %dma_wait3A_657 = arith.constant 0 : i32
      %dma_wait3A_658 = tpu.memref_slice %arg4[%dma_wait3A_656, %dma_wait3A_657] : memref<1007616x32xf32, #tpu.memory_space<hbm>> -> memref<80x32xf32, #tpu.memory_space<hbm>>
      %dma_wait3A_659 = arith.constant 1120 : i32
      %dma_wait3A_660 = arith.constant 0 : i32
      %dma_wait3A_661 = tpu.memref_slice %arg8[%dma_wait3A_659, %dma_wait3A_660] : memref<1600x32xf32, #tpu.memory_space<vmem>> -> memref<80x32xf32, #tpu.memory_space<vmem>>
      %dma_wait3A_662 = arith.constant 0 : i32
      %dma_wait3A_663 = arith.constant 0 : i32
      %dma_wait3A_664 = tpu.memref_slice %arg4[%dma_wait3A_662, %dma_wait3A_663] : memref<1007616x32xf32, #tpu.memory_space<hbm>> -> memref<80x32xf32, #tpu.memory_space<hbm>>
      tpu.wait_dma2 semaphore(%arg14 : memref<!tpu.dma_semaphore, #tpu.memory_space<semaphore_mem>>) src(%dma_wait3A_664 : memref<80x32xf32, #tpu.memory_space<hbm>>) dst(%dma_wait3A_661 : memref<80x32xf32, #tpu.memory_space<vmem>>)
      %dma_wait3A_665 = arith.constant 1200 : i32
      %dma_wait3A_666 = arith.constant 0 : i32
      %dma_wait3A_667 = tpu.memref_slice %arg8[%dma_wait3A_665, %dma_wait3A_666] : memref<1600x32xf32, #tpu.memory_space<vmem>> -> memref<80x32xf32, #tpu.memory_space<vmem>>
      %dma_wait3A_668 = arith.constant 0 : i32
      %dma_wait3A_669 = arith.constant 0 : i32
      %dma_wait3A_670 = tpu.memref_slice %arg4[%dma_wait3A_668, %dma_wait3A_669] : memref<1007616x32xf32, #tpu.memory_space<hbm>> -> memref<80x32xf32, #tpu.memory_space<hbm>>
      %dma_wait3A_671 = arith.constant 1200 : i32
      %dma_wait3A_672 = arith.constant 0 : i32
      %dma_wait3A_673 = tpu.memref_slice %arg8[%dma_wait3A_671, %dma_wait3A_672] : memref<1600x32xf32, #tpu.memory_space<vmem>> -> memref<80x32xf32, #tpu.memory_space<vmem>>
      %dma_wait3A_674 = arith.constant 0 : i32
      %dma_wait3A_675 = arith.constant 0 : i32
      %dma_wait3A_676 = tpu.memref_slice %arg4[%dma_wait3A_674, %dma_wait3A_675] : memref<1007616x32xf32, #tpu.memory_space<hbm>> -> memref<80x32xf32, #tpu.memory_space<hbm>>
      tpu.wait_dma2 semaphore(%arg14 : memref<!tpu.dma_semaphore, #tpu.memory_space<semaphore_mem>>) src(%dma_wait3A_676 : memref<80x32xf32, #tpu.memory_space<hbm>>) dst(%dma_wait3A_673 : memref<80x32xf32, #tpu.memory_space<vmem>>)
      %dma_wait3A_677 = arith.constant 1280 : i32
      %dma_wait3A_678 = arith.constant 0 : i32
      %dma_wait3A_679 = tpu.memref_slice %arg8[%dma_wait3A_677, %dma_wait3A_678] : memref<1600x32xf32, #tpu.memory_space<vmem>> -> memref<80x32xf32, #tpu.memory_space<vmem>>
      %dma_wait3A_680 = arith.constant 0 : i32
      %dma_wait3A_681 = arith.constant 0 : i32
      %dma_wait3A_682 = tpu.memref_slice %arg4[%dma_wait3A_680, %dma_wait3A_681] : memref<1007616x32xf32, #tpu.memory_space<hbm>> -> memref<80x32xf32, #tpu.memory_space<hbm>>
      %dma_wait3A_683 = arith.constant 1280 : i32
      %dma_wait3A_684 = arith.constant 0 : i32
      %dma_wait3A_685 = tpu.memref_slice %arg8[%dma_wait3A_683, %dma_wait3A_684] : memref<1600x32xf32, #tpu.memory_space<vmem>> -> memref<80x32xf32, #tpu.memory_space<vmem>>
      %dma_wait3A_686 = arith.constant 0 : i32
      %dma_wait3A_687 = arith.constant 0 : i32
      %dma_wait3A_688 = tpu.memref_slice %arg4[%dma_wait3A_686, %dma_wait3A_687] : memref<1007616x32xf32, #tpu.memory_space<hbm>> -> memref<80x32xf32, #tpu.memory_space<hbm>>
      tpu.wait_dma2 semaphore(%arg14 : memref<!tpu.dma_semaphore, #tpu.memory_space<semaphore_mem>>) src(%dma_wait3A_688 : memref<80x32xf32, #tpu.memory_space<hbm>>) dst(%dma_wait3A_685 : memref<80x32xf32, #tpu.memory_space<vmem>>)
      %dma_wait3A_689 = arith.constant 1360 : i32
      %dma_wait3A_690 = arith.constant 0 : i32
      %dma_wait3A_691 = tpu.memref_slice %arg8[%dma_wait3A_689, %dma_wait3A_690] : memref<1600x32xf32, #tpu.memory_space<vmem>> -> memref<80x32xf32, #tpu.memory_space<vmem>>
      %dma_wait3A_692 = arith.constant 0 : i32
      %dma_wait3A_693 = arith.constant 0 : i32
      %dma_wait3A_694 = tpu.memref_slice %arg4[%dma_wait3A_692, %dma_wait3A_693] : memref<1007616x32xf32, #tpu.memory_space<hbm>> -> memref<80x32xf32, #tpu.memory_space<hbm>>
      %dma_wait3A_695 = arith.constant 1360 : i32
      %dma_wait3A_696 = arith.constant 0 : i32
      %dma_wait3A_697 = tpu.memref_slice %arg8[%dma_wait3A_695, %dma_wait3A_696] : memref<1600x32xf32, #tpu.memory_space<vmem>> -> memref<80x32xf32, #tpu.memory_space<vmem>>
      %dma_wait3A_698 = arith.constant 0 : i32
      %dma_wait3A_699 = arith.constant 0 : i32
      %dma_wait3A_700 = tpu.memref_slice %arg4[%dma_wait3A_698, %dma_wait3A_699] : memref<1007616x32xf32, #tpu.memory_space<hbm>> -> memref<80x32xf32, #tpu.memory_space<hbm>>
      tpu.wait_dma2 semaphore(%arg14 : memref<!tpu.dma_semaphore, #tpu.memory_space<semaphore_mem>>) src(%dma_wait3A_700 : memref<80x32xf32, #tpu.memory_space<hbm>>) dst(%dma_wait3A_697 : memref<80x32xf32, #tpu.memory_space<vmem>>)
      %dma_wait3A_701 = arith.constant 1440 : i32
      %dma_wait3A_702 = arith.constant 0 : i32
      %dma_wait3A_703 = tpu.memref_slice %arg8[%dma_wait3A_701, %dma_wait3A_702] : memref<1600x32xf32, #tpu.memory_space<vmem>> -> memref<80x32xf32, #tpu.memory_space<vmem>>
      %dma_wait3A_704 = arith.constant 0 : i32
      %dma_wait3A_705 = arith.constant 0 : i32
      %dma_wait3A_706 = tpu.memref_slice %arg4[%dma_wait3A_704, %dma_wait3A_705] : memref<1007616x32xf32, #tpu.memory_space<hbm>> -> memref<80x32xf32, #tpu.memory_space<hbm>>
      %dma_wait3A_707 = arith.constant 1440 : i32
      %dma_wait3A_708 = arith.constant 0 : i32
      %dma_wait3A_709 = tpu.memref_slice %arg8[%dma_wait3A_707, %dma_wait3A_708] : memref<1600x32xf32, #tpu.memory_space<vmem>> -> memref<80x32xf32, #tpu.memory_space<vmem>>
      %dma_wait3A_710 = arith.constant 0 : i32
      %dma_wait3A_711 = arith.constant 0 : i32
      %dma_wait3A_712 = tpu.memref_slice %arg4[%dma_wait3A_710, %dma_wait3A_711] : memref<1007616x32xf32, #tpu.memory_space<hbm>> -> memref<80x32xf32, #tpu.memory_space<hbm>>
      tpu.wait_dma2 semaphore(%arg14 : memref<!tpu.dma_semaphore, #tpu.memory_space<semaphore_mem>>) src(%dma_wait3A_712 : memref<80x32xf32, #tpu.memory_space<hbm>>) dst(%dma_wait3A_709 : memref<80x32xf32, #tpu.memory_space<vmem>>)
      %dma_wait3A_713 = arith.constant 1520 : i32
      %dma_wait3A_714 = arith.constant 0 : i32
      %dma_wait3A_715 = tpu.memref_slice %arg8[%dma_wait3A_713, %dma_wait3A_714] : memref<1600x32xf32, #tpu.memory_space<vmem>> -> memref<80x32xf32, #tpu.memory_space<vmem>>
      %dma_wait3A_716 = arith.constant 0 : i32
      %dma_wait3A_717 = arith.constant 0 : i32
      %dma_wait3A_718 = tpu.memref_slice %arg4[%dma_wait3A_716, %dma_wait3A_717] : memref<1007616x32xf32, #tpu.memory_space<hbm>> -> memref<80x32xf32, #tpu.memory_space<hbm>>
      %dma_wait3A_719 = arith.constant 1520 : i32
      %dma_wait3A_720 = arith.constant 0 : i32
      %dma_wait3A_721 = tpu.memref_slice %arg8[%dma_wait3A_719, %dma_wait3A_720] : memref<1600x32xf32, #tpu.memory_space<vmem>> -> memref<80x32xf32, #tpu.memory_space<vmem>>
      %dma_wait3A_722 = arith.constant 0 : i32
      %dma_wait3A_723 = arith.constant 0 : i32
      %dma_wait3A_724 = tpu.memref_slice %arg4[%dma_wait3A_722, %dma_wait3A_723] : memref<1007616x32xf32, #tpu.memory_space<hbm>> -> memref<80x32xf32, #tpu.memory_space<hbm>>
      tpu.wait_dma2 semaphore(%arg14 : memref<!tpu.dma_semaphore, #tpu.memory_space<semaphore_mem>>) src(%dma_wait3A_724 : memref<80x32xf32, #tpu.memory_space<hbm>>) dst(%dma_wait3A_721 : memref<80x32xf32, #tpu.memory_space<vmem>>)
      %mul3A_725 = arith.constant 2 : i32
      %mul3A_726 = arith.muli %mul3A_725, %scan3A_314 : i32
      %mul3A_727 = arith.constant 1600 : i32
      %mul3A_728 = arith.muli %add3A, %mul3A_727 : i32
      %mul3A_729 = arith.constant 32 : i32
      %mul3A_730 = arith.muli %mul3A_726, %mul3A_729 : i32
      %add3A_731 = arith.addi %mul3A_728, %mul3A_730 : i32
      %scan3A_732 = arith.constant 0 : i32
      %scan3A_733 = arith.constant 0 : i32
      %scan3A_734 = arith.constant 32 : i32
      %scan3A_735 = arith.addi %scan3A_733, %scan3A_734 : i32
      %scan3A_736 = arith.constant 1 : i32
      %scan3A_737 = scf.for %scan3A_998 = %scan3A_733 to %scan3A_735 step %scan3A_736 iter_args(%scan3A_999 = %scan3A_732) -> (i32)  : i32 {
        %broadcast_in_dim3A_1000 = arith.constant 0.000000e+00 : f32
        %broadcast_in_dim3A_1001 = vector.broadcast %broadcast_in_dim3A_1000 : f32 to vector<16xf32>
        %broadcast_in_dim3A_1002 = arith.constant 0.000000e+00 : f32
        %broadcast_in_dim3A_1003 = vector.broadcast %broadcast_in_dim3A_1002 : f32 to vector<16xf32>
        %mul3A_1004 = arith.constant 50 : i32
        %mul3A_1005 = arith.muli %scan3A_998, %mul3A_1004 : i32
        %add3A_1006 = arith.constant 0 : i32
        %add3A_1007 = arith.addi %mul3A_1005, %add3A_1006 : i32
        %get3A = arith.index_cast %add3A_1007 : i32 to index
        %get3A_1008 = arith.constant 0 : index
        %get3A_1009 = tpu.vector_load %arg8[%get3A, %get3A_1008] {strides = array<i32>} : memref<1600x32xf32, #tpu.memory_space<vmem>>, vector<16xf32>,
        %add3A_1010 = arith.addf %broadcast_in_dim3A_1001, %get3A_1009 : vector<16xf32>
        %get3A_1011 = arith.index_cast %add3A_1007 : i32 to index
        %get3A_1012 = arith.constant 16 : index
        %get3A_1013 = tpu.vector_load %arg8[%get3A_1011, %get3A_1012] {strides = array<i32>} : memref<1600x32xf32, #tpu.memory_space<vmem>>, vector<16xf32>,
        %add3A_1014 = arith.addf %broadcast_in_dim3A_1003, %get3A_1013 : vector<16xf32>
        %mul3A_1015 = arith.constant 50 : i32
        %mul3A_1016 = arith.muli %scan3A_998, %mul3A_1015 : i32
        %add3A_1017 = arith.constant 1 : i32
        %add3A_1018 = arith.addi %mul3A_1016, %add3A_1017 : i32
        %get3A_1019 = arith.index_cast %add3A_1018 : i32 to index
        %get3A_1020 = arith.constant 0 : index
        %get3A_1021 = tpu.vector_load %arg8[%get3A_1019, %get3A_1020] {strides = array<i32>} : memref<1600x32xf32, #tpu.memory_space<vmem>>, vector<16xf32>,
        %add3A_1022 = arith.addf %add3A_1010, %get3A_1021 : vector<16xf32>
        %get3A_1023 = arith.index_cast %add3A_1018 : i32 to index
        %get3A_1024 = arith.constant 16 : index
        %get3A_1025 = tpu.vector_load %arg8[%get3A_1023, %get3A_1024] {strides = array<i32>} : memref<1600x32xf32, #tpu.memory_space<vmem>>, vector<16xf32>,
        %add3A_1026 = arith.addf %add3A_1014, %get3A_1025 : vector<16xf32>
        %mul3A_1027 = arith.constant 50 : i32
        %mul3A_1028 = arith.muli %scan3A_998, %mul3A_1027 : i32
        %add3A_1029 = arith.constant 2 : i32
        %add3A_1030 = arith.addi %mul3A_1028, %add3A_1029 : i32
        %get3A_1031 = arith.index_cast %add3A_1030 : i32 to index
        %get3A_1032 = arith.constant 0 : index
        %get3A_1033 = tpu.vector_load %arg8[%get3A_1031, %get3A_1032] {strides = array<i32>} : memref<1600x32xf32, #tpu.memory_space<vmem>>, vector<16xf32>,
        %add3A_1034 = arith.addf %add3A_1022, %get3A_1033 : vector<16xf32>
        %get3A_1035 = arith.index_cast %add3A_1030 : i32 to index
        %get3A_1036 = arith.constant 16 : index
        %get3A_1037 = tpu.vector_load %arg8[%get3A_1035, %get3A_1036] {strides = array<i32>} : memref<1600x32xf32, #tpu.memory_space<vmem>>, vector<16xf32>,
        %add3A_1038 = arith.addf %add3A_1026, %get3A_1037 : vector<16xf32>
        %mul3A_1039 = arith.constant 50 : i32
        %mul3A_1040 = arith.muli %scan3A_998, %mul3A_1039 : i32
        %add3A_1041 = arith.constant 3 : i32
        %add3A_1042 = arith.addi %mul3A_1040, %add3A_1041 : i32
        %get3A_1043 = arith.index_cast %add3A_1042 : i32 to index
        %get3A_1044 = arith.constant 0 : index
        %get3A_1045 = tpu.vector_load %arg8[%get3A_1043, %get3A_1044] {strides = array<i32>} : memref<1600x32xf32, #tpu.memory_space<vmem>>, vector<16xf32>,
        %add3A_1046 = arith.addf %add3A_1034, %get3A_1045 : vector<16xf32>
        %get3A_1047 = arith.index_cast %add3A_1042 : i32 to index
        %get3A_1048 = arith.constant 16 : index
        %get3A_1049 = tpu.vector_load %arg8[%get3A_1047, %get3A_1048] {strides = array<i32>} : memref<1600x32xf32, #tpu.memory_space<vmem>>, vector<16xf32>,
        %add3A_1050 = arith.addf %add3A_1038, %get3A_1049 : vector<16xf32>
        %mul3A_1051 = arith.constant 50 : i32
        %mul3A_1052 = arith.muli %scan3A_998, %mul3A_1051 : i32
        %add3A_1053 = arith.constant 4 : i32
        %add3A_1054 = arith.addi %mul3A_1052, %add3A_1053 : i32
        %get3A_1055 = arith.index_cast %add3A_1054 : i32 to index
        %get3A_1056 = arith.constant 0 : index
        %get3A_1057 = tpu.vector_load %arg8[%get3A_1055, %get3A_1056] {strides = array<i32>} : memref<1600x32xf32, #tpu.memory_space<vmem>>, vector<16xf32>,
        %add3A_1058 = arith.addf %add3A_1046, %get3A_1057 : vector<16xf32>
        %get3A_1059 = arith.index_cast %add3A_1054 : i32 to index
        %get3A_1060 = arith.constant 16 : index
        %get3A_1061 = tpu.vector_load %arg8[%get3A_1059, %get3A_1060] {strides = array<i32>} : memref<1600x32xf32, #tpu.memory_space<vmem>>, vector<16xf32>,
        %add3A_1062 = arith.addf %add3A_1050, %get3A_1061 : vector<16xf32>
        %mul3A_1063 = arith.constant 50 : i32
        %mul3A_1064 = arith.muli %scan3A_998, %mul3A_1063 : i32
        %add3A_1065 = arith.constant 5 : i32
        %add3A_1066 = arith.addi %mul3A_1064, %add3A_1065 : i32
        %get3A_1067 = arith.index_cast %add3A_1066 : i32 to index
        %get3A_1068 = arith.constant 0 : index
        %get3A_1069 = tpu.vector_load %arg8[%get3A_1067, %get3A_1068] {strides = array<i32>} : memref<1600x32xf32, #tpu.memory_space<vmem>>, vector<16xf32>,
        %add3A_1070 = arith.addf %add3A_1058, %get3A_1069 : vector<16xf32>
        %get3A_1071 = arith.index_cast %add3A_1066 : i32 to index
        %get3A_1072 = arith.constant 16 : index
        %get3A_1073 = tpu.vector_load %arg8[%get3A_1071, %get3A_1072] {strides = array<i32>} : memref<1600x32xf32, #tpu.memory_space<vmem>>, vector<16xf32>,
        %add3A_1074 = arith.addf %add3A_1062, %get3A_1073 : vector<16xf32>
        %mul3A_1075 = arith.constant 50 : i32
        %mul3A_1076 = arith.muli %scan3A_998, %mul3A_1075 : i32
        %add3A_1077 = arith.constant 6 : i32
        %add3A_1078 = arith.addi %mul3A_1076, %add3A_1077 : i32
        %get3A_1079 = arith.index_cast %add3A_1078 : i32 to index
        %get3A_1080 = arith.constant 0 : index
        %get3A_1081 = tpu.vector_load %arg8[%get3A_1079, %get3A_1080] {strides = array<i32>} : memref<1600x32xf32, #tpu.memory_space<vmem>>, vector<16xf32>,
        %add3A_1082 = arith.addf %add3A_1070, %get3A_1081 : vector<16xf32>
        %get3A_1083 = arith.index_cast %add3A_1078 : i32 to index
        %get3A_1084 = arith.constant 16 : index
        %get3A_1085 = tpu.vector_load %arg8[%get3A_1083, %get3A_1084] {strides = array<i32>} : memref<1600x32xf32, #tpu.memory_space<vmem>>, vector<16xf32>,
        %add3A_1086 = arith.addf %add3A_1074, %get3A_1085 : vector<16xf32>
        %mul3A_1087 = arith.constant 50 : i32
        %mul3A_1088 = arith.muli %scan3A_998, %mul3A_1087 : i32
        %add3A_1089 = arith.constant 7 : i32
        %add3A_1090 = arith.addi %mul3A_1088, %add3A_1089 : i32
        %get3A_1091 = arith.index_cast %add3A_1090 : i32 to index
        %get3A_1092 = arith.constant 0 : index
        %get3A_1093 = tpu.vector_load %arg8[%get3A_1091, %get3A_1092] {strides = array<i32>} : memref<1600x32xf32, #tpu.memory_space<vmem>>, vector<16xf32>,
        %add3A_1094 = arith.addf %add3A_1082, %get3A_1093 : vector<16xf32>
        %get3A_1095 = arith.index_cast %add3A_1090 : i32 to index
        %get3A_1096 = arith.constant 16 : index
        %get3A_1097 = tpu.vector_load %arg8[%get3A_1095, %get3A_1096] {strides = array<i32>} : memref<1600x32xf32, #tpu.memory_space<vmem>>, vector<16xf32>,
        %add3A_1098 = arith.addf %add3A_1086, %get3A_1097 : vector<16xf32>
        %mul3A_1099 = arith.constant 50 : i32
        %mul3A_1100 = arith.muli %scan3A_998, %mul3A_1099 : i32
        %add3A_1101 = arith.constant 8 : i32
        %add3A_1102 = arith.addi %mul3A_1100, %add3A_1101 : i32
        %get3A_1103 = arith.index_cast %add3A_1102 : i32 to index
        %get3A_1104 = arith.constant 0 : index
        %get3A_1105 = tpu.vector_load %arg8[%get3A_1103, %get3A_1104] {strides = array<i32>} : memref<1600x32xf32, #tpu.memory_space<vmem>>, vector<16xf32>,
        %add3A_1106 = arith.addf %add3A_1094, %get3A_1105 : vector<16xf32>
        %get3A_1107 = arith.index_cast %add3A_1102 : i32 to index
        %get3A_1108 = arith.constant 16 : index
        %get3A_1109 = tpu.vector_load %arg8[%get3A_1107, %get3A_1108] {strides = array<i32>} : memref<1600x32xf32, #tpu.memory_space<vmem>>, vector<16xf32>,
        %add3A_1110 = arith.addf %add3A_1098, %get3A_1109 : vector<16xf32>
        %mul3A_1111 = arith.constant 50 : i32
        %mul3A_1112 = arith.muli %scan3A_998, %mul3A_1111 : i32
        %add3A_1113 = arith.constant 9 : i32
        %add3A_1114 = arith.addi %mul3A_1112, %add3A_1113 : i32
        %get3A_1115 = arith.index_cast %add3A_1114 : i32 to index
        %get3A_1116 = arith.constant 0 : index
        %get3A_1117 = tpu.vector_load %arg8[%get3A_1115, %get3A_1116] {strides = array<i32>} : memref<1600x32xf32, #tpu.memory_space<vmem>>, vector<16xf32>,
        %add3A_1118 = arith.addf %add3A_1106, %get3A_1117 : vector<16xf32>
        %get3A_1119 = arith.index_cast %add3A_1114 : i32 to index
        %get3A_1120 = arith.constant 16 : index
        %get3A_1121 = tpu.vector_load %arg8[%get3A_1119, %get3A_1120] {strides = array<i32>} : memref<1600x32xf32, #tpu.memory_space<vmem>>, vector<16xf32>,
        %add3A_1122 = arith.addf %add3A_1110, %get3A_1121 : vector<16xf32>
        %mul3A_1123 = arith.constant 50 : i32
        %mul3A_1124 = arith.muli %scan3A_998, %mul3A_1123 : i32
        %add3A_1125 = arith.constant 10 : i32
        %add3A_1126 = arith.addi %mul3A_1124, %add3A_1125 : i32
        %get3A_1127 = arith.index_cast %add3A_1126 : i32 to index
        %get3A_1128 = arith.constant 0 : index
        %get3A_1129 = tpu.vector_load %arg8[%get3A_1127, %get3A_1128] {strides = array<i32>} : memref<1600x32xf32, #tpu.memory_space<vmem>>, vector<16xf32>,
        %add3A_1130 = arith.addf %add3A_1118, %get3A_1129 : vector<16xf32>
        %get3A_1131 = arith.index_cast %add3A_1126 : i32 to index
        %get3A_1132 = arith.constant 16 : index
        %get3A_1133 = tpu.vector_load %arg8[%get3A_1131, %get3A_1132] {strides = array<i32>} : memref<1600x32xf32, #tpu.memory_space<vmem>>, vector<16xf32>,
        %add3A_1134 = arith.addf %add3A_1122, %get3A_1133 : vector<16xf32>
        %mul3A_1135 = arith.constant 50 : i32
        %mul3A_1136 = arith.muli %scan3A_998, %mul3A_1135 : i32
        %add3A_1137 = arith.constant 11 : i32
        %add3A_1138 = arith.addi %mul3A_1136, %add3A_1137 : i32
        %get3A_1139 = arith.index_cast %add3A_1138 : i32 to index
        %get3A_1140 = arith.constant 0 : index
        %get3A_1141 = tpu.vector_load %arg8[%get3A_1139, %get3A_1140] {strides = array<i32>} : memref<1600x32xf32, #tpu.memory_space<vmem>>, vector<16xf32>,
        %add3A_1142 = arith.addf %add3A_1130, %get3A_1141 : vector<16xf32>
        %get3A_1143 = arith.index_cast %add3A_1138 : i32 to index
        %get3A_1144 = arith.constant 16 : index
        %get3A_1145 = tpu.vector_load %arg8[%get3A_1143, %get3A_1144] {strides = array<i32>} : memref<1600x32xf32, #tpu.memory_space<vmem>>, vector<16xf32>,
        %add3A_1146 = arith.addf %add3A_1134, %get3A_1145 : vector<16xf32>
        %mul3A_1147 = arith.constant 50 : i32
        %mul3A_1148 = arith.muli %scan3A_998, %mul3A_1147 : i32
        %add3A_1149 = arith.constant 12 : i32
        %add3A_1150 = arith.addi %mul3A_1148, %add3A_1149 : i32
        %get3A_1151 = arith.index_cast %add3A_1150 : i32 to index
        %get3A_1152 = arith.constant 0 : index
        %get3A_1153 = tpu.vector_load %arg8[%get3A_1151, %get3A_1152] {strides = array<i32>} : memref<1600x32xf32, #tpu.memory_space<vmem>>, vector<16xf32>,
        %add3A_1154 = arith.addf %add3A_1142, %get3A_1153 : vector<16xf32>
        %get3A_1155 = arith.index_cast %add3A_1150 : i32 to index
        %get3A_1156 = arith.constant 16 : index
        %get3A_1157 = tpu.vector_load %arg8[%get3A_1155, %get3A_1156] {strides = array<i32>} : memref<1600x32xf32, #tpu.memory_space<vmem>>, vector<16xf32>,
        %add3A_1158 = arith.addf %add3A_1146, %get3A_1157 : vector<16xf32>
        %mul3A_1159 = arith.constant 50 : i32
        %mul3A_1160 = arith.muli %scan3A_998, %mul3A_1159 : i32
        %add3A_1161 = arith.constant 13 : i32
        %add3A_1162 = arith.addi %mul3A_1160, %add3A_1161 : i32
        %get3A_1163 = arith.index_cast %add3A_1162 : i32 to index
        %get3A_1164 = arith.constant 0 : index
        %get3A_1165 = tpu.vector_load %arg8[%get3A_1163, %get3A_1164] {strides = array<i32>} : memref<1600x32xf32, #tpu.memory_space<vmem>>, vector<16xf32>,
        %add3A_1166 = arith.addf %add3A_1154, %get3A_1165 : vector<16xf32>
        %get3A_1167 = arith.index_cast %add3A_1162 : i32 to index
        %get3A_1168 = arith.constant 16 : index
        %get3A_1169 = tpu.vector_load %arg8[%get3A_1167, %get3A_1168] {strides = array<i32>} : memref<1600x32xf32, #tpu.memory_space<vmem>>, vector<16xf32>,
        %add3A_1170 = arith.addf %add3A_1158, %get3A_1169 : vector<16xf32>
        %mul3A_1171 = arith.constant 50 : i32
        %mul3A_1172 = arith.muli %scan3A_998, %mul3A_1171 : i32
        %add3A_1173 = arith.constant 14 : i32
        %add3A_1174 = arith.addi %mul3A_1172, %add3A_1173 : i32
        %get3A_1175 = arith.index_cast %add3A_1174 : i32 to index
        %get3A_1176 = arith.constant 0 : index
        %get3A_1177 = tpu.vector_load %arg8[%get3A_1175, %get3A_1176] {strides = array<i32>} : memref<1600x32xf32, #tpu.memory_space<vmem>>, vector<16xf32>,
        %add3A_1178 = arith.addf %add3A_1166, %get3A_1177 : vector<16xf32>
        %get3A_1179 = arith.index_cast %add3A_1174 : i32 to index
        %get3A_1180 = arith.constant 16 : index
        %get3A_1181 = tpu.vector_load %arg8[%get3A_1179, %get3A_1180] {strides = array<i32>} : memref<1600x32xf32, #tpu.memory_space<vmem>>, vector<16xf32>,
        %add3A_1182 = arith.addf %add3A_1170, %get3A_1181 : vector<16xf32>
        %mul3A_1183 = arith.constant 50 : i32
        %mul3A_1184 = arith.muli %scan3A_998, %mul3A_1183 : i32
        %add3A_1185 = arith.constant 15 : i32
        %add3A_1186 = arith.addi %mul3A_1184, %add3A_1185 : i32
        %get3A_1187 = arith.index_cast %add3A_1186 : i32 to index
        %get3A_1188 = arith.constant 0 : index
        %get3A_1189 = tpu.vector_load %arg8[%get3A_1187, %get3A_1188] {strides = array<i32>} : memref<1600x32xf32, #tpu.memory_space<vmem>>, vector<16xf32>,
        %add3A_1190 = arith.addf %add3A_1178, %get3A_1189 : vector<16xf32>
        %get3A_1191 = arith.index_cast %add3A_1186 : i32 to index
        %get3A_1192 = arith.constant 16 : index
        %get3A_1193 = tpu.vector_load %arg8[%get3A_1191, %get3A_1192] {strides = array<i32>} : memref<1600x32xf32, #tpu.memory_space<vmem>>, vector<16xf32>,
        %add3A_1194 = arith.addf %add3A_1182, %get3A_1193 : vector<16xf32>
        %mul3A_1195 = arith.constant 50 : i32
        %mul3A_1196 = arith.muli %scan3A_998, %mul3A_1195 : i32
        %add3A_1197 = arith.constant 16 : i32
        %add3A_1198 = arith.addi %mul3A_1196, %add3A_1197 : i32
        %get3A_1199 = arith.index_cast %add3A_1198 : i32 to index
        %get3A_1200 = arith.constant 0 : index
        %get3A_1201 = tpu.vector_load %arg8[%get3A_1199, %get3A_1200] {strides = array<i32>} : memref<1600x32xf32, #tpu.memory_space<vmem>>, vector<16xf32>,
        %add3A_1202 = arith.addf %add3A_1190, %get3A_1201 : vector<16xf32>
        %get3A_1203 = arith.index_cast %add3A_1198 : i32 to index
        %get3A_1204 = arith.constant 16 : index
        %get3A_1205 = tpu.vector_load %arg8[%get3A_1203, %get3A_1204] {strides = array<i32>} : memref<1600x32xf32, #tpu.memory_space<vmem>>, vector<16xf32>,
        %add3A_1206 = arith.addf %add3A_1194, %get3A_1205 : vector<16xf32>
        %mul3A_1207 = arith.constant 50 : i32
        %mul3A_1208 = arith.muli %scan3A_998, %mul3A_1207 : i32
        %add3A_1209 = arith.constant 17 : i32
        %add3A_1210 = arith.addi %mul3A_1208, %add3A_1209 : i32
        %get3A_1211 = arith.index_cast %add3A_1210 : i32 to index
        %get3A_1212 = arith.constant 0 : index
        %get3A_1213 = tpu.vector_load %arg8[%get3A_1211, %get3A_1212] {strides = array<i32>} : memref<1600x32xf32, #tpu.memory_space<vmem>>, vector<16xf32>,
        %add3A_1214 = arith.addf %add3A_1202, %get3A_1213 : vector<16xf32>
        %get3A_1215 = arith.index_cast %add3A_1210 : i32 to index
        %get3A_1216 = arith.constant 16 : index
        %get3A_1217 = tpu.vector_load %arg8[%get3A_1215, %get3A_1216] {strides = array<i32>} : memref<1600x32xf32, #tpu.memory_space<vmem>>, vector<16xf32>,
        %add3A_1218 = arith.addf %add3A_1206, %get3A_1217 : vector<16xf32>
        %mul3A_1219 = arith.constant 50 : i32
        %mul3A_1220 = arith.muli %scan3A_998, %mul3A_1219 : i32
        %add3A_1221 = arith.constant 18 : i32
        %add3A_1222 = arith.addi %mul3A_1220, %add3A_1221 : i32
        %get3A_1223 = arith.index_cast %add3A_1222 : i32 to index
        %get3A_1224 = arith.constant 0 : index
        %get3A_1225 = tpu.vector_load %arg8[%get3A_1223, %get3A_1224] {strides = array<i32>} : memref<1600x32xf32, #tpu.memory_space<vmem>>, vector<16xf32>,
        %add3A_1226 = arith.addf %add3A_1214, %get3A_1225 : vector<16xf32>
        %get3A_1227 = arith.index_cast %add3A_1222 : i32 to index
        %get3A_1228 = arith.constant 16 : index
        %get3A_1229 = tpu.vector_load %arg8[%get3A_1227, %get3A_1228] {strides = array<i32>} : memref<1600x32xf32, #tpu.memory_space<vmem>>, vector<16xf32>,
        %add3A_1230 = arith.addf %add3A_1218, %get3A_1229 : vector<16xf32>
        %mul3A_1231 = arith.constant 50 : i32
        %mul3A_1232 = arith.muli %scan3A_998, %mul3A_1231 : i32
        %add3A_1233 = arith.constant 19 : i32
        %add3A_1234 = arith.addi %mul3A_1232, %add3A_1233 : i32
        %get3A_1235 = arith.index_cast %add3A_1234 : i32 to index
        %get3A_1236 = arith.constant 0 : index
        %get3A_1237 = tpu.vector_load %arg8[%get3A_1235, %get3A_1236] {strides = array<i32>} : memref<1600x32xf32, #tpu.memory_space<vmem>>, vector<16xf32>,
        %add3A_1238 = arith.addf %add3A_1226, %get3A_1237 : vector<16xf32>
        %get3A_1239 = arith.index_cast %add3A_1234 : i32 to index
        %get3A_1240 = arith.constant 16 : index
        %get3A_1241 = tpu.vector_load %arg8[%get3A_1239, %get3A_1240] {strides = array<i32>} : memref<1600x32xf32, #tpu.memory_space<vmem>>, vector<16xf32>,
        %add3A_1242 = arith.addf %add3A_1230, %get3A_1241 : vector<16xf32>
        %mul3A_1243 = arith.constant 50 : i32
        %mul3A_1244 = arith.muli %scan3A_998, %mul3A_1243 : i32
        %add3A_1245 = arith.constant 20 : i32
        %add3A_1246 = arith.addi %mul3A_1244, %add3A_1245 : i32
        %get3A_1247 = arith.index_cast %add3A_1246 : i32 to index
        %get3A_1248 = arith.constant 0 : index
        %get3A_1249 = tpu.vector_load %arg8[%get3A_1247, %get3A_1248] {strides = array<i32>} : memref<1600x32xf32, #tpu.memory_space<vmem>>, vector<16xf32>,
        %add3A_1250 = arith.addf %add3A_1238, %get3A_1249 : vector<16xf32>
        %get3A_1251 = arith.index_cast %add3A_1246 : i32 to index
        %get3A_1252 = arith.constant 16 : index
        %get3A_1253 = tpu.vector_load %arg8[%get3A_1251, %get3A_1252] {strides = array<i32>} : memref<1600x32xf32, #tpu.memory_space<vmem>>, vector<16xf32>,
        %add3A_1254 = arith.addf %add3A_1242, %get3A_1253 : vector<16xf32>
        %mul3A_1255 = arith.constant 50 : i32
        %mul3A_1256 = arith.muli %scan3A_998, %mul3A_1255 : i32
        %add3A_1257 = arith.constant 21 : i32
        %add3A_1258 = arith.addi %mul3A_1256, %add3A_1257 : i32
        %get3A_1259 = arith.index_cast %add3A_1258 : i32 to index
        %get3A_1260 = arith.constant 0 : index
        %get3A_1261 = tpu.vector_load %arg8[%get3A_1259, %get3A_1260] {strides = array<i32>} : memref<1600x32xf32, #tpu.memory_space<vmem>>, vector<16xf32>,
        %add3A_1262 = arith.addf %add3A_1250, %get3A_1261 : vector<16xf32>
        %get3A_1263 = arith.index_cast %add3A_1258 : i32 to index
        %get3A_1264 = arith.constant 16 : index
        %get3A_1265 = tpu.vector_load %arg8[%get3A_1263, %get3A_1264] {strides = array<i32>} : memref<1600x32xf32, #tpu.memory_space<vmem>>, vector<16xf32>,
        %add3A_1266 = arith.addf %add3A_1254, %get3A_1265 : vector<16xf32>
        %mul3A_1267 = arith.constant 50 : i32
        %mul3A_1268 = arith.muli %scan3A_998, %mul3A_1267 : i32
        %add3A_1269 = arith.constant 22 : i32
        %add3A_1270 = arith.addi %mul3A_1268, %add3A_1269 : i32
        %get3A_1271 = arith.index_cast %add3A_1270 : i32 to index
        %get3A_1272 = arith.constant 0 : index
        %get3A_1273 = tpu.vector_load %arg8[%get3A_1271, %get3A_1272] {strides = array<i32>} : memref<1600x32xf32, #tpu.memory_space<vmem>>, vector<16xf32>,
        %add3A_1274 = arith.addf %add3A_1262, %get3A_1273 : vector<16xf32>
        %get3A_1275 = arith.index_cast %add3A_1270 : i32 to index
        %get3A_1276 = arith.constant 16 : index
        %get3A_1277 = tpu.vector_load %arg8[%get3A_1275, %get3A_1276] {strides = array<i32>} : memref<1600x32xf32, #tpu.memory_space<vmem>>, vector<16xf32>,
        %add3A_1278 = arith.addf %add3A_1266, %get3A_1277 : vector<16xf32>
        %mul3A_1279 = arith.constant 50 : i32
        %mul3A_1280 = arith.muli %scan3A_998, %mul3A_1279 : i32
        %add3A_1281 = arith.constant 23 : i32
        %add3A_1282 = arith.addi %mul3A_1280, %add3A_1281 : i32
        %get3A_1283 = arith.index_cast %add3A_1282 : i32 to index
        %get3A_1284 = arith.constant 0 : index
        %get3A_1285 = tpu.vector_load %arg8[%get3A_1283, %get3A_1284] {strides = array<i32>} : memref<1600x32xf32, #tpu.memory_space<vmem>>, vector<16xf32>,
        %add3A_1286 = arith.addf %add3A_1274, %get3A_1285 : vector<16xf32>
        %get3A_1287 = arith.index_cast %add3A_1282 : i32 to index
        %get3A_1288 = arith.constant 16 : index
        %get3A_1289 = tpu.vector_load %arg8[%get3A_1287, %get3A_1288] {strides = array<i32>} : memref<1600x32xf32, #tpu.memory_space<vmem>>, vector<16xf32>,
        %add3A_1290 = arith.addf %add3A_1278, %get3A_1289 : vector<16xf32>
        %mul3A_1291 = arith.constant 50 : i32
        %mul3A_1292 = arith.muli %scan3A_998, %mul3A_1291 : i32
        %add3A_1293 = arith.constant 24 : i32
        %add3A_1294 = arith.addi %mul3A_1292, %add3A_1293 : i32
        %get3A_1295 = arith.index_cast %add3A_1294 : i32 to index
        %get3A_1296 = arith.constant 0 : index
        %get3A_1297 = tpu.vector_load %arg8[%get3A_1295, %get3A_1296] {strides = array<i32>} : memref<1600x32xf32, #tpu.memory_space<vmem>>, vector<16xf32>,
        %add3A_1298 = arith.addf %add3A_1286, %get3A_1297 : vector<16xf32>
        %get3A_1299 = arith.index_cast %add3A_1294 : i32 to index
        %get3A_1300 = arith.constant 16 : index
        %get3A_1301 = tpu.vector_load %arg8[%get3A_1299, %get3A_1300] {strides = array<i32>} : memref<1600x32xf32, #tpu.memory_space<vmem>>, vector<16xf32>,
        %add3A_1302 = arith.addf %add3A_1290, %get3A_1301 : vector<16xf32>
        %mul3A_1303 = arith.constant 50 : i32
        %mul3A_1304 = arith.muli %scan3A_998, %mul3A_1303 : i32
        %add3A_1305 = arith.constant 25 : i32
        %add3A_1306 = arith.addi %mul3A_1304, %add3A_1305 : i32
        %get3A_1307 = arith.index_cast %add3A_1306 : i32 to index
        %get3A_1308 = arith.constant 0 : index
        %get3A_1309 = tpu.vector_load %arg8[%get3A_1307, %get3A_1308] {strides = array<i32>} : memref<1600x32xf32, #tpu.memory_space<vmem>>, vector<16xf32>,
        %add3A_1310 = arith.addf %add3A_1298, %get3A_1309 : vector<16xf32>
        %get3A_1311 = arith.index_cast %add3A_1306 : i32 to index
        %get3A_1312 = arith.constant 16 : index
        %get3A_1313 = tpu.vector_load %arg8[%get3A_1311, %get3A_1312] {strides = array<i32>} : memref<1600x32xf32, #tpu.memory_space<vmem>>, vector<16xf32>,
        %add3A_1314 = arith.addf %add3A_1302, %get3A_1313 : vector<16xf32>
        %mul3A_1315 = arith.constant 50 : i32
        %mul3A_1316 = arith.muli %scan3A_998, %mul3A_1315 : i32
        %add3A_1317 = arith.constant 26 : i32
        %add3A_1318 = arith.addi %mul3A_1316, %add3A_1317 : i32
        %get3A_1319 = arith.index_cast %add3A_1318 : i32 to index
        %get3A_1320 = arith.constant 0 : index
        %get3A_1321 = tpu.vector_load %arg8[%get3A_1319, %get3A_1320] {strides = array<i32>} : memref<1600x32xf32, #tpu.memory_space<vmem>>, vector<16xf32>,
        %add3A_1322 = arith.addf %add3A_1310, %get3A_1321 : vector<16xf32>
        %get3A_1323 = arith.index_cast %add3A_1318 : i32 to index
        %get3A_1324 = arith.constant 16 : index
        %get3A_1325 = tpu.vector_load %arg8[%get3A_1323, %get3A_1324] {strides = array<i32>} : memref<1600x32xf32, #tpu.memory_space<vmem>>, vector<16xf32>,
        %add3A_1326 = arith.addf %add3A_1314, %get3A_1325 : vector<16xf32>
        %mul3A_1327 = arith.constant 50 : i32
        %mul3A_1328 = arith.muli %scan3A_998, %mul3A_1327 : i32
        %add3A_1329 = arith.constant 27 : i32
        %add3A_1330 = arith.addi %mul3A_1328, %add3A_1329 : i32
        %get3A_1331 = arith.index_cast %add3A_1330 : i32 to index
        %get3A_1332 = arith.constant 0 : index
        %get3A_1333 = tpu.vector_load %arg8[%get3A_1331, %get3A_1332] {strides = array<i32>} : memref<1600x32xf32, #tpu.memory_space<vmem>>, vector<16xf32>,
        %add3A_1334 = arith.addf %add3A_1322, %get3A_1333 : vector<16xf32>
        %get3A_1335 = arith.index_cast %add3A_1330 : i32 to index
        %get3A_1336 = arith.constant 16 : index
        %get3A_1337 = tpu.vector_load %arg8[%get3A_1335, %get3A_1336] {strides = array<i32>} : memref<1600x32xf32, #tpu.memory_space<vmem>>, vector<16xf32>,
        %add3A_1338 = arith.addf %add3A_1326, %get3A_1337 : vector<16xf32>
        %mul3A_1339 = arith.constant 50 : i32
        %mul3A_1340 = arith.muli %scan3A_998, %mul3A_1339 : i32
        %add3A_1341 = arith.constant 28 : i32
        %add3A_1342 = arith.addi %mul3A_1340, %add3A_1341 : i32
        %get3A_1343 = arith.index_cast %add3A_1342 : i32 to index
        %get3A_1344 = arith.constant 0 : index
        %get3A_1345 = tpu.vector_load %arg8[%get3A_1343, %get3A_1344] {strides = array<i32>} : memref<1600x32xf32, #tpu.memory_space<vmem>>, vector<16xf32>,
        %add3A_1346 = arith.addf %add3A_1334, %get3A_1345 : vector<16xf32>
        %get3A_1347 = arith.index_cast %add3A_1342 : i32 to index
        %get3A_1348 = arith.constant 16 : index
        %get3A_1349 = tpu.vector_load %arg8[%get3A_1347, %get3A_1348] {strides = array<i32>} : memref<1600x32xf32, #tpu.memory_space<vmem>>, vector<16xf32>,
        %add3A_1350 = arith.addf %add3A_1338, %get3A_1349 : vector<16xf32>
        %mul3A_1351 = arith.constant 50 : i32
        %mul3A_1352 = arith.muli %scan3A_998, %mul3A_1351 : i32
        %add3A_1353 = arith.constant 29 : i32
        %add3A_1354 = arith.addi %mul3A_1352, %add3A_1353 : i32
        %get3A_1355 = arith.index_cast %add3A_1354 : i32 to index
        %get3A_1356 = arith.constant 0 : index
        %get3A_1357 = tpu.vector_load %arg8[%get3A_1355, %get3A_1356] {strides = array<i32>} : memref<1600x32xf32, #tpu.memory_space<vmem>>, vector<16xf32>,
        %add3A_1358 = arith.addf %add3A_1346, %get3A_1357 : vector<16xf32>
        %get3A_1359 = arith.index_cast %add3A_1354 : i32 to index
        %get3A_1360 = arith.constant 16 : index
        %get3A_1361 = tpu.vector_load %arg8[%get3A_1359, %get3A_1360] {strides = array<i32>} : memref<1600x32xf32, #tpu.memory_space<vmem>>, vector<16xf32>,
        %add3A_1362 = arith.addf %add3A_1350, %get3A_1361 : vector<16xf32>
        %mul3A_1363 = arith.constant 50 : i32
        %mul3A_1364 = arith.muli %scan3A_998, %mul3A_1363 : i32
        %add3A_1365 = arith.constant 30 : i32
        %add3A_1366 = arith.addi %mul3A_1364, %add3A_1365 : i32
        %get3A_1367 = arith.index_cast %add3A_1366 : i32 to index
        %get3A_1368 = arith.constant 0 : index
        %get3A_1369 = tpu.vector_load %arg8[%get3A_1367, %get3A_1368] {strides = array<i32>} : memref<1600x32xf32, #tpu.memory_space<vmem>>, vector<16xf32>,
        %add3A_1370 = arith.addf %add3A_1358, %get3A_1369 : vector<16xf32>
        %get3A_1371 = arith.index_cast %add3A_1366 : i32 to index
        %get3A_1372 = arith.constant 16 : index
        %get3A_1373 = tpu.vector_load %arg8[%get3A_1371, %get3A_1372] {strides = array<i32>} : memref<1600x32xf32, #tpu.memory_space<vmem>>, vector<16xf32>,
        %add3A_1374 = arith.addf %add3A_1362, %get3A_1373 : vector<16xf32>
        %mul3A_1375 = arith.constant 50 : i32
        %mul3A_1376 = arith.muli %scan3A_998, %mul3A_1375 : i32
        %add3A_1377 = arith.constant 31 : i32
        %add3A_1378 = arith.addi %mul3A_1376, %add3A_1377 : i32
        %get3A_1379 = arith.index_cast %add3A_1378 : i32 to index
        %get3A_1380 = arith.constant 0 : index
        %get3A_1381 = tpu.vector_load %arg8[%get3A_1379, %get3A_1380] {strides = array<i32>} : memref<1600x32xf32, #tpu.memory_space<vmem>>, vector<16xf32>,
        %add3A_1382 = arith.addf %add3A_1370, %get3A_1381 : vector<16xf32>
        %get3A_1383 = arith.index_cast %add3A_1378 : i32 to index
        %get3A_1384 = arith.constant 16 : index
        %get3A_1385 = tpu.vector_load %arg8[%get3A_1383, %get3A_1384] {strides = array<i32>} : memref<1600x32xf32, #tpu.memory_space<vmem>>, vector<16xf32>,
        %add3A_1386 = arith.addf %add3A_1374, %get3A_1385 : vector<16xf32>
        %mul3A_1387 = arith.constant 50 : i32
        %mul3A_1388 = arith.muli %scan3A_998, %mul3A_1387 : i32
        %add3A_1389 = arith.constant 32 : i32
        %add3A_1390 = arith.addi %mul3A_1388, %add3A_1389 : i32
        %get3A_1391 = arith.index_cast %add3A_1390 : i32 to index
        %get3A_1392 = arith.constant 0 : index
        %get3A_1393 = tpu.vector_load %arg8[%get3A_1391, %get3A_1392] {strides = array<i32>} : memref<1600x32xf32, #tpu.memory_space<vmem>>, vector<16xf32>,
        %add3A_1394 = arith.addf %add3A_1382, %get3A_1393 : vector<16xf32>
        %get3A_1395 = arith.index_cast %add3A_1390 : i32 to index
        %get3A_1396 = arith.constant 16 : index
        %get3A_1397 = tpu.vector_load %arg8[%get3A_1395, %get3A_1396] {strides = array<i32>} : memref<1600x32xf32, #tpu.memory_space<vmem>>, vector<16xf32>,
        %add3A_1398 = arith.addf %add3A_1386, %get3A_1397 : vector<16xf32>
        %mul3A_1399 = arith.constant 50 : i32
        %mul3A_1400 = arith.muli %scan3A_998, %mul3A_1399 : i32
        %add3A_1401 = arith.constant 33 : i32
        %add3A_1402 = arith.addi %mul3A_1400, %add3A_1401 : i32
        %get3A_1403 = arith.index_cast %add3A_1402 : i32 to index
        %get3A_1404 = arith.constant 0 : index
        %get3A_1405 = tpu.vector_load %arg8[%get3A_1403, %get3A_1404] {strides = array<i32>} : memref<1600x32xf32, #tpu.memory_space<vmem>>, vector<16xf32>,
        %add3A_1406 = arith.addf %add3A_1394, %get3A_1405 : vector<16xf32>
        %get3A_1407 = arith.index_cast %add3A_1402 : i32 to index
        %get3A_1408 = arith.constant 16 : index
        %get3A_1409 = tpu.vector_load %arg8[%get3A_1407, %get3A_1408] {strides = array<i32>} : memref<1600x32xf32, #tpu.memory_space<vmem>>, vector<16xf32>,
        %add3A_1410 = arith.addf %add3A_1398, %get3A_1409 : vector<16xf32>
        %mul3A_1411 = arith.constant 50 : i32
        %mul3A_1412 = arith.muli %scan3A_998, %mul3A_1411 : i32
        %add3A_1413 = arith.constant 34 : i32
        %add3A_1414 = arith.addi %mul3A_1412, %add3A_1413 : i32
        %get3A_1415 = arith.index_cast %add3A_1414 : i32 to index
        %get3A_1416 = arith.constant 0 : index
        %get3A_1417 = tpu.vector_load %arg8[%get3A_1415, %get3A_1416] {strides = array<i32>} : memref<1600x32xf32, #tpu.memory_space<vmem>>, vector<16xf32>,
        %add3A_1418 = arith.addf %add3A_1406, %get3A_1417 : vector<16xf32>
        %get3A_1419 = arith.index_cast %add3A_1414 : i32 to index
        %get3A_1420 = arith.constant 16 : index
        %get3A_1421 = tpu.vector_load %arg8[%get3A_1419, %get3A_1420] {strides = array<i32>} : memref<1600x32xf32, #tpu.memory_space<vmem>>, vector<16xf32>,
        %add3A_1422 = arith.addf %add3A_1410, %get3A_1421 : vector<16xf32>
        %mul3A_1423 = arith.constant 50 : i32
        %mul3A_1424 = arith.muli %scan3A_998, %mul3A_1423 : i32
        %add3A_1425 = arith.constant 35 : i32
        %add3A_1426 = arith.addi %mul3A_1424, %add3A_1425 : i32
        %get3A_1427 = arith.index_cast %add3A_1426 : i32 to index
        %get3A_1428 = arith.constant 0 : index
        %get3A_1429 = tpu.vector_load %arg8[%get3A_1427, %get3A_1428] {strides = array<i32>} : memref<1600x32xf32, #tpu.memory_space<vmem>>, vector<16xf32>,
        %add3A_1430 = arith.addf %add3A_1418, %get3A_1429 : vector<16xf32>
        %get3A_1431 = arith.index_cast %add3A_1426 : i32 to index
        %get3A_1432 = arith.constant 16 : index
        %get3A_1433 = tpu.vector_load %arg8[%get3A_1431, %get3A_1432] {strides = array<i32>} : memref<1600x32xf32, #tpu.memory_space<vmem>>, vector<16xf32>,
        %add3A_1434 = arith.addf %add3A_1422, %get3A_1433 : vector<16xf32>
        %mul3A_1435 = arith.constant 50 : i32
        %mul3A_1436 = arith.muli %scan3A_998, %mul3A_1435 : i32
        %add3A_1437 = arith.constant 36 : i32
        %add3A_1438 = arith.addi %mul3A_1436, %add3A_1437 : i32
        %get3A_1439 = arith.index_cast %add3A_1438 : i32 to index
        %get3A_1440 = arith.constant 0 : index
        %get3A_1441 = tpu.vector_load %arg8[%get3A_1439, %get3A_1440] {strides = array<i32>} : memref<1600x32xf32, #tpu.memory_space<vmem>>, vector<16xf32>,
        %add3A_1442 = arith.addf %add3A_1430, %get3A_1441 : vector<16xf32>
        %get3A_1443 = arith.index_cast %add3A_1438 : i32 to index
        %get3A_1444 = arith.constant 16 : index
        %get3A_1445 = tpu.vector_load %arg8[%get3A_1443, %get3A_1444] {strides = array<i32>} : memref<1600x32xf32, #tpu.memory_space<vmem>>, vector<16xf32>,
        %add3A_1446 = arith.addf %add3A_1434, %get3A_1445 : vector<16xf32>
        %mul3A_1447 = arith.constant 50 : i32
        %mul3A_1448 = arith.muli %scan3A_998, %mul3A_1447 : i32
        %add3A_1449 = arith.constant 37 : i32
        %add3A_1450 = arith.addi %mul3A_1448, %add3A_1449 : i32
        %get3A_1451 = arith.index_cast %add3A_1450 : i32 to index
        %get3A_1452 = arith.constant 0 : index
        %get3A_1453 = tpu.vector_load %arg8[%get3A_1451, %get3A_1452] {strides = array<i32>} : memref<1600x32xf32, #tpu.memory_space<vmem>>, vector<16xf32>,
        %add3A_1454 = arith.addf %add3A_1442, %get3A_1453 : vector<16xf32>
        %get3A_1455 = arith.index_cast %add3A_1450 : i32 to index
        %get3A_1456 = arith.constant 16 : index
        %get3A_1457 = tpu.vector_load %arg8[%get3A_1455, %get3A_1456] {strides = array<i32>} : memref<1600x32xf32, #tpu.memory_space<vmem>>, vector<16xf32>,
        %add3A_1458 = arith.addf %add3A_1446, %get3A_1457 : vector<16xf32>
        %mul3A_1459 = arith.constant 50 : i32
        %mul3A_1460 = arith.muli %scan3A_998, %mul3A_1459 : i32
        %add3A_1461 = arith.constant 38 : i32
        %add3A_1462 = arith.addi %mul3A_1460, %add3A_1461 : i32
        %get3A_1463 = arith.index_cast %add3A_1462 : i32 to index
        %get3A_1464 = arith.constant 0 : index
        %get3A_1465 = tpu.vector_load %arg8[%get3A_1463, %get3A_1464] {strides = array<i32>} : memref<1600x32xf32, #tpu.memory_space<vmem>>, vector<16xf32>,
        %add3A_1466 = arith.addf %add3A_1454, %get3A_1465 : vector<16xf32>
        %get3A_1467 = arith.index_cast %add3A_1462 : i32 to index
        %get3A_1468 = arith.constant 16 : index
        %get3A_1469 = tpu.vector_load %arg8[%get3A_1467, %get3A_1468] {strides = array<i32>} : memref<1600x32xf32, #tpu.memory_space<vmem>>, vector<16xf32>,
        %add3A_1470 = arith.addf %add3A_1458, %get3A_1469 : vector<16xf32>
        %mul3A_1471 = arith.constant 50 : i32
        %mul3A_1472 = arith.muli %scan3A_998, %mul3A_1471 : i32
        %add3A_1473 = arith.constant 39 : i32
        %add3A_1474 = arith.addi %mul3A_1472, %add3A_1473 : i32
        %get3A_1475 = arith.index_cast %add3A_1474 : i32 to index
        %get3A_1476 = arith.constant 0 : index
        %get3A_1477 = tpu.vector_load %arg8[%get3A_1475, %get3A_1476] {strides = array<i32>} : memref<1600x32xf32, #tpu.memory_space<vmem>>, vector<16xf32>,
        %add3A_1478 = arith.addf %add3A_1466, %get3A_1477 : vector<16xf32>
        %get3A_1479 = arith.index_cast %add3A_1474 : i32 to index
        %get3A_1480 = arith.constant 16 : index
        %get3A_1481 = tpu.vector_load %arg8[%get3A_1479, %get3A_1480] {strides = array<i32>} : memref<1600x32xf32, #tpu.memory_space<vmem>>, vector<16xf32>,
        %add3A_1482 = arith.addf %add3A_1470, %get3A_1481 : vector<16xf32>
        %mul3A_1483 = arith.constant 50 : i32
        %mul3A_1484 = arith.muli %scan3A_998, %mul3A_1483 : i32
        %add3A_1485 = arith.constant 40 : i32
        %add3A_1486 = arith.addi %mul3A_1484, %add3A_1485 : i32
        %get3A_1487 = arith.index_cast %add3A_1486 : i32 to index
        %get3A_1488 = arith.constant 0 : index
        %get3A_1489 = tpu.vector_load %arg8[%get3A_1487, %get3A_1488] {strides = array<i32>} : memref<1600x32xf32, #tpu.memory_space<vmem>>, vector<16xf32>,
        %add3A_1490 = arith.addf %add3A_1478, %get3A_1489 : vector<16xf32>
        %get3A_1491 = arith.index_cast %add3A_1486 : i32 to index
        %get3A_1492 = arith.constant 16 : index
        %get3A_1493 = tpu.vector_load %arg8[%get3A_1491, %get3A_1492] {strides = array<i32>} : memref<1600x32xf32, #tpu.memory_space<vmem>>, vector<16xf32>,
        %add3A_1494 = arith.addf %add3A_1482, %get3A_1493 : vector<16xf32>
        %mul3A_1495 = arith.constant 50 : i32
        %mul3A_1496 = arith.muli %scan3A_998, %mul3A_1495 : i32
        %add3A_1497 = arith.constant 41 : i32
        %add3A_1498 = arith.addi %mul3A_1496, %add3A_1497 : i32
        %get3A_1499 = arith.index_cast %add3A_1498 : i32 to index
        %get3A_1500 = arith.constant 0 : index
        %get3A_1501 = tpu.vector_load %arg8[%get3A_1499, %get3A_1500] {strides = array<i32>} : memref<1600x32xf32, #tpu.memory_space<vmem>>, vector<16xf32>,
        %add3A_1502 = arith.addf %add3A_1490, %get3A_1501 : vector<16xf32>
        %get3A_1503 = arith.index_cast %add3A_1498 : i32 to index
        %get3A_1504 = arith.constant 16 : index
        %get3A_1505 = tpu.vector_load %arg8[%get3A_1503, %get3A_1504] {strides = array<i32>} : memref<1600x32xf32, #tpu.memory_space<vmem>>, vector<16xf32>,
        %add3A_1506 = arith.addf %add3A_1494, %get3A_1505 : vector<16xf32>
        %mul3A_1507 = arith.constant 50 : i32
        %mul3A_1508 = arith.muli %scan3A_998, %mul3A_1507 : i32
        %add3A_1509 = arith.constant 42 : i32
        %add3A_1510 = arith.addi %mul3A_1508, %add3A_1509 : i32
        %get3A_1511 = arith.index_cast %add3A_1510 : i32 to index
        %get3A_1512 = arith.constant 0 : index
        %get3A_1513 = tpu.vector_load %arg8[%get3A_1511, %get3A_1512] {strides = array<i32>} : memref<1600x32xf32, #tpu.memory_space<vmem>>, vector<16xf32>,
        %add3A_1514 = arith.addf %add3A_1502, %get3A_1513 : vector<16xf32>
        %get3A_1515 = arith.index_cast %add3A_1510 : i32 to index
        %get3A_1516 = arith.constant 16 : index
        %get3A_1517 = tpu.vector_load %arg8[%get3A_1515, %get3A_1516] {strides = array<i32>} : memref<1600x32xf32, #tpu.memory_space<vmem>>, vector<16xf32>,
        %add3A_1518 = arith.addf %add3A_1506, %get3A_1517 : vector<16xf32>
        %mul3A_1519 = arith.constant 50 : i32
        %mul3A_1520 = arith.muli %scan3A_998, %mul3A_1519 : i32
        %add3A_1521 = arith.constant 43 : i32
        %add3A_1522 = arith.addi %mul3A_1520, %add3A_1521 : i32
        %get3A_1523 = arith.index_cast %add3A_1522 : i32 to index
        %get3A_1524 = arith.constant 0 : index
        %get3A_1525 = tpu.vector_load %arg8[%get3A_1523, %get3A_1524] {strides = array<i32>} : memref<1600x32xf32, #tpu.memory_space<vmem>>, vector<16xf32>,
        %add3A_1526 = arith.addf %add3A_1514, %get3A_1525 : vector<16xf32>
        %get3A_1527 = arith.index_cast %add3A_1522 : i32 to index
        %get3A_1528 = arith.constant 16 : index
        %get3A_1529 = tpu.vector_load %arg8[%get3A_1527, %get3A_1528] {strides = array<i32>} : memref<1600x32xf32, #tpu.memory_space<vmem>>, vector<16xf32>,
        %add3A_1530 = arith.addf %add3A_1518, %get3A_1529 : vector<16xf32>
        %mul3A_1531 = arith.constant 50 : i32
        %mul3A_1532 = arith.muli %scan3A_998, %mul3A_1531 : i32
        %add3A_1533 = arith.constant 44 : i32
        %add3A_1534 = arith.addi %mul3A_1532, %add3A_1533 : i32
        %get3A_1535 = arith.index_cast %add3A_1534 : i32 to index
        %get3A_1536 = arith.constant 0 : index
        %get3A_1537 = tpu.vector_load %arg8[%get3A_1535, %get3A_1536] {strides = array<i32>} : memref<1600x32xf32, #tpu.memory_space<vmem>>, vector<16xf32>,
        %add3A_1538 = arith.addf %add3A_1526, %get3A_1537 : vector<16xf32>
        %get3A_1539 = arith.index_cast %add3A_1534 : i32 to index
        %get3A_1540 = arith.constant 16 : index
        %get3A_1541 = tpu.vector_load %arg8[%get3A_1539, %get3A_1540] {strides = array<i32>} : memref<1600x32xf32, #tpu.memory_space<vmem>>, vector<16xf32>,
        %add3A_1542 = arith.addf %add3A_1530, %get3A_1541 : vector<16xf32>
        %mul3A_1543 = arith.constant 50 : i32
        %mul3A_1544 = arith.muli %scan3A_998, %mul3A_1543 : i32
        %add3A_1545 = arith.constant 45 : i32
        %add3A_1546 = arith.addi %mul3A_1544, %add3A_1545 : i32
        %get3A_1547 = arith.index_cast %add3A_1546 : i32 to index
        %get3A_1548 = arith.constant 0 : index
        %get3A_1549 = tpu.vector_load %arg8[%get3A_1547, %get3A_1548] {strides = array<i32>} : memref<1600x32xf32, #tpu.memory_space<vmem>>, vector<16xf32>,
        %add3A_1550 = arith.addf %add3A_1538, %get3A_1549 : vector<16xf32>
        %get3A_1551 = arith.index_cast %add3A_1546 : i32 to index
        %get3A_1552 = arith.constant 16 : index
        %get3A_1553 = tpu.vector_load %arg8[%get3A_1551, %get3A_1552] {strides = array<i32>} : memref<1600x32xf32, #tpu.memory_space<vmem>>, vector<16xf32>,
        %add3A_1554 = arith.addf %add3A_1542, %get3A_1553 : vector<16xf32>
        %mul3A_1555 = arith.constant 50 : i32
        %mul3A_1556 = arith.muli %scan3A_998, %mul3A_1555 : i32
        %add3A_1557 = arith.constant 46 : i32
        %add3A_1558 = arith.addi %mul3A_1556, %add3A_1557 : i32
        %get3A_1559 = arith.index_cast %add3A_1558 : i32 to index
        %get3A_1560 = arith.constant 0 : index
        %get3A_1561 = tpu.vector_load %arg8[%get3A_1559, %get3A_1560] {strides = array<i32>} : memref<1600x32xf32, #tpu.memory_space<vmem>>, vector<16xf32>,
        %add3A_1562 = arith.addf %add3A_1550, %get3A_1561 : vector<16xf32>
        %get3A_1563 = arith.index_cast %add3A_1558 : i32 to index
        %get3A_1564 = arith.constant 16 : index
        %get3A_1565 = tpu.vector_load %arg8[%get3A_1563, %get3A_1564] {strides = array<i32>} : memref<1600x32xf32, #tpu.memory_space<vmem>>, vector<16xf32>,
        %add3A_1566 = arith.addf %add3A_1554, %get3A_1565 : vector<16xf32>
        %mul3A_1567 = arith.constant 50 : i32
        %mul3A_1568 = arith.muli %scan3A_998, %mul3A_1567 : i32
        %add3A_1569 = arith.constant 47 : i32
        %add3A_1570 = arith.addi %mul3A_1568, %add3A_1569 : i32
        %get3A_1571 = arith.index_cast %add3A_1570 : i32 to index
        %get3A_1572 = arith.constant 0 : index
        %get3A_1573 = tpu.vector_load %arg8[%get3A_1571, %get3A_1572] {strides = array<i32>} : memref<1600x32xf32, #tpu.memory_space<vmem>>, vector<16xf32>,
        %add3A_1574 = arith.addf %add3A_1562, %get3A_1573 : vector<16xf32>
        %get3A_1575 = arith.index_cast %add3A_1570 : i32 to index
        %get3A_1576 = arith.constant 16 : index
        %get3A_1577 = tpu.vector_load %arg8[%get3A_1575, %get3A_1576] {strides = array<i32>} : memref<1600x32xf32, #tpu.memory_space<vmem>>, vector<16xf32>,
        %add3A_1578 = arith.addf %add3A_1566, %get3A_1577 : vector<16xf32>
        %mul3A_1579 = arith.constant 50 : i32
        %mul3A_1580 = arith.muli %scan3A_998, %mul3A_1579 : i32
        %add3A_1581 = arith.constant 48 : i32
        %add3A_1582 = arith.addi %mul3A_1580, %add3A_1581 : i32
        %get3A_1583 = arith.index_cast %add3A_1582 : i32 to index
        %get3A_1584 = arith.constant 0 : index
        %get3A_1585 = tpu.vector_load %arg8[%get3A_1583, %get3A_1584] {strides = array<i32>} : memref<1600x32xf32, #tpu.memory_space<vmem>>, vector<16xf32>,
        %add3A_1586 = arith.addf %add3A_1574, %get3A_1585 : vector<16xf32>
        %get3A_1587 = arith.index_cast %add3A_1582 : i32 to index
        %get3A_1588 = arith.constant 16 : index
        %get3A_1589 = tpu.vector_load %arg8[%get3A_1587, %get3A_1588] {strides = array<i32>} : memref<1600x32xf32, #tpu.memory_space<vmem>>, vector<16xf32>,
        %add3A_1590 = arith.addf %add3A_1578, %get3A_1589 : vector<16xf32>
        %mul3A_1591 = arith.constant 50 : i32
        %mul3A_1592 = arith.muli %scan3A_998, %mul3A_1591 : i32
        %add3A_1593 = arith.constant 49 : i32
        %add3A_1594 = arith.addi %mul3A_1592, %add3A_1593 : i32
        %get3A_1595 = arith.index_cast %add3A_1594 : i32 to index
        %get3A_1596 = arith.constant 0 : index
        %get3A_1597 = tpu.vector_load %arg8[%get3A_1595, %get3A_1596] {strides = array<i32>} : memref<1600x32xf32, #tpu.memory_space<vmem>>, vector<16xf32>,
        %add3A_1598 = arith.addf %add3A_1586, %get3A_1597 : vector<16xf32>
        %get3A_1599 = arith.index_cast %add3A_1594 : i32 to index
        %get3A_1600 = arith.constant 16 : index
        %get3A_1601 = tpu.vector_load %arg8[%get3A_1599, %get3A_1600] {strides = array<i32>} : memref<1600x32xf32, #tpu.memory_space<vmem>>, vector<16xf32>,
        %add3A_1602 = arith.addf %add3A_1590, %get3A_1601 : vector<16xf32>
        %add3A_1603 = arith.addi %add3A_731, %scan3A_998 : i32
        %jit3A = arith.constant 50 : i32
        %div3A = arith.divsi %add3A_1603, %jit3A : i32
        %sign3A = arith.constant 0 : i32
        %sign3A_1604 = arith.cmpi sgt, %add3A_1603, %sign3A : i32
        %sign3A_1605 = arith.extui %sign3A_1604 : i1 to i32
        %sign3A_1606 = arith.constant 0 : i32
        %sign3A_1607 = arith.cmpi slt, %add3A_1603, %sign3A_1606 : i32
        %sign3A_1608 = arith.extui %sign3A_1607 : i1 to i32
        %sign3A_1609 = arith.subi %sign3A_1605, %sign3A_1608 : i32
        %sign3A_1610 = arith.constant 0 : i32
        %sign3A_1611 = arith.cmpi sgt, %jit3A, %sign3A_1610 : i32
        %sign3A_1612 = arith.extui %sign3A_1611 : i1 to i32
        %sign3A_1613 = arith.constant 0 : i32
        %sign3A_1614 = arith.cmpi slt, %jit3A, %sign3A_1613 : i32
        %sign3A_1615 = arith.extui %sign3A_1614 : i1 to i32
        %sign3A_1616 = arith.subi %sign3A_1612, %sign3A_1615 : i32
        %ne3A = arith.cmpi ne, %sign3A_1609, %sign3A_1616 : i32
        %rem3A = arith.remsi %add3A_1603, %jit3A : i32
        %ne3A_1617 = arith.constant 0 : i32
        %ne3A_1618 = arith.cmpi ne, %rem3A, %ne3A_1617 : i32
        %and3A = arith.andi %ne3A, %ne3A_1618 : i1
        %sub3A = arith.constant 1 : i32
        %sub3A_1619 = arith.subi %div3A, %sub3A : i32
        %select_n3A = arith.select %and3A, %sub3A_1619, %div3A : i32
        %mul3A_1620 = arith.constant 32 : i32
        %mul3A_1621 = arith.muli %add3A, %mul3A_1620 : i32
        %sub3A_1622 = arith.subi %select_n3A, %mul3A_1621 : i32
        %get3A_1623 = arith.index_cast %sub3A_1622 : i32 to index
        %get3A_1624 = arith.constant 0 : index
        %get3A_1625 = tpu.vector_load %arg12[%get3A_1623, %get3A_1624] {strides = array<i32>} : memref<32x32xf32, #tpu.memory_space<vmem>>, vector<16xf32>,
        %swap3A = arith.index_cast %scan3A_998 : i32 to index
        %swap3A_1626 = arith.constant 0 : index
        %swap3A_1627 = tpu.vector_load %arg10[%swap3A, %swap3A_1626] {strides = array<i32>} : memref<32x128xf32, #tpu.memory_space<vmem>>, vector<16xf32>,
        tpu.vector_store %arg10[%swap3A, %swap3A_1626], %get3A_1625 {strides = array<i32>} : memref<32x128xf32, #tpu.memory_space<vmem>>, vector<16xf32>,
        %get3A_1628 = arith.index_cast %sub3A_1622 : i32 to index
        %get3A_1629 = arith.constant 16 : index
        %get3A_1630 = tpu.vector_load %arg12[%get3A_1628, %get3A_1629] {strides = array<i32>} : memref<32x32xf32, #tpu.memory_space<vmem>>, vector<16xf32>,
        %swap3A_1631 = arith.index_cast %scan3A_998 : i32 to index
        %swap3A_1632 = arith.constant 16 : index
        %swap3A_1633 = tpu.vector_load %arg10[%swap3A_1631, %swap3A_1632] {strides = array<i32>} : memref<32x128xf32, #tpu.memory_space<vmem>>, vector<16xf32>,
        tpu.vector_store %arg10[%swap3A_1631, %swap3A_1632], %get3A_1630 {strides = array<i32>} : memref<32x128xf32, #tpu.memory_space<vmem>>, vector<16xf32>,
        %swap3A_1634 = arith.index_cast %scan3A_998 : i32 to index
        %swap3A_1635 = arith.constant 32 : index
        %swap3A_1636 = tpu.vector_load %arg10[%swap3A_1634, %swap3A_1635] {strides = array<i32>} : memref<32x128xf32, #tpu.memory_space<vmem>>, vector<16xf32>,
        tpu.vector_store %arg10[%swap3A_1634, %swap3A_1635], %add3A_1598 {strides = array<i32>} : memref<32x128xf32, #tpu.memory_space<vmem>>, vector<16xf32>,
        %swap3A_1637 = arith.index_cast %scan3A_998 : i32 to index
        %swap3A_1638 = arith.constant 48 : index
        %swap3A_1639 = tpu.vector_load %arg10[%swap3A_1637, %swap3A_1638] {strides = array<i32>} : memref<32x128xf32, #tpu.memory_space<vmem>>, vector<16xf32>,
        tpu.vector_store %arg10[%swap3A_1637, %swap3A_1638], %add3A_1602 {strides = array<i32>} : memref<32x128xf32, #tpu.memory_space<vmem>>, vector<16xf32>,
        %scan3A_1640 = arith.constant 0 : i32
        scf.yield %scan3A_1640 : i32
      }
      %scan3A_738 = arith.constant 32 : i32
      "tpu.region"() ({
        %run_scoped3A = tpu.sem_alloc : memref<!tpu.dma_semaphore, #tpu.memory_space<semaphore_mem>>
        %dma_start3A_998 = arith.constant 0 : i32
        %dma_start3A_999 = tpu.memref_slice %arg5[%add3A_731, %dma_start3A_998] : memref<51200x128xf32, #tpu.memory_space<hbm>> -> memref<32x128xf32, #tpu.memory_space<hbm>>
        %dma_start3A_1000 = arith.constant 0 : i32
        %dma_start3A_1001 = tpu.memref_slice %arg5[%add3A_731, %dma_start3A_1000] : memref<51200x128xf32, #tpu.memory_space<hbm>> -> memref<32x128xf32, #tpu.memory_space<hbm>>
        tpu.enqueue_dma source(%arg10 : memref<32x128xf32, #tpu.memory_space<vmem>>) target(%dma_start3A_1001 : memref<32x128xf32, #tpu.memory_space<hbm>>) target_semaphore(%run_scoped3A : memref<!tpu.dma_semaphore, #tpu.memory_space<semaphore_mem>>)
        %dma_wait3A_1002 = arith.constant 0 : i32
        %dma_wait3A_1003 = tpu.memref_slice %arg5[%add3A_731, %dma_wait3A_1002] : memref<51200x128xf32, #tpu.memory_space<hbm>> -> memref<32x128xf32, #tpu.memory_space<hbm>>
        %dma_wait3A_1004 = arith.constant 0 : i32
        %dma_wait3A_1005 = tpu.memref_slice %arg5[%add3A_731, %dma_wait3A_1004] : memref<51200x128xf32, #tpu.memory_space<hbm>> -> memref<32x128xf32, #tpu.memory_space<hbm>>
        tpu.wait_dma2 semaphore(%run_scoped3A : memref<!tpu.dma_semaphore, #tpu.memory_space<semaphore_mem>>) src(%arg10 : memref<32x128xf32, #tpu.memory_space<vmem>>) dst(%dma_wait3A_1005 : memref<32x128xf32, #tpu.memory_space<hbm>>)
        tpu.yield
      }) : () -> ()
      %lt3A = arith.constant 24 : i32
      %lt3A_739 = arith.cmpi slt, %scan3A_314, %lt3A : i32
      %convert_element_type3A = arith.extui %lt3A_739 : i1 to i32
      %cond3A = arith.constant 0 : i32
      %cond3A_740 = arith.cmpi ne, %convert_element_type3A, %cond3A : i32
      scf.if %cond3A_740 {
        %mul3A_998 = arith.constant 2 : i32
        %mul3A_999 = arith.muli %mul3A_998, %scan3A_314 : i32
        %add3A_1000 = arith.constant 2 : i32
        %add3A_1001 = arith.addi %mul3A_999, %add3A_1000 : i32
        %mul3A_1002 = arith.constant 80000 : i32
        %mul3A_1003 = arith.muli %add3A, %mul3A_1002 : i32
        %mul3A_1004 = arith.constant 1600 : i32
        %mul3A_1005 = arith.muli %add3A_1001, %mul3A_1004 : i32
        %add3A_1006 = arith.addi %mul3A_1003, %mul3A_1005 : i32
        "tpu.region"() ({
          %run_scoped3A = tpu.sem_alloc : memref<!tpu.dma_semaphore, #tpu.memory_space<semaphore_mem>>
          %dma_start3A_1167 = tpu.memref_slice %arg3[%add3A_1006] : memref<2560000xi32, #tpu.memory_space<hbm>> -> memref<1600xi32, #tpu.memory_space<hbm>>
          %dma_start3A_1168 = tpu.memref_slice %arg3[%add3A_1006] : memref<2560000xi32, #tpu.memory_space<hbm>> -> memref<1600xi32, #tpu.memory_space<hbm>>
          tpu.enqueue_dma source(%dma_start3A_1168 : memref<1600xi32, #tpu.memory_space<hbm>>) target(%arg6 : memref<1600xi32, #tpu.memory_space<vmem>>) target_semaphore(%run_scoped3A : memref<!tpu.dma_semaphore, #tpu.memory_space<semaphore_mem>>)
          %dma_wait3A_1169 = tpu.memref_slice %arg3[%add3A_1006] : memref<2560000xi32, #tpu.memory_space<hbm>> -> memref<1600xi32, #tpu.memory_space<hbm>>
          %dma_wait3A_1170 = tpu.memref_slice %arg3[%add3A_1006] : memref<2560000xi32, #tpu.memory_space<hbm>> -> memref<1600xi32, #tpu.memory_space<hbm>>
          tpu.wait_dma2 semaphore(%run_scoped3A : memref<!tpu.dma_semaphore, #tpu.memory_space<semaphore_mem>>) src(%dma_wait3A_1170 : memref<1600xi32, #tpu.memory_space<hbm>>) dst(%arg6 : memref<1600xi32, #tpu.memory_space<vmem>>)
          tpu.yield
        }) : () -> ()
        %dma_start3A_1007 = arith.constant 0 : i32
        %dma_start3A_1008 = arith.constant 0 : i32
        %dma_start3A_1009 = tpu.memref_slice %arg8[%dma_start3A_1007, %dma_start3A_1008] : memref<1600x32xf32, #tpu.memory_space<vmem>> -> memref<80x32xf32, #tpu.memory_space<vmem>>
        %dma_start3A_1010 = arith.constant 0 : i32
        %dma_start3A_1011 = tpu.memref_slice %arg6[%dma_start3A_1010] : memref<1600xi32, #tpu.memory_space<vmem>> -> memref<80xi32, #tpu.memory_space<vmem>>
        %dma_start3A_1012 = arith.constant 0 : i32
        %dma_start3A_1013 = arith.constant 0 : i32
        %dma_start3A_1014 = tpu.memref_slice %arg4[%dma_start3A_1012, %dma_start3A_1013] : memref<1007616x32xf32, #tpu.memory_space<hbm>> -> memref<1007616x32xf32, #tpu.memory_space<hbm>>
        tpu.enqueue_indirect_dma source(%dma_start3A_1014 : memref<1007616x32xf32, #tpu.memory_space<hbm>>) target(%dma_start3A_1009 : memref<80x32xf32, #tpu.memory_space<vmem>>) offsets(%dma_start3A_1011 : memref<80xi32, #tpu.memory_space<vmem>>) semaphore(%arg14 : memref<!tpu.dma_semaphore, #tpu.memory_space<semaphore_mem>>)
        %dma_start3A_1015 = arith.constant 80 : i32
        %dma_start3A_1016 = arith.constant 0 : i32
        %dma_start3A_1017 = tpu.memref_slice %arg8[%dma_start3A_1015, %dma_start3A_1016] : memref<1600x32xf32, #tpu.memory_space<vmem>> -> memref<80x32xf32, #tpu.memory_space<vmem>>
        %dma_start3A_1018 = arith.constant 80 : i32
        %dma_start3A_1019 = tpu.memref_slice %arg6[%dma_start3A_1018] : memref<1600xi32, #tpu.memory_space<vmem>> -> memref<80xi32, #tpu.memory_space<vmem>>
        %dma_start3A_1020 = arith.constant 0 : i32
        %dma_start3A_1021 = arith.constant 0 : i32
        %dma_start3A_1022 = tpu.memref_slice %arg4[%dma_start3A_1020, %dma_start3A_1021] : memref<1007616x32xf32, #tpu.memory_space<hbm>> -> memref<1007616x32xf32, #tpu.memory_space<hbm>>
        tpu.enqueue_indirect_dma source(%dma_start3A_1022 : memref<1007616x32xf32, #tpu.memory_space<hbm>>) target(%dma_start3A_1017 : memref<80x32xf32, #tpu.memory_space<vmem>>) offsets(%dma_start3A_1019 : memref<80xi32, #tpu.memory_space<vmem>>) semaphore(%arg14 : memref<!tpu.dma_semaphore, #tpu.memory_space<semaphore_mem>>)
        %dma_start3A_1023 = arith.constant 160 : i32
        %dma_start3A_1024 = arith.constant 0 : i32
        %dma_start3A_1025 = tpu.memref_slice %arg8[%dma_start3A_1023, %dma_start3A_1024] : memref<1600x32xf32, #tpu.memory_space<vmem>> -> memref<80x32xf32, #tpu.memory_space<vmem>>
        %dma_start3A_1026 = arith.constant 160 : i32
        %dma_start3A_1027 = tpu.memref_slice %arg6[%dma_start3A_1026] : memref<1600xi32, #tpu.memory_space<vmem>> -> memref<80xi32, #tpu.memory_space<vmem>>
        %dma_start3A_1028 = arith.constant 0 : i32
        %dma_start3A_1029 = arith.constant 0 : i32
        %dma_start3A_1030 = tpu.memref_slice %arg4[%dma_start3A_1028, %dma_start3A_1029] : memref<1007616x32xf32, #tpu.memory_space<hbm>> -> memref<1007616x32xf32, #tpu.memory_space<hbm>>
        tpu.enqueue_indirect_dma source(%dma_start3A_1030 : memref<1007616x32xf32, #tpu.memory_space<hbm>>) target(%dma_start3A_1025 : memref<80x32xf32, #tpu.memory_space<vmem>>) offsets(%dma_start3A_1027 : memref<80xi32, #tpu.memory_space<vmem>>) semaphore(%arg14 : memref<!tpu.dma_semaphore, #tpu.memory_space<semaphore_mem>>)
        %dma_start3A_1031 = arith.constant 240 : i32
        %dma_start3A_1032 = arith.constant 0 : i32
        %dma_start3A_1033 = tpu.memref_slice %arg8[%dma_start3A_1031, %dma_start3A_1032] : memref<1600x32xf32, #tpu.memory_space<vmem>> -> memref<80x32xf32, #tpu.memory_space<vmem>>
        %dma_start3A_1034 = arith.constant 240 : i32
        %dma_start3A_1035 = tpu.memref_slice %arg6[%dma_start3A_1034] : memref<1600xi32, #tpu.memory_space<vmem>> -> memref<80xi32, #tpu.memory_space<vmem>>
        %dma_start3A_1036 = arith.constant 0 : i32
        %dma_start3A_1037 = arith.constant 0 : i32
        %dma_start3A_1038 = tpu.memref_slice %arg4[%dma_start3A_1036, %dma_start3A_1037] : memref<1007616x32xf32, #tpu.memory_space<hbm>> -> memref<1007616x32xf32, #tpu.memory_space<hbm>>
        tpu.enqueue_indirect_dma source(%dma_start3A_1038 : memref<1007616x32xf32, #tpu.memory_space<hbm>>) target(%dma_start3A_1033 : memref<80x32xf32, #tpu.memory_space<vmem>>) offsets(%dma_start3A_1035 : memref<80xi32, #tpu.memory_space<vmem>>) semaphore(%arg14 : memref<!tpu.dma_semaphore, #tpu.memory_space<semaphore_mem>>)
        %dma_start3A_1039 = arith.constant 320 : i32
        %dma_start3A_1040 = arith.constant 0 : i32
        %dma_start3A_1041 = tpu.memref_slice %arg8[%dma_start3A_1039, %dma_start3A_1040] : memref<1600x32xf32, #tpu.memory_space<vmem>> -> memref<80x32xf32, #tpu.memory_space<vmem>>
        %dma_start3A_1042 = arith.constant 320 : i32
        %dma_start3A_1043 = tpu.memref_slice %arg6[%dma_start3A_1042] : memref<1600xi32, #tpu.memory_space<vmem>> -> memref<80xi32, #tpu.memory_space<vmem>>
        %dma_start3A_1044 = arith.constant 0 : i32
        %dma_start3A_1045 = arith.constant 0 : i32
        %dma_start3A_1046 = tpu.memref_slice %arg4[%dma_start3A_1044, %dma_start3A_1045] : memref<1007616x32xf32, #tpu.memory_space<hbm>> -> memref<1007616x32xf32, #tpu.memory_space<hbm>>
        tpu.enqueue_indirect_dma source(%dma_start3A_1046 : memref<1007616x32xf32, #tpu.memory_space<hbm>>) target(%dma_start3A_1041 : memref<80x32xf32, #tpu.memory_space<vmem>>) offsets(%dma_start3A_1043 : memref<80xi32, #tpu.memory_space<vmem>>) semaphore(%arg14 : memref<!tpu.dma_semaphore, #tpu.memory_space<semaphore_mem>>)
        %dma_start3A_1047 = arith.constant 400 : i32
        %dma_start3A_1048 = arith.constant 0 : i32
        %dma_start3A_1049 = tpu.memref_slice %arg8[%dma_start3A_1047, %dma_start3A_1048] : memref<1600x32xf32, #tpu.memory_space<vmem>> -> memref<80x32xf32, #tpu.memory_space<vmem>>
        %dma_start3A_1050 = arith.constant 400 : i32
        %dma_start3A_1051 = tpu.memref_slice %arg6[%dma_start3A_1050] : memref<1600xi32, #tpu.memory_space<vmem>> -> memref<80xi32, #tpu.memory_space<vmem>>
        %dma_start3A_1052 = arith.constant 0 : i32
        %dma_start3A_1053 = arith.constant 0 : i32
        %dma_start3A_1054 = tpu.memref_slice %arg4[%dma_start3A_1052, %dma_start3A_1053] : memref<1007616x32xf32, #tpu.memory_space<hbm>> -> memref<1007616x32xf32, #tpu.memory_space<hbm>>
        tpu.enqueue_indirect_dma source(%dma_start3A_1054 : memref<1007616x32xf32, #tpu.memory_space<hbm>>) target(%dma_start3A_1049 : memref<80x32xf32, #tpu.memory_space<vmem>>) offsets(%dma_start3A_1051 : memref<80xi32, #tpu.memory_space<vmem>>) semaphore(%arg14 : memref<!tpu.dma_semaphore, #tpu.memory_space<semaphore_mem>>)
        %dma_start3A_1055 = arith.constant 480 : i32
        %dma_start3A_1056 = arith.constant 0 : i32
        %dma_start3A_1057 = tpu.memref_slice %arg8[%dma_start3A_1055, %dma_start3A_1056] : memref<1600x32xf32, #tpu.memory_space<vmem>> -> memref<80x32xf32, #tpu.memory_space<vmem>>
        %dma_start3A_1058 = arith.constant 480 : i32
        %dma_start3A_1059 = tpu.memref_slice %arg6[%dma_start3A_1058] : memref<1600xi32, #tpu.memory_space<vmem>> -> memref<80xi32, #tpu.memory_space<vmem>>
        %dma_start3A_1060 = arith.constant 0 : i32
        %dma_start3A_1061 = arith.constant 0 : i32
        %dma_start3A_1062 = tpu.memref_slice %arg4[%dma_start3A_1060, %dma_start3A_1061] : memref<1007616x32xf32, #tpu.memory_space<hbm>> -> memref<1007616x32xf32, #tpu.memory_space<hbm>>
        tpu.enqueue_indirect_dma source(%dma_start3A_1062 : memref<1007616x32xf32, #tpu.memory_space<hbm>>) target(%dma_start3A_1057 : memref<80x32xf32, #tpu.memory_space<vmem>>) offsets(%dma_start3A_1059 : memref<80xi32, #tpu.memory_space<vmem>>) semaphore(%arg14 : memref<!tpu.dma_semaphore, #tpu.memory_space<semaphore_mem>>)
        %dma_start3A_1063 = arith.constant 560 : i32
        %dma_start3A_1064 = arith.constant 0 : i32
        %dma_start3A_1065 = tpu.memref_slice %arg8[%dma_start3A_1063, %dma_start3A_1064] : memref<1600x32xf32, #tpu.memory_space<vmem>> -> memref<80x32xf32, #tpu.memory_space<vmem>>
        %dma_start3A_1066 = arith.constant 560 : i32
        %dma_start3A_1067 = tpu.memref_slice %arg6[%dma_start3A_1066] : memref<1600xi32, #tpu.memory_space<vmem>> -> memref<80xi32, #tpu.memory_space<vmem>>
        %dma_start3A_1068 = arith.constant 0 : i32
        %dma_start3A_1069 = arith.constant 0 : i32
        %dma_start3A_1070 = tpu.memref_slice %arg4[%dma_start3A_1068, %dma_start3A_1069] : memref<1007616x32xf32, #tpu.memory_space<hbm>> -> memref<1007616x32xf32, #tpu.memory_space<hbm>>
        tpu.enqueue_indirect_dma source(%dma_start3A_1070 : memref<1007616x32xf32, #tpu.memory_space<hbm>>) target(%dma_start3A_1065 : memref<80x32xf32, #tpu.memory_space<vmem>>) offsets(%dma_start3A_1067 : memref<80xi32, #tpu.memory_space<vmem>>) semaphore(%arg14 : memref<!tpu.dma_semaphore, #tpu.memory_space<semaphore_mem>>)
        %dma_start3A_1071 = arith.constant 640 : i32
        %dma_start3A_1072 = arith.constant 0 : i32
        %dma_start3A_1073 = tpu.memref_slice %arg8[%dma_start3A_1071, %dma_start3A_1072] : memref<1600x32xf32, #tpu.memory_space<vmem>> -> memref<80x32xf32, #tpu.memory_space<vmem>>
        %dma_start3A_1074 = arith.constant 640 : i32
        %dma_start3A_1075 = tpu.memref_slice %arg6[%dma_start3A_1074] : memref<1600xi32, #tpu.memory_space<vmem>> -> memref<80xi32, #tpu.memory_space<vmem>>
        %dma_start3A_1076 = arith.constant 0 : i32
        %dma_start3A_1077 = arith.constant 0 : i32
        %dma_start3A_1078 = tpu.memref_slice %arg4[%dma_start3A_1076, %dma_start3A_1077] : memref<1007616x32xf32, #tpu.memory_space<hbm>> -> memref<1007616x32xf32, #tpu.memory_space<hbm>>
        tpu.enqueue_indirect_dma source(%dma_start3A_1078 : memref<1007616x32xf32, #tpu.memory_space<hbm>>) target(%dma_start3A_1073 : memref<80x32xf32, #tpu.memory_space<vmem>>) offsets(%dma_start3A_1075 : memref<80xi32, #tpu.memory_space<vmem>>) semaphore(%arg14 : memref<!tpu.dma_semaphore, #tpu.memory_space<semaphore_mem>>)
        %dma_start3A_1079 = arith.constant 720 : i32
        %dma_start3A_1080 = arith.constant 0 : i32
        %dma_start3A_1081 = tpu.memref_slice %arg8[%dma_start3A_1079, %dma_start3A_1080] : memref<1600x32xf32, #tpu.memory_space<vmem>> -> memref<80x32xf32, #tpu.memory_space<vmem>>
        %dma_start3A_1082 = arith.constant 720 : i32
        %dma_start3A_1083 = tpu.memref_slice %arg6[%dma_start3A_1082] : memref<1600xi32, #tpu.memory_space<vmem>> -> memref<80xi32, #tpu.memory_space<vmem>>
        %dma_start3A_1084 = arith.constant 0 : i32
        %dma_start3A_1085 = arith.constant 0 : i32
        %dma_start3A_1086 = tpu.memref_slice %arg4[%dma_start3A_1084, %dma_start3A_1085] : memref<1007616x32xf32, #tpu.memory_space<hbm>> -> memref<1007616x32xf32, #tpu.memory_space<hbm>>
        tpu.enqueue_indirect_dma source(%dma_start3A_1086 : memref<1007616x32xf32, #tpu.memory_space<hbm>>) target(%dma_start3A_1081 : memref<80x32xf32, #tpu.memory_space<vmem>>) offsets(%dma_start3A_1083 : memref<80xi32, #tpu.memory_space<vmem>>) semaphore(%arg14 : memref<!tpu.dma_semaphore, #tpu.memory_space<semaphore_mem>>)
        %dma_start3A_1087 = arith.constant 800 : i32
        %dma_start3A_1088 = arith.constant 0 : i32
        %dma_start3A_1089 = tpu.memref_slice %arg8[%dma_start3A_1087, %dma_start3A_1088] : memref<1600x32xf32, #tpu.memory_space<vmem>> -> memref<80x32xf32, #tpu.memory_space<vmem>>
        %dma_start3A_1090 = arith.constant 800 : i32
        %dma_start3A_1091 = tpu.memref_slice %arg6[%dma_start3A_1090] : memref<1600xi32, #tpu.memory_space<vmem>> -> memref<80xi32, #tpu.memory_space<vmem>>
        %dma_start3A_1092 = arith.constant 0 : i32
        %dma_start3A_1093 = arith.constant 0 : i32
        %dma_start3A_1094 = tpu.memref_slice %arg4[%dma_start3A_1092, %dma_start3A_1093] : memref<1007616x32xf32, #tpu.memory_space<hbm>> -> memref<1007616x32xf32, #tpu.memory_space<hbm>>
        tpu.enqueue_indirect_dma source(%dma_start3A_1094 : memref<1007616x32xf32, #tpu.memory_space<hbm>>) target(%dma_start3A_1089 : memref<80x32xf32, #tpu.memory_space<vmem>>) offsets(%dma_start3A_1091 : memref<80xi32, #tpu.memory_space<vmem>>) semaphore(%arg14 : memref<!tpu.dma_semaphore, #tpu.memory_space<semaphore_mem>>)
        %dma_start3A_1095 = arith.constant 880 : i32
        %dma_start3A_1096 = arith.constant 0 : i32
        %dma_start3A_1097 = tpu.memref_slice %arg8[%dma_start3A_1095, %dma_start3A_1096] : memref<1600x32xf32, #tpu.memory_space<vmem>> -> memref<80x32xf32, #tpu.memory_space<vmem>>
        %dma_start3A_1098 = arith.constant 880 : i32
        %dma_start3A_1099 = tpu.memref_slice %arg6[%dma_start3A_1098] : memref<1600xi32, #tpu.memory_space<vmem>> -> memref<80xi32, #tpu.memory_space<vmem>>
        %dma_start3A_1100 = arith.constant 0 : i32
        %dma_start3A_1101 = arith.constant 0 : i32
        %dma_start3A_1102 = tpu.memref_slice %arg4[%dma_start3A_1100, %dma_start3A_1101] : memref<1007616x32xf32, #tpu.memory_space<hbm>> -> memref<1007616x32xf32, #tpu.memory_space<hbm>>
        tpu.enqueue_indirect_dma source(%dma_start3A_1102 : memref<1007616x32xf32, #tpu.memory_space<hbm>>) target(%dma_start3A_1097 : memref<80x32xf32, #tpu.memory_space<vmem>>) offsets(%dma_start3A_1099 : memref<80xi32, #tpu.memory_space<vmem>>) semaphore(%arg14 : memref<!tpu.dma_semaphore, #tpu.memory_space<semaphore_mem>>)
        %dma_start3A_1103 = arith.constant 960 : i32
        %dma_start3A_1104 = arith.constant 0 : i32
        %dma_start3A_1105 = tpu.memref_slice %arg8[%dma_start3A_1103, %dma_start3A_1104] : memref<1600x32xf32, #tpu.memory_space<vmem>> -> memref<80x32xf32, #tpu.memory_space<vmem>>
        %dma_start3A_1106 = arith.constant 960 : i32
        %dma_start3A_1107 = tpu.memref_slice %arg6[%dma_start3A_1106] : memref<1600xi32, #tpu.memory_space<vmem>> -> memref<80xi32, #tpu.memory_space<vmem>>
        %dma_start3A_1108 = arith.constant 0 : i32
        %dma_start3A_1109 = arith.constant 0 : i32
        %dma_start3A_1110 = tpu.memref_slice %arg4[%dma_start3A_1108, %dma_start3A_1109] : memref<1007616x32xf32, #tpu.memory_space<hbm>> -> memref<1007616x32xf32, #tpu.memory_space<hbm>>
        tpu.enqueue_indirect_dma source(%dma_start3A_1110 : memref<1007616x32xf32, #tpu.memory_space<hbm>>) target(%dma_start3A_1105 : memref<80x32xf32, #tpu.memory_space<vmem>>) offsets(%dma_start3A_1107 : memref<80xi32, #tpu.memory_space<vmem>>) semaphore(%arg14 : memref<!tpu.dma_semaphore, #tpu.memory_space<semaphore_mem>>)
        %dma_start3A_1111 = arith.constant 1040 : i32
        %dma_start3A_1112 = arith.constant 0 : i32
        %dma_start3A_1113 = tpu.memref_slice %arg8[%dma_start3A_1111, %dma_start3A_1112] : memref<1600x32xf32, #tpu.memory_space<vmem>> -> memref<80x32xf32, #tpu.memory_space<vmem>>
        %dma_start3A_1114 = arith.constant 1040 : i32
        %dma_start3A_1115 = tpu.memref_slice %arg6[%dma_start3A_1114] : memref<1600xi32, #tpu.memory_space<vmem>> -> memref<80xi32, #tpu.memory_space<vmem>>
        %dma_start3A_1116 = arith.constant 0 : i32
        %dma_start3A_1117 = arith.constant 0 : i32
        %dma_start3A_1118 = tpu.memref_slice %arg4[%dma_start3A_1116, %dma_start3A_1117] : memref<1007616x32xf32, #tpu.memory_space<hbm>> -> memref<1007616x32xf32, #tpu.memory_space<hbm>>
        tpu.enqueue_indirect_dma source(%dma_start3A_1118 : memref<1007616x32xf32, #tpu.memory_space<hbm>>) target(%dma_start3A_1113 : memref<80x32xf32, #tpu.memory_space<vmem>>) offsets(%dma_start3A_1115 : memref<80xi32, #tpu.memory_space<vmem>>) semaphore(%arg14 : memref<!tpu.dma_semaphore, #tpu.memory_space<semaphore_mem>>)
        %dma_start3A_1119 = arith.constant 1120 : i32
        %dma_start3A_1120 = arith.constant 0 : i32
        %dma_start3A_1121 = tpu.memref_slice %arg8[%dma_start3A_1119, %dma_start3A_1120] : memref<1600x32xf32, #tpu.memory_space<vmem>> -> memref<80x32xf32, #tpu.memory_space<vmem>>
        %dma_start3A_1122 = arith.constant 1120 : i32
        %dma_start3A_1123 = tpu.memref_slice %arg6[%dma_start3A_1122] : memref<1600xi32, #tpu.memory_space<vmem>> -> memref<80xi32, #tpu.memory_space<vmem>>
        %dma_start3A_1124 = arith.constant 0 : i32
        %dma_start3A_1125 = arith.constant 0 : i32
        %dma_start3A_1126 = tpu.memref_slice %arg4[%dma_start3A_1124, %dma_start3A_1125] : memref<1007616x32xf32, #tpu.memory_space<hbm>> -> memref<1007616x32xf32, #tpu.memory_space<hbm>>
        tpu.enqueue_indirect_dma source(%dma_start3A_1126 : memref<1007616x32xf32, #tpu.memory_space<hbm>>) target(%dma_start3A_1121 : memref<80x32xf32, #tpu.memory_space<vmem>>) offsets(%dma_start3A_1123 : memref<80xi32, #tpu.memory_space<vmem>>) semaphore(%arg14 : memref<!tpu.dma_semaphore, #tpu.memory_space<semaphore_mem>>)
        %dma_start3A_1127 = arith.constant 1200 : i32
        %dma_start3A_1128 = arith.constant 0 : i32
        %dma_start3A_1129 = tpu.memref_slice %arg8[%dma_start3A_1127, %dma_start3A_1128] : memref<1600x32xf32, #tpu.memory_space<vmem>> -> memref<80x32xf32, #tpu.memory_space<vmem>>
        %dma_start3A_1130 = arith.constant 1200 : i32
        %dma_start3A_1131 = tpu.memref_slice %arg6[%dma_start3A_1130] : memref<1600xi32, #tpu.memory_space<vmem>> -> memref<80xi32, #tpu.memory_space<vmem>>
        %dma_start3A_1132 = arith.constant 0 : i32
        %dma_start3A_1133 = arith.constant 0 : i32
        %dma_start3A_1134 = tpu.memref_slice %arg4[%dma_start3A_1132, %dma_start3A_1133] : memref<1007616x32xf32, #tpu.memory_space<hbm>> -> memref<1007616x32xf32, #tpu.memory_space<hbm>>
        tpu.enqueue_indirect_dma source(%dma_start3A_1134 : memref<1007616x32xf32, #tpu.memory_space<hbm>>) target(%dma_start3A_1129 : memref<80x32xf32, #tpu.memory_space<vmem>>) offsets(%dma_start3A_1131 : memref<80xi32, #tpu.memory_space<vmem>>) semaphore(%arg14 : memref<!tpu.dma_semaphore, #tpu.memory_space<semaphore_mem>>)
        %dma_start3A_1135 = arith.constant 1280 : i32
        %dma_start3A_1136 = arith.constant 0 : i32
        %dma_start3A_1137 = tpu.memref_slice %arg8[%dma_start3A_1135, %dma_start3A_1136] : memref<1600x32xf32, #tpu.memory_space<vmem>> -> memref<80x32xf32, #tpu.memory_space<vmem>>
        %dma_start3A_1138 = arith.constant 1280 : i32
        %dma_start3A_1139 = tpu.memref_slice %arg6[%dma_start3A_1138] : memref<1600xi32, #tpu.memory_space<vmem>> -> memref<80xi32, #tpu.memory_space<vmem>>
        %dma_start3A_1140 = arith.constant 0 : i32
        %dma_start3A_1141 = arith.constant 0 : i32
        %dma_start3A_1142 = tpu.memref_slice %arg4[%dma_start3A_1140, %dma_start3A_1141] : memref<1007616x32xf32, #tpu.memory_space<hbm>> -> memref<1007616x32xf32, #tpu.memory_space<hbm>>
        tpu.enqueue_indirect_dma source(%dma_start3A_1142 : memref<1007616x32xf32, #tpu.memory_space<hbm>>) target(%dma_start3A_1137 : memref<80x32xf32, #tpu.memory_space<vmem>>) offsets(%dma_start3A_1139 : memref<80xi32, #tpu.memory_space<vmem>>) semaphore(%arg14 : memref<!tpu.dma_semaphore, #tpu.memory_space<semaphore_mem>>)
        %dma_start3A_1143 = arith.constant 1360 : i32
        %dma_start3A_1144 = arith.constant 0 : i32
        %dma_start3A_1145 = tpu.memref_slice %arg8[%dma_start3A_1143, %dma_start3A_1144] : memref<1600x32xf32, #tpu.memory_space<vmem>> -> memref<80x32xf32, #tpu.memory_space<vmem>>
        %dma_start3A_1146 = arith.constant 1360 : i32
        %dma_start3A_1147 = tpu.memref_slice %arg6[%dma_start3A_1146] : memref<1600xi32, #tpu.memory_space<vmem>> -> memref<80xi32, #tpu.memory_space<vmem>>
        %dma_start3A_1148 = arith.constant 0 : i32
        %dma_start3A_1149 = arith.constant 0 : i32
        %dma_start3A_1150 = tpu.memref_slice %arg4[%dma_start3A_1148, %dma_start3A_1149] : memref<1007616x32xf32, #tpu.memory_space<hbm>> -> memref<1007616x32xf32, #tpu.memory_space<hbm>>
        tpu.enqueue_indirect_dma source(%dma_start3A_1150 : memref<1007616x32xf32, #tpu.memory_space<hbm>>) target(%dma_start3A_1145 : memref<80x32xf32, #tpu.memory_space<vmem>>) offsets(%dma_start3A_1147 : memref<80xi32, #tpu.memory_space<vmem>>) semaphore(%arg14 : memref<!tpu.dma_semaphore, #tpu.memory_space<semaphore_mem>>)
        %dma_start3A_1151 = arith.constant 1440 : i32
        %dma_start3A_1152 = arith.constant 0 : i32
        %dma_start3A_1153 = tpu.memref_slice %arg8[%dma_start3A_1151, %dma_start3A_1152] : memref<1600x32xf32, #tpu.memory_space<vmem>> -> memref<80x32xf32, #tpu.memory_space<vmem>>
        %dma_start3A_1154 = arith.constant 1440 : i32
        %dma_start3A_1155 = tpu.memref_slice %arg6[%dma_start3A_1154] : memref<1600xi32, #tpu.memory_space<vmem>> -> memref<80xi32, #tpu.memory_space<vmem>>
        %dma_start3A_1156 = arith.constant 0 : i32
        %dma_start3A_1157 = arith.constant 0 : i32
        %dma_start3A_1158 = tpu.memref_slice %arg4[%dma_start3A_1156, %dma_start3A_1157] : memref<1007616x32xf32, #tpu.memory_space<hbm>> -> memref<1007616x32xf32, #tpu.memory_space<hbm>>
        tpu.enqueue_indirect_dma source(%dma_start3A_1158 : memref<1007616x32xf32, #tpu.memory_space<hbm>>) target(%dma_start3A_1153 : memref<80x32xf32, #tpu.memory_space<vmem>>) offsets(%dma_start3A_1155 : memref<80xi32, #tpu.memory_space<vmem>>) semaphore(%arg14 : memref<!tpu.dma_semaphore, #tpu.memory_space<semaphore_mem>>)
        %dma_start3A_1159 = arith.constant 1520 : i32
        %dma_start3A_1160 = arith.constant 0 : i32
        %dma_start3A_1161 = tpu.memref_slice %arg8[%dma_start3A_1159, %dma_start3A_1160] : memref<1600x32xf32, #tpu.memory_space<vmem>> -> memref<80x32xf32, #tpu.memory_space<vmem>>
        %dma_start3A_1162 = arith.constant 1520 : i32
        %dma_start3A_1163 = tpu.memref_slice %arg6[%dma_start3A_1162] : memref<1600xi32, #tpu.memory_space<vmem>> -> memref<80xi32, #tpu.memory_space<vmem>>
        %dma_start3A_1164 = arith.constant 0 : i32
        %dma_start3A_1165 = arith.constant 0 : i32
        %dma_start3A_1166 = tpu.memref_slice %arg4[%dma_start3A_1164, %dma_start3A_1165] : memref<1007616x32xf32, #tpu.memory_space<hbm>> -> memref<1007616x32xf32, #tpu.memory_space<hbm>>
        tpu.enqueue_indirect_dma source(%dma_start3A_1166 : memref<1007616x32xf32, #tpu.memory_space<hbm>>) target(%dma_start3A_1161 : memref<80x32xf32, #tpu.memory_space<vmem>>) offsets(%dma_start3A_1163 : memref<80xi32, #tpu.memory_space<vmem>>) semaphore(%arg14 : memref<!tpu.dma_semaphore, #tpu.memory_space<semaphore_mem>>)
      } else {
      }
      %dma_wait3A_741 = arith.constant 0 : i32
      %dma_wait3A_742 = arith.constant 0 : i32
      %dma_wait3A_743 = tpu.memref_slice %arg9[%dma_wait3A_741, %dma_wait3A_742] : memref<1600x32xf32, #tpu.memory_space<vmem>> -> memref<80x32xf32, #tpu.memory_space<vmem>>
      %dma_wait3A_744 = arith.constant 0 : i32
      %dma_wait3A_745 = arith.constant 0 : i32
      %dma_wait3A_746 = tpu.memref_slice %arg4[%dma_wait3A_744, %dma_wait3A_745] : memref<1007616x32xf32, #tpu.memory_space<hbm>> -> memref<80x32xf32, #tpu.memory_space<hbm>>
      %dma_wait3A_747 = arith.constant 0 : i32
      %dma_wait3A_748 = arith.constant 0 : i32
      %dma_wait3A_749 = tpu.memref_slice %arg9[%dma_wait3A_747, %dma_wait3A_748] : memref<1600x32xf32, #tpu.memory_space<vmem>> -> memref<80x32xf32, #tpu.memory_space<vmem>>
      %dma_wait3A_750 = arith.constant 0 : i32
      %dma_wait3A_751 = arith.constant 0 : i32
      %dma_wait3A_752 = tpu.memref_slice %arg4[%dma_wait3A_750, %dma_wait3A_751] : memref<1007616x32xf32, #tpu.memory_space<hbm>> -> memref<80x32xf32, #tpu.memory_space<hbm>>
      tpu.wait_dma2 semaphore(%arg15 : memref<!tpu.dma_semaphore, #tpu.memory_space<semaphore_mem>>) src(%dma_wait3A_752 : memref<80x32xf32, #tpu.memory_space<hbm>>) dst(%dma_wait3A_749 : memref<80x32xf32, #tpu.memory_space<vmem>>)
      %dma_wait3A_753 = arith.constant 80 : i32
      %dma_wait3A_754 = arith.constant 0 : i32
      %dma_wait3A_755 = tpu.memref_slice %arg9[%dma_wait3A_753, %dma_wait3A_754] : memref<1600x32xf32, #tpu.memory_space<vmem>> -> memref<80x32xf32, #tpu.memory_space<vmem>>
      %dma_wait3A_756 = arith.constant 0 : i32
      %dma_wait3A_757 = arith.constant 0 : i32
      %dma_wait3A_758 = tpu.memref_slice %arg4[%dma_wait3A_756, %dma_wait3A_757] : memref<1007616x32xf32, #tpu.memory_space<hbm>> -> memref<80x32xf32, #tpu.memory_space<hbm>>
      %dma_wait3A_759 = arith.constant 80 : i32
      %dma_wait3A_760 = arith.constant 0 : i32
      %dma_wait3A_761 = tpu.memref_slice %arg9[%dma_wait3A_759, %dma_wait3A_760] : memref<1600x32xf32, #tpu.memory_space<vmem>> -> memref<80x32xf32, #tpu.memory_space<vmem>>
      %dma_wait3A_762 = arith.constant 0 : i32
      %dma_wait3A_763 = arith.constant 0 : i32
      %dma_wait3A_764 = tpu.memref_slice %arg4[%dma_wait3A_762, %dma_wait3A_763] : memref<1007616x32xf32, #tpu.memory_space<hbm>> -> memref<80x32xf32, #tpu.memory_space<hbm>>
      tpu.wait_dma2 semaphore(%arg15 : memref<!tpu.dma_semaphore, #tpu.memory_space<semaphore_mem>>) src(%dma_wait3A_764 : memref<80x32xf32, #tpu.memory_space<hbm>>) dst(%dma_wait3A_761 : memref<80x32xf32, #tpu.memory_space<vmem>>)
      %dma_wait3A_765 = arith.constant 160 : i32
      %dma_wait3A_766 = arith.constant 0 : i32
      %dma_wait3A_767 = tpu.memref_slice %arg9[%dma_wait3A_765, %dma_wait3A_766] : memref<1600x32xf32, #tpu.memory_space<vmem>> -> memref<80x32xf32, #tpu.memory_space<vmem>>
      %dma_wait3A_768 = arith.constant 0 : i32
      %dma_wait3A_769 = arith.constant 0 : i32
      %dma_wait3A_770 = tpu.memref_slice %arg4[%dma_wait3A_768, %dma_wait3A_769] : memref<1007616x32xf32, #tpu.memory_space<hbm>> -> memref<80x32xf32, #tpu.memory_space<hbm>>
      %dma_wait3A_771 = arith.constant 160 : i32
      %dma_wait3A_772 = arith.constant 0 : i32
      %dma_wait3A_773 = tpu.memref_slice %arg9[%dma_wait3A_771, %dma_wait3A_772] : memref<1600x32xf32, #tpu.memory_space<vmem>> -> memref<80x32xf32, #tpu.memory_space<vmem>>
      %dma_wait3A_774 = arith.constant 0 : i32
      %dma_wait3A_775 = arith.constant 0 : i32
      %dma_wait3A_776 = tpu.memref_slice %arg4[%dma_wait3A_774, %dma_wait3A_775] : memref<1007616x32xf32, #tpu.memory_space<hbm>> -> memref<80x32xf32, #tpu.memory_space<hbm>>
      tpu.wait_dma2 semaphore(%arg15 : memref<!tpu.dma_semaphore, #tpu.memory_space<semaphore_mem>>) src(%dma_wait3A_776 : memref<80x32xf32, #tpu.memory_space<hbm>>) dst(%dma_wait3A_773 : memref<80x32xf32, #tpu.memory_space<vmem>>)
      %dma_wait3A_777 = arith.constant 240 : i32
      %dma_wait3A_778 = arith.constant 0 : i32
      %dma_wait3A_779 = tpu.memref_slice %arg9[%dma_wait3A_777, %dma_wait3A_778] : memref<1600x32xf32, #tpu.memory_space<vmem>> -> memref<80x32xf32, #tpu.memory_space<vmem>>
      %dma_wait3A_780 = arith.constant 0 : i32
      %dma_wait3A_781 = arith.constant 0 : i32
      %dma_wait3A_782 = tpu.memref_slice %arg4[%dma_wait3A_780, %dma_wait3A_781] : memref<1007616x32xf32, #tpu.memory_space<hbm>> -> memref<80x32xf32, #tpu.memory_space<hbm>>
      %dma_wait3A_783 = arith.constant 240 : i32
      %dma_wait3A_784 = arith.constant 0 : i32
      %dma_wait3A_785 = tpu.memref_slice %arg9[%dma_wait3A_783, %dma_wait3A_784] : memref<1600x32xf32, #tpu.memory_space<vmem>> -> memref<80x32xf32, #tpu.memory_space<vmem>>
      %dma_wait3A_786 = arith.constant 0 : i32
      %dma_wait3A_787 = arith.constant 0 : i32
      %dma_wait3A_788 = tpu.memref_slice %arg4[%dma_wait3A_786, %dma_wait3A_787] : memref<1007616x32xf32, #tpu.memory_space<hbm>> -> memref<80x32xf32, #tpu.memory_space<hbm>>
      tpu.wait_dma2 semaphore(%arg15 : memref<!tpu.dma_semaphore, #tpu.memory_space<semaphore_mem>>) src(%dma_wait3A_788 : memref<80x32xf32, #tpu.memory_space<hbm>>) dst(%dma_wait3A_785 : memref<80x32xf32, #tpu.memory_space<vmem>>)
      %dma_wait3A_789 = arith.constant 320 : i32
      %dma_wait3A_790 = arith.constant 0 : i32
      %dma_wait3A_791 = tpu.memref_slice %arg9[%dma_wait3A_789, %dma_wait3A_790] : memref<1600x32xf32, #tpu.memory_space<vmem>> -> memref<80x32xf32, #tpu.memory_space<vmem>>
      %dma_wait3A_792 = arith.constant 0 : i32
      %dma_wait3A_793 = arith.constant 0 : i32
      %dma_wait3A_794 = tpu.memref_slice %arg4[%dma_wait3A_792, %dma_wait3A_793] : memref<1007616x32xf32, #tpu.memory_space<hbm>> -> memref<80x32xf32, #tpu.memory_space<hbm>>
      %dma_wait3A_795 = arith.constant 320 : i32
      %dma_wait3A_796 = arith.constant 0 : i32
      %dma_wait3A_797 = tpu.memref_slice %arg9[%dma_wait3A_795, %dma_wait3A_796] : memref<1600x32xf32, #tpu.memory_space<vmem>> -> memref<80x32xf32, #tpu.memory_space<vmem>>
      %dma_wait3A_798 = arith.constant 0 : i32
      %dma_wait3A_799 = arith.constant 0 : i32
      %dma_wait3A_800 = tpu.memref_slice %arg4[%dma_wait3A_798, %dma_wait3A_799] : memref<1007616x32xf32, #tpu.memory_space<hbm>> -> memref<80x32xf32, #tpu.memory_space<hbm>>
      tpu.wait_dma2 semaphore(%arg15 : memref<!tpu.dma_semaphore, #tpu.memory_space<semaphore_mem>>) src(%dma_wait3A_800 : memref<80x32xf32, #tpu.memory_space<hbm>>) dst(%dma_wait3A_797 : memref<80x32xf32, #tpu.memory_space<vmem>>)
      %dma_wait3A_801 = arith.constant 400 : i32
      %dma_wait3A_802 = arith.constant 0 : i32
      %dma_wait3A_803 = tpu.memref_slice %arg9[%dma_wait3A_801, %dma_wait3A_802] : memref<1600x32xf32, #tpu.memory_space<vmem>> -> memref<80x32xf32, #tpu.memory_space<vmem>>
      %dma_wait3A_804 = arith.constant 0 : i32
      %dma_wait3A_805 = arith.constant 0 : i32
      %dma_wait3A_806 = tpu.memref_slice %arg4[%dma_wait3A_804, %dma_wait3A_805] : memref<1007616x32xf32, #tpu.memory_space<hbm>> -> memref<80x32xf32, #tpu.memory_space<hbm>>
      %dma_wait3A_807 = arith.constant 400 : i32
      %dma_wait3A_808 = arith.constant 0 : i32
      %dma_wait3A_809 = tpu.memref_slice %arg9[%dma_wait3A_807, %dma_wait3A_808] : memref<1600x32xf32, #tpu.memory_space<vmem>> -> memref<80x32xf32, #tpu.memory_space<vmem>>
      %dma_wait3A_810 = arith.constant 0 : i32
      %dma_wait3A_811 = arith.constant 0 : i32
      %dma_wait3A_812 = tpu.memref_slice %arg4[%dma_wait3A_810, %dma_wait3A_811] : memref<1007616x32xf32, #tpu.memory_space<hbm>> -> memref<80x32xf32, #tpu.memory_space<hbm>>
      tpu.wait_dma2 semaphore(%arg15 : memref<!tpu.dma_semaphore, #tpu.memory_space<semaphore_mem>>) src(%dma_wait3A_812 : memref<80x32xf32, #tpu.memory_space<hbm>>) dst(%dma_wait3A_809 : memref<80x32xf32, #tpu.memory_space<vmem>>)
      %dma_wait3A_813 = arith.constant 480 : i32
      %dma_wait3A_814 = arith.constant 0 : i32
      %dma_wait3A_815 = tpu.memref_slice %arg9[%dma_wait3A_813, %dma_wait3A_814] : memref<1600x32xf32, #tpu.memory_space<vmem>> -> memref<80x32xf32, #tpu.memory_space<vmem>>
      %dma_wait3A_816 = arith.constant 0 : i32
      %dma_wait3A_817 = arith.constant 0 : i32
      %dma_wait3A_818 = tpu.memref_slice %arg4[%dma_wait3A_816, %dma_wait3A_817] : memref<1007616x32xf32, #tpu.memory_space<hbm>> -> memref<80x32xf32, #tpu.memory_space<hbm>>
      %dma_wait3A_819 = arith.constant 480 : i32
      %dma_wait3A_820 = arith.constant 0 : i32
      %dma_wait3A_821 = tpu.memref_slice %arg9[%dma_wait3A_819, %dma_wait3A_820] : memref<1600x32xf32, #tpu.memory_space<vmem>> -> memref<80x32xf32, #tpu.memory_space<vmem>>
      %dma_wait3A_822 = arith.constant 0 : i32
      %dma_wait3A_823 = arith.constant 0 : i32
      %dma_wait3A_824 = tpu.memref_slice %arg4[%dma_wait3A_822, %dma_wait3A_823] : memref<1007616x32xf32, #tpu.memory_space<hbm>> -> memref<80x32xf32, #tpu.memory_space<hbm>>
      tpu.wait_dma2 semaphore(%arg15 : memref<!tpu.dma_semaphore, #tpu.memory_space<semaphore_mem>>) src(%dma_wait3A_824 : memref<80x32xf32, #tpu.memory_space<hbm>>) dst(%dma_wait3A_821 : memref<80x32xf32, #tpu.memory_space<vmem>>)
      %dma_wait3A_825 = arith.constant 560 : i32
      %dma_wait3A_826 = arith.constant 0 : i32
      %dma_wait3A_827 = tpu.memref_slice %arg9[%dma_wait3A_825, %dma_wait3A_826] : memref<1600x32xf32, #tpu.memory_space<vmem>> -> memref<80x32xf32, #tpu.memory_space<vmem>>
      %dma_wait3A_828 = arith.constant 0 : i32
      %dma_wait3A_829 = arith.constant 0 : i32
      %dma_wait3A_830 = tpu.memref_slice %arg4[%dma_wait3A_828, %dma_wait3A_829] : memref<1007616x32xf32, #tpu.memory_space<hbm>> -> memref<80x32xf32, #tpu.memory_space<hbm>>
      %dma_wait3A_831 = arith.constant 560 : i32
      %dma_wait3A_832 = arith.constant 0 : i32
      %dma_wait3A_833 = tpu.memref_slice %arg9[%dma_wait3A_831, %dma_wait3A_832] : memref<1600x32xf32, #tpu.memory_space<vmem>> -> memref<80x32xf32, #tpu.memory_space<vmem>>
      %dma_wait3A_834 = arith.constant 0 : i32
      %dma_wait3A_835 = arith.constant 0 : i32
      %dma_wait3A_836 = tpu.memref_slice %arg4[%dma_wait3A_834, %dma_wait3A_835] : memref<1007616x32xf32, #tpu.memory_space<hbm>> -> memref<80x32xf32, #tpu.memory_space<hbm>>
      tpu.wait_dma2 semaphore(%arg15 : memref<!tpu.dma_semaphore, #tpu.memory_space<semaphore_mem>>) src(%dma_wait3A_836 : memref<80x32xf32, #tpu.memory_space<hbm>>) dst(%dma_wait3A_833 : memref<80x32xf32, #tpu.memory_space<vmem>>)
      %dma_wait3A_837 = arith.constant 640 : i32
      %dma_wait3A_838 = arith.constant 0 : i32
      %dma_wait3A_839 = tpu.memref_slice %arg9[%dma_wait3A_837, %dma_wait3A_838] : memref<1600x32xf32, #tpu.memory_space<vmem>> -> memref<80x32xf32, #tpu.memory_space<vmem>>
      %dma_wait3A_840 = arith.constant 0 : i32
      %dma_wait3A_841 = arith.constant 0 : i32
      %dma_wait3A_842 = tpu.memref_slice %arg4[%dma_wait3A_840, %dma_wait3A_841] : memref<1007616x32xf32, #tpu.memory_space<hbm>> -> memref<80x32xf32, #tpu.memory_space<hbm>>
      %dma_wait3A_843 = arith.constant 640 : i32
      %dma_wait3A_844 = arith.constant 0 : i32
      %dma_wait3A_845 = tpu.memref_slice %arg9[%dma_wait3A_843, %dma_wait3A_844] : memref<1600x32xf32, #tpu.memory_space<vmem>> -> memref<80x32xf32, #tpu.memory_space<vmem>>
      %dma_wait3A_846 = arith.constant 0 : i32
      %dma_wait3A_847 = arith.constant 0 : i32
      %dma_wait3A_848 = tpu.memref_slice %arg4[%dma_wait3A_846, %dma_wait3A_847] : memref<1007616x32xf32, #tpu.memory_space<hbm>> -> memref<80x32xf32, #tpu.memory_space<hbm>>
      tpu.wait_dma2 semaphore(%arg15 : memref<!tpu.dma_semaphore, #tpu.memory_space<semaphore_mem>>) src(%dma_wait3A_848 : memref<80x32xf32, #tpu.memory_space<hbm>>) dst(%dma_wait3A_845 : memref<80x32xf32, #tpu.memory_space<vmem>>)
      %dma_wait3A_849 = arith.constant 720 : i32
      %dma_wait3A_850 = arith.constant 0 : i32
      %dma_wait3A_851 = tpu.memref_slice %arg9[%dma_wait3A_849, %dma_wait3A_850] : memref<1600x32xf32, #tpu.memory_space<vmem>> -> memref<80x32xf32, #tpu.memory_space<vmem>>
      %dma_wait3A_852 = arith.constant 0 : i32
      %dma_wait3A_853 = arith.constant 0 : i32
      %dma_wait3A_854 = tpu.memref_slice %arg4[%dma_wait3A_852, %dma_wait3A_853] : memref<1007616x32xf32, #tpu.memory_space<hbm>> -> memref<80x32xf32, #tpu.memory_space<hbm>>
      %dma_wait3A_855 = arith.constant 720 : i32
      %dma_wait3A_856 = arith.constant 0 : i32
      %dma_wait3A_857 = tpu.memref_slice %arg9[%dma_wait3A_855, %dma_wait3A_856] : memref<1600x32xf32, #tpu.memory_space<vmem>> -> memref<80x32xf32, #tpu.memory_space<vmem>>
      %dma_wait3A_858 = arith.constant 0 : i32
      %dma_wait3A_859 = arith.constant 0 : i32
      %dma_wait3A_860 = tpu.memref_slice %arg4[%dma_wait3A_858, %dma_wait3A_859] : memref<1007616x32xf32, #tpu.memory_space<hbm>> -> memref<80x32xf32, #tpu.memory_space<hbm>>
      tpu.wait_dma2 semaphore(%arg15 : memref<!tpu.dma_semaphore, #tpu.memory_space<semaphore_mem>>) src(%dma_wait3A_860 : memref<80x32xf32, #tpu.memory_space<hbm>>) dst(%dma_wait3A_857 : memref<80x32xf32, #tpu.memory_space<vmem>>)
      %dma_wait3A_861 = arith.constant 800 : i32
      %dma_wait3A_862 = arith.constant 0 : i32
      %dma_wait3A_863 = tpu.memref_slice %arg9[%dma_wait3A_861, %dma_wait3A_862] : memref<1600x32xf32, #tpu.memory_space<vmem>> -> memref<80x32xf32, #tpu.memory_space<vmem>>
      %dma_wait3A_864 = arith.constant 0 : i32
      %dma_wait3A_865 = arith.constant 0 : i32
      %dma_wait3A_866 = tpu.memref_slice %arg4[%dma_wait3A_864, %dma_wait3A_865] : memref<1007616x32xf32, #tpu.memory_space<hbm>> -> memref<80x32xf32, #tpu.memory_space<hbm>>
      %dma_wait3A_867 = arith.constant 800 : i32
      %dma_wait3A_868 = arith.constant 0 : i32
      %dma_wait3A_869 = tpu.memref_slice %arg9[%dma_wait3A_867, %dma_wait3A_868] : memref<1600x32xf32, #tpu.memory_space<vmem>> -> memref<80x32xf32, #tpu.memory_space<vmem>>
      %dma_wait3A_870 = arith.constant 0 : i32
      %dma_wait3A_871 = arith.constant 0 : i32
      %dma_wait3A_872 = tpu.memref_slice %arg4[%dma_wait3A_870, %dma_wait3A_871] : memref<1007616x32xf32, #tpu.memory_space<hbm>> -> memref<80x32xf32, #tpu.memory_space<hbm>>
      tpu.wait_dma2 semaphore(%arg15 : memref<!tpu.dma_semaphore, #tpu.memory_space<semaphore_mem>>) src(%dma_wait3A_872 : memref<80x32xf32, #tpu.memory_space<hbm>>) dst(%dma_wait3A_869 : memref<80x32xf32, #tpu.memory_space<vmem>>)
      %dma_wait3A_873 = arith.constant 880 : i32
      %dma_wait3A_874 = arith.constant 0 : i32
      %dma_wait3A_875 = tpu.memref_slice %arg9[%dma_wait3A_873, %dma_wait3A_874] : memref<1600x32xf32, #tpu.memory_space<vmem>> -> memref<80x32xf32, #tpu.memory_space<vmem>>
      %dma_wait3A_876 = arith.constant 0 : i32
      %dma_wait3A_877 = arith.constant 0 : i32
      %dma_wait3A_878 = tpu.memref_slice %arg4[%dma_wait3A_876, %dma_wait3A_877] : memref<1007616x32xf32, #tpu.memory_space<hbm>> -> memref<80x32xf32, #tpu.memory_space<hbm>>
      %dma_wait3A_879 = arith.constant 880 : i32
      %dma_wait3A_880 = arith.constant 0 : i32
      %dma_wait3A_881 = tpu.memref_slice %arg9[%dma_wait3A_879, %dma_wait3A_880] : memref<1600x32xf32, #tpu.memory_space<vmem>> -> memref<80x32xf32, #tpu.memory_space<vmem>>
      %dma_wait3A_882 = arith.constant 0 : i32
      %dma_wait3A_883 = arith.constant 0 : i32
      %dma_wait3A_884 = tpu.memref_slice %arg4[%dma_wait3A_882, %dma_wait3A_883] : memref<1007616x32xf32, #tpu.memory_space<hbm>> -> memref<80x32xf32, #tpu.memory_space<hbm>>
      tpu.wait_dma2 semaphore(%arg15 : memref<!tpu.dma_semaphore, #tpu.memory_space<semaphore_mem>>) src(%dma_wait3A_884 : memref<80x32xf32, #tpu.memory_space<hbm>>) dst(%dma_wait3A_881 : memref<80x32xf32, #tpu.memory_space<vmem>>)
      %dma_wait3A_885 = arith.constant 960 : i32
      %dma_wait3A_886 = arith.constant 0 : i32
      %dma_wait3A_887 = tpu.memref_slice %arg9[%dma_wait3A_885, %dma_wait3A_886] : memref<1600x32xf32, #tpu.memory_space<vmem>> -> memref<80x32xf32, #tpu.memory_space<vmem>>
      %dma_wait3A_888 = arith.constant 0 : i32
      %dma_wait3A_889 = arith.constant 0 : i32
      %dma_wait3A_890 = tpu.memref_slice %arg4[%dma_wait3A_888, %dma_wait3A_889] : memref<1007616x32xf32, #tpu.memory_space<hbm>> -> memref<80x32xf32, #tpu.memory_space<hbm>>
      %dma_wait3A_891 = arith.constant 960 : i32
      %dma_wait3A_892 = arith.constant 0 : i32
      %dma_wait3A_893 = tpu.memref_slice %arg9[%dma_wait3A_891, %dma_wait3A_892] : memref<1600x32xf32, #tpu.memory_space<vmem>> -> memref<80x32xf32, #tpu.memory_space<vmem>>
      %dma_wait3A_894 = arith.constant 0 : i32
      %dma_wait3A_895 = arith.constant 0 : i32
      %dma_wait3A_896 = tpu.memref_slice %arg4[%dma_wait3A_894, %dma_wait3A_895] : memref<1007616x32xf32, #tpu.memory_space<hbm>> -> memref<80x32xf32, #tpu.memory_space<hbm>>
      tpu.wait_dma2 semaphore(%arg15 : memref<!tpu.dma_semaphore, #tpu.memory_space<semaphore_mem>>) src(%dma_wait3A_896 : memref<80x32xf32, #tpu.memory_space<hbm>>) dst(%dma_wait3A_893 : memref<80x32xf32, #tpu.memory_space<vmem>>)
      %dma_wait3A_897 = arith.constant 1040 : i32
      %dma_wait3A_898 = arith.constant 0 : i32
      %dma_wait3A_899 = tpu.memref_slice %arg9[%dma_wait3A_897, %dma_wait3A_898] : memref<1600x32xf32, #tpu.memory_space<vmem>> -> memref<80x32xf32, #tpu.memory_space<vmem>>
      %dma_wait3A_900 = arith.constant 0 : i32
      %dma_wait3A_901 = arith.constant 0 : i32
      %dma_wait3A_902 = tpu.memref_slice %arg4[%dma_wait3A_900, %dma_wait3A_901] : memref<1007616x32xf32, #tpu.memory_space<hbm>> -> memref<80x32xf32, #tpu.memory_space<hbm>>
      %dma_wait3A_903 = arith.constant 1040 : i32
      %dma_wait3A_904 = arith.constant 0 : i32
      %dma_wait3A_905 = tpu.memref_slice %arg9[%dma_wait3A_903, %dma_wait3A_904] : memref<1600x32xf32, #tpu.memory_space<vmem>> -> memref<80x32xf32, #tpu.memory_space<vmem>>
      %dma_wait3A_906 = arith.constant 0 : i32
      %dma_wait3A_907 = arith.constant 0 : i32
      %dma_wait3A_908 = tpu.memref_slice %arg4[%dma_wait3A_906, %dma_wait3A_907] : memref<1007616x32xf32, #tpu.memory_space<hbm>> -> memref<80x32xf32, #tpu.memory_space<hbm>>
      tpu.wait_dma2 semaphore(%arg15 : memref<!tpu.dma_semaphore, #tpu.memory_space<semaphore_mem>>) src(%dma_wait3A_908 : memref<80x32xf32, #tpu.memory_space<hbm>>) dst(%dma_wait3A_905 : memref<80x32xf32, #tpu.memory_space<vmem>>)
      %dma_wait3A_909 = arith.constant 1120 : i32
      %dma_wait3A_910 = arith.constant 0 : i32
      %dma_wait3A_911 = tpu.memref_slice %arg9[%dma_wait3A_909, %dma_wait3A_910] : memref<1600x32xf32, #tpu.memory_space<vmem>> -> memref<80x32xf32, #tpu.memory_space<vmem>>
      %dma_wait3A_912 = arith.constant 0 : i32
      %dma_wait3A_913 = arith.constant 0 : i32
      %dma_wait3A_914 = tpu.memref_slice %arg4[%dma_wait3A_912, %dma_wait3A_913] : memref<1007616x32xf32, #tpu.memory_space<hbm>> -> memref<80x32xf32, #tpu.memory_space<hbm>>
      %dma_wait3A_915 = arith.constant 1120 : i32
      %dma_wait3A_916 = arith.constant 0 : i32
      %dma_wait3A_917 = tpu.memref_slice %arg9[%dma_wait3A_915, %dma_wait3A_916] : memref<1600x32xf32, #tpu.memory_space<vmem>> -> memref<80x32xf32, #tpu.memory_space<vmem>>
      %dma_wait3A_918 = arith.constant 0 : i32
      %dma_wait3A_919 = arith.constant 0 : i32
      %dma_wait3A_920 = tpu.memref_slice %arg4[%dma_wait3A_918, %dma_wait3A_919] : memref<1007616x32xf32, #tpu.memory_space<hbm>> -> memref<80x32xf32, #tpu.memory_space<hbm>>
      tpu.wait_dma2 semaphore(%arg15 : memref<!tpu.dma_semaphore, #tpu.memory_space<semaphore_mem>>) src(%dma_wait3A_920 : memref<80x32xf32, #tpu.memory_space<hbm>>) dst(%dma_wait3A_917 : memref<80x32xf32, #tpu.memory_space<vmem>>)
      %dma_wait3A_921 = arith.constant 1200 : i32
      %dma_wait3A_922 = arith.constant 0 : i32
      %dma_wait3A_923 = tpu.memref_slice %arg9[%dma_wait3A_921, %dma_wait3A_922] : memref<1600x32xf32, #tpu.memory_space<vmem>> -> memref<80x32xf32, #tpu.memory_space<vmem>>
      %dma_wait3A_924 = arith.constant 0 : i32
      %dma_wait3A_925 = arith.constant 0 : i32
      %dma_wait3A_926 = tpu.memref_slice %arg4[%dma_wait3A_924, %dma_wait3A_925] : memref<1007616x32xf32, #tpu.memory_space<hbm>> -> memref<80x32xf32, #tpu.memory_space<hbm>>
      %dma_wait3A_927 = arith.constant 1200 : i32
      %dma_wait3A_928 = arith.constant 0 : i32
      %dma_wait3A_929 = tpu.memref_slice %arg9[%dma_wait3A_927, %dma_wait3A_928] : memref<1600x32xf32, #tpu.memory_space<vmem>> -> memref<80x32xf32, #tpu.memory_space<vmem>>
      %dma_wait3A_930 = arith.constant 0 : i32
      %dma_wait3A_931 = arith.constant 0 : i32
      %dma_wait3A_932 = tpu.memref_slice %arg4[%dma_wait3A_930, %dma_wait3A_931] : memref<1007616x32xf32, #tpu.memory_space<hbm>> -> memref<80x32xf32, #tpu.memory_space<hbm>>
      tpu.wait_dma2 semaphore(%arg15 : memref<!tpu.dma_semaphore, #tpu.memory_space<semaphore_mem>>) src(%dma_wait3A_932 : memref<80x32xf32, #tpu.memory_space<hbm>>) dst(%dma_wait3A_929 : memref<80x32xf32, #tpu.memory_space<vmem>>)
      %dma_wait3A_933 = arith.constant 1280 : i32
      %dma_wait3A_934 = arith.constant 0 : i32
      %dma_wait3A_935 = tpu.memref_slice %arg9[%dma_wait3A_933, %dma_wait3A_934] : memref<1600x32xf32, #tpu.memory_space<vmem>> -> memref<80x32xf32, #tpu.memory_space<vmem>>
      %dma_wait3A_936 = arith.constant 0 : i32
      %dma_wait3A_937 = arith.constant 0 : i32
      %dma_wait3A_938 = tpu.memref_slice %arg4[%dma_wait3A_936, %dma_wait3A_937] : memref<1007616x32xf32, #tpu.memory_space<hbm>> -> memref<80x32xf32, #tpu.memory_space<hbm>>
      %dma_wait3A_939 = arith.constant 1280 : i32
      %dma_wait3A_940 = arith.constant 0 : i32
      %dma_wait3A_941 = tpu.memref_slice %arg9[%dma_wait3A_939, %dma_wait3A_940] : memref<1600x32xf32, #tpu.memory_space<vmem>> -> memref<80x32xf32, #tpu.memory_space<vmem>>
      %dma_wait3A_942 = arith.constant 0 : i32
      %dma_wait3A_943 = arith.constant 0 : i32
      %dma_wait3A_944 = tpu.memref_slice %arg4[%dma_wait3A_942, %dma_wait3A_943] : memref<1007616x32xf32, #tpu.memory_space<hbm>> -> memref<80x32xf32, #tpu.memory_space<hbm>>
      tpu.wait_dma2 semaphore(%arg15 : memref<!tpu.dma_semaphore, #tpu.memory_space<semaphore_mem>>) src(%dma_wait3A_944 : memref<80x32xf32, #tpu.memory_space<hbm>>) dst(%dma_wait3A_941 : memref<80x32xf32, #tpu.memory_space<vmem>>)
      %dma_wait3A_945 = arith.constant 1360 : i32
      %dma_wait3A_946 = arith.constant 0 : i32
      %dma_wait3A_947 = tpu.memref_slice %arg9[%dma_wait3A_945, %dma_wait3A_946] : memref<1600x32xf32, #tpu.memory_space<vmem>> -> memref<80x32xf32, #tpu.memory_space<vmem>>
      %dma_wait3A_948 = arith.constant 0 : i32
      %dma_wait3A_949 = arith.constant 0 : i32
      %dma_wait3A_950 = tpu.memref_slice %arg4[%dma_wait3A_948, %dma_wait3A_949] : memref<1007616x32xf32, #tpu.memory_space<hbm>> -> memref<80x32xf32, #tpu.memory_space<hbm>>
      %dma_wait3A_951 = arith.constant 1360 : i32
      %dma_wait3A_952 = arith.constant 0 : i32
      %dma_wait3A_953 = tpu.memref_slice %arg9[%dma_wait3A_951, %dma_wait3A_952] : memref<1600x32xf32, #tpu.memory_space<vmem>> -> memref<80x32xf32, #tpu.memory_space<vmem>>
      %dma_wait3A_954 = arith.constant 0 : i32
      %dma_wait3A_955 = arith.constant 0 : i32
      %dma_wait3A_956 = tpu.memref_slice %arg4[%dma_wait3A_954, %dma_wait3A_955] : memref<1007616x32xf32, #tpu.memory_space<hbm>> -> memref<80x32xf32, #tpu.memory_space<hbm>>
      tpu.wait_dma2 semaphore(%arg15 : memref<!tpu.dma_semaphore, #tpu.memory_space<semaphore_mem>>) src(%dma_wait3A_956 : memref<80x32xf32, #tpu.memory_space<hbm>>) dst(%dma_wait3A_953 : memref<80x32xf32, #tpu.memory_space<vmem>>)
      %dma_wait3A_957 = arith.constant 1440 : i32
      %dma_wait3A_958 = arith.constant 0 : i32
      %dma_wait3A_959 = tpu.memref_slice %arg9[%dma_wait3A_957, %dma_wait3A_958] : memref<1600x32xf32, #tpu.memory_space<vmem>> -> memref<80x32xf32, #tpu.memory_space<vmem>>
      %dma_wait3A_960 = arith.constant 0 : i32
      %dma_wait3A_961 = arith.constant 0 : i32
      %dma_wait3A_962 = tpu.memref_slice %arg4[%dma_wait3A_960, %dma_wait3A_961] : memref<1007616x32xf32, #tpu.memory_space<hbm>> -> memref<80x32xf32, #tpu.memory_space<hbm>>
      %dma_wait3A_963 = arith.constant 1440 : i32
      %dma_wait3A_964 = arith.constant 0 : i32
      %dma_wait3A_965 = tpu.memref_slice %arg9[%dma_wait3A_963, %dma_wait3A_964] : memref<1600x32xf32, #tpu.memory_space<vmem>> -> memref<80x32xf32, #tpu.memory_space<vmem>>
      %dma_wait3A_966 = arith.constant 0 : i32
      %dma_wait3A_967 = arith.constant 0 : i32
      %dma_wait3A_968 = tpu.memref_slice %arg4[%dma_wait3A_966, %dma_wait3A_967] : memref<1007616x32xf32, #tpu.memory_space<hbm>> -> memref<80x32xf32, #tpu.memory_space<hbm>>
      tpu.wait_dma2 semaphore(%arg15 : memref<!tpu.dma_semaphore, #tpu.memory_space<semaphore_mem>>) src(%dma_wait3A_968 : memref<80x32xf32, #tpu.memory_space<hbm>>) dst(%dma_wait3A_965 : memref<80x32xf32, #tpu.memory_space<vmem>>)
      %dma_wait3A_969 = arith.constant 1520 : i32
      %dma_wait3A_970 = arith.constant 0 : i32
      %dma_wait3A_971 = tpu.memref_slice %arg9[%dma_wait3A_969, %dma_wait3A_970] : memref<1600x32xf32, #tpu.memory_space<vmem>> -> memref<80x32xf32, #tpu.memory_space<vmem>>
      %dma_wait3A_972 = arith.constant 0 : i32
      %dma_wait3A_973 = arith.constant 0 : i32
      %dma_wait3A_974 = tpu.memref_slice %arg4[%dma_wait3A_972, %dma_wait3A_973] : memref<1007616x32xf32, #tpu.memory_space<hbm>> -> memref<80x32xf32, #tpu.memory_space<hbm>>
      %dma_wait3A_975 = arith.constant 1520 : i32
      %dma_wait3A_976 = arith.constant 0 : i32
      %dma_wait3A_977 = tpu.memref_slice %arg9[%dma_wait3A_975, %dma_wait3A_976] : memref<1600x32xf32, #tpu.memory_space<vmem>> -> memref<80x32xf32, #tpu.memory_space<vmem>>
      %dma_wait3A_978 = arith.constant 0 : i32
      %dma_wait3A_979 = arith.constant 0 : i32
      %dma_wait3A_980 = tpu.memref_slice %arg4[%dma_wait3A_978, %dma_wait3A_979] : memref<1007616x32xf32, #tpu.memory_space<hbm>> -> memref<80x32xf32, #tpu.memory_space<hbm>>
      tpu.wait_dma2 semaphore(%arg15 : memref<!tpu.dma_semaphore, #tpu.memory_space<semaphore_mem>>) src(%dma_wait3A_980 : memref<80x32xf32, #tpu.memory_space<hbm>>) dst(%dma_wait3A_977 : memref<80x32xf32, #tpu.memory_space<vmem>>)
      %mul3A_981 = arith.constant 2 : i32
      %mul3A_982 = arith.muli %mul3A_981, %scan3A_314 : i32
      %add3A_983 = arith.constant 1 : i32
      %add3A_984 = arith.addi %mul3A_982, %add3A_983 : i32
      %mul3A_985 = arith.constant 1600 : i32
      %mul3A_986 = arith.muli %add3A, %mul3A_985 : i32
      %mul3A_987 = arith.constant 32 : i32
      %mul3A_988 = arith.muli %add3A_984, %mul3A_987 : i32
      %add3A_989 = arith.addi %mul3A_986, %mul3A_988 : i32
      %scan3A_990 = arith.constant 0 : i32
      %scan3A_991 = arith.constant 0 : i32
      %scan3A_992 = arith.constant 32 : i32
      %scan3A_993 = arith.addi %scan3A_991, %scan3A_992 : i32
      %scan3A_994 = arith.constant 1 : i32
      %scan3A_995 = scf.for %scan3A_998 = %scan3A_991 to %scan3A_993 step %scan3A_994 iter_args(%scan3A_999 = %scan3A_990) -> (i32)  : i32 {
        %broadcast_in_dim3A_1000 = arith.constant 0.000000e+00 : f32
        %broadcast_in_dim3A_1001 = vector.broadcast %broadcast_in_dim3A_1000 : f32 to vector<16xf32>
        %broadcast_in_dim3A_1002 = arith.constant 0.000000e+00 : f32
        %broadcast_in_dim3A_1003 = vector.broadcast %broadcast_in_dim3A_1002 : f32 to vector<16xf32>
        %mul3A_1004 = arith.constant 50 : i32
        %mul3A_1005 = arith.muli %scan3A_998, %mul3A_1004 : i32
        %add3A_1006 = arith.constant 0 : i32
        %add3A_1007 = arith.addi %mul3A_1005, %add3A_1006 : i32
        %get3A = arith.index_cast %add3A_1007 : i32 to index
        %get3A_1008 = arith.constant 0 : index
        %get3A_1009 = tpu.vector_load %arg9[%get3A, %get3A_1008] {strides = array<i32>} : memref<1600x32xf32, #tpu.memory_space<vmem>>, vector<16xf32>,
        %add3A_1010 = arith.addf %broadcast_in_dim3A_1001, %get3A_1009 : vector<16xf32>
        %get3A_1011 = arith.index_cast %add3A_1007 : i32 to index
        %get3A_1012 = arith.constant 16 : index
        %get3A_1013 = tpu.vector_load %arg9[%get3A_1011, %get3A_1012] {strides = array<i32>} : memref<1600x32xf32, #tpu.memory_space<vmem>>, vector<16xf32>,
        %add3A_1014 = arith.addf %broadcast_in_dim3A_1003, %get3A_1013 : vector<16xf32>
        %mul3A_1015 = arith.constant 50 : i32
        %mul3A_1016 = arith.muli %scan3A_998, %mul3A_1015 : i32
        %add3A_1017 = arith.constant 1 : i32
        %add3A_1018 = arith.addi %mul3A_1016, %add3A_1017 : i32
        %get3A_1019 = arith.index_cast %add3A_1018 : i32 to index
        %get3A_1020 = arith.constant 0 : index
        %get3A_1021 = tpu.vector_load %arg9[%get3A_1019, %get3A_1020] {strides = array<i32>} : memref<1600x32xf32, #tpu.memory_space<vmem>>, vector<16xf32>,
        %add3A_1022 = arith.addf %add3A_1010, %get3A_1021 : vector<16xf32>
        %get3A_1023 = arith.index_cast %add3A_1018 : i32 to index
        %get3A_1024 = arith.constant 16 : index
        %get3A_1025 = tpu.vector_load %arg9[%get3A_1023, %get3A_1024] {strides = array<i32>} : memref<1600x32xf32, #tpu.memory_space<vmem>>, vector<16xf32>,
        %add3A_1026 = arith.addf %add3A_1014, %get3A_1025 : vector<16xf32>
        %mul3A_1027 = arith.constant 50 : i32
        %mul3A_1028 = arith.muli %scan3A_998, %mul3A_1027 : i32
        %add3A_1029 = arith.constant 2 : i32
        %add3A_1030 = arith.addi %mul3A_1028, %add3A_1029 : i32
        %get3A_1031 = arith.index_cast %add3A_1030 : i32 to index
        %get3A_1032 = arith.constant 0 : index
        %get3A_1033 = tpu.vector_load %arg9[%get3A_1031, %get3A_1032] {strides = array<i32>} : memref<1600x32xf32, #tpu.memory_space<vmem>>, vector<16xf32>,
        %add3A_1034 = arith.addf %add3A_1022, %get3A_1033 : vector<16xf32>
        %get3A_1035 = arith.index_cast %add3A_1030 : i32 to index
        %get3A_1036 = arith.constant 16 : index
        %get3A_1037 = tpu.vector_load %arg9[%get3A_1035, %get3A_1036] {strides = array<i32>} : memref<1600x32xf32, #tpu.memory_space<vmem>>, vector<16xf32>,
        %add3A_1038 = arith.addf %add3A_1026, %get3A_1037 : vector<16xf32>
        %mul3A_1039 = arith.constant 50 : i32
        %mul3A_1040 = arith.muli %scan3A_998, %mul3A_1039 : i32
        %add3A_1041 = arith.constant 3 : i32
        %add3A_1042 = arith.addi %mul3A_1040, %add3A_1041 : i32
        %get3A_1043 = arith.index_cast %add3A_1042 : i32 to index
        %get3A_1044 = arith.constant 0 : index
        %get3A_1045 = tpu.vector_load %arg9[%get3A_1043, %get3A_1044] {strides = array<i32>} : memref<1600x32xf32, #tpu.memory_space<vmem>>, vector<16xf32>,
        %add3A_1046 = arith.addf %add3A_1034, %get3A_1045 : vector<16xf32>
        %get3A_1047 = arith.index_cast %add3A_1042 : i32 to index
        %get3A_1048 = arith.constant 16 : index
        %get3A_1049 = tpu.vector_load %arg9[%get3A_1047, %get3A_1048] {strides = array<i32>} : memref<1600x32xf32, #tpu.memory_space<vmem>>, vector<16xf32>,
        %add3A_1050 = arith.addf %add3A_1038, %get3A_1049 : vector<16xf32>
        %mul3A_1051 = arith.constant 50 : i32
        %mul3A_1052 = arith.muli %scan3A_998, %mul3A_1051 : i32
        %add3A_1053 = arith.constant 4 : i32
        %add3A_1054 = arith.addi %mul3A_1052, %add3A_1053 : i32
        %get3A_1055 = arith.index_cast %add3A_1054 : i32 to index
        %get3A_1056 = arith.constant 0 : index
        %get3A_1057 = tpu.vector_load %arg9[%get3A_1055, %get3A_1056] {strides = array<i32>} : memref<1600x32xf32, #tpu.memory_space<vmem>>, vector<16xf32>,
        %add3A_1058 = arith.addf %add3A_1046, %get3A_1057 : vector<16xf32>
        %get3A_1059 = arith.index_cast %add3A_1054 : i32 to index
        %get3A_1060 = arith.constant 16 : index
        %get3A_1061 = tpu.vector_load %arg9[%get3A_1059, %get3A_1060] {strides = array<i32>} : memref<1600x32xf32, #tpu.memory_space<vmem>>, vector<16xf32>,
        %add3A_1062 = arith.addf %add3A_1050, %get3A_1061 : vector<16xf32>
        %mul3A_1063 = arith.constant 50 : i32
        %mul3A_1064 = arith.muli %scan3A_998, %mul3A_1063 : i32
        %add3A_1065 = arith.constant 5 : i32
        %add3A_1066 = arith.addi %mul3A_1064, %add3A_1065 : i32
        %get3A_1067 = arith.index_cast %add3A_1066 : i32 to index
        %get3A_1068 = arith.constant 0 : index
        %get3A_1069 = tpu.vector_load %arg9[%get3A_1067, %get3A_1068] {strides = array<i32>} : memref<1600x32xf32, #tpu.memory_space<vmem>>, vector<16xf32>,
        %add3A_1070 = arith.addf %add3A_1058, %get3A_1069 : vector<16xf32>
        %get3A_1071 = arith.index_cast %add3A_1066 : i32 to index
        %get3A_1072 = arith.constant 16 : index
        %get3A_1073 = tpu.vector_load %arg9[%get3A_1071, %get3A_1072] {strides = array<i32>} : memref<1600x32xf32, #tpu.memory_space<vmem>>, vector<16xf32>,
        %add3A_1074 = arith.addf %add3A_1062, %get3A_1073 : vector<16xf32>
        %mul3A_1075 = arith.constant 50 : i32
        %mul3A_1076 = arith.muli %scan3A_998, %mul3A_1075 : i32
        %add3A_1077 = arith.constant 6 : i32
        %add3A_1078 = arith.addi %mul3A_1076, %add3A_1077 : i32
        %get3A_1079 = arith.index_cast %add3A_1078 : i32 to index
        %get3A_1080 = arith.constant 0 : index
        %get3A_1081 = tpu.vector_load %arg9[%get3A_1079, %get3A_1080] {strides = array<i32>} : memref<1600x32xf32, #tpu.memory_space<vmem>>, vector<16xf32>,
        %add3A_1082 = arith.addf %add3A_1070, %get3A_1081 : vector<16xf32>
        %get3A_1083 = arith.index_cast %add3A_1078 : i32 to index
        %get3A_1084 = arith.constant 16 : index
        %get3A_1085 = tpu.vector_load %arg9[%get3A_1083, %get3A_1084] {strides = array<i32>} : memref<1600x32xf32, #tpu.memory_space<vmem>>, vector<16xf32>,
        %add3A_1086 = arith.addf %add3A_1074, %get3A_1085 : vector<16xf32>
        %mul3A_1087 = arith.constant 50 : i32
        %mul3A_1088 = arith.muli %scan3A_998, %mul3A_1087 : i32
        %add3A_1089 = arith.constant 7 : i32
        %add3A_1090 = arith.addi %mul3A_1088, %add3A_1089 : i32
        %get3A_1091 = arith.index_cast %add3A_1090 : i32 to index
        %get3A_1092 = arith.constant 0 : index
        %get3A_1093 = tpu.vector_load %arg9[%get3A_1091, %get3A_1092] {strides = array<i32>} : memref<1600x32xf32, #tpu.memory_space<vmem>>, vector<16xf32>,
        %add3A_1094 = arith.addf %add3A_1082, %get3A_1093 : vector<16xf32>
        %get3A_1095 = arith.index_cast %add3A_1090 : i32 to index
        %get3A_1096 = arith.constant 16 : index
        %get3A_1097 = tpu.vector_load %arg9[%get3A_1095, %get3A_1096] {strides = array<i32>} : memref<1600x32xf32, #tpu.memory_space<vmem>>, vector<16xf32>,
        %add3A_1098 = arith.addf %add3A_1086, %get3A_1097 : vector<16xf32>
        %mul3A_1099 = arith.constant 50 : i32
        %mul3A_1100 = arith.muli %scan3A_998, %mul3A_1099 : i32
        %add3A_1101 = arith.constant 8 : i32
        %add3A_1102 = arith.addi %mul3A_1100, %add3A_1101 : i32
        %get3A_1103 = arith.index_cast %add3A_1102 : i32 to index
        %get3A_1104 = arith.constant 0 : index
        %get3A_1105 = tpu.vector_load %arg9[%get3A_1103, %get3A_1104] {strides = array<i32>} : memref<1600x32xf32, #tpu.memory_space<vmem>>, vector<16xf32>,
        %add3A_1106 = arith.addf %add3A_1094, %get3A_1105 : vector<16xf32>
        %get3A_1107 = arith.index_cast %add3A_1102 : i32 to index
        %get3A_1108 = arith.constant 16 : index
        %get3A_1109 = tpu.vector_load %arg9[%get3A_1107, %get3A_1108] {strides = array<i32>} : memref<1600x32xf32, #tpu.memory_space<vmem>>, vector<16xf32>,
        %add3A_1110 = arith.addf %add3A_1098, %get3A_1109 : vector<16xf32>
        %mul3A_1111 = arith.constant 50 : i32
        %mul3A_1112 = arith.muli %scan3A_998, %mul3A_1111 : i32
        %add3A_1113 = arith.constant 9 : i32
        %add3A_1114 = arith.addi %mul3A_1112, %add3A_1113 : i32
        %get3A_1115 = arith.index_cast %add3A_1114 : i32 to index
        %get3A_1116 = arith.constant 0 : index
        %get3A_1117 = tpu.vector_load %arg9[%get3A_1115, %get3A_1116] {strides = array<i32>} : memref<1600x32xf32, #tpu.memory_space<vmem>>, vector<16xf32>,
        %add3A_1118 = arith.addf %add3A_1106, %get3A_1117 : vector<16xf32>
        %get3A_1119 = arith.index_cast %add3A_1114 : i32 to index
        %get3A_1120 = arith.constant 16 : index
        %get3A_1121 = tpu.vector_load %arg9[%get3A_1119, %get3A_1120] {strides = array<i32>} : memref<1600x32xf32, #tpu.memory_space<vmem>>, vector<16xf32>,
        %add3A_1122 = arith.addf %add3A_1110, %get3A_1121 : vector<16xf32>
        %mul3A_1123 = arith.constant 50 : i32
        %mul3A_1124 = arith.muli %scan3A_998, %mul3A_1123 : i32
        %add3A_1125 = arith.constant 10 : i32
        %add3A_1126 = arith.addi %mul3A_1124, %add3A_1125 : i32
        %get3A_1127 = arith.index_cast %add3A_1126 : i32 to index
        %get3A_1128 = arith.constant 0 : index
        %get3A_1129 = tpu.vector_load %arg9[%get3A_1127, %get3A_1128] {strides = array<i32>} : memref<1600x32xf32, #tpu.memory_space<vmem>>, vector<16xf32>,
        %add3A_1130 = arith.addf %add3A_1118, %get3A_1129 : vector<16xf32>
        %get3A_1131 = arith.index_cast %add3A_1126 : i32 to index
        %get3A_1132 = arith.constant 16 : index
        %get3A_1133 = tpu.vector_load %arg9[%get3A_1131, %get3A_1132] {strides = array<i32>} : memref<1600x32xf32, #tpu.memory_space<vmem>>, vector<16xf32>,
        %add3A_1134 = arith.addf %add3A_1122, %get3A_1133 : vector<16xf32>
        %mul3A_1135 = arith.constant 50 : i32
        %mul3A_1136 = arith.muli %scan3A_998, %mul3A_1135 : i32
        %add3A_1137 = arith.constant 11 : i32
        %add3A_1138 = arith.addi %mul3A_1136, %add3A_1137 : i32
        %get3A_1139 = arith.index_cast %add3A_1138 : i32 to index
        %get3A_1140 = arith.constant 0 : index
        %get3A_1141 = tpu.vector_load %arg9[%get3A_1139, %get3A_1140] {strides = array<i32>} : memref<1600x32xf32, #tpu.memory_space<vmem>>, vector<16xf32>,
        %add3A_1142 = arith.addf %add3A_1130, %get3A_1141 : vector<16xf32>
        %get3A_1143 = arith.index_cast %add3A_1138 : i32 to index
        %get3A_1144 = arith.constant 16 : index
        %get3A_1145 = tpu.vector_load %arg9[%get3A_1143, %get3A_1144] {strides = array<i32>} : memref<1600x32xf32, #tpu.memory_space<vmem>>, vector<16xf32>,
        %add3A_1146 = arith.addf %add3A_1134, %get3A_1145 : vector<16xf32>
        %mul3A_1147 = arith.constant 50 : i32
        %mul3A_1148 = arith.muli %scan3A_998, %mul3A_1147 : i32
        %add3A_1149 = arith.constant 12 : i32
        %add3A_1150 = arith.addi %mul3A_1148, %add3A_1149 : i32
        %get3A_1151 = arith.index_cast %add3A_1150 : i32 to index
        %get3A_1152 = arith.constant 0 : index
        %get3A_1153 = tpu.vector_load %arg9[%get3A_1151, %get3A_1152] {strides = array<i32>} : memref<1600x32xf32, #tpu.memory_space<vmem>>, vector<16xf32>,
        %add3A_1154 = arith.addf %add3A_1142, %get3A_1153 : vector<16xf32>
        %get3A_1155 = arith.index_cast %add3A_1150 : i32 to index
        %get3A_1156 = arith.constant 16 : index
        %get3A_1157 = tpu.vector_load %arg9[%get3A_1155, %get3A_1156] {strides = array<i32>} : memref<1600x32xf32, #tpu.memory_space<vmem>>, vector<16xf32>,
        %add3A_1158 = arith.addf %add3A_1146, %get3A_1157 : vector<16xf32>
        %mul3A_1159 = arith.constant 50 : i32
        %mul3A_1160 = arith.muli %scan3A_998, %mul3A_1159 : i32
        %add3A_1161 = arith.constant 13 : i32
        %add3A_1162 = arith.addi %mul3A_1160, %add3A_1161 : i32
        %get3A_1163 = arith.index_cast %add3A_1162 : i32 to index
        %get3A_1164 = arith.constant 0 : index
        %get3A_1165 = tpu.vector_load %arg9[%get3A_1163, %get3A_1164] {strides = array<i32>} : memref<1600x32xf32, #tpu.memory_space<vmem>>, vector<16xf32>,
        %add3A_1166 = arith.addf %add3A_1154, %get3A_1165 : vector<16xf32>
        %get3A_1167 = arith.index_cast %add3A_1162 : i32 to index
        %get3A_1168 = arith.constant 16 : index
        %get3A_1169 = tpu.vector_load %arg9[%get3A_1167, %get3A_1168] {strides = array<i32>} : memref<1600x32xf32, #tpu.memory_space<vmem>>, vector<16xf32>,
        %add3A_1170 = arith.addf %add3A_1158, %get3A_1169 : vector<16xf32>
        %mul3A_1171 = arith.constant 50 : i32
        %mul3A_1172 = arith.muli %scan3A_998, %mul3A_1171 : i32
        %add3A_1173 = arith.constant 14 : i32
        %add3A_1174 = arith.addi %mul3A_1172, %add3A_1173 : i32
        %get3A_1175 = arith.index_cast %add3A_1174 : i32 to index
        %get3A_1176 = arith.constant 0 : index
        %get3A_1177 = tpu.vector_load %arg9[%get3A_1175, %get3A_1176] {strides = array<i32>} : memref<1600x32xf32, #tpu.memory_space<vmem>>, vector<16xf32>,
        %add3A_1178 = arith.addf %add3A_1166, %get3A_1177 : vector<16xf32>
        %get3A_1179 = arith.index_cast %add3A_1174 : i32 to index
        %get3A_1180 = arith.constant 16 : index
        %get3A_1181 = tpu.vector_load %arg9[%get3A_1179, %get3A_1180] {strides = array<i32>} : memref<1600x32xf32, #tpu.memory_space<vmem>>, vector<16xf32>,
        %add3A_1182 = arith.addf %add3A_1170, %get3A_1181 : vector<16xf32>
        %mul3A_1183 = arith.constant 50 : i32
        %mul3A_1184 = arith.muli %scan3A_998, %mul3A_1183 : i32
        %add3A_1185 = arith.constant 15 : i32
        %add3A_1186 = arith.addi %mul3A_1184, %add3A_1185 : i32
        %get3A_1187 = arith.index_cast %add3A_1186 : i32 to index
        %get3A_1188 = arith.constant 0 : index
        %get3A_1189 = tpu.vector_load %arg9[%get3A_1187, %get3A_1188] {strides = array<i32>} : memref<1600x32xf32, #tpu.memory_space<vmem>>, vector<16xf32>,
        %add3A_1190 = arith.addf %add3A_1178, %get3A_1189 : vector<16xf32>
        %get3A_1191 = arith.index_cast %add3A_1186 : i32 to index
        %get3A_1192 = arith.constant 16 : index
        %get3A_1193 = tpu.vector_load %arg9[%get3A_1191, %get3A_1192] {strides = array<i32>} : memref<1600x32xf32, #tpu.memory_space<vmem>>, vector<16xf32>,
        %add3A_1194 = arith.addf %add3A_1182, %get3A_1193 : vector<16xf32>
        %mul3A_1195 = arith.constant 50 : i32
        %mul3A_1196 = arith.muli %scan3A_998, %mul3A_1195 : i32
        %add3A_1197 = arith.constant 16 : i32
        %add3A_1198 = arith.addi %mul3A_1196, %add3A_1197 : i32
        %get3A_1199 = arith.index_cast %add3A_1198 : i32 to index
        %get3A_1200 = arith.constant 0 : index
        %get3A_1201 = tpu.vector_load %arg9[%get3A_1199, %get3A_1200] {strides = array<i32>} : memref<1600x32xf32, #tpu.memory_space<vmem>>, vector<16xf32>,
        %add3A_1202 = arith.addf %add3A_1190, %get3A_1201 : vector<16xf32>
        %get3A_1203 = arith.index_cast %add3A_1198 : i32 to index
        %get3A_1204 = arith.constant 16 : index
        %get3A_1205 = tpu.vector_load %arg9[%get3A_1203, %get3A_1204] {strides = array<i32>} : memref<1600x32xf32, #tpu.memory_space<vmem>>, vector<16xf32>,
        %add3A_1206 = arith.addf %add3A_1194, %get3A_1205 : vector<16xf32>
        %mul3A_1207 = arith.constant 50 : i32
        %mul3A_1208 = arith.muli %scan3A_998, %mul3A_1207 : i32
        %add3A_1209 = arith.constant 17 : i32
        %add3A_1210 = arith.addi %mul3A_1208, %add3A_1209 : i32
        %get3A_1211 = arith.index_cast %add3A_1210 : i32 to index
        %get3A_1212 = arith.constant 0 : index
        %get3A_1213 = tpu.vector_load %arg9[%get3A_1211, %get3A_1212] {strides = array<i32>} : memref<1600x32xf32, #tpu.memory_space<vmem>>, vector<16xf32>,
        %add3A_1214 = arith.addf %add3A_1202, %get3A_1213 : vector<16xf32>
        %get3A_1215 = arith.index_cast %add3A_1210 : i32 to index
        %get3A_1216 = arith.constant 16 : index
        %get3A_1217 = tpu.vector_load %arg9[%get3A_1215, %get3A_1216] {strides = array<i32>} : memref<1600x32xf32, #tpu.memory_space<vmem>>, vector<16xf32>,
        %add3A_1218 = arith.addf %add3A_1206, %get3A_1217 : vector<16xf32>
        %mul3A_1219 = arith.constant 50 : i32
        %mul3A_1220 = arith.muli %scan3A_998, %mul3A_1219 : i32
        %add3A_1221 = arith.constant 18 : i32
        %add3A_1222 = arith.addi %mul3A_1220, %add3A_1221 : i32
        %get3A_1223 = arith.index_cast %add3A_1222 : i32 to index
        %get3A_1224 = arith.constant 0 : index
        %get3A_1225 = tpu.vector_load %arg9[%get3A_1223, %get3A_1224] {strides = array<i32>} : memref<1600x32xf32, #tpu.memory_space<vmem>>, vector<16xf32>,
        %add3A_1226 = arith.addf %add3A_1214, %get3A_1225 : vector<16xf32>
        %get3A_1227 = arith.index_cast %add3A_1222 : i32 to index
        %get3A_1228 = arith.constant 16 : index
        %get3A_1229 = tpu.vector_load %arg9[%get3A_1227, %get3A_1228] {strides = array<i32>} : memref<1600x32xf32, #tpu.memory_space<vmem>>, vector<16xf32>,
        %add3A_1230 = arith.addf %add3A_1218, %get3A_1229 : vector<16xf32>
        %mul3A_1231 = arith.constant 50 : i32
        %mul3A_1232 = arith.muli %scan3A_998, %mul3A_1231 : i32
        %add3A_1233 = arith.constant 19 : i32
        %add3A_1234 = arith.addi %mul3A_1232, %add3A_1233 : i32
        %get3A_1235 = arith.index_cast %add3A_1234 : i32 to index
        %get3A_1236 = arith.constant 0 : index
        %get3A_1237 = tpu.vector_load %arg9[%get3A_1235, %get3A_1236] {strides = array<i32>} : memref<1600x32xf32, #tpu.memory_space<vmem>>, vector<16xf32>,
        %add3A_1238 = arith.addf %add3A_1226, %get3A_1237 : vector<16xf32>
        %get3A_1239 = arith.index_cast %add3A_1234 : i32 to index
        %get3A_1240 = arith.constant 16 : index
        %get3A_1241 = tpu.vector_load %arg9[%get3A_1239, %get3A_1240] {strides = array<i32>} : memref<1600x32xf32, #tpu.memory_space<vmem>>, vector<16xf32>,
        %add3A_1242 = arith.addf %add3A_1230, %get3A_1241 : vector<16xf32>
        %mul3A_1243 = arith.constant 50 : i32
        %mul3A_1244 = arith.muli %scan3A_998, %mul3A_1243 : i32
        %add3A_1245 = arith.constant 20 : i32
        %add3A_1246 = arith.addi %mul3A_1244, %add3A_1245 : i32
        %get3A_1247 = arith.index_cast %add3A_1246 : i32 to index
        %get3A_1248 = arith.constant 0 : index
        %get3A_1249 = tpu.vector_load %arg9[%get3A_1247, %get3A_1248] {strides = array<i32>} : memref<1600x32xf32, #tpu.memory_space<vmem>>, vector<16xf32>,
        %add3A_1250 = arith.addf %add3A_1238, %get3A_1249 : vector<16xf32>
        %get3A_1251 = arith.index_cast %add3A_1246 : i32 to index
        %get3A_1252 = arith.constant 16 : index
        %get3A_1253 = tpu.vector_load %arg9[%get3A_1251, %get3A_1252] {strides = array<i32>} : memref<1600x32xf32, #tpu.memory_space<vmem>>, vector<16xf32>,
        %add3A_1254 = arith.addf %add3A_1242, %get3A_1253 : vector<16xf32>
        %mul3A_1255 = arith.constant 50 : i32
        %mul3A_1256 = arith.muli %scan3A_998, %mul3A_1255 : i32
        %add3A_1257 = arith.constant 21 : i32
        %add3A_1258 = arith.addi %mul3A_1256, %add3A_1257 : i32
        %get3A_1259 = arith.index_cast %add3A_1258 : i32 to index
        %get3A_1260 = arith.constant 0 : index
        %get3A_1261 = tpu.vector_load %arg9[%get3A_1259, %get3A_1260] {strides = array<i32>} : memref<1600x32xf32, #tpu.memory_space<vmem>>, vector<16xf32>,
        %add3A_1262 = arith.addf %add3A_1250, %get3A_1261 : vector<16xf32>
        %get3A_1263 = arith.index_cast %add3A_1258 : i32 to index
        %get3A_1264 = arith.constant 16 : index
        %get3A_1265 = tpu.vector_load %arg9[%get3A_1263, %get3A_1264] {strides = array<i32>} : memref<1600x32xf32, #tpu.memory_space<vmem>>, vector<16xf32>,
        %add3A_1266 = arith.addf %add3A_1254, %get3A_1265 : vector<16xf32>
        %mul3A_1267 = arith.constant 50 : i32
        %mul3A_1268 = arith.muli %scan3A_998, %mul3A_1267 : i32
        %add3A_1269 = arith.constant 22 : i32
        %add3A_1270 = arith.addi %mul3A_1268, %add3A_1269 : i32
        %get3A_1271 = arith.index_cast %add3A_1270 : i32 to index
        %get3A_1272 = arith.constant 0 : index
        %get3A_1273 = tpu.vector_load %arg9[%get3A_1271, %get3A_1272] {strides = array<i32>} : memref<1600x32xf32, #tpu.memory_space<vmem>>, vector<16xf32>,
        %add3A_1274 = arith.addf %add3A_1262, %get3A_1273 : vector<16xf32>
        %get3A_1275 = arith.index_cast %add3A_1270 : i32 to index
        %get3A_1276 = arith.constant 16 : index
        %get3A_1277 = tpu.vector_load %arg9[%get3A_1275, %get3A_1276] {strides = array<i32>} : memref<1600x32xf32, #tpu.memory_space<vmem>>, vector<16xf32>,
        %add3A_1278 = arith.addf %add3A_1266, %get3A_1277 : vector<16xf32>
        %mul3A_1279 = arith.constant 50 : i32
        %mul3A_1280 = arith.muli %scan3A_998, %mul3A_1279 : i32
        %add3A_1281 = arith.constant 23 : i32
        %add3A_1282 = arith.addi %mul3A_1280, %add3A_1281 : i32
        %get3A_1283 = arith.index_cast %add3A_1282 : i32 to index
        %get3A_1284 = arith.constant 0 : index
        %get3A_1285 = tpu.vector_load %arg9[%get3A_1283, %get3A_1284] {strides = array<i32>} : memref<1600x32xf32, #tpu.memory_space<vmem>>, vector<16xf32>,
        %add3A_1286 = arith.addf %add3A_1274, %get3A_1285 : vector<16xf32>
        %get3A_1287 = arith.index_cast %add3A_1282 : i32 to index
        %get3A_1288 = arith.constant 16 : index
        %get3A_1289 = tpu.vector_load %arg9[%get3A_1287, %get3A_1288] {strides = array<i32>} : memref<1600x32xf32, #tpu.memory_space<vmem>>, vector<16xf32>,
        %add3A_1290 = arith.addf %add3A_1278, %get3A_1289 : vector<16xf32>
        %mul3A_1291 = arith.constant 50 : i32
        %mul3A_1292 = arith.muli %scan3A_998, %mul3A_1291 : i32
        %add3A_1293 = arith.constant 24 : i32
        %add3A_1294 = arith.addi %mul3A_1292, %add3A_1293 : i32
        %get3A_1295 = arith.index_cast %add3A_1294 : i32 to index
        %get3A_1296 = arith.constant 0 : index
        %get3A_1297 = tpu.vector_load %arg9[%get3A_1295, %get3A_1296] {strides = array<i32>} : memref<1600x32xf32, #tpu.memory_space<vmem>>, vector<16xf32>,
        %add3A_1298 = arith.addf %add3A_1286, %get3A_1297 : vector<16xf32>
        %get3A_1299 = arith.index_cast %add3A_1294 : i32 to index
        %get3A_1300 = arith.constant 16 : index
        %get3A_1301 = tpu.vector_load %arg9[%get3A_1299, %get3A_1300] {strides = array<i32>} : memref<1600x32xf32, #tpu.memory_space<vmem>>, vector<16xf32>,
        %add3A_1302 = arith.addf %add3A_1290, %get3A_1301 : vector<16xf32>
        %mul3A_1303 = arith.constant 50 : i32
        %mul3A_1304 = arith.muli %scan3A_998, %mul3A_1303 : i32
        %add3A_1305 = arith.constant 25 : i32
        %add3A_1306 = arith.addi %mul3A_1304, %add3A_1305 : i32
        %get3A_1307 = arith.index_cast %add3A_1306 : i32 to index
        %get3A_1308 = arith.constant 0 : index
        %get3A_1309 = tpu.vector_load %arg9[%get3A_1307, %get3A_1308] {strides = array<i32>} : memref<1600x32xf32, #tpu.memory_space<vmem>>, vector<16xf32>,
        %add3A_1310 = arith.addf %add3A_1298, %get3A_1309 : vector<16xf32>
        %get3A_1311 = arith.index_cast %add3A_1306 : i32 to index
        %get3A_1312 = arith.constant 16 : index
        %get3A_1313 = tpu.vector_load %arg9[%get3A_1311, %get3A_1312] {strides = array<i32>} : memref<1600x32xf32, #tpu.memory_space<vmem>>, vector<16xf32>,
        %add3A_1314 = arith.addf %add3A_1302, %get3A_1313 : vector<16xf32>
        %mul3A_1315 = arith.constant 50 : i32
        %mul3A_1316 = arith.muli %scan3A_998, %mul3A_1315 : i32
        %add3A_1317 = arith.constant 26 : i32
        %add3A_1318 = arith.addi %mul3A_1316, %add3A_1317 : i32
        %get3A_1319 = arith.index_cast %add3A_1318 : i32 to index
        %get3A_1320 = arith.constant 0 : index
        %get3A_1321 = tpu.vector_load %arg9[%get3A_1319, %get3A_1320] {strides = array<i32>} : memref<1600x32xf32, #tpu.memory_space<vmem>>, vector<16xf32>,
        %add3A_1322 = arith.addf %add3A_1310, %get3A_1321 : vector<16xf32>
        %get3A_1323 = arith.index_cast %add3A_1318 : i32 to index
        %get3A_1324 = arith.constant 16 : index
        %get3A_1325 = tpu.vector_load %arg9[%get3A_1323, %get3A_1324] {strides = array<i32>} : memref<1600x32xf32, #tpu.memory_space<vmem>>, vector<16xf32>,
        %add3A_1326 = arith.addf %add3A_1314, %get3A_1325 : vector<16xf32>
        %mul3A_1327 = arith.constant 50 : i32
        %mul3A_1328 = arith.muli %scan3A_998, %mul3A_1327 : i32
        %add3A_1329 = arith.constant 27 : i32
        %add3A_1330 = arith.addi %mul3A_1328, %add3A_1329 : i32
        %get3A_1331 = arith.index_cast %add3A_1330 : i32 to index
        %get3A_1332 = arith.constant 0 : index
        %get3A_1333 = tpu.vector_load %arg9[%get3A_1331, %get3A_1332] {strides = array<i32>} : memref<1600x32xf32, #tpu.memory_space<vmem>>, vector<16xf32>,
        %add3A_1334 = arith.addf %add3A_1322, %get3A_1333 : vector<16xf32>
        %get3A_1335 = arith.index_cast %add3A_1330 : i32 to index
        %get3A_1336 = arith.constant 16 : index
        %get3A_1337 = tpu.vector_load %arg9[%get3A_1335, %get3A_1336] {strides = array<i32>} : memref<1600x32xf32, #tpu.memory_space<vmem>>, vector<16xf32>,
        %add3A_1338 = arith.addf %add3A_1326, %get3A_1337 : vector<16xf32>
        %mul3A_1339 = arith.constant 50 : i32
        %mul3A_1340 = arith.muli %scan3A_998, %mul3A_1339 : i32
        %add3A_1341 = arith.constant 28 : i32
        %add3A_1342 = arith.addi %mul3A_1340, %add3A_1341 : i32
        %get3A_1343 = arith.index_cast %add3A_1342 : i32 to index
        %get3A_1344 = arith.constant 0 : index
        %get3A_1345 = tpu.vector_load %arg9[%get3A_1343, %get3A_1344] {strides = array<i32>} : memref<1600x32xf32, #tpu.memory_space<vmem>>, vector<16xf32>,
        %add3A_1346 = arith.addf %add3A_1334, %get3A_1345 : vector<16xf32>
        %get3A_1347 = arith.index_cast %add3A_1342 : i32 to index
        %get3A_1348 = arith.constant 16 : index
        %get3A_1349 = tpu.vector_load %arg9[%get3A_1347, %get3A_1348] {strides = array<i32>} : memref<1600x32xf32, #tpu.memory_space<vmem>>, vector<16xf32>,
        %add3A_1350 = arith.addf %add3A_1338, %get3A_1349 : vector<16xf32>
        %mul3A_1351 = arith.constant 50 : i32
        %mul3A_1352 = arith.muli %scan3A_998, %mul3A_1351 : i32
        %add3A_1353 = arith.constant 29 : i32
        %add3A_1354 = arith.addi %mul3A_1352, %add3A_1353 : i32
        %get3A_1355 = arith.index_cast %add3A_1354 : i32 to index
        %get3A_1356 = arith.constant 0 : index
        %get3A_1357 = tpu.vector_load %arg9[%get3A_1355, %get3A_1356] {strides = array<i32>} : memref<1600x32xf32, #tpu.memory_space<vmem>>, vector<16xf32>,
        %add3A_1358 = arith.addf %add3A_1346, %get3A_1357 : vector<16xf32>
        %get3A_1359 = arith.index_cast %add3A_1354 : i32 to index
        %get3A_1360 = arith.constant 16 : index
        %get3A_1361 = tpu.vector_load %arg9[%get3A_1359, %get3A_1360] {strides = array<i32>} : memref<1600x32xf32, #tpu.memory_space<vmem>>, vector<16xf32>,
        %add3A_1362 = arith.addf %add3A_1350, %get3A_1361 : vector<16xf32>
        %mul3A_1363 = arith.constant 50 : i32
        %mul3A_1364 = arith.muli %scan3A_998, %mul3A_1363 : i32
        %add3A_1365 = arith.constant 30 : i32
        %add3A_1366 = arith.addi %mul3A_1364, %add3A_1365 : i32
        %get3A_1367 = arith.index_cast %add3A_1366 : i32 to index
        %get3A_1368 = arith.constant 0 : index
        %get3A_1369 = tpu.vector_load %arg9[%get3A_1367, %get3A_1368] {strides = array<i32>} : memref<1600x32xf32, #tpu.memory_space<vmem>>, vector<16xf32>,
        %add3A_1370 = arith.addf %add3A_1358, %get3A_1369 : vector<16xf32>
        %get3A_1371 = arith.index_cast %add3A_1366 : i32 to index
        %get3A_1372 = arith.constant 16 : index
        %get3A_1373 = tpu.vector_load %arg9[%get3A_1371, %get3A_1372] {strides = array<i32>} : memref<1600x32xf32, #tpu.memory_space<vmem>>, vector<16xf32>,
        %add3A_1374 = arith.addf %add3A_1362, %get3A_1373 : vector<16xf32>
        %mul3A_1375 = arith.constant 50 : i32
        %mul3A_1376 = arith.muli %scan3A_998, %mul3A_1375 : i32
        %add3A_1377 = arith.constant 31 : i32
        %add3A_1378 = arith.addi %mul3A_1376, %add3A_1377 : i32
        %get3A_1379 = arith.index_cast %add3A_1378 : i32 to index
        %get3A_1380 = arith.constant 0 : index
        %get3A_1381 = tpu.vector_load %arg9[%get3A_1379, %get3A_1380] {strides = array<i32>} : memref<1600x32xf32, #tpu.memory_space<vmem>>, vector<16xf32>,
        %add3A_1382 = arith.addf %add3A_1370, %get3A_1381 : vector<16xf32>
        %get3A_1383 = arith.index_cast %add3A_1378 : i32 to index
        %get3A_1384 = arith.constant 16 : index
        %get3A_1385 = tpu.vector_load %arg9[%get3A_1383, %get3A_1384] {strides = array<i32>} : memref<1600x32xf32, #tpu.memory_space<vmem>>, vector<16xf32>,
        %add3A_1386 = arith.addf %add3A_1374, %get3A_1385 : vector<16xf32>
        %mul3A_1387 = arith.constant 50 : i32
        %mul3A_1388 = arith.muli %scan3A_998, %mul3A_1387 : i32
        %add3A_1389 = arith.constant 32 : i32
        %add3A_1390 = arith.addi %mul3A_1388, %add3A_1389 : i32
        %get3A_1391 = arith.index_cast %add3A_1390 : i32 to index
        %get3A_1392 = arith.constant 0 : index
        %get3A_1393 = tpu.vector_load %arg9[%get3A_1391, %get3A_1392] {strides = array<i32>} : memref<1600x32xf32, #tpu.memory_space<vmem>>, vector<16xf32>,
        %add3A_1394 = arith.addf %add3A_1382, %get3A_1393 : vector<16xf32>
        %get3A_1395 = arith.index_cast %add3A_1390 : i32 to index
        %get3A_1396 = arith.constant 16 : index
        %get3A_1397 = tpu.vector_load %arg9[%get3A_1395, %get3A_1396] {strides = array<i32>} : memref<1600x32xf32, #tpu.memory_space<vmem>>, vector<16xf32>,
        %add3A_1398 = arith.addf %add3A_1386, %get3A_1397 : vector<16xf32>
        %mul3A_1399 = arith.constant 50 : i32
        %mul3A_1400 = arith.muli %scan3A_998, %mul3A_1399 : i32
        %add3A_1401 = arith.constant 33 : i32
        %add3A_1402 = arith.addi %mul3A_1400, %add3A_1401 : i32
        %get3A_1403 = arith.index_cast %add3A_1402 : i32 to index
        %get3A_1404 = arith.constant 0 : index
        %get3A_1405 = tpu.vector_load %arg9[%get3A_1403, %get3A_1404] {strides = array<i32>} : memref<1600x32xf32, #tpu.memory_space<vmem>>, vector<16xf32>,
        %add3A_1406 = arith.addf %add3A_1394, %get3A_1405 : vector<16xf32>
        %get3A_1407 = arith.index_cast %add3A_1402 : i32 to index
        %get3A_1408 = arith.constant 16 : index
        %get3A_1409 = tpu.vector_load %arg9[%get3A_1407, %get3A_1408] {strides = array<i32>} : memref<1600x32xf32, #tpu.memory_space<vmem>>, vector<16xf32>,
        %add3A_1410 = arith.addf %add3A_1398, %get3A_1409 : vector<16xf32>
        %mul3A_1411 = arith.constant 50 : i32
        %mul3A_1412 = arith.muli %scan3A_998, %mul3A_1411 : i32
        %add3A_1413 = arith.constant 34 : i32
        %add3A_1414 = arith.addi %mul3A_1412, %add3A_1413 : i32
        %get3A_1415 = arith.index_cast %add3A_1414 : i32 to index
        %get3A_1416 = arith.constant 0 : index
        %get3A_1417 = tpu.vector_load %arg9[%get3A_1415, %get3A_1416] {strides = array<i32>} : memref<1600x32xf32, #tpu.memory_space<vmem>>, vector<16xf32>,
        %add3A_1418 = arith.addf %add3A_1406, %get3A_1417 : vector<16xf32>
        %get3A_1419 = arith.index_cast %add3A_1414 : i32 to index
        %get3A_1420 = arith.constant 16 : index
        %get3A_1421 = tpu.vector_load %arg9[%get3A_1419, %get3A_1420] {strides = array<i32>} : memref<1600x32xf32, #tpu.memory_space<vmem>>, vector<16xf32>,
        %add3A_1422 = arith.addf %add3A_1410, %get3A_1421 : vector<16xf32>
        %mul3A_1423 = arith.constant 50 : i32
        %mul3A_1424 = arith.muli %scan3A_998, %mul3A_1423 : i32
        %add3A_1425 = arith.constant 35 : i32
        %add3A_1426 = arith.addi %mul3A_1424, %add3A_1425 : i32
        %get3A_1427 = arith.index_cast %add3A_1426 : i32 to index
        %get3A_1428 = arith.constant 0 : index
        %get3A_1429 = tpu.vector_load %arg9[%get3A_1427, %get3A_1428] {strides = array<i32>} : memref<1600x32xf32, #tpu.memory_space<vmem>>, vector<16xf32>,
        %add3A_1430 = arith.addf %add3A_1418, %get3A_1429 : vector<16xf32>
        %get3A_1431 = arith.index_cast %add3A_1426 : i32 to index
        %get3A_1432 = arith.constant 16 : index
        %get3A_1433 = tpu.vector_load %arg9[%get3A_1431, %get3A_1432] {strides = array<i32>} : memref<1600x32xf32, #tpu.memory_space<vmem>>, vector<16xf32>,
        %add3A_1434 = arith.addf %add3A_1422, %get3A_1433 : vector<16xf32>
        %mul3A_1435 = arith.constant 50 : i32
        %mul3A_1436 = arith.muli %scan3A_998, %mul3A_1435 : i32
        %add3A_1437 = arith.constant 36 : i32
        %add3A_1438 = arith.addi %mul3A_1436, %add3A_1437 : i32
        %get3A_1439 = arith.index_cast %add3A_1438 : i32 to index
        %get3A_1440 = arith.constant 0 : index
        %get3A_1441 = tpu.vector_load %arg9[%get3A_1439, %get3A_1440] {strides = array<i32>} : memref<1600x32xf32, #tpu.memory_space<vmem>>, vector<16xf32>,
        %add3A_1442 = arith.addf %add3A_1430, %get3A_1441 : vector<16xf32>
        %get3A_1443 = arith.index_cast %add3A_1438 : i32 to index
        %get3A_1444 = arith.constant 16 : index
        %get3A_1445 = tpu.vector_load %arg9[%get3A_1443, %get3A_1444] {strides = array<i32>} : memref<1600x32xf32, #tpu.memory_space<vmem>>, vector<16xf32>,
        %add3A_1446 = arith.addf %add3A_1434, %get3A_1445 : vector<16xf32>
        %mul3A_1447 = arith.constant 50 : i32
        %mul3A_1448 = arith.muli %scan3A_998, %mul3A_1447 : i32
        %add3A_1449 = arith.constant 37 : i32
        %add3A_1450 = arith.addi %mul3A_1448, %add3A_1449 : i32
        %get3A_1451 = arith.index_cast %add3A_1450 : i32 to index
        %get3A_1452 = arith.constant 0 : index
        %get3A_1453 = tpu.vector_load %arg9[%get3A_1451, %get3A_1452] {strides = array<i32>} : memref<1600x32xf32, #tpu.memory_space<vmem>>, vector<16xf32>,
        %add3A_1454 = arith.addf %add3A_1442, %get3A_1453 : vector<16xf32>
        %get3A_1455 = arith.index_cast %add3A_1450 : i32 to index
        %get3A_1456 = arith.constant 16 : index
        %get3A_1457 = tpu.vector_load %arg9[%get3A_1455, %get3A_1456] {strides = array<i32>} : memref<1600x32xf32, #tpu.memory_space<vmem>>, vector<16xf32>,
        %add3A_1458 = arith.addf %add3A_1446, %get3A_1457 : vector<16xf32>
        %mul3A_1459 = arith.constant 50 : i32
        %mul3A_1460 = arith.muli %scan3A_998, %mul3A_1459 : i32
        %add3A_1461 = arith.constant 38 : i32
        %add3A_1462 = arith.addi %mul3A_1460, %add3A_1461 : i32
        %get3A_1463 = arith.index_cast %add3A_1462 : i32 to index
        %get3A_1464 = arith.constant 0 : index
        %get3A_1465 = tpu.vector_load %arg9[%get3A_1463, %get3A_1464] {strides = array<i32>} : memref<1600x32xf32, #tpu.memory_space<vmem>>, vector<16xf32>,
        %add3A_1466 = arith.addf %add3A_1454, %get3A_1465 : vector<16xf32>
        %get3A_1467 = arith.index_cast %add3A_1462 : i32 to index
        %get3A_1468 = arith.constant 16 : index
        %get3A_1469 = tpu.vector_load %arg9[%get3A_1467, %get3A_1468] {strides = array<i32>} : memref<1600x32xf32, #tpu.memory_space<vmem>>, vector<16xf32>,
        %add3A_1470 = arith.addf %add3A_1458, %get3A_1469 : vector<16xf32>
        %mul3A_1471 = arith.constant 50 : i32
        %mul3A_1472 = arith.muli %scan3A_998, %mul3A_1471 : i32
        %add3A_1473 = arith.constant 39 : i32
        %add3A_1474 = arith.addi %mul3A_1472, %add3A_1473 : i32
        %get3A_1475 = arith.index_cast %add3A_1474 : i32 to index
        %get3A_1476 = arith.constant 0 : index
        %get3A_1477 = tpu.vector_load %arg9[%get3A_1475, %get3A_1476] {strides = array<i32>} : memref<1600x32xf32, #tpu.memory_space<vmem>>, vector<16xf32>,
        %add3A_1478 = arith.addf %add3A_1466, %get3A_1477 : vector<16xf32>
        %get3A_1479 = arith.index_cast %add3A_1474 : i32 to index
        %get3A_1480 = arith.constant 16 : index
        %get3A_1481 = tpu.vector_load %arg9[%get3A_1479, %get3A_1480] {strides = array<i32>} : memref<1600x32xf32, #tpu.memory_space<vmem>>, vector<16xf32>,
        %add3A_1482 = arith.addf %add3A_1470, %get3A_1481 : vector<16xf32>
        %mul3A_1483 = arith.constant 50 : i32
        %mul3A_1484 = arith.muli %scan3A_998, %mul3A_1483 : i32
        %add3A_1485 = arith.constant 40 : i32
        %add3A_1486 = arith.addi %mul3A_1484, %add3A_1485 : i32
        %get3A_1487 = arith.index_cast %add3A_1486 : i32 to index
        %get3A_1488 = arith.constant 0 : index
        %get3A_1489 = tpu.vector_load %arg9[%get3A_1487, %get3A_1488] {strides = array<i32>} : memref<1600x32xf32, #tpu.memory_space<vmem>>, vector<16xf32>,
        %add3A_1490 = arith.addf %add3A_1478, %get3A_1489 : vector<16xf32>
        %get3A_1491 = arith.index_cast %add3A_1486 : i32 to index
        %get3A_1492 = arith.constant 16 : index
        %get3A_1493 = tpu.vector_load %arg9[%get3A_1491, %get3A_1492] {strides = array<i32>} : memref<1600x32xf32, #tpu.memory_space<vmem>>, vector<16xf32>,
        %add3A_1494 = arith.addf %add3A_1482, %get3A_1493 : vector<16xf32>
        %mul3A_1495 = arith.constant 50 : i32
        %mul3A_1496 = arith.muli %scan3A_998, %mul3A_1495 : i32
        %add3A_1497 = arith.constant 41 : i32
        %add3A_1498 = arith.addi %mul3A_1496, %add3A_1497 : i32
        %get3A_1499 = arith.index_cast %add3A_1498 : i32 to index
        %get3A_1500 = arith.constant 0 : index
        %get3A_1501 = tpu.vector_load %arg9[%get3A_1499, %get3A_1500] {strides = array<i32>} : memref<1600x32xf32, #tpu.memory_space<vmem>>, vector<16xf32>,
        %add3A_1502 = arith.addf %add3A_1490, %get3A_1501 : vector<16xf32>
        %get3A_1503 = arith.index_cast %add3A_1498 : i32 to index
        %get3A_1504 = arith.constant 16 : index
        %get3A_1505 = tpu.vector_load %arg9[%get3A_1503, %get3A_1504] {strides = array<i32>} : memref<1600x32xf32, #tpu.memory_space<vmem>>, vector<16xf32>,
        %add3A_1506 = arith.addf %add3A_1494, %get3A_1505 : vector<16xf32>
        %mul3A_1507 = arith.constant 50 : i32
        %mul3A_1508 = arith.muli %scan3A_998, %mul3A_1507 : i32
        %add3A_1509 = arith.constant 42 : i32
        %add3A_1510 = arith.addi %mul3A_1508, %add3A_1509 : i32
        %get3A_1511 = arith.index_cast %add3A_1510 : i32 to index
        %get3A_1512 = arith.constant 0 : index
        %get3A_1513 = tpu.vector_load %arg9[%get3A_1511, %get3A_1512] {strides = array<i32>} : memref<1600x32xf32, #tpu.memory_space<vmem>>, vector<16xf32>,
        %add3A_1514 = arith.addf %add3A_1502, %get3A_1513 : vector<16xf32>
        %get3A_1515 = arith.index_cast %add3A_1510 : i32 to index
        %get3A_1516 = arith.constant 16 : index
        %get3A_1517 = tpu.vector_load %arg9[%get3A_1515, %get3A_1516] {strides = array<i32>} : memref<1600x32xf32, #tpu.memory_space<vmem>>, vector<16xf32>,
        %add3A_1518 = arith.addf %add3A_1506, %get3A_1517 : vector<16xf32>
        %mul3A_1519 = arith.constant 50 : i32
        %mul3A_1520 = arith.muli %scan3A_998, %mul3A_1519 : i32
        %add3A_1521 = arith.constant 43 : i32
        %add3A_1522 = arith.addi %mul3A_1520, %add3A_1521 : i32
        %get3A_1523 = arith.index_cast %add3A_1522 : i32 to index
        %get3A_1524 = arith.constant 0 : index
        %get3A_1525 = tpu.vector_load %arg9[%get3A_1523, %get3A_1524] {strides = array<i32>} : memref<1600x32xf32, #tpu.memory_space<vmem>>, vector<16xf32>,
        %add3A_1526 = arith.addf %add3A_1514, %get3A_1525 : vector<16xf32>
        %get3A_1527 = arith.index_cast %add3A_1522 : i32 to index
        %get3A_1528 = arith.constant 16 : index
        %get3A_1529 = tpu.vector_load %arg9[%get3A_1527, %get3A_1528] {strides = array<i32>} : memref<1600x32xf32, #tpu.memory_space<vmem>>, vector<16xf32>,
        %add3A_1530 = arith.addf %add3A_1518, %get3A_1529 : vector<16xf32>
        %mul3A_1531 = arith.constant 50 : i32
        %mul3A_1532 = arith.muli %scan3A_998, %mul3A_1531 : i32
        %add3A_1533 = arith.constant 44 : i32
        %add3A_1534 = arith.addi %mul3A_1532, %add3A_1533 : i32
        %get3A_1535 = arith.index_cast %add3A_1534 : i32 to index
        %get3A_1536 = arith.constant 0 : index
        %get3A_1537 = tpu.vector_load %arg9[%get3A_1535, %get3A_1536] {strides = array<i32>} : memref<1600x32xf32, #tpu.memory_space<vmem>>, vector<16xf32>,
        %add3A_1538 = arith.addf %add3A_1526, %get3A_1537 : vector<16xf32>
        %get3A_1539 = arith.index_cast %add3A_1534 : i32 to index
        %get3A_1540 = arith.constant 16 : index
        %get3A_1541 = tpu.vector_load %arg9[%get3A_1539, %get3A_1540] {strides = array<i32>} : memref<1600x32xf32, #tpu.memory_space<vmem>>, vector<16xf32>,
        %add3A_1542 = arith.addf %add3A_1530, %get3A_1541 : vector<16xf32>
        %mul3A_1543 = arith.constant 50 : i32
        %mul3A_1544 = arith.muli %scan3A_998, %mul3A_1543 : i32
        %add3A_1545 = arith.constant 45 : i32
        %add3A_1546 = arith.addi %mul3A_1544, %add3A_1545 : i32
        %get3A_1547 = arith.index_cast %add3A_1546 : i32 to index
        %get3A_1548 = arith.constant 0 : index
        %get3A_1549 = tpu.vector_load %arg9[%get3A_1547, %get3A_1548] {strides = array<i32>} : memref<1600x32xf32, #tpu.memory_space<vmem>>, vector<16xf32>,
        %add3A_1550 = arith.addf %add3A_1538, %get3A_1549 : vector<16xf32>
        %get3A_1551 = arith.index_cast %add3A_1546 : i32 to index
        %get3A_1552 = arith.constant 16 : index
        %get3A_1553 = tpu.vector_load %arg9[%get3A_1551, %get3A_1552] {strides = array<i32>} : memref<1600x32xf32, #tpu.memory_space<vmem>>, vector<16xf32>,
        %add3A_1554 = arith.addf %add3A_1542, %get3A_1553 : vector<16xf32>
        %mul3A_1555 = arith.constant 50 : i32
        %mul3A_1556 = arith.muli %scan3A_998, %mul3A_1555 : i32
        %add3A_1557 = arith.constant 46 : i32
        %add3A_1558 = arith.addi %mul3A_1556, %add3A_1557 : i32
        %get3A_1559 = arith.index_cast %add3A_1558 : i32 to index
        %get3A_1560 = arith.constant 0 : index
        %get3A_1561 = tpu.vector_load %arg9[%get3A_1559, %get3A_1560] {strides = array<i32>} : memref<1600x32xf32, #tpu.memory_space<vmem>>, vector<16xf32>,
        %add3A_1562 = arith.addf %add3A_1550, %get3A_1561 : vector<16xf32>
        %get3A_1563 = arith.index_cast %add3A_1558 : i32 to index
        %get3A_1564 = arith.constant 16 : index
        %get3A_1565 = tpu.vector_load %arg9[%get3A_1563, %get3A_1564] {strides = array<i32>} : memref<1600x32xf32, #tpu.memory_space<vmem>>, vector<16xf32>,
        %add3A_1566 = arith.addf %add3A_1554, %get3A_1565 : vector<16xf32>
        %mul3A_1567 = arith.constant 50 : i32
        %mul3A_1568 = arith.muli %scan3A_998, %mul3A_1567 : i32
        %add3A_1569 = arith.constant 47 : i32
        %add3A_1570 = arith.addi %mul3A_1568, %add3A_1569 : i32
        %get3A_1571 = arith.index_cast %add3A_1570 : i32 to index
        %get3A_1572 = arith.constant 0 : index
        %get3A_1573 = tpu.vector_load %arg9[%get3A_1571, %get3A_1572] {strides = array<i32>} : memref<1600x32xf32, #tpu.memory_space<vmem>>, vector<16xf32>,
        %add3A_1574 = arith.addf %add3A_1562, %get3A_1573 : vector<16xf32>
        %get3A_1575 = arith.index_cast %add3A_1570 : i32 to index
        %get3A_1576 = arith.constant 16 : index
        %get3A_1577 = tpu.vector_load %arg9[%get3A_1575, %get3A_1576] {strides = array<i32>} : memref<1600x32xf32, #tpu.memory_space<vmem>>, vector<16xf32>,
        %add3A_1578 = arith.addf %add3A_1566, %get3A_1577 : vector<16xf32>
        %mul3A_1579 = arith.constant 50 : i32
        %mul3A_1580 = arith.muli %scan3A_998, %mul3A_1579 : i32
        %add3A_1581 = arith.constant 48 : i32
        %add3A_1582 = arith.addi %mul3A_1580, %add3A_1581 : i32
        %get3A_1583 = arith.index_cast %add3A_1582 : i32 to index
        %get3A_1584 = arith.constant 0 : index
        %get3A_1585 = tpu.vector_load %arg9[%get3A_1583, %get3A_1584] {strides = array<i32>} : memref<1600x32xf32, #tpu.memory_space<vmem>>, vector<16xf32>,
        %add3A_1586 = arith.addf %add3A_1574, %get3A_1585 : vector<16xf32>
        %get3A_1587 = arith.index_cast %add3A_1582 : i32 to index
        %get3A_1588 = arith.constant 16 : index
        %get3A_1589 = tpu.vector_load %arg9[%get3A_1587, %get3A_1588] {strides = array<i32>} : memref<1600x32xf32, #tpu.memory_space<vmem>>, vector<16xf32>,
        %add3A_1590 = arith.addf %add3A_1578, %get3A_1589 : vector<16xf32>
        %mul3A_1591 = arith.constant 50 : i32
        %mul3A_1592 = arith.muli %scan3A_998, %mul3A_1591 : i32
        %add3A_1593 = arith.constant 49 : i32
        %add3A_1594 = arith.addi %mul3A_1592, %add3A_1593 : i32
        %get3A_1595 = arith.index_cast %add3A_1594 : i32 to index
        %get3A_1596 = arith.constant 0 : index
        %get3A_1597 = tpu.vector_load %arg9[%get3A_1595, %get3A_1596] {strides = array<i32>} : memref<1600x32xf32, #tpu.memory_space<vmem>>, vector<16xf32>,
        %add3A_1598 = arith.addf %add3A_1586, %get3A_1597 : vector<16xf32>
        %get3A_1599 = arith.index_cast %add3A_1594 : i32 to index
        %get3A_1600 = arith.constant 16 : index
        %get3A_1601 = tpu.vector_load %arg9[%get3A_1599, %get3A_1600] {strides = array<i32>} : memref<1600x32xf32, #tpu.memory_space<vmem>>, vector<16xf32>,
        %add3A_1602 = arith.addf %add3A_1590, %get3A_1601 : vector<16xf32>
        %add3A_1603 = arith.addi %add3A_989, %scan3A_998 : i32
        %jit3A = arith.constant 50 : i32
        %div3A = arith.divsi %add3A_1603, %jit3A : i32
        %sign3A = arith.constant 0 : i32
        %sign3A_1604 = arith.cmpi sgt, %add3A_1603, %sign3A : i32
        %sign3A_1605 = arith.extui %sign3A_1604 : i1 to i32
        %sign3A_1606 = arith.constant 0 : i32
        %sign3A_1607 = arith.cmpi slt, %add3A_1603, %sign3A_1606 : i32
        %sign3A_1608 = arith.extui %sign3A_1607 : i1 to i32
        %sign3A_1609 = arith.subi %sign3A_1605, %sign3A_1608 : i32
        %sign3A_1610 = arith.constant 0 : i32
        %sign3A_1611 = arith.cmpi sgt, %jit3A, %sign3A_1610 : i32
        %sign3A_1612 = arith.extui %sign3A_1611 : i1 to i32
        %sign3A_1613 = arith.constant 0 : i32
        %sign3A_1614 = arith.cmpi slt, %jit3A, %sign3A_1613 : i32
        %sign3A_1615 = arith.extui %sign3A_1614 : i1 to i32
        %sign3A_1616 = arith.subi %sign3A_1612, %sign3A_1615 : i32
        %ne3A = arith.cmpi ne, %sign3A_1609, %sign3A_1616 : i32
        %rem3A = arith.remsi %add3A_1603, %jit3A : i32
        %ne3A_1617 = arith.constant 0 : i32
        %ne3A_1618 = arith.cmpi ne, %rem3A, %ne3A_1617 : i32
        %and3A = arith.andi %ne3A, %ne3A_1618 : i1
        %sub3A = arith.constant 1 : i32
        %sub3A_1619 = arith.subi %div3A, %sub3A : i32
        %select_n3A = arith.select %and3A, %sub3A_1619, %div3A : i32
        %mul3A_1620 = arith.constant 32 : i32
        %mul3A_1621 = arith.muli %add3A, %mul3A_1620 : i32
        %sub3A_1622 = arith.subi %select_n3A, %mul3A_1621 : i32
        %get3A_1623 = arith.index_cast %sub3A_1622 : i32 to index
        %get3A_1624 = arith.constant 0 : index
        %get3A_1625 = tpu.vector_load %arg12[%get3A_1623, %get3A_1624] {strides = array<i32>} : memref<32x32xf32, #tpu.memory_space<vmem>>, vector<16xf32>,
        %swap3A = arith.index_cast %scan3A_998 : i32 to index
        %swap3A_1626 = arith.constant 0 : index
        %swap3A_1627 = tpu.vector_load %arg11[%swap3A, %swap3A_1626] {strides = array<i32>} : memref<32x128xf32, #tpu.memory_space<vmem>>, vector<16xf32>,
        tpu.vector_store %arg11[%swap3A, %swap3A_1626], %get3A_1625 {strides = array<i32>} : memref<32x128xf32, #tpu.memory_space<vmem>>, vector<16xf32>,
        %get3A_1628 = arith.index_cast %sub3A_1622 : i32 to index
        %get3A_1629 = arith.constant 16 : index
        %get3A_1630 = tpu.vector_load %arg12[%get3A_1628, %get3A_1629] {strides = array<i32>} : memref<32x32xf32, #tpu.memory_space<vmem>>, vector<16xf32>,
        %swap3A_1631 = arith.index_cast %scan3A_998 : i32 to index
        %swap3A_1632 = arith.constant 16 : index
        %swap3A_1633 = tpu.vector_load %arg11[%swap3A_1631, %swap3A_1632] {strides = array<i32>} : memref<32x128xf32, #tpu.memory_space<vmem>>, vector<16xf32>,
        tpu.vector_store %arg11[%swap3A_1631, %swap3A_1632], %get3A_1630 {strides = array<i32>} : memref<32x128xf32, #tpu.memory_space<vmem>>, vector<16xf32>,
        %swap3A_1634 = arith.index_cast %scan3A_998 : i32 to index
        %swap3A_1635 = arith.constant 32 : index
        %swap3A_1636 = tpu.vector_load %arg11[%swap3A_1634, %swap3A_1635] {strides = array<i32>} : memref<32x128xf32, #tpu.memory_space<vmem>>, vector<16xf32>,
        tpu.vector_store %arg11[%swap3A_1634, %swap3A_1635], %add3A_1598 {strides = array<i32>} : memref<32x128xf32, #tpu.memory_space<vmem>>, vector<16xf32>,
        %swap3A_1637 = arith.index_cast %scan3A_998 : i32 to index
        %swap3A_1638 = arith.constant 48 : index
        %swap3A_1639 = tpu.vector_load %arg11[%swap3A_1637, %swap3A_1638] {strides = array<i32>} : memref<32x128xf32, #tpu.memory_space<vmem>>, vector<16xf32>,
        tpu.vector_store %arg11[%swap3A_1637, %swap3A_1638], %add3A_1602 {strides = array<i32>} : memref<32x128xf32, #tpu.memory_space<vmem>>, vector<16xf32>,
        %scan3A_1640 = arith.constant 0 : i32
        scf.yield %scan3A_1640 : i32
      }
      %scan3A_996 = arith.constant 32 : i32
      "tpu.region"() ({
        %run_scoped3A = tpu.sem_alloc : memref<!tpu.dma_semaphore, #tpu.memory_space<semaphore_mem>>
        %dma_start3A_998 = arith.constant 0 : i32
        %dma_start3A_999 = tpu.memref_slice %arg5[%add3A_989, %dma_start3A_998] : memref<51200x128xf32, #tpu.memory_space<hbm>> -> memref<32x128xf32, #tpu.memory_space<hbm>>
        %dma_start3A_1000 = arith.constant 0 : i32
        %dma_start3A_1001 = tpu.memref_slice %arg5[%add3A_989, %dma_start3A_1000] : memref<51200x128xf32, #tpu.memory_space<hbm>> -> memref<32x128xf32, #tpu.memory_space<hbm>>
        tpu.enqueue_dma source(%arg11 : memref<32x128xf32, #tpu.memory_space<vmem>>) target(%dma_start3A_1001 : memref<32x128xf32, #tpu.memory_space<hbm>>) target_semaphore(%run_scoped3A : memref<!tpu.dma_semaphore, #tpu.memory_space<semaphore_mem>>)
        %dma_wait3A_1002 = arith.constant 0 : i32
        %dma_wait3A_1003 = tpu.memref_slice %arg5[%add3A_989, %dma_wait3A_1002] : memref<51200x128xf32, #tpu.memory_space<hbm>> -> memref<32x128xf32, #tpu.memory_space<hbm>>
        %dma_wait3A_1004 = arith.constant 0 : i32
        %dma_wait3A_1005 = tpu.memref_slice %arg5[%add3A_989, %dma_wait3A_1004] : memref<51200x128xf32, #tpu.memory_space<hbm>> -> memref<32x128xf32, #tpu.memory_space<hbm>>
        tpu.wait_dma2 semaphore(%run_scoped3A : memref<!tpu.dma_semaphore, #tpu.memory_space<semaphore_mem>>) src(%arg11 : memref<32x128xf32, #tpu.memory_space<vmem>>) dst(%dma_wait3A_1005 : memref<32x128xf32, #tpu.memory_space<hbm>>)
        tpu.yield
      }) : () -> ()
      %scan3A_997 = arith.constant 0 : i32
      scf.yield %scan3A_997 : i32
    }
    %scan3A_313 = arith.constant 25 : i32
    return
  }
}

module attributes {stable_mosaic.version = 14 : i64} {
  func.func @_repack_body(%arg0: i32, %arg1: memref<32x8192xf32, #tpu.memory_space<vmem>>, %arg2: memref<128x128xf32, #tpu.memory_space<vmem>>, %arg3: memref<2048x128xf32, #tpu.memory_space<vmem>>) attributes {dimension_semantics = [#tpu.dimension_semantics<arbitrary>], iteration_bounds = array<i64: 123>, scalar_prefetch = 0 : i64, scratch_operands = 0 : i64, tpu.core_type = #tpu.core_type<tc>, window_params = [{transform_indices = @transform_0, window_bounds = array<i64: 32, 8192>}, {pipeline_mode = #tpu.pipeline_mode<synchronous>, transform_indices = @transform_1, window_bounds = array<i64: 128, 128>}, {transform_indices = @transform_2, window_bounds = array<i64: 2048, 128>}]} {
    %get3A = arith.constant 0 : index
    %get3A_0 = arith.constant 0 : index
    %get3A_1 = vector.load %arg1[%get3A, %get3A_0] : memref<32x8192xf32, #tpu.memory_space<vmem>>, vector<32x2048xf32>
    %get3A_2 = arith.constant 0 : index
    %get3A_3 = arith.constant 0 : index
    %get3A_4 = vector.load %arg2[%get3A_2, %get3A_3] : memref<128x128xf32, #tpu.memory_space<vmem>>, vector<32x128xf32>
    %dot_general3A = arith.constant dense<0.000000e+00> : vector<2048x128xf32>
    %dot_general3A_5 = tpu.matmul %get3A_1, %get3A_4, %dot_general3A {dimension_numbers = #tpu.dot_dimension_numbers<[0], [0], [1], [1], [0, 1, 1, 1], [], []>, transpose_lhs_hint = false} : vector<32x2048xf32>, vector<32x128xf32>, vector<2048x128xf32> -> vector<2048x128xf32>
    %get3A_6 = arith.constant 0 : index
    %get3A_7 = arith.constant 2048 : index
    %get3A_8 = vector.load %arg1[%get3A_6, %get3A_7] : memref<32x8192xf32, #tpu.memory_space<vmem>>, vector<32x2048xf32>
    %get3A_9 = arith.constant 32 : index
    %get3A_10 = arith.constant 0 : index
    %get3A_11 = vector.load %arg2[%get3A_9, %get3A_10] : memref<128x128xf32, #tpu.memory_space<vmem>>, vector<32x128xf32>
    %dot_general3A_12 = arith.constant dense<0.000000e+00> : vector<2048x128xf32>
    %dot_general3A_13 = tpu.matmul %get3A_8, %get3A_11, %dot_general3A_12 {dimension_numbers = #tpu.dot_dimension_numbers<[0], [0], [1], [1], [0, 1, 1, 1], [], []>, transpose_lhs_hint = false} : vector<32x2048xf32>, vector<32x128xf32>, vector<2048x128xf32> -> vector<2048x128xf32>
    %add3A = arith.addf %dot_general3A_5, %dot_general3A_13 : vector<2048x128xf32>
    %get3A_14 = arith.constant 0 : index
    %get3A_15 = arith.constant 4096 : index
    %get3A_16 = vector.load %arg1[%get3A_14, %get3A_15] : memref<32x8192xf32, #tpu.memory_space<vmem>>, vector<32x2048xf32>
    %get3A_17 = arith.constant 64 : index
    %get3A_18 = arith.constant 0 : index
    %get3A_19 = vector.load %arg2[%get3A_17, %get3A_18] : memref<128x128xf32, #tpu.memory_space<vmem>>, vector<32x128xf32>
    %dot_general3A_20 = arith.constant dense<0.000000e+00> : vector<2048x128xf32>
    %dot_general3A_21 = tpu.matmul %get3A_16, %get3A_19, %dot_general3A_20 {dimension_numbers = #tpu.dot_dimension_numbers<[0], [0], [1], [1], [0, 1, 1, 1], [], []>, transpose_lhs_hint = false} : vector<32x2048xf32>, vector<32x128xf32>, vector<2048x128xf32> -> vector<2048x128xf32>
    %add3A_22 = arith.addf %add3A, %dot_general3A_21 : vector<2048x128xf32>
    %get3A_23 = arith.constant 0 : index
    %get3A_24 = arith.constant 6144 : index
    %get3A_25 = vector.load %arg1[%get3A_23, %get3A_24] : memref<32x8192xf32, #tpu.memory_space<vmem>>, vector<32x2048xf32>
    %get3A_26 = arith.constant 96 : index
    %get3A_27 = arith.constant 0 : index
    %get3A_28 = vector.load %arg2[%get3A_26, %get3A_27] : memref<128x128xf32, #tpu.memory_space<vmem>>, vector<32x128xf32>
    %dot_general3A_29 = arith.constant dense<0.000000e+00> : vector<2048x128xf32>
    %dot_general3A_30 = tpu.matmul %get3A_25, %get3A_28, %dot_general3A_29 {dimension_numbers = #tpu.dot_dimension_numbers<[0], [0], [1], [1], [0, 1, 1, 1], [], []>, transpose_lhs_hint = false} : vector<32x2048xf32>, vector<32x128xf32>, vector<2048x128xf32> -> vector<2048x128xf32>
    %add3A_31 = arith.addf %add3A_22, %dot_general3A_30 : vector<2048x128xf32>
    %swap3A = arith.constant 0 : index
    %swap3A_32 = arith.constant 0 : index
    %swap3A_33 = vector.load %arg3[%swap3A, %swap3A_32] : memref<2048x128xf32, #tpu.memory_space<vmem>>, vector<2048x128xf32>
    tpu.vector_store %arg3[%swap3A, %swap3A_32], %add3A_31 {strides = array<i32>} : memref<2048x128xf32, #tpu.memory_space<vmem>>, vector<2048x128xf32>,
    return
  }
  func.func @transform_0(%arg0: i32) -> (i32, i32) {
    %c0_i32 = arith.constant 0 : i32
    %c0_i32_0 = arith.constant 0 : i32
    return %c0_i32, %arg0 : i32, i32
  }
  func.func @transform_1(%arg0: i32) -> (i32, i32) {
    %c0_i32 = arith.constant 0 : i32
    %c0_i32_0 = arith.constant 0 : i32
    %c0_i32_1 = arith.constant 0 : i32
    return %c0_i32, %c0_i32_0 : i32, i32
  }
  func.func @transform_2(%arg0: i32) -> (i32, i32) {
    %c0_i32 = arith.constant 0 : i32
    %c0_i32_0 = arith.constant 0 : i32
    return %arg0, %c0_i32 : i32, i32
  }
}

module attributes {stable_mosaic.version = 14 : i64} {
  func.func @_mlp_body(%arg0: i32, %arg1: memref<5120x128xf32, #tpu.memory_space<vmem>>, %arg2: memref<128x64xf32, #tpu.memory_space<vmem>>, %arg3: memref<1x64xf32, #tpu.memory_space<vmem>>, %arg4: memref<64x32xf32, #tpu.memory_space<vmem>>, %arg5: memref<1x32xf32, #tpu.memory_space<vmem>>, %arg6: memref<1x32xf32, #tpu.memory_space<vmem>>, %arg7: memref<1x1xf32, #tpu.memory_space<vmem>>, %arg8: memref<5120xf32, #tpu.memory_space<vmem>>) attributes {dimension_semantics = [#tpu.dimension_semantics<arbitrary>], iteration_bounds = array<i64: 10>, scalar_prefetch = 0 : i64, scratch_operands = 0 : i64, tpu.core_type = #tpu.core_type<tc>, window_params = [{transform_indices = @transform_0, window_bounds = array<i64: 5120, 128>}, {pipeline_mode = #tpu.pipeline_mode<synchronous>, transform_indices = @transform_1, window_bounds = array<i64: 128, 64>}, {pipeline_mode = #tpu.pipeline_mode<synchronous>, transform_indices = @transform_2, window_bounds = array<i64: 1, 64>}, {pipeline_mode = #tpu.pipeline_mode<synchronous>, transform_indices = @transform_3, window_bounds = array<i64: 64, 32>}, {pipeline_mode = #tpu.pipeline_mode<synchronous>, transform_indices = @transform_4, window_bounds = array<i64: 1, 32>}, {pipeline_mode = #tpu.pipeline_mode<synchronous>, transform_indices = @transform_5, window_bounds = array<i64: 1, 32>}, {pipeline_mode = #tpu.pipeline_mode<synchronous>, transform_indices = @transform_6, window_bounds = array<i64: 1, 1>}, {transform_indices = @transform_7, window_bounds = array<i64: 5120>}]} {
    %get3A = arith.constant 0 : index
    %get3A_0 = arith.constant 0 : index
    %get3A_1 = vector.load %arg1[%get3A, %get3A_0] : memref<5120x128xf32, #tpu.memory_space<vmem>>, vector<5120x128xf32>
    %get3A_2 = arith.constant 0 : index
    %get3A_3 = arith.constant 0 : index
    %get3A_4 = vector.load %arg2[%get3A_2, %get3A_3] : memref<128x64xf32, #tpu.memory_space<vmem>>, vector<128x64xf32>
    %dot_general3A = arith.constant dense<0.000000e+00> : vector<5120x64xf32>
    %dot_general3A_5 = tpu.matmul %get3A_1, %get3A_4, %dot_general3A {dimension_numbers = #tpu.dot_dimension_numbers<[1], [0], [0], [1], [0, 0, 1, 1], [], []>, transpose_lhs_hint = false} : vector<5120x128xf32>, vector<128x64xf32>, vector<5120x64xf32> -> vector<5120x64xf32>
    %get3A_6 = arith.constant 0 : index
    %get3A_7 = arith.constant 0 : index
    %get3A_8 = vector.load %arg3[%get3A_6, %get3A_7] : memref<1x64xf32, #tpu.memory_space<vmem>>, vector<1x64xf32>
    %add3A = vector.broadcast %get3A_8 : vector<1x64xf32> to vector<5120x64xf32>
    %add3A_9 = arith.addf %dot_general3A_5, %add3A : vector<5120x64xf32>
    %max3A = arith.constant 0.000000e+00 : f32
    %max3A_10 = vector.broadcast %max3A : f32 to vector<5120x64xf32>
    %max3A_11 = arith.maximumf %add3A_9, %max3A_10 : vector<5120x64xf32>
    %get3A_12 = arith.constant 0 : index
    %get3A_13 = arith.constant 0 : index
    %get3A_14 = vector.load %arg4[%get3A_12, %get3A_13] : memref<64x32xf32, #tpu.memory_space<vmem>>, vector<64x32xf32>
    %dot_general3A_15 = arith.constant dense<0.000000e+00> : vector<5120x32xf32>
    %dot_general3A_16 = tpu.matmul %max3A_11, %get3A_14, %dot_general3A_15 {dimension_numbers = #tpu.dot_dimension_numbers<[1], [0], [0], [1], [0, 0, 1, 1], [], []>, transpose_lhs_hint = false} : vector<5120x64xf32>, vector<64x32xf32>, vector<5120x32xf32> -> vector<5120x32xf32>
    %get3A_17 = arith.constant 0 : index
    %get3A_18 = arith.constant 0 : index
    %get3A_19 = vector.load %arg5[%get3A_17, %get3A_18] : memref<1x32xf32, #tpu.memory_space<vmem>>, vector<1x32xf32>
    %add3A_20 = vector.broadcast %get3A_19 : vector<1x32xf32> to vector<5120x32xf32>
    %add3A_21 = arith.addf %dot_general3A_16, %add3A_20 : vector<5120x32xf32>
    %max3A_22 = arith.constant 0.000000e+00 : f32
    %max3A_23 = vector.broadcast %max3A_22 : f32 to vector<5120x32xf32>
    %max3A_24 = arith.maximumf %add3A_21, %max3A_23 : vector<5120x32xf32>
    %get3A_25 = arith.constant 0 : index
    %get3A_26 = arith.constant 0 : index
    %get3A_27 = vector.load %arg6[%get3A_25, %get3A_26] : memref<1x32xf32, #tpu.memory_space<vmem>>, vector<1x32xf32>
    %mul3A = vector.broadcast %get3A_27 : vector<1x32xf32> to vector<5120x32xf32>
    %mul3A_28 = arith.mulf %max3A_24, %mul3A : vector<5120x32xf32>
    %reduce_sum3A = arith.constant dense<0.000000e+00> : vector<5120xf32>
    %reduce_sum3A_29 = vector.multi_reduction <add>, %mul3A_28, %reduce_sum3A [1] : vector<5120x32xf32> to vector<5120xf32>
    %get3A_30 = arith.constant 0 : index
    %get3A_31 = arith.constant 0 : index
    %get3A_32 = vector.load %arg7[%get3A_30, %get3A_31] : memref<1x1xf32, #tpu.memory_space<vmem>>, vector<1x1xf32>
    %get3A_33 = vector.extract %get3A_32[0, 0] : f32 from vector<1x1xf32>
    %add3A_34 = vector.broadcast %get3A_33 : f32 to vector<5120xf32>
    %add3A_35 = arith.addf %reduce_sum3A_29, %add3A_34 : vector<5120xf32>
    %swap3A = arith.constant 0 : index
    %swap3A_36 = vector.load %arg8[%swap3A] : memref<5120xf32, #tpu.memory_space<vmem>>, vector<5120xf32>
    tpu.vector_store %arg8[%swap3A], %add3A_35 {strides = array<i32>} : memref<5120xf32, #tpu.memory_space<vmem>>, vector<5120xf32>,
    return
  }
  func.func @transform_0(%arg0: i32) -> (i32, i32) {
    %c0_i32 = arith.constant 0 : i32
    %c0_i32_0 = arith.constant 0 : i32
    return %arg0, %c0_i32 : i32, i32
  }
  func.func @transform_1(%arg0: i32) -> (i32, i32) {
    %c0_i32 = arith.constant 0 : i32
    %c0_i32_0 = arith.constant 0 : i32
    %c0_i32_1 = arith.constant 0 : i32
    return %c0_i32, %c0_i32_0 : i32, i32
  }
  func.func @transform_2(%arg0: i32) -> (i32, i32) {
    %c0_i32 = arith.constant 0 : i32
    %c0_i32_0 = arith.constant 0 : i32
    %c0_i32_1 = arith.constant 0 : i32
    return %c0_i32, %c0_i32_0 : i32, i32
  }
  func.func @transform_3(%arg0: i32) -> (i32, i32) {
    %c0_i32 = arith.constant 0 : i32
    %c0_i32_0 = arith.constant 0 : i32
    %c0_i32_1 = arith.constant 0 : i32
    return %c0_i32, %c0_i32_0 : i32, i32
  }
  func.func @transform_4(%arg0: i32) -> (i32, i32) {
    %c0_i32 = arith.constant 0 : i32
    %c0_i32_0 = arith.constant 0 : i32
    %c0_i32_1 = arith.constant 0 : i32
    return %c0_i32, %c0_i32_0 : i32, i32
  }
  func.func @transform_5(%arg0: i32) -> (i32, i32) {
    %c0_i32 = arith.constant 0 : i32
    %c0_i32_0 = arith.constant 0 : i32
    %c0_i32_1 = arith.constant 0 : i32
    return %c0_i32, %c0_i32_0 : i32, i32
  }
  func.func @transform_6(%arg0: i32) -> (i32, i32) {
    %c0_i32 = arith.constant 0 : i32
    %c0_i32_0 = arith.constant 0 : i32
    %c0_i32_1 = arith.constant 0 : i32
    return %c0_i32, %c0_i32_0 : i32, i32
  }
  func.func @transform_7(%arg0: i32) -> i32 {
    %c0_i32 = arith.constant 0 : i32
    return %arg0 : i32
  }
}

</mosaic_0001>

<sc_bundles>
// kernel: kernel.5.cloned.1.call-start
scs
__scs_entry_jumppad:
0x0: {  	(pc) =	sbr.rel $0x88, $3  }
0x1: {  	(tag) =	ssettag $0x0;
	lr =	simm.s32 $0x1  }
0x2: {  	[smem:$0x3F94] =	sst lr;
	_ =	strace $0xD0000000  }
0x3: {  	_ = 	snop  }
0x4: {  	_ = 	snop  }
0x5: {  	_ = 	snop  }
0x6: {  	_ = 	snop  }
0x7: {  	_ = 	snop  }
__scs_overlays_trampoline_lowered:
0x8: {  	[smem:$0x3FA3] =	sst s0  }
0x9: {  	[smem:$0x3FA4] =	sst s1  }
0xa: {  	[smem:$0x3FA5] =	sst s2  }
0xb: {  	[smem:$0x3FA6] =	sst s3  }
0xc: {  	[smem:$0x3FA7] =	sst s4  }
0xd: {  	[smem:$0x3FA8] =	sst s5  }
0xe: {  	[smem:$0x3FA9] =	sst s6  }
0xf: {  	[smem:$0x3FAA] =	sst s7  }
0x10: {  	[smem:$0x3FAB] =	sst s8  }
0x11: {  	[smem:$0x3FAC] =	sst s9;
	s0 =	simm.s32 @!p0 $0x0  }
0x12: {  	s1 =	sld [smem:$0x3F92];
	s0 =	simm.s32 @p0 $0x1  }
0x13: {  	[smem:$0x3FAD] =	sst s0;
	s0 =	simm.s32 @!p1 $0x0  }
0x14: {  	s2 =	sld [smem:$0x3F91];
	s0 =	simm.s32 @p1 $0x1  }
0x15: {  	[smem:$0x3FAE] =	sst s0;
	s0 =	simm.s32 @!p2 $0x0  }
0x16: {  	s3 =	sld [smem:$0x3FDB];
	s0 =	simm.s32 @p2 $0x1  }
0x17: {  	s4 =	simm.s32 $0x1BF5;
	[smem:$0x3FB0] =	sst s0  }
0x18: {  	s0 =	sld [smem:$0x3F93];
	_ =	swait.ge [sflag:s4], $0x0  }
0x19: {  	s7 =	sld [smem:$0x3F94]  }
0x1a: {  	s8 =	sadd.s32 $0xFFFFE003, lr  }
0x1b: {  	s9 =	sadd.s32 $0xFFFFFEF7, lr;
	s5 =	simm.s32 $0xFFFFFFFF;
	p2 =	slt.u32 s8, $0xFFFFF086  }
0x1c: {  	p1 =	slt.u32 s9, $0xF7A;
	s5 =	simm.s32 @!p2 $0x0  }
0x1d: {  	s5 =	simm.s32 @p1 $0x1;
	p0 =	seq.s32 s7, s2  }
0x1e: {  	s7 =	smul.u32 @!p0 $0xF7A, s2;
	p2 =	seq.s32 @!p0 s5, $0x0  }
0x1f: {  	s9 =	smul.u32 $0xF7A, s1;
	s8 =	simm.s32 @!p0 $0x1BF5;
	p2 =	por !p2, p0  }
0x20: {  	[sflag:s8] =	ssyncset.s32 @!p0 $0xFFFFF086;
	s6 =	sadd.s32 @!p0 s3, s7;
	s7 =	simm.s32 @!p0 $0x108  }
0x21: {  	s3 =	sadd.s32 s3, s9;
	s6 =	sadd.s32 @!p0 $0x88, s6;
	s7 =	simm.s32 @p2 $0x1082  }
0x22: {  	[simem:s7], [sflag:s8] =	dma.local @!p0 [hbm:s6], $0xF7A  }
0x23: {  	s9 =	sor.u32 $0xD0000000, s2;
	s6 =	simm.s32 $0x108;
	_ =	swait.ge @!p0 [sflag:s8], $0x0  }
0x24: {  	s3 =	sadd.s32 $0x88, s3;
	s6 =	simm.s32 @!p1 $0x1082;
	[sflag:s4] =	ssyncset.s32 $0xFFFFF086  }
0x25: {  	[simem:s6], [sflag:s4] =	dma.local [hbm:s3], $0xF7A  }
0x26: {  	[smem:$0x3F94] =	sst s1;
	(tag) =	ssettag s2;
	_ =	strace s9  }
0x27: {  	s1 =	sld [smem:$0x3FA4]  }
0x28: {  	s2 =	sld [smem:$0x3FA5]  }
0x29: {  	s4 =	sld [smem:$0x3FA7]  }
0x2a: {  	p0 =	seq.s32 s5, $0x0;
	s5 =	sld [smem:$0x3FA8]  }
0x2b: {  	s6 =	sld [smem:$0x3FA9]  }
0x2c: {  	s7 =	sld [smem:$0x3FAA]  }
0x2d: {  	s3 =	simm.s32 $0x108;
	s8 =	sld [smem:$0x3FAB]  }
0x2e: {  	s3 =	simm.s32 @!p0 $0x1082;
	s9 =	sld [smem:$0x3FAC]  }
0x2f: {  	lr =	sadd.s32 s0, s3;
	s0 =	sld [smem:$0x3FA3]  }
0x30: {  	s3 =	sld [smem:$0x3FA6]  }
0x31: {  	[smem:$0x3FAF] =	sst s10  }
0x32: {  	s10 =	sld [smem:$0x3FAD];
	_ =	sdelay $0x3  }
0x33: {  	p0 =	seq.s32 s10, $0x1;
	s10 =	sld [smem:$0x3FAF];
	_ =	sdelay $0x3  }
0x34: {  	[smem:$0x3FAF] =	sst s10  }
0x35: {  	s10 =	sld [smem:$0x3FAE];
	_ =	sdelay $0x3  }
0x36: {  	p1 =	seq.s32 s10, $0x1;
	s10 =	sld [smem:$0x3FAF];
	_ =	sdelay $0x3  }
0x37: {  	[smem:$0x3FAF] =	sst s10  }
0x38: {  	s10 =	sld [smem:$0x3FB0]  }
0x39: {  	_ = 	snop;
	(pc) =	sbr.ind lr, $3  }
0x3a: {  	_ = 	snop  }
0x3b: {  	_ = 	snop  }
0x3c: {  	p2 =	seq.s32 s10, $0x1;
	s10 =	sld [smem:$0x3FAF]  }
0x3d: {  	_ =	shalt  }
0x3e: {  	_ =	shalt  }
0x3f: {  	_ =	shalt  }
0x40: {  	_ =	shalt  }
0x41: {  	_ =	shalt  }
0x42: {  	_ =	shalt  }
0x43: {  	_ =	shalt  }
0x44: {  	_ =	shalt  }
0x45: {  	_ =	shalt  }
0x46: {  	_ =	shalt  }
0x47: {  	_ =	shalt  }
0x48: {  	_ =	shalt  }
0x49: {  	_ =	shalt  }
0x4a: {  	_ =	shalt  }
0x4b: {  	_ =	shalt  }
0x4c: {  	_ =	shalt  }
0x4d: {  	_ =	shalt  }
0x4e: {  	_ =	shalt  }
0x4f: {  	_ =	shalt  }
0x50: {  	_ =	shalt  }
0x51: {  	_ =	shalt  }
0x52: {  	_ =	shalt  }
0x53: {  	_ =	shalt  }
0x54: {  	_ =	shalt  }
0x55: {  	_ =	shalt  }
0x56: {  	_ =	shalt  }
0x57: {  	_ =	shalt  }
0x58: {  	_ =	shalt  }
0x59: {  	_ =	shalt  }
0x5a: {  	_ =	shalt  }
0x5b: {  	_ =	shalt  }
0x5c: {  	_ =	shalt  }
0x5d: {  	_ =	shalt  }
0x5e: {  	_ =	shalt  }
0x5f: {  	_ =	shalt  }
0x60: {  	_ =	shalt  }
0x61: {  	_ =	shalt  }
0x62: {  	_ =	shalt  }
0x63: {  	_ =	shalt  }
0x64: {  	_ =	shalt  }
0x65: {  	_ =	shalt  }
0x66: {  	_ =	shalt  }
0x67: {  	_ =	shalt  }
0x68: {  	_ =	shalt  }
0x69: {  	_ =	shalt  }
0x6a: {  	_ =	shalt  }
0x6b: {  	_ =	shalt  }
0x6c: {  	_ =	shalt  }
0x6d: {  	_ =	shalt  }
0x6e: {  	_ =	shalt  }
0x6f: {  	_ =	shalt  }
0x70: {  	_ =	shalt  }
0x71: {  	_ =	shalt  }
0x72: {  	_ =	shalt  }
0x73: {  	_ =	shalt  }
0x74: {  	_ =	shalt  }
0x75: {  	_ =	shalt  }
0x76: {  	_ =	shalt  }
0x77: {  	_ =	shalt  }
0x78: {  	_ =	shalt  }
0x79: {  	_ =	shalt  }
0x7a: {  	_ =	shalt  }
0x7b: {  	_ =	shalt  }
0x7c: {  	_ =	shalt  }
0x7d: {  	_ =	shalt  }
0x7e: {  	_ =	shalt  }
0x7f: {  	_ =	shalt  }
0x80: {  	_ =	shalt  }
0x81: {  	_ =	shalt  }
0x82: {  	_ =	shalt  }
0x83: {  	_ =	shalt  }
0x84: {  	_ =	shalt  }
0x85: {  	_ =	shalt  }
0x86: {  	_ =	shalt  }
0x87: {  	_ =	shalt  }
.Lfunc_end0:
.L_simem_size_0:
called_computation_lowered:
.L_overlay_start_0:
0x88: {  	s2 =	sld [smem:$0x3FD9]  }
0x89: {  	s3 =	sld [smem:$0x3FFE];
	_ =	sdelay $0x1  }
0x8a: {  	s1 =	srdreg.scid  }
0x8b: {  	s0 =	sand.u32 $0x1, s1  }
0x8c: {  	s17 =	sshll.u32 s0, $0xA;
	s2 =	sadd.s32 s3, s2  }
0x8d: {  	s2 =	sadd.s32 s2, s17  }
0x8e: {  	[smem:$0x3FBB] =	sst s2  }
0x8f: {  	_ = 	snop  }
0x90: {  	s2 =	sld [smem:$0x3FD0];
	(tm) =	ssettm $0x1  }
0x91: {  	s18 =	sld [smem:$0x3FFB];
	_ =	sdelay $0x3  }
0x92: {  	_ =	strace s18  }
0x93: {  	s3 =	sld [smem:$0x3FFC];
	_ =	sdelay $0x3  }
0x94: {  	_ =	strace s3  }
0x95: {  	s3 =	sld [smem:$0x3FFD];
	_ =	sdelay $0x3  }
0x96: {  	_ =	strace s3  }
0x97: {  	_ =	strace $0x8FFFFFFF  }
0x98: {  	s19 =	sld [smem:$0x3FDB];
	_ =	sdelay $0x1  }
0x99: {  	s4 =	simm.s32 $_scs_section_size  }
0x9a: {  	s5 =	simm.s32 $_size__tile_overlayer_lowered;
	s6 =	simm.s32 $_tile_overlayer_lowered  }
0x9b: {  	s22 =	simm.s32 $0x1BFF;
	s21 =	sshll.u32 s6, $0x1;
	s3 =	sadd.s32 s4, s19  }
0x9c: {  	s7 =	simm.s32 $0x0;
	s20 =	sshll.u32 s5, $0x1;
	s5 =	sadd.s32 s21, s3  }
0x9d: {  	[timem:s7], [sflag:s22] =	dma.local [hbm:s5], s20  }
0x9e: {  	_ =	swait.ge [sflag:s22], s20  }
0x9f: {  	s4 =	ssub.s32 $0x0, s20;
	[sflag:s22] =	ssyncset.done $0x0  }
0xa0: {  	[sflag:s22] =	ssyncadd.s32 s4;
	_ =	sdelay $0x1  }
0xa1: {  	s23 =	simm.s32 $0x1B8B  }
0xa2: {  	_ =	swait.ge [sflag:s23], $0x1  }
0xa3: {  	[sflag:s23] =	ssyncset.done $0x0  }
0xa4: {  	s25 =	simm.s32 $0x1B8E;
	s24 =	sld [smem:$0x3FFE];
	[sflag:s23] =	ssyncadd.s32 $0xFFFFFFFF  }
0xa5: {  	s26 =	simm.s32 $execute0_lowered;
	[smem:$0x3FD2] =	sst s25  }
0xa6: {  	s5 =	sshll.u32 s26, $0x1;
	_ =	strace $0x80000046;
	[dreg:$0x1] =	wrdreg $0xFFFFFFFF  }
0xa7: {  	s28 =	simm.s32 $_size_execute0_lowered;
	s3 =	sadd.s32 s3, s5;
	[dreg:$0x0] =	wrdreg $0x0  }
0xa8: {  	s5 =	sshll.u32 s28, $0x1;
	[dreg:$0x2] =	wrdreg s3  }
0xa9: {  	[dreg:$0x3] =	wrdreg s5  }
0xaa: {  	[dreg:$0x4] =	wrdreg $0xC0  }
0xab: {  	_ =	task [dreg:s7], $0x5FFFF  }
0xac: {  	[dreg:$0x1] =	wrdreg $0xFFFFFFFF  }
0xad: {  	[dreg:$0x0] =	wrdreg $0x60  }
0xae: {  	[dreg:$0x2] =	wrdreg s2  }
0xaf: {  	[dreg:$0x3] =	wrdreg s24  }
0xb0: {  	[dreg:$0x4] =	wrdreg $0x9  }
0xb1: {  	_ =	task.clear_ibuf [dreg:s7], $0x5FFFF;
	_ =	strace $0x90000046  }
0xb2: {  	s29 =	simm.s32 $0x9;
	_ =	strace $0x80000048  }
0xb3: {  	_ =	swait.ge [sflag:s29], $0x1  }
0xb4: {  	[sflag:s29] =	ssyncadd.s32 $0xFFFFFFFF  }
0xb5: {  	_ =	strace $0x90000048  }
0xb6: {  	_ =	sfence  }
0xb7: {  	s30 =	sld [smem:$0x0];
	_ =	sdelay $0x2  }
0xb8: {  	s31 =	sshll.u32 s1, $0xD;
	s1 =	sshrl.u32 s1, $0x2  }
0xb9: {  	s3 =	sand.u32 $0x4000, s31;
	s1 =	sadd.s32 s1, s30  }
0xba: {  	s0 =	sor.u32 s3, s0;
	s1 =	sshll.u32 s1, $0x11  }
0xbb: {  	s0 =	sor.u32 s1, s0  }
0xbc: {  	s0 =	sadd.s32 $0x8F2B, s0  }
0xbd: {  	[sflag:s0] =	ssyncadd.remote.s32 $0x1  }
0xbe: {  	_ =	sfence.sel $0xFFFF  }
0xbf: {  	[dreg:$0x0] =	wrdreg $0xFFFFFFFF;
	(pc) =	sbr.abs _section_cstart, $3  }
0xc0: {  	[dreg:$0x1] =	wrdreg $0xFFFFFFFF  }
0xc1: {  	_ =	task.clear_ibuf [dreg:s7], $0x2FFFF;
	_ =	strace $0x9FFFFFFF  }
0xc2: {  	(tm) =	ssettm $0x7FFFFFFF  }
0xc3: {  	_ =	shalt  }
tec
execute0_lowered:
.L_overlay_start_1:
0x0: {  	(tag) =	ssettag $0x1  }
0x1: {  	s0 =	rddreg [dreg:$0x0]  }
0x2: {  	s1 =	rddreg [dreg:$0x1]  }
0x3: {  	s3 =	srdreg.scid;
	s10 =	stileid.u32;
	s2 =	simm.s32 $0x0  }
0x4: {  	s16 =	simm.s32 $0x3;
	s17 =	simm.s32 $0x50;
	s19 =	simm.s32 $0x1  }
0x5: {  	s15 =	simm.s32 $0x640;
	s20 =	simm.s32 $0x17480;
	s22 =	simm.s32 $0xB90  }
0x6: {  	s29 =	simm.s32 $0x18880;
	s31 =	simm.s32 $0xC30;
	s7 =	sand.u32 $0x1, s3  }
0x7: {  	s23 =	sshll.u32 s10, $0x1;
	[smem:$0x7FF] =	sst s2;
	s3 =	sadd.s32 $0x1800, s1  }
0x8: {  	s4 =	sadd.s32 $0x4FA00, s1;
	s6 =	sadd.s32 $0x427A00, s1;
	s11 =	smul.u32 $0xC80, s10  }
0x9: {  	s8 =	sor.u32 s7, s23;
	s24 =	ssub.s32 $0x2, s7;
	s7 =	smul.u32 $0x640, s7  }
0xa: {  	_ =	strace $0x80000047;
	s9 =	smul.u32 $0x50, s8;
	s25 =	sshrl.u32 s24, $0x1  }
0xb: {  	s5 =	smul.u32 $0x13880, s8;
	s10 =	sshll.u32 s8, $0xA;
	s1 =	ssub.s32 s24, s25  }
0xc: {  	s28 =	sadd.s32 s7, s11;
	s24 =	simm.s32 $0x17E80;
	s7 =	simm.s32 $0x2  }
0xd: {  	s11 =	simm.s32 $0x0;
	s0 =	sadd.s32 s0, s9;
	[dreg:$0x5] =	wrdreg s28  }
0xe: {  	s12 =	sshrl.u32 s5, $0x3;
	s30 =	sadd.s32 $0xC80, s5;
	[dreg:$0x3] =	wrdreg s0  }
0xf: {  	s9 =	smul.u32 $0x640, s8;
	s1 =	smax.u32 s1, $0x1;
	[dreg:$0x6] =	wrdreg s30  }
0x10: {  	s8 =	simm.s32 $0x1AC80;
	s26 =	sadd.s32 s3, s12;
	[dreg:$0x7] =	wrdreg s1  }
0x11: {  	s0 =	sor.u32 $0x20, s28;
	s1 =	simm.s32 $0x19280;
	[dreg:$0x4] =	wrdreg s26  }
0x12: {  	v0 =	vimm.f32 $0.0e+00;
	s12 =	simm.s32 $0x19C80;
	[dreg:$0x8] =	wrdreg s0;
	s26 =	simm.s32 $0xBE0  }
.LBB2_1:
0x13: {  	[dreg:$0x9] =	wrdreg s11;
	s0 =	simm.s32 $0x0;
	s11 =	simm.s32 $0x200  }
.LBB2_2:
0x14: {  	p0 =	sne.s32 s11, $0x3E00;
	[tilespmem:s0+$0x1ACF0] =	vst v0  }
0x15: {  	[tilespmem:s0+$0x19CC0] =	vst v0  }
0x16: {  	[tilespmem:s0+$0x1ACC0] =	vst v0  }
.Ltmp0:
0x17: {  	[tilespmem:s0+$0x19CD0] =	vst v0;
	(pc) =	sbr.rel @p0 .LBB2_2-.Ltmp0, $4  }
0x18: {  	[tilespmem:s0+$0x1ACD0] =	vst v0  }
0x19: {  	[tilespmem:s0+$0x19CE0] =	vst v0  }
0x1a: {  	[tilespmem:s0+$0x1ACE0] =	vst v0  }
0x1b: {  	[tilespmem:s0+$0x19CF0] =	vst v0;
	s0 =	sshra.s32 s11, $0x2;
	s11 =	sadd.s32 $0x200, s11  }
0x1c: {  	[tilespmem:s0+$0x1ACF0] =	vst v0  }
0x1d: {  	[tilespmem:s0+$0x19CC0] =	vst v0  }
0x1e: {  	[tilespmem:s0+$0x1ACC0] =	vst v0  }
0x1f: {  	[tilespmem:s0+$0x19CD0] =	vst v0  }
0x20: {  	[tilespmem:s0+$0x1ACD0] =	vst v0  }
0x21: {  	[tilespmem:s0+$0x19CE0] =	vst v0  }
0x22: {  	[tilespmem:s0+$0x1ACE0] =	vst v0  }
0x23: {  	[tilespmem:s0+$0x19CF0] =	vst v0;
	s30 =	simm.s32 $0x0;
	s11 =	rddreg [dreg:$0x3];
	s13 =	simm.s32 $0x1C080  }
0x24: {  	[tilespmem:s13], [sflag:$0x3] =	stream.linear.gather [hbm4b:s11+s30], $0x280, $0x38;
	[tilespmem:$0x1C300] =	vst v63  }
0x25: {  	_ =	swait.ge [sflag:s16], $0x280  }
0x26: {  	[sflag:s16] =	ssyncset.done $0x0  }
0x27: {  	s14 =	simm.s32 $0xC80;
	[sflag:s16] =	ssyncadd.s32 $0xFFFFFD80  }
0x28: {  	[tilespmem:s14], [sflag:$0x1] =	stream.indirect.gather [hbm4b:s4+s17], $0x20, s13, s17, $0xb8;
	[tilespmem:$0x1C300] =	vst v63  }
0x29: {  	s18 =	simm.s32 $0x1C0D0;
	s21 =	simm.s32 $0x1680  }
0x2a: {  	[tilespmem:s21], [sflag:$0x1] =	stream.indirect.gather [hbm4b:s4+s17], $0x20, s18, s17, $0xb8;
	[tilespmem:$0x1C300] =	vst v63  }
0x2b: {  	s23 =	simm.s32 $0x1C120;
	s25 =	simm.s32 $0x2080  }
0x2c: {  	[tilespmem:s25], [sflag:$0x1] =	stream.indirect.gather [hbm4b:s4+s17], $0x20, s23, s17, $0xb8;
	[tilespmem:$0x1C300] =	vst v63  }
0x2d: {  	s28 =	simm.s32 $0x1C170;
	s30 =	simm.s32 $0x2A80  }
0x2e: {  	[tilespmem:s30], [sflag:$0x1] =	stream.indirect.gather [hbm4b:s4+s17], $0x20, s28, s17, $0xb8;
	[tilespmem:$0x1C300] =	vst v63  }
0x2f: {  	s13 =	simm.s32 $0x1C1C0;
	s14 =	simm.s32 $0x3480  }
0x30: {  	[tilespmem:s14], [sflag:$0x1] =	stream.indirect.gather [hbm4b:s4+s17], $0x20, s13, s17, $0xb8;
	[tilespmem:$0x1C300] =	vst v63  }
0x31: {  	s18 =	simm.s32 $0x1C210;
	s21 =	simm.s32 $0x3E80  }
0x32: {  	[tilespmem:s21], [sflag:$0x1] =	stream.indirect.gather [hbm4b:s4+s17], $0x20, s18, s17, $0xb8;
	[tilespmem:$0x1C300] =	vst v63  }
0x33: {  	s23 =	simm.s32 $0x1C260;
	s25 =	simm.s32 $0x4880  }
0x34: {  	[tilespmem:s25], [sflag:$0x1] =	stream.indirect.gather [hbm4b:s4+s17], $0x20, s23, s17, $0xb8;
	[tilespmem:$0x1C300] =	vst v63  }
0x35: {  	s28 =	simm.s32 $0x1C2B0;
	s30 =	simm.s32 $0x5280  }
0x36: {  	[tilespmem:s30], [sflag:$0x1] =	stream.indirect.gather [hbm4b:s4+s17], $0x20, s28, s17, $0xb8;
	[tilespmem:$0x1C300] =	vst v63  }
0x37: {  	_ =	swait.ge [sflag:s19], $0xA00  }
0x38: {  	[sflag:s19] =	ssyncset.done $0x0  }
0x39: {  	[sflag:s19] =	ssyncadd.s32 $0xFFFFF600  }
0x3a: {  	_ =	swait.ge [sflag:s19], $0xA00  }
0x3b: {  	[sflag:s19] =	ssyncset.done $0x0  }
0x3c: {  	[sflag:s19] =	ssyncadd.s32 $0xFFFFF600  }
0x3d: {  	_ =	swait.ge [sflag:s19], $0xA00  }
0x3e: {  	[sflag:s19] =	ssyncset.done $0x0  }
0x3f: {  	[sflag:s19] =	ssyncadd.s32 $0xFFFFF600  }
0x40: {  	_ =	swait.ge [sflag:s19], $0xA00  }
0x41: {  	[sflag:s19] =	ssyncset.done $0x0  }
0x42: {  	[sflag:s19] =	ssyncadd.s32 $0xFFFFF600  }
0x43: {  	_ =	swait.ge [sflag:s19], $0xA00  }
0x44: {  	[sflag:s19] =	ssyncset.done $0x0  }
0x45: {  	[sflag:s19] =	ssyncadd.s32 $0xFFFFF600  }
0x46: {  	_ =	swait.ge [sflag:s19], $0xA00  }
0x47: {  	[sflag:s19] =	ssyncset.done $0x0  }
0x48: {  	[sflag:s19] =	ssyncadd.s32 $0xFFFFF600  }
0x49: {  	_ =	swait.ge [sflag:s19], $0xA00  }
0x4a: {  	[sflag:s19] =	ssyncset.done $0x0  }
0x4b: {  	[sflag:s19] =	ssyncadd.s32 $0xFFFFF600  }
0x4c: {  	_ =	swait.ge [sflag:s19], $0xA00  }
0x4d: {  	[sflag:s19] =	ssyncset.done $0x0  }
0x4e: {  	s11 =	simm.s32 $0xDC0;
	[sflag:s19] =	ssyncadd.s32 $0xFFFFF600  }
0x4f: {  	v1 =	vld [tilespmem:s11+$0xFFFFFEC0]  }
0x50: {  	v2 =	vld [tilespmem:s11+$0xFFFFFED0]  }
0x51: {  	v3 =	vld [tilespmem:s11+$0xFFFFFEE0]  }
0x52: {  	v4 =	vld [tilespmem:s11+$0xFFFFFEF0]  }
0x53: {  	v5 =	vld [tilespmem:s11+$0xFFFFFF00]  }
0x54: {  	v6 =	vld [tilespmem:s11+$0xFFFFFF10];
	v1 =	vadd.f32 $0.0e+00, v1  }
0x55: {  	v7 =	vld [tilespmem:s11+$0xFFFFFF20]  }
0x56: {  	v8 =	vld [tilespmem:s11+$0xFFFFFF40];
	v2 =	vadd.f32 $0.0e+00, v2;
	v1 =	vadd.f32 v3, v1  }
0x57: {  	v3 =	vld [tilespmem:s11+$0xFFFFFF30]  }
0x58: {  	v38 =	vld [tilespmem:s11+$0xFFFFFF50];
	v2 =	vadd.f32 v4, v2;
	v1 =	vadd.f32 v5, v1  }
0x59: {  	v39 =	vld [tilespmem:s11+$0xFFFFFF60]  }
0x5a: {  	v40 =	vld [tilespmem:s11+$0xFFFFFF70];
	v2 =	vadd.f32 v6, v2;
	v1 =	vadd.f32 v7, v1  }
0x5b: {  	v41 =	vld [tilespmem:s11+$0xFFFFFF80]  }
0x5c: {  	v42 =	vld [tilespmem:s11+$0xFFFFFFA0];
	v2 =	vadd.f32 v3, v2;
	v1 =	vadd.f32 v8, v1  }
0x5d: {  	v3 =	vld [tilespmem:s11+$0xFFFFFF90]  }
0x5e: {  	v43 =	vld [tilespmem:s11+$0xFFFFFFB0];
	v2 =	vadd.f32 v38, v2;
	v1 =	vadd.f32 v39, v1  }
0x5f: {  	v44 =	vld [tilespmem:s11+$0xFFFFFFC0]  }
0x60: {  	v45 =	vld [tilespmem:s11+$0xFFFFFFD0];
	v2 =	vadd.f32 v40, v2;
	v1 =	vadd.f32 v41, v1  }
0x61: {  	v46 =	vld [tilespmem:s11+$0xFFFFFFE0]  }
0x62: {  	v47 =	vld [tilespmem:s11+$0x0];
	v2 =	vadd.f32 v3, v2;
	v1 =	vadd.f32 v42, v1  }
0x63: {  	v3 =	vld [tilespmem:s11+$0xFFFFFFF0]  }
0x64: {  	v48 =	vld [tilespmem:s11+$0x10];
	v2 =	vadd.f32 v43, v2;
	v1 =	vadd.f32 v44, v1  }
0x65: {  	v49 =	vld [tilespmem:s11+$0x20]  }
0x66: {  	v50 =	vld [tilespmem:s11+$0x30];
	v2 =	vadd.f32 v45, v2;
	v1 =	vadd.f32 v46, v1  }
0x67: {  	v51 =	vld [tilespmem:s11+$0x40]  }
0x68: {  	v52 =	vld [tilespmem:s11+$0x60];
	v2 =	vadd.f32 v3, v2;
	v1 =	vadd.f32 v47, v1  }
0x69: {  	v3 =	vld [tilespmem:s11+$0x50]  }
0x6a: {  	v53 =	vld [tilespmem:s11+$0x70];
	v2 =	vadd.f32 v48, v2;
	v1 =	vadd.f32 v49, v1  }
0x6b: {  	v54 =	vld [tilespmem:s11+$0x80]  }
0x6c: {  	v55 =	vld [tilespmem:s11+$0x90];
	v2 =	vadd.f32 v50, v2;
	v1 =	vadd.f32 v51, v1  }
0x6d: {  	v56 =	vld [tilespmem:s11+$0xA0]  }
0x6e: {  	v57 =	vld [tilespmem:s11+$0xC0];
	v2 =	vadd.f32 v3, v2;
	v1 =	vadd.f32 v52, v1  }
0x6f: {  	v3 =	vld [tilespmem:s11+$0xB0]  }
0x70: {  	v58 =	vld [tilespmem:s11+$0xD0];
	v2 =	vadd.f32 v53, v2;
	v1 =	vadd.f32 v54, v1  }
0x71: {  	v59 =	vld [tilespmem:s11+$0xE0]  }
0x72: {  	v60 =	vld [tilespmem:s11+$0xF0];
	v2 =	vadd.f32 v55, v2;
	v1 =	vadd.f32 v56, v1  }
0x73: {  	v61 =	vld [tilespmem:s11+$0x100]  }
0x74: {  	v62 =	vld [tilespmem:s11+$0x120];
	v2 =	vadd.f32 v3, v2;
	v1 =	vadd.f32 v57, v1  }
0x75: {  	v3 =	vld [tilespmem:s11+$0x110]  }
0x76: {  	v2 =	vadd.f32 v58, v2;
	v1 =	vadd.f32 v59, v1  }
0x77: {  	v63 =	vld [tilespmem:s11+$0x130]  }
0x78: {  	v2 =	vadd.f32 v60, v2;
	v1 =	vadd.f32 v61, v1;
	_ =	sdelay $0x1  }
0x79: {  	v2 =	vadd.f32 v3, v2;
	v3 =	vadd.f32 v62, v1  }
0x7a: {  	s13 =	simm.s32 $0x0  }
0x7b: {  	s0 =	simm.s32 $0x80;
	v1 =	vadd.f32 v63, v2;
	[tilespmem:s13+$0x1BC80] =	vst v3  }
.LBB2_4:
0x7c: {  	p0 =	sne.s32 s0, $0xF80  }
0x7d: {  	[tilespmem:s13+$0x1BC90] =	vst v1;
	s11 =	sadd.s32 $0x280, s11;
	s13 =	smov.u32 s0;
	s0 =	sadd.s32 $0x80, s0  }
0x7e: {  	v1 =	vld [tilespmem:s11+$0xFFFFFEC0]  }
0x7f: {  	v2 =	vld [tilespmem:s11+$0xFFFFFED0]  }
0x80: {  	v3 =	vld [tilespmem:s11+$0xFFFFFEE0]  }
0x81: {  	v4 =	vld [tilespmem:s11+$0xFFFFFEF0]  }
0x82: {  	v5 =	vld [tilespmem:s11+$0xFFFFFF00]  }
0x83: {  	v1 =	vadd.f32 $0.0e+00, v1;
	v6 =	vld [tilespmem:s11+$0xFFFFFF10]  }
0x84: {  	v2 =	vadd.f32 $0.0e+00, v2;
	v7 =	vld [tilespmem:s11+$0xFFFFFF20]  }
0x85: {  	v1 =	vadd.f32 v3, v1;
	v3 =	vld [tilespmem:s11+$0xFFFFFF30]  }
0x86: {  	v2 =	vadd.f32 v4, v2;
	v4 =	vld [tilespmem:s11+$0xFFFFFF40]  }
0x87: {  	v1 =	vadd.f32 v5, v1;
	v5 =	vld [tilespmem:s11+$0xFFFFFF50]  }
0x88: {  	v2 =	vadd.f32 v6, v2;
	v6 =	vld [tilespmem:s11+$0xFFFFFF60]  }
0x89: {  	v1 =	vadd.f32 v7, v1;
	v7 =	vld [tilespmem:s11+$0xFFFFFF70]  }
0x8a: {  	v2 =	vadd.f32 v3, v2;
	v3 =	vld [tilespmem:s11+$0xFFFFFF80]  }
0x8b: {  	v1 =	vadd.f32 v4, v1;
	v4 =	vld [tilespmem:s11+$0xFFFFFF90]  }
0x8c: {  	v2 =	vadd.f32 v5, v2;
	v5 =	vld [tilespmem:s11+$0xFFFFFFA0]  }
0x8d: {  	v1 =	vadd.f32 v6, v1;
	v6 =	vld [tilespmem:s11+$0xFFFFFFB0]  }
0x8e: {  	v2 =	vadd.f32 v7, v2;
	v7 =	vld [tilespmem:s11+$0xFFFFFFC0]  }
0x8f: {  	v1 =	vadd.f32 v3, v1;
	v3 =	vld [tilespmem:s11+$0xFFFFFFD0]  }
0x90: {  	v2 =	vadd.f32 v4, v2;
	v4 =	vld [tilespmem:s11+$0xFFFFFFE0]  }
0x91: {  	v1 =	vadd.f32 v5, v1;
	v5 =	vld [tilespmem:s11+$0xFFFFFFF0]  }
0x92: {  	v2 =	vadd.f32 v6, v2;
	v6 =	vld [tilespmem:s11+$0x0]  }
0x93: {  	v1 =	vadd.f32 v7, v1;
	v7 =	vld [tilespmem:s11+$0x10]  }
0x94: {  	v2 =	vadd.f32 v3, v2;
	v3 =	vld [tilespmem:s11+$0x20]  }
0x95: {  	v1 =	vadd.f32 v4, v1;
	v4 =	vld [tilespmem:s11+$0x30]  }
0x96: {  	v2 =	vadd.f32 v5, v2;
	v5 =	vld [tilespmem:s11+$0x40]  }
0x97: {  	v1 =	vadd.f32 v6, v1;
	v6 =	vld [tilespmem:s11+$0x50]  }
0x98: {  	v2 =	vadd.f32 v7, v2;
	v7 =	vld [tilespmem:s11+$0x60]  }
0x99: {  	v1 =	vadd.f32 v3, v1;
	v3 =	vld [tilespmem:s11+$0x70]  }
0x9a: {  	v2 =	vadd.f32 v4, v2;
	v4 =	vld [tilespmem:s11+$0x80]  }
0x9b: {  	v1 =	vadd.f32 v5, v1;
	v5 =	vld [tilespmem:s11+$0x90]  }
0x9c: {  	v2 =	vadd.f32 v6, v2;
	v6 =	vld [tilespmem:s11+$0xA0]  }
0x9d: {  	v1 =	vadd.f32 v7, v1;
	v7 =	vld [tilespmem:s11+$0xB0]  }
0x9e: {  	v2 =	vadd.f32 v3, v2;
	v3 =	vld [tilespmem:s11+$0xC0]  }
0x9f: {  	v1 =	vadd.f32 v4, v1;
	v4 =	vld [tilespmem:s11+$0xD0]  }
0xa0: {  	v2 =	vadd.f32 v5, v2;
	v5 =	vld [tilespmem:s11+$0xE0]  }
0xa1: {  	v1 =	vadd.f32 v6, v1;
	v6 =	vld [tilespmem:s11+$0xF0]  }
0xa2: {  	v2 =	vadd.f32 v7, v2;
	v7 =	vld [tilespmem:s11+$0x100]  }
0xa3: {  	v1 =	vadd.f32 v3, v1;
	v3 =	vld [tilespmem:s11+$0x110]  }
0xa4: {  	v2 =	vadd.f32 v4, v2;
	v4 =	vld [tilespmem:s11+$0x120]  }
0xa5: {  	v1 =	vadd.f32 v5, v1;
	v5 =	vld [tilespmem:s11+$0x130]  }
0xa6: {  	v2 =	vadd.f32 v6, v2  }
.Ltmp1:
0xa7: {  	v1 =	vadd.f32 v7, v1;
	(pc) =	sbr.rel @p0 .LBB2_4-.Ltmp1, $4  }
0xa8: {  	v2 =	vadd.f32 v3, v2  }
0xa9: {  	v3 =	vadd.f32 v4, v1  }
0xaa: {  	s13 =	sshra.s32 s13, $0x2;
	v1 =	vadd.f32 v5, v2  }
0xab: {  	[tilespmem:s13+$0x1BC80] =	vst v3  }
0xac: {  	[tilespmem:s13+$0x1BC90] =	vst v1;
	s13 =	simm.s32 $0x0;
	s0 =	rddreg [dreg:$0x4]  }
0xad: {  	[tilespmem:s13], [sflag:$0x3] =	stream.linear.gather [hbm4b:s0+s13], $0x640, $0x38;
	[tilespmem:$0x1C300] =	vst v63  }
0xae: {  	_ =	swait.ge [sflag:s16], $0x640  }
0xaf: {  	[sflag:s16] =	ssyncset.done $0x0  }
0xb0: {  	s21 =	simm.s32 $0xC80;
	[sflag:s16] =	ssyncadd.s32 $0xFFFFF9C0  }
0xb1: {  	[tilespmem:s21], [sflag:$0x1] =	stream.indirect.gather [hbm4b:s4+s17], $0x20, s13, s17, $0xb8;
	[tilespmem:$0x1C300] =	vst v63  }
0xb2: {  	s23 =	simm.s32 $0x1680  }
0xb3: {  	[tilespmem:s23], [sflag:$0x1] =	stream.indirect.gather [hbm4b:s4+s17], $0x20, s17, s17, $0xb8;
	[tilespmem:$0x1C300] =	vst v63  }
0xb4: {  	s25 =	simm.s32 $0x2080;
	s11 =	simm.s32 $0xA0  }
0xb5: {  	[tilespmem:s25], [sflag:$0x1] =	stream.indirect.gather [hbm4b:s4+s17], $0x20, s11, s17, $0xb8;
	[tilespmem:$0x1C300] =	vst v63  }
0xb6: {  	s28 =	simm.s32 $0x2A80;
	s30 =	simm.s32 $0xF0  }
0xb7: {  	[tilespmem:s28], [sflag:$0x1] =	stream.indirect.gather [hbm4b:s4+s17], $0x20, s30, s17, $0xb8;
	[tilespmem:$0x1C300] =	vst v63  }
0xb8: {  	s14 =	simm.s32 $0x140;
	s11 =	simm.s32 $0x3480  }
0xb9: {  	[tilespmem:s11], [sflag:$0x1] =	stream.indirect.gather [hbm4b:s4+s17], $0x20, s14, s17, $0xb8;
	[tilespmem:$0x1C300] =	vst v63  }
0xba: {  	s18 =	simm.s32 $0x3E80;
	s21 =	simm.s32 $0x190  }
0xbb: {  	[tilespmem:s18], [sflag:$0x1] =	stream.indirect.gather [hbm4b:s4+s17], $0x20, s21, s17, $0xb8;
	[tilespmem:$0x1C300] =	vst v63  }
0xbc: {  	s23 =	simm.s32 $0x4880;
	s25 =	simm.s32 $0x1E0  }
0xbd: {  	[tilespmem:s23], [sflag:$0x1] =	stream.indirect.gather [hbm4b:s4+s17], $0x20, s25, s17, $0xb8;
	[tilespmem:$0x1C300] =	vst v63  }
0xbe: {  	s28 =	simm.s32 $0x5280;
	s30 =	simm.s32 $0x230  }
0xbf: {  	[tilespmem:s28], [sflag:$0x1] =	stream.indirect.gather [hbm4b:s4+s17], $0x20, s30, s17, $0xb8;
	[tilespmem:$0x1C300] =	vst v63  }
0xc0: {  	s11 =	simm.s32 $0x280;
	s14 =	simm.s32 $0x5C80  }
0xc1: {  	[tilespmem:s14], [sflag:$0x1] =	stream.indirect.gather [hbm4b:s4+s17], $0x20, s11, s17, $0xb8;
	[tilespmem:$0x1C300] =	vst v63  }
0xc2: {  	s18 =	simm.s32 $0x2D0;
	s21 =	simm.s32 $0x6680  }
0xc3: {  	[tilespmem:s21], [sflag:$0x1] =	stream.indirect.gather [hbm4b:s4+s17], $0x20, s18, s17, $0xb8;
	[tilespmem:$0x1C300] =	vst v63  }
0xc4: {  	s23 =	simm.s32 $0x320;
	s25 =	simm.s32 $0x7080  }
0xc5: {  	[tilespmem:s25], [sflag:$0x1] =	stream.indirect.gather [hbm4b:s4+s17], $0x20, s23, s17, $0xb8;
	[tilespmem:$0x1C300] =	vst v63  }
0xc6: {  	s28 =	simm.s32 $0x370;
	s30 =	simm.s32 $0x7A80  }
0xc7: {  	[tilespmem:s30], [sflag:$0x1] =	stream.indirect.gather [hbm4b:s4+s17], $0x20, s28, s17, $0xb8;
	[tilespmem:$0x1C300] =	vst v63  }
0xc8: {  	s11 =	simm.s32 $0x3C0;
	s14 =	simm.s32 $0x8480  }
0xc9: {  	[tilespmem:s14], [sflag:$0x1] =	stream.indirect.gather [hbm4b:s4+s17], $0x20, s11, s17, $0xb8;
	[tilespmem:$0x1C300] =	vst v63  }
0xca: {  	s18 =	simm.s32 $0x410;
	s21 =	simm.s32 $0x8E80  }
0xcb: {  	[tilespmem:s21], [sflag:$0x1] =	stream.indirect.gather [hbm4b:s4+s17], $0x20, s18, s17, $0xb8;
	[tilespmem:$0x1C300] =	vst v63  }
0xcc: {  	s23 =	simm.s32 $0x460;
	s25 =	simm.s32 $0x9880  }
0xcd: {  	[tilespmem:s25], [sflag:$0x1] =	stream.indirect.gather [hbm4b:s4+s17], $0x20, s23, s17, $0xb8;
	[tilespmem:$0x1C300] =	vst v63  }
0xce: {  	s28 =	simm.s32 $0x4B0;
	s30 =	simm.s32 $0xA280  }
0xcf: {  	[tilespmem:s30], [sflag:$0x1] =	stream.indirect.gather [hbm4b:s4+s17], $0x20, s28, s17, $0xb8;
	[tilespmem:$0x1C300] =	vst v63  }
0xd0: {  	s11 =	simm.s32 $0x500;
	s14 =	simm.s32 $0xAC80  }
0xd1: {  	[tilespmem:s14], [sflag:$0x1] =	stream.indirect.gather [hbm4b:s4+s17], $0x20, s11, s17, $0xb8;
	[tilespmem:$0x1C300] =	vst v63  }
0xd2: {  	s18 =	simm.s32 $0x550;
	s21 =	simm.s32 $0xB680;
	s23 =	simm.s32 $0x5A0  }
0xd3: {  	[tilespmem:s21], [sflag:$0x1] =	stream.indirect.gather [hbm4b:s4+s17], $0x20, s18, s17, $0xb8;
	[tilespmem:$0x1C300] =	vst v63  }
0xd4: {  	s25 =	simm.s32 $0xC080;
	s28 =	simm.s32 $0x5F0;
	s14 =	rddreg [dreg:$0x8]  }
0xd5: {  	[tilespmem:s25], [sflag:$0x1] =	stream.indirect.gather [hbm4b:s4+s17], $0x20, s23, s17, $0xb8;
	[tilespmem:$0x1C300] =	vst v63  }
0xd6: {  	s30 =	simm.s32 $0xCA80;
	s11 =	rddreg [dreg:$0x5];
	s21 =	simm.s32 $0x0  }
0xd7: {  	[tilespmem:s30], [sflag:$0x1] =	stream.indirect.gather [hbm4b:s4+s17], $0x20, s28, s17, $0xb8;
	[tilespmem:$0x1C300] =	vst v63  }
.LBB2_6:
0xd8: {  	s23 =	sshllo.u32 s21, $0x1  }
0xd9: {  	s0 =	smul.u32 $0x640, s23;
	_ =	sdelay $0x1  }
0xda: {  	s0 =	sadd.s32 s5, s0  }
0xdb: {  	s0 =	sshrl.u32 s0, $0x3  }
0xdc: {  	s0 =	sadd.s32 s3, s0  }
0xdd: {  	[tilespmem:s15], [sflag:$0x3] =	stream.linear.gather [hbm4b:s0+s13], $0x640, $0x38;
	[tilespmem:$0x1C300] =	vst v63  }
0xde: {  	_ =	swait.ge [sflag:s16], $0x640  }
0xdf: {  	[sflag:s16] =	ssyncset.done $0x0  }
0xe0: {  	s18 =	simm.s32 $0xD480;
	[sflag:s16] =	ssyncadd.s32 $0xFFFFF9C0  }
0xe1: {  	[tilespmem:s18], [sflag:$0x2] =	stream.indirect.gather [hbm4b:s4+s17], $0x20, s15, s17, $0xb8;
	[tilespmem:$0x1C300] =	vst v63  }
0xe2: {  	s25 =	simm.s32 $0x690;
	s18 =	simm.s32 $0xDE80  }
0xe3: {  	[tilespmem:s18], [sflag:$0x2] =	stream.indirect.gather [hbm4b:s4+s17], $0x20, s25, s17, $0xb8;
	[tilespmem:$0x1C300] =	vst v63  }
0xe4: {  	s18 =	simm.s32 $0x6E0;
	s25 =	simm.s32 $0xE880  }
0xe5: {  	[tilespmem:s25], [sflag:$0x2] =	stream.indirect.gather [hbm4b:s4+s17], $0x20, s18, s17, $0xb8;
	[tilespmem:$0x1C300] =	vst v63  }
0xe6: {  	s18 =	simm.s32 $0x730;
	s25 =	simm.s32 $0xF280  }
0xe7: {  	[tilespmem:s25], [sflag:$0x2] =	stream.indirect.gather [hbm4b:s4+s17], $0x20, s18, s17, $0xb8;
	[tilespmem:$0x1C300] =	vst v63  }
0xe8: {  	s18 =	simm.s32 $0x780;
	s25 =	simm.s32 $0xFC80  }
0xe9: {  	[tilespmem:s25], [sflag:$0x2] =	stream.indirect.gather [hbm4b:s4+s17], $0x20, s18, s17, $0xb8;
	[tilespmem:$0x1C300] =	vst v63  }
0xea: {  	s18 =	simm.s32 $0x7D0;
	s25 =	simm.s32 $0x10680  }
0xeb: {  	[tilespmem:s25], [sflag:$0x2] =	stream.indirect.gather [hbm4b:s4+s17], $0x20, s18, s17, $0xb8;
	[tilespmem:$0x1C300] =	vst v63  }
0xec: {  	s18 =	simm.s32 $0x820;
	s25 =	simm.s32 $0x11080  }
0xed: {  	[tilespmem:s25], [sflag:$0x2] =	stream.indirect.gather [hbm4b:s4+s17], $0x20, s18, s17, $0xb8;
	[tilespmem:$0x1C300] =	vst v63  }
0xee: {  	s18 =	simm.s32 $0x870;
	s25 =	simm.s32 $0x11A80  }
0xef: {  	[tilespmem:s25], [sflag:$0x2] =	stream.indirect.gather [hbm4b:s4+s17], $0x20, s18, s17, $0xb8;
	[tilespmem:$0x1C300] =	vst v63  }
0xf0: {  	s18 =	simm.s32 $0x8C0;
	s25 =	simm.s32 $0x12480  }
0xf1: {  	[tilespmem:s25], [sflag:$0x2] =	stream.indirect.gather [hbm4b:s4+s17], $0x20, s18, s17, $0xb8;
	[tilespmem:$0x1C300] =	vst v63  }
0xf2: {  	s18 =	simm.s32 $0x910;
	s25 =	simm.s32 $0x12E80  }
0xf3: {  	[tilespmem:s25], [sflag:$0x2] =	stream.indirect.gather [hbm4b:s4+s17], $0x20, s18, s17, $0xb8;
	[tilespmem:$0x1C300] =	vst v63  }
0xf4: {  	s18 =	simm.s32 $0x960;
	s25 =	simm.s32 $0x13880  }
0xf5: {  	[tilespmem:s25], [sflag:$0x2] =	stream.indirect.gather [hbm4b:s4+s17], $0x20, s18, s17, $0xb8;
	[tilespmem:$0x1C300] =	vst v63  }
0xf6: {  	s18 =	simm.s32 $0x9B0;
	s25 =	simm.s32 $0x14280  }
0xf7: {  	[tilespmem:s25], [sflag:$0x2] =	stream.indirect.gather [hbm4b:s4+s17], $0x20, s18, s17, $0xb8;
	[tilespmem:$0x1C300] =	vst v63  }
0xf8: {  	s18 =	simm.s32 $0xA00;
	s25 =	simm.s32 $0x14C80  }
0xf9: {  	[tilespmem:s25], [sflag:$0x2] =	stream.indirect.gather [hbm4b:s4+s17], $0x20, s18, s17, $0xb8;
	[tilespmem:$0x1C300] =	vst v63  }
0xfa: {  	s18 =	simm.s32 $0xA50;
	s25 =	simm.s32 $0x15680  }
0xfb: {  	[tilespmem:s25], [sflag:$0x2] =	stream.indirect.gather [hbm4b:s4+s17], $0x20, s18, s17, $0xb8;
	[tilespmem:$0x1C300] =	vst v63  }
0xfc: {  	s18 =	simm.s32 $0xAA0;
	s25 =	simm.s32 $0x16080  }
0xfd: {  	[tilespmem:s25], [sflag:$0x2] =	stream.indirect.gather [hbm4b:s4+s17], $0x20, s18, s17, $0xb8;
	[tilespmem:$0x1C300] =	vst v63  }
0xfe: {  	s18 =	simm.s32 $0xAF0;
	s25 =	simm.s32 $0x16A80  }
0xff: {  	[tilespmem:s25], [sflag:$0x2] =	stream.indirect.gather [hbm4b:s4+s17], $0x20, s18, s17, $0xb8;
	[tilespmem:$0x1C300] =	vst v63  }
0x100: {  	s18 =	simm.s32 $0xB40  }
0x101: {  	[tilespmem:s20], [sflag:$0x2] =	stream.indirect.gather [hbm4b:s4+s17], $0x20, s18, s17, $0xb8;
	[tilespmem:$0x1C300] =	vst v63  }
0x102: {  	_ = 	snop  }
0x103: {  	[tilespmem:s24], [sflag:$0x2] =	stream.indirect.gather [hbm4b:s4+s17], $0x20, s22, s17, $0xb8;
	[tilespmem:$0x1C300] =	vst v63  }
0x104: {  	_ = 	snop  }
0x105: {  	[tilespmem:s29], [sflag:$0x2] =	stream.indirect.gather [hbm4b:s4+s17], $0x20, s26, s17, $0xb8;
	[tilespmem:$0x1C300] =	vst v63  }
0x106: {  	_ = 	snop  }
0x107: {  	[tilespmem:s1], [sflag:$0x2] =	stream.indirect.gather [hbm4b:s4+s17], $0x20, s31, s17, $0xb8;
	[tilespmem:$0x1C300] =	vst v63  }
0x108: {  	_ =	swait.ge [sflag:s19], $0xA00  }
0x109: {  	[sflag:s19] =	ssyncset.done $0x0  }
0x10a: {  	[sflag:s19] =	ssyncadd.s32 $0xFFFFF600  }
0x10b: {  	_ =	swait.ge [sflag:s19], $0xA00  }
0x10c: {  	[sflag:s19] =	ssyncset.done $0x0  }
0x10d: {  	[sflag:s19] =	ssyncadd.s32 $0xFFFFF600  }
0x10e: {  	_ =	swait.ge [sflag:s19], $0xA00  }
0x10f: {  	[sflag:s19] =	ssyncset.done $0x0  }
0x110: {  	[sflag:s19] =	ssyncadd.s32 $0xFFFFF600  }
0x111: {  	_ =	swait.ge [sflag:s19], $0xA00  }
0x112: {  	[sflag:s19] =	ssyncset.done $0x0  }
0x113: {  	[sflag:s19] =	ssyncadd.s32 $0xFFFFF600  }
0x114: {  	_ =	swait.ge [sflag:s19], $0xA00  }
0x115: {  	[sflag:s19] =	ssyncset.done $0x0  }
0x116: {  	[sflag:s19] =	ssyncadd.s32 $0xFFFFF600  }
0x117: {  	_ =	swait.ge [sflag:s19], $0xA00  }
0x118: {  	[sflag:s19] =	ssyncset.done $0x0  }
0x119: {  	[sflag:s19] =	ssyncadd.s32 $0xFFFFF600  }
0x11a: {  	_ =	swait.ge [sflag:s19], $0xA00  }
0x11b: {  	[sflag:s19] =	ssyncset.done $0x0  }
0x11c: {  	[sflag:s19] =	ssyncadd.s32 $0xFFFFF600  }
0x11d: {  	_ =	swait.ge [sflag:s19], $0xA00  }
0x11e: {  	[sflag:s19] =	ssyncset.done $0x0  }
0x11f: {  	[sflag:s19] =	ssyncadd.s32 $0xFFFFF600  }
0x120: {  	_ =	swait.ge [sflag:s19], $0xA00  }
0x121: {  	[sflag:s19] =	ssyncset.done $0x0  }
0x122: {  	[sflag:s19] =	ssyncadd.s32 $0xFFFFF600  }
0x123: {  	_ =	swait.ge [sflag:s19], $0xA00  }
0x124: {  	[sflag:s19] =	ssyncset.done $0x0  }
0x125: {  	[sflag:s19] =	ssyncadd.s32 $0xFFFFF600  }
0x126: {  	_ =	swait.ge [sflag:s19], $0xA00  }
0x127: {  	[sflag:s19] =	ssyncset.done $0x0  }
0x128: {  	[sflag:s19] =	ssyncadd.s32 $0xFFFFF600  }
0x129: {  	_ =	swait.ge [sflag:s19], $0xA00  }
0x12a: {  	[sflag:s19] =	ssyncset.done $0x0  }
0x12b: {  	[sflag:s19] =	ssyncadd.s32 $0xFFFFF600  }
0x12c: {  	_ =	swait.ge [sflag:s19], $0xA00  }
0x12d: {  	[sflag:s19] =	ssyncset.done $0x0  }
0x12e: {  	[sflag:s19] =	ssyncadd.s32 $0xFFFFF600  }
0x12f: {  	_ =	swait.ge [sflag:s19], $0xA00  }
0x130: {  	[sflag:s19] =	ssyncset.done $0x0  }
0x131: {  	[sflag:s19] =	ssyncadd.s32 $0xFFFFF600  }
0x132: {  	_ =	swait.ge [sflag:s19], $0xA00  }
0x133: {  	[sflag:s19] =	ssyncset.done $0x0  }
0x134: {  	[sflag:s19] =	ssyncadd.s32 $0xFFFFF600  }
0x135: {  	_ =	swait.ge [sflag:s19], $0xA00  }
0x136: {  	[sflag:s19] =	ssyncset.done $0x0  }
0x137: {  	[sflag:s19] =	ssyncadd.s32 $0xFFFFF600  }
0x138: {  	_ =	swait.ge [sflag:s19], $0xA00  }
0x139: {  	[sflag:s19] =	ssyncset.done $0x0  }
0x13a: {  	[sflag:s19] =	ssyncadd.s32 $0xFFFFF600  }
0x13b: {  	_ =	swait.ge [sflag:s19], $0xA00  }
0x13c: {  	[sflag:s19] =	ssyncset.done $0x0  }
0x13d: {  	[sflag:s19] =	ssyncadd.s32 $0xFFFFF600  }
0x13e: {  	_ =	swait.ge [sflag:s19], $0xA00  }
0x13f: {  	[sflag:s19] =	ssyncset.done $0x0  }
0x140: {  	[sflag:s19] =	ssyncadd.s32 $0xFFFFF600  }
0x141: {  	s28 =	simm.s32 $0x19CA0;
	_ =	swait.ge [sflag:s19], $0xA00  }
0x142: {  	s30 =	simm.s32 $0xFA0;
	s25 =	sshll.u32 s21, $0x6;
	[sflag:s19] =	ssyncset.done $0x0  }
0x143: {  	s0 =	simm.s32 $0x0;
	s25 =	sadd.s32 s9, s25;
	[sflag:s19] =	ssyncadd.s32 $0xFFFFF600  }
.LBB2_7:
0x144: {  	v1 =	vld [tilespmem:s30+$0xFFFFFCE0]  }
0x145: {  	v2 =	vld [tilespmem:s30+$0xFFFFFCF0]  }
0x146: {  	v3 =	vld [tilespmem:s30+$0xFFFFFD00]  }
0x147: {  	v4 =	vld [tilespmem:s30+$0xFFFFFD10]  }
0x148: {  	v5 =	vld [tilespmem:s30+$0xFFFFFD20]  }
0x149: {  	v6 =	vld [tilespmem:s30+$0xFFFFFD30]  }
0x14a: {  	v7 =	vld [tilespmem:s30+$0xFFFFFD40]  }
0x14b: {  	v8 =	vld [tilespmem:s30+$0xFFFFFD50];
	v1 =	vadd.f32 $0.0e+00, v1  }
0x14c: {  	v9 =	vld [tilespmem:s30+$0xFFFFFD60];
	v2 =	vadd.f32 $0.0e+00, v2  }
0x14d: {  	v10 =	vld [tilespmem:s30+$0xFFFFFD70];
	v1 =	vadd.f32 v3, v1  }
0x14e: {  	v36 =	vld [tilespmem:s30+$0xFFFFFD90];
	v2 =	vadd.f32 v4, v2  }
0x14f: {  	v37 =	vld [tilespmem:s30+$0xFFFFFDA0];
	v1 =	vadd.f32 v5, v1  }
0x150: {  	v3 =	vld [tilespmem:s30+$0xFFFFFD80];
	v2 =	vadd.f32 v6, v2  }
0x151: {  	v38 =	vld [tilespmem:s30+$0xFFFFFDB0];
	v1 =	vadd.f32 v7, v1  }
0x152: {  	v39 =	vld [tilespmem:s30+$0xFFFFFDC0];
	v2 =	vadd.f32 v8, v2  }
0x153: {  	v40 =	vld [tilespmem:s30+$0xFFFFFDD0];
	v1 =	vadd.f32 v9, v1  }
0x154: {  	v41 =	vld [tilespmem:s30+$0xFFFFFDE0];
	v2 =	vadd.f32 v10, v2  }
0x155: {  	v42 =	vld [tilespmem:s30+$0xFFFFFDF0];
	v1 =	vadd.f32 v3, v1  }
0x156: {  	v43 =	vld [tilespmem:s30+$0xFFFFFE10];
	v2 =	vadd.f32 v36, v2  }
0x157: {  	v44 =	vld [tilespmem:s30+$0xFFFFFE20];
	v1 =	vadd.f32 v37, v1  }
0x158: {  	v3 =	vld [tilespmem:s30+$0xFFFFFE00];
	v2 =	vadd.f32 v38, v2  }
0x159: {  	v45 =	vld [tilespmem:s30+$0xFFFFFE30];
	v1 =	vadd.f32 v39, v1  }
0x15a: {  	v46 =	vld [tilespmem:s30+$0xFFFFFE40];
	v2 =	vadd.f32 v40, v2  }
0x15b: {  	v47 =	vld [tilespmem:s30+$0xFFFFFE50];
	v1 =	vadd.f32 v41, v1  }
0x15c: {  	v48 =	vld [tilespmem:s30+$0xFFFFFE60];
	v2 =	vadd.f32 v42, v2  }
0x15d: {  	v49 =	vld [tilespmem:s30+$0xFFFFFE70];
	v1 =	vadd.f32 v3, v1  }
0x15e: {  	v50 =	vld [tilespmem:s30+$0xFFFFFE90];
	v2 =	vadd.f32 v43, v2  }
0x15f: {  	v51 =	vld [tilespmem:s30+$0xFFFFFEA0];
	v1 =	vadd.f32 v44, v1  }
0x160: {  	v3 =	vld [tilespmem:s30+$0xFFFFFE80];
	v2 =	vadd.f32 v45, v2  }
0x161: {  	v52 =	vld [tilespmem:s30+$0xFFFFFEB0];
	v1 =	vadd.f32 v46, v1  }
0x162: {  	v53 =	vld [tilespmem:s30+$0xFFFFFEC0];
	v2 =	vadd.f32 v47, v2  }
0x163: {  	v54 =	vld [tilespmem:s30+$0xFFFFFED0];
	v1 =	vadd.f32 v48, v1  }
0x164: {  	v55 =	vld [tilespmem:s30+$0xFFFFFEE0];
	v2 =	vadd.f32 v49, v2  }
0x165: {  	v56 =	vld [tilespmem:s30+$0xFFFFFEF0];
	v1 =	vadd.f32 v3, v1  }
0x166: {  	v57 =	vld [tilespmem:s30+$0xFFFFFF10];
	v2 =	vadd.f32 v50, v2  }
0x167: {  	v58 =	vld [tilespmem:s30+$0xFFFFFF20];
	v1 =	vadd.f32 v51, v1  }
0x168: {  	v3 =	vld [tilespmem:s30+$0xFFFFFF00];
	v2 =	vadd.f32 v52, v2  }
0x169: {  	v59 =	vld [tilespmem:s30+$0xFFFFFF30];
	v1 =	vadd.f32 v53, v1  }
0x16a: {  	v60 =	vld [tilespmem:s30+$0xFFFFFF40];
	v2 =	vadd.f32 v54, v2  }
0x16b: {  	v61 =	vld [tilespmem:s30+$0xFFFFFF50];
	v1 =	vadd.f32 v55, v1  }
0x16c: {  	v62 =	vld [tilespmem:s30+$0xFFFFFF60];
	v2 =	vadd.f32 v56, v2  }
0x16d: {  	v63 =	vld [tilespmem:s30+$0xFFFFFF70];
	v1 =	vadd.f32 v3, v1  }
0x16e: {  	v12 =	vld [tilespmem:s30+$0xFFFFFF90];
	v2 =	vadd.f32 v57, v2  }
0x16f: {  	v13 =	vld [tilespmem:s30+$0xFFFFFFA0];
	v1 =	vadd.f32 v58, v1  }
0x170: {  	v3 =	vld [tilespmem:s30+$0xFFFFFF80];
	v2 =	vadd.f32 v59, v2  }
0x171: {  	v14 =	vld [tilespmem:s30+$0xFFFFFFB0];
	v1 =	vadd.f32 v60, v1  }
0x172: {  	v15 =	vld [tilespmem:s30+$0xFFFFFFC0];
	v2 =	vadd.f32 v61, v2  }
0x173: {  	v16 =	vld [tilespmem:s30+$0xFFFFFFD0];
	v1 =	vadd.f32 v62, v1  }
0x174: {  	v17 =	vld [tilespmem:s30+$0xFFFFFFE0];
	v2 =	vadd.f32 v63, v2  }
0x175: {  	v18 =	vld [tilespmem:s30+$0xFFFFFFF0];
	v1 =	vadd.f32 v3, v1  }
0x176: {  	v19 =	vld [tilespmem:s30+$0x10];
	v2 =	vadd.f32 v12, v2  }
0x177: {  	v20 =	vld [tilespmem:s30+$0x20];
	v1 =	vadd.f32 v13, v1  }
0x178: {  	v3 =	vld [tilespmem:s30+$0x0];
	v2 =	vadd.f32 v14, v2  }
0x179: {  	v21 =	vld [tilespmem:s30+$0x30];
	v1 =	vadd.f32 v15, v1  }
0x17a: {  	v22 =	vld [tilespmem:s30+$0x40];
	v2 =	vadd.f32 v16, v2  }
0x17b: {  	v23 =	vld [tilespmem:s30+$0x50];
	v1 =	vadd.f32 v17, v1  }
0x17c: {  	v24 =	vld [tilespmem:s30+$0x60];
	v2 =	vadd.f32 v18, v2  }
0x17d: {  	v25 =	vld [tilespmem:s30+$0x70];
	v1 =	vadd.f32 v3, v1  }
0x17e: {  	v26 =	vld [tilespmem:s30+$0x90];
	v2 =	vadd.f32 v19, v2  }
0x17f: {  	v27 =	vld [tilespmem:s30+$0xA0];
	v1 =	vadd.f32 v20, v1  }
0x180: {  	v3 =	vld [tilespmem:s30+$0x80];
	v2 =	vadd.f32 v21, v2  }
0x181: {  	v28 =	vld [tilespmem:s30+$0xB0];
	v1 =	vadd.f32 v22, v1  }
0x182: {  	v29 =	vld [tilespmem:s30+$0xC0];
	v2 =	vadd.f32 v23, v2  }
0x183: {  	v30 =	vld [tilespmem:s30+$0xD0];
	v1 =	vadd.f32 v24, v1  }
0x184: {  	v31 =	vld [tilespmem:s30+$0xE0];
	v2 =	vadd.f32 v25, v2  }
0x185: {  	v32 =	vld [tilespmem:s30+$0xF0];
	v1 =	vadd.f32 v3, v1  }
0x186: {  	v33 =	vld [tilespmem:s30+$0x110];
	v2 =	vadd.f32 v26, v2  }
0x187: {  	v34 =	vld [tilespmem:s30+$0x120];
	v1 =	vadd.f32 v27, v1  }
0x188: {  	v3 =	vld [tilespmem:s30+$0x100];
	v2 =	vadd.f32 v28, v2  }
0x189: {  	v35 =	vld [tilespmem:s30+$0x130];
	v1 =	vadd.f32 v29, v1  }
0x18a: {  	v36 =	vld [tilespmem:s30+$0x140];
	v2 =	vadd.f32 v30, v2  }
0x18b: {  	v37 =	vld [tilespmem:s30+$0x150];
	v1 =	vadd.f32 v31, v1  }
0x18c: {  	v38 =	vld [tilespmem:s30+$0x160];
	v2 =	vadd.f32 v32, v2  }
0x18d: {  	v39 =	vld [tilespmem:s30+$0x170];
	v1 =	vadd.f32 v3, v1  }
0x18e: {  	v40 =	vld [tilespmem:s30+$0x190];
	v2 =	vadd.f32 v33, v2  }
0x18f: {  	v41 =	vld [tilespmem:s30+$0x1A0];
	v1 =	vadd.f32 v34, v1  }
0x190: {  	v3 =	vld [tilespmem:s30+$0x180];
	v2 =	vadd.f32 v35, v2  }
0x191: {  	v42 =	vld [tilespmem:s30+$0x1B0];
	v1 =	vadd.f32 v36, v1  }
0x192: {  	v43 =	vld [tilespmem:s30+$0x1C0];
	v2 =	vadd.f32 v37, v2  }
0x193: {  	v44 =	vld [tilespmem:s30+$0x1D0];
	v1 =	vadd.f32 v38, v1  }
0x194: {  	v45 =	vld [tilespmem:s30+$0x1E0];
	v2 =	vadd.f32 v39, v2  }
0x195: {  	v46 =	vld [tilespmem:s30+$0x1F0];
	v1 =	vadd.f32 v3, v1  }
0x196: {  	v47 =	vld [tilespmem:s30+$0x210];
	v2 =	vadd.f32 v40, v2  }
0x197: {  	v48 =	vld [tilespmem:s30+$0x220];
	v1 =	vadd.f32 v41, v1  }
0x198: {  	v3 =	vld [tilespmem:s30+$0x200];
	v2 =	vadd.f32 v42, v2  }
0x199: {  	v49 =	vld [tilespmem:s30+$0x230];
	v1 =	vadd.f32 v43, v1  }
0x19a: {  	v50 =	vld [tilespmem:s30+$0x240];
	v2 =	vadd.f32 v44, v2  }
0x19b: {  	v51 =	vld [tilespmem:s30+$0x250];
	v1 =	vadd.f32 v45, v1  }
0x19c: {  	v52 =	vld [tilespmem:s30+$0x260];
	v2 =	vadd.f32 v46, v2  }
0x19d: {  	s18 =	sadd.s32 s0, s11;
	v53 =	vld [tilespmem:s30+$0x270];
	v1 =	vadd.f32 v3, v1  }
0x19e: {  	s18 =	smulhi.u32 $0x51EB851F, s18;
	v54 =	vld [tilespmem:s30+$0x290];
	v2 =	vadd.f32 v47, v2  }
0x19f: {  	v55 =	vld [tilespmem:s30+$0x2A0];
	v1 =	vadd.f32 v48, v1  }
0x1a0: {  	s18 =	sshll.u32 s18, $0x1;
	v3 =	vld [tilespmem:s30+$0x280];
	v2 =	vadd.f32 v49, v2  }
0x1a1: {  	s18 =	sand.u32 $0xFFFFFFE0, s18;
	v56 =	vld [tilespmem:s30+$0x2B0];
	v1 =	vadd.f32 v50, v1  }
0x1a2: {  	s18 =	ssub.s32 s18, s10;
	v57 =	vld [tilespmem:s30+$0x2C0];
	v2 =	vadd.f32 v51, v2  }
0x1a3: {  	v59 =	vld [tilespmem:s18+$0x1BC80];
	v1 =	vadd.f32 v52, v1  }
0x1a4: {  	v58 =	vld [tilespmem:s30+$0x2D0];
	v2 =	vadd.f32 v53, v2  }
0x1a5: {  	v60 =	vld [tilespmem:s30+$0x2E0];
	v1 =	vadd.f32 v3, v1  }
0x1a6: {  	v61 =	vld [tilespmem:s30+$0x300];
	v2 =	vadd.f32 v54, v2  }
0x1a7: {  	v3 =	vld [tilespmem:s30+$0x2F0];
	v1 =	vadd.f32 v55, v1  }
0x1a8: {  	v62 =	vld [tilespmem:s30+$0x310];
	[tilespmem:s28+$0xFFFFFFE0] =	vst v59;
	v2 =	vadd.f32 v56, v2  }
0x1a9: {  	v63 =	vld [tilespmem:s18+$0x1BC90];
	v1 =	vadd.f32 v57, v1  }
0x1aa: {  	v2 =	vadd.f32 v58, v2  }
0x1ab: {  	p0 =	sne.s32 s0, $0x1F;
	v1 =	vadd.f32 v60, v1  }
.Ltmp2:
0x1ac: {  	v2 =	vadd.f32 v3, v2;
	(pc) =	sbr.rel @p0 .LBB2_7-.Ltmp2, $4  }
0x1ad: {  	v1 =	vadd.f32 v61, v1  }
0x1ae: {  	[tilespmem:s28+$0xFFFFFFF0] =	vst v63;
	v2 =	vadd.f32 v62, v2  }
0x1af: {  	[tilespmem:s28+$0x0] =	vst v1  }
0x1b0: {  	s0 =	sadd.s32 $0x1, s0;
	s30 =	sadd.s32 $0x640, s30;
	[tilespmem:s28+$0x10] =	vst v2;
	s28 =	sadd.s32 $0x80, s28  }
0x1b1: {  	s0 =	sshll.u32 s25, $0x4;
	p0 =	seq.s32 s21, $0x18  }
.Ltmp3:
0x1b2: {  	s0 =	sadd.s32 s6, s0;
	(pc) =	sbr.rel @p0 .LBB2_10-.Ltmp3, $4  }
0x1b3: {  	[hbm4b:s0+s2] =	stream.linear.scatter [tilespmem:s12], [sflag:$0x3], $0x1000, $0x38;
	[tilespmem:$0x1C300] =	vst v63  }
0x1b4: {  	_ =	swait.ge [sflag:s16], $0x1000  }
0x1b5: {  	[sflag:s16] =	ssyncset.done $0x0  }
0x1b6: {  	[sflag:s16] =	ssyncadd.s32 $0xFFFFF000  }
0x1b7: {  	s0 =	smul.u32 $0xC80, s21  }
0x1b8: {  	s18 =	rddreg [dreg:$0x6]  }
0x1b9: {  	s0 =	sadd.s32 s0, s18  }
0x1ba: {  	s0 =	sshrl.u32 s0, $0x3  }
0x1bb: {  	s0 =	sadd.s32 s3, s0  }
0x1bc: {  	[tilespmem:s2], [sflag:$0x3] =	stream.linear.gather [hbm4b:s0+s2], $0x640, $0x38;
	[tilespmem:$0x1C300] =	vst v63  }
0x1bd: {  	_ =	swait.ge [sflag:s16], $0x640  }
0x1be: {  	[sflag:s16] =	ssyncset.done $0x0  }
0x1bf: {  	s28 =	simm.s32 $0xC80;
	[sflag:s16] =	ssyncadd.s32 $0xFFFFF9C0  }
0x1c0: {  	[tilespmem:s28], [sflag:$0x1] =	stream.indirect.gather [hbm4b:s4+s17], $0x20, s2, s17, $0xb8;
	[tilespmem:$0x1C300] =	vst v63  }
0x1c1: {  	s30 =	simm.s32 $0x1680  }
0x1c2: {  	[tilespmem:s30], [sflag:$0x1] =	stream.indirect.gather [hbm4b:s4+s17], $0x20, s17, s17, $0xb8;
	[tilespmem:$0x1C300] =	vst v63  }
0x1c3: {  	s25 =	simm.s32 $0xA0;
	s18 =	simm.s32 $0x2080  }
0x1c4: {  	[tilespmem:s18], [sflag:$0x1] =	stream.indirect.gather [hbm4b:s4+s17], $0x20, s25, s17, $0xb8;
	[tilespmem:$0x1C300] =	vst v63  }
0x1c5: {  	s28 =	simm.s32 $0x2A80;
	s30 =	simm.s32 $0xF0  }
0x1c6: {  	[tilespmem:s28], [sflag:$0x1] =	stream.indirect.gather [hbm4b:s4+s17], $0x20, s30, s17, $0xb8;
	[tilespmem:$0x1C300] =	vst v63  }
0x1c7: {  	s18 =	simm.s32 $0x3480;
	s25 =	simm.s32 $0x140  }
0x1c8: {  	[tilespmem:s18], [sflag:$0x1] =	stream.indirect.gather [hbm4b:s4+s17], $0x20, s25, s17, $0xb8;
	[tilespmem:$0x1C300] =	vst v63  }
0x1c9: {  	s28 =	simm.s32 $0x3E80;
	s30 =	simm.s32 $0x190  }
0x1ca: {  	[tilespmem:s28], [sflag:$0x1] =	stream.indirect.gather [hbm4b:s4+s17], $0x20, s30, s17, $0xb8;
	[tilespmem:$0x1C300] =	vst v63  }
0x1cb: {  	s18 =	simm.s32 $0x4880;
	s25 =	simm.s32 $0x1E0  }
0x1cc: {  	[tilespmem:s18], [sflag:$0x1] =	stream.indirect.gather [hbm4b:s4+s17], $0x20, s25, s17, $0xb8;
	[tilespmem:$0x1C300] =	vst v63  }
0x1cd: {  	s28 =	simm.s32 $0x5280;
	s30 =	simm.s32 $0x230  }
0x1ce: {  	[tilespmem:s28], [sflag:$0x1] =	stream.indirect.gather [hbm4b:s4+s17], $0x20, s30, s17, $0xb8;
	[tilespmem:$0x1C300] =	vst v63  }
0x1cf: {  	s18 =	simm.s32 $0x280;
	s25 =	simm.s32 $0x5C80  }
0x1d0: {  	[tilespmem:s25], [sflag:$0x1] =	stream.indirect.gather [hbm4b:s4+s17], $0x20, s18, s17, $0xb8;
	[tilespmem:$0x1C300] =	vst v63  }
0x1d1: {  	s28 =	simm.s32 $0x2D0;
	s30 =	simm.s32 $0x6680  }
0x1d2: {  	[tilespmem:s30], [sflag:$0x1] =	stream.indirect.gather [hbm4b:s4+s17], $0x20, s28, s17, $0xb8;
	[tilespmem:$0x1C300] =	vst v63  }
0x1d3: {  	s18 =	simm.s32 $0x320;
	s25 =	simm.s32 $0x7080  }
0x1d4: {  	[tilespmem:s25], [sflag:$0x1] =	stream.indirect.gather [hbm4b:s4+s17], $0x20, s18, s17, $0xb8;
	[tilespmem:$0x1C300] =	vst v63  }
0x1d5: {  	s28 =	simm.s32 $0x370;
	s30 =	simm.s32 $0x7A80  }
0x1d6: {  	[tilespmem:s30], [sflag:$0x1] =	stream.indirect.gather [hbm4b:s4+s17], $0x20, s28, s17, $0xb8;
	[tilespmem:$0x1C300] =	vst v63  }
0x1d7: {  	s18 =	simm.s32 $0x3C0;
	s25 =	simm.s32 $0x8480  }
0x1d8: {  	[tilespmem:s25], [sflag:$0x1] =	stream.indirect.gather [hbm4b:s4+s17], $0x20, s18, s17, $0xb8;
	[tilespmem:$0x1C300] =	vst v63  }
0x1d9: {  	s28 =	simm.s32 $0x410;
	s30 =	simm.s32 $0x8E80  }
0x1da: {  	[tilespmem:s30], [sflag:$0x1] =	stream.indirect.gather [hbm4b:s4+s17], $0x20, s28, s17, $0xb8;
	[tilespmem:$0x1C300] =	vst v63  }
0x1db: {  	s18 =	simm.s32 $0x460;
	s25 =	simm.s32 $0x9880  }
0x1dc: {  	[tilespmem:s25], [sflag:$0x1] =	stream.indirect.gather [hbm4b:s4+s17], $0x20, s18, s17, $0xb8;
	[tilespmem:$0x1C300] =	vst v63  }
0x1dd: {  	s28 =	simm.s32 $0x4B0;
	s30 =	simm.s32 $0xA280  }
0x1de: {  	[tilespmem:s30], [sflag:$0x1] =	stream.indirect.gather [hbm4b:s4+s17], $0x20, s28, s17, $0xb8;
	[tilespmem:$0x1C300] =	vst v63  }
0x1df: {  	s18 =	simm.s32 $0x500;
	s25 =	simm.s32 $0xAC80  }
0x1e0: {  	[tilespmem:s25], [sflag:$0x1] =	stream.indirect.gather [hbm4b:s4+s17], $0x20, s18, s17, $0xb8;
	[tilespmem:$0x1C300] =	vst v63  }
0x1e1: {  	s28 =	simm.s32 $0x550;
	s30 =	simm.s32 $0xB680  }
0x1e2: {  	[tilespmem:s30], [sflag:$0x1] =	stream.indirect.gather [hbm4b:s4+s17], $0x20, s28, s17, $0xb8;
	[tilespmem:$0x1C300] =	vst v63  }
0x1e3: {  	s18 =	simm.s32 $0x5A0;
	s25 =	simm.s32 $0xC080  }
0x1e4: {  	[tilespmem:s25], [sflag:$0x1] =	stream.indirect.gather [hbm4b:s4+s17], $0x20, s18, s17, $0xb8;
	[tilespmem:$0x1C300] =	vst v63  }
0x1e5: {  	s28 =	simm.s32 $0x5F0;
	s30 =	simm.s32 $0xCA80  }
0x1e6: {  	[tilespmem:s30], [sflag:$0x1] =	stream.indirect.gather [hbm4b:s4+s17], $0x20, s28, s17, $0xb8;
	[tilespmem:$0x1C300] =	vst v63  }
.LBB2_10:
0x1e7: {  	_ =	swait.ge [sflag:s7], $0xA00  }
0x1e8: {  	[sflag:s7] =	ssyncset.done $0x0  }
0x1e9: {  	[sflag:s7] =	ssyncadd.s32 $0xFFFFF600  }
0x1ea: {  	_ =	swait.ge [sflag:s7], $0xA00  }
0x1eb: {  	[sflag:s7] =	ssyncset.done $0x0  }
0x1ec: {  	[sflag:s7] =	ssyncadd.s32 $0xFFFFF600  }
0x1ed: {  	_ =	swait.ge [sflag:s7], $0xA00  }
0x1ee: {  	[sflag:s7] =	ssyncset.done $0x0  }
0x1ef: {  	[sflag:s7] =	ssyncadd.s32 $0xFFFFF600  }
0x1f0: {  	_ =	swait.ge [sflag:s7], $0xA00  }
0x1f1: {  	[sflag:s7] =	ssyncset.done $0x0  }
0x1f2: {  	[sflag:s7] =	ssyncadd.s32 $0xFFFFF600  }
0x1f3: {  	_ =	swait.ge [sflag:s7], $0xA00  }
0x1f4: {  	[sflag:s7] =	ssyncset.done $0x0  }
0x1f5: {  	[sflag:s7] =	ssyncadd.s32 $0xFFFFF600  }
0x1f6: {  	_ =	swait.ge [sflag:s7], $0xA00  }
0x1f7: {  	[sflag:s7] =	ssyncset.done $0x0  }
0x1f8: {  	[sflag:s7] =	ssyncadd.s32 $0xFFFFF600  }
0x1f9: {  	_ =	swait.ge [sflag:s7], $0xA00  }
0x1fa: {  	[sflag:s7] =	ssyncset.done $0x0  }
0x1fb: {  	[sflag:s7] =	ssyncadd.s32 $0xFFFFF600  }
0x1fc: {  	_ =	swait.ge [sflag:s7], $0xA00  }
0x1fd: {  	[sflag:s7] =	ssyncset.done $0x0  }
0x1fe: {  	[sflag:s7] =	ssyncadd.s32 $0xFFFFF600  }
0x1ff: {  	_ =	swait.ge [sflag:s7], $0xA00  }
0x200: {  	[sflag:s7] =	ssyncset.done $0x0  }
0x201: {  	[sflag:s7] =	ssyncadd.s32 $0xFFFFF600  }
0x202: {  	_ =	swait.ge [sflag:s7], $0xA00  }
0x203: {  	[sflag:s7] =	ssyncset.done $0x0  }
0x204: {  	[sflag:s7] =	ssyncadd.s32 $0xFFFFF600  }
0x205: {  	_ =	swait.ge [sflag:s7], $0xA00  }
0x206: {  	[sflag:s7] =	ssyncset.done $0x0  }
0x207: {  	[sflag:s7] =	ssyncadd.s32 $0xFFFFF600  }
0x208: {  	_ =	swait.ge [sflag:s7], $0xA00  }
0x209: {  	[sflag:s7] =	ssyncset.done $0x0  }
0x20a: {  	[sflag:s7] =	ssyncadd.s32 $0xFFFFF600  }
0x20b: {  	_ =	swait.ge [sflag:s7], $0xA00  }
0x20c: {  	[sflag:s7] =	ssyncset.done $0x0  }
0x20d: {  	[sflag:s7] =	ssyncadd.s32 $0xFFFFF600  }
0x20e: {  	_ =	swait.ge [sflag:s7], $0xA00  }
0x20f: {  	[sflag:s7] =	ssyncset.done $0x0  }
0x210: {  	[sflag:s7] =	ssyncadd.s32 $0xFFFFF600  }
0x211: {  	_ =	swait.ge [sflag:s7], $0xA00  }
0x212: {  	[sflag:s7] =	ssyncset.done $0x0  }
0x213: {  	[sflag:s7] =	ssyncadd.s32 $0xFFFFF600  }
0x214: {  	_ =	swait.ge [sflag:s7], $0xA00  }
0x215: {  	[sflag:s7] =	ssyncset.done $0x0  }
0x216: {  	[sflag:s7] =	ssyncadd.s32 $0xFFFFF600  }
0x217: {  	_ =	swait.ge [sflag:s7], $0xA00  }
0x218: {  	[sflag:s7] =	ssyncset.done $0x0  }
0x219: {  	[sflag:s7] =	ssyncadd.s32 $0xFFFFF600  }
0x21a: {  	_ =	swait.ge [sflag:s7], $0xA00  }
0x21b: {  	[sflag:s7] =	ssyncset.done $0x0  }
0x21c: {  	[sflag:s7] =	ssyncadd.s32 $0xFFFFF600  }
0x21d: {  	_ =	swait.ge [sflag:s7], $0xA00  }
0x21e: {  	[sflag:s7] =	ssyncset.done $0x0  }
0x21f: {  	[sflag:s7] =	ssyncadd.s32 $0xFFFFF600  }
0x220: {  	s0 =	sshll.u32 s23, $0x5;
	_ =	swait.ge [sflag:s7], $0xA00  }
0x221: {  	s25 =	simm.s32 $0x0;
	s28 =	simm.s32 $0x1ACA0;
	[sflag:s7] =	ssyncset.done $0x0  }
0x222: {  	s23 =	sadd.s32 s9, s0;
	s0 =	simm.s32 $0xD7A0;
	[sflag:s7] =	ssyncadd.s32 $0xFFFFF600  }
.LBB2_11:
0x223: {  	v1 =	vld [tilespmem:s0+$0xFFFFFCE0]  }
0x224: {  	v2 =	vld [tilespmem:s0+$0xFFFFFCF0]  }
0x225: {  	v3 =	vld [tilespmem:s0+$0xFFFFFD00]  }
0x226: {  	v4 =	vld [tilespmem:s0+$0xFFFFFD10]  }
0x227: {  	v5 =	vld [tilespmem:s0+$0xFFFFFD20]  }
0x228: {  	v6 =	vld [tilespmem:s0+$0xFFFFFD30]  }
0x229: {  	v7 =	vld [tilespmem:s0+$0xFFFFFD40]  }
0x22a: {  	v8 =	vld [tilespmem:s0+$0xFFFFFD50];
	v1 =	vadd.f32 $0.0e+00, v1  }
0x22b: {  	v9 =	vld [tilespmem:s0+$0xFFFFFD60];
	v2 =	vadd.f32 $0.0e+00, v2  }
0x22c: {  	v10 =	vld [tilespmem:s0+$0xFFFFFD70];
	v1 =	vadd.f32 v3, v1  }
0x22d: {  	v36 =	vld [tilespmem:s0+$0xFFFFFD90];
	v2 =	vadd.f32 v4, v2  }
0x22e: {  	v37 =	vld [tilespmem:s0+$0xFFFFFDA0];
	v1 =	vadd.f32 v5, v1  }
0x22f: {  	v3 =	vld [tilespmem:s0+$0xFFFFFD80];
	v2 =	vadd.f32 v6, v2  }
0x230: {  	v38 =	vld [tilespmem:s0+$0xFFFFFDB0];
	v1 =	vadd.f32 v7, v1  }
0x231: {  	v39 =	vld [tilespmem:s0+$0xFFFFFDC0];
	v2 =	vadd.f32 v8, v2  }
0x232: {  	v40 =	vld [tilespmem:s0+$0xFFFFFDD0];
	v1 =	vadd.f32 v9, v1  }
0x233: {  	v41 =	vld [tilespmem:s0+$0xFFFFFDE0];
	v2 =	vadd.f32 v10, v2  }
0x234: {  	v42 =	vld [tilespmem:s0+$0xFFFFFDF0];
	v1 =	vadd.f32 v3, v1  }
0x235: {  	v43 =	vld [tilespmem:s0+$0xFFFFFE10];
	v2 =	vadd.f32 v36, v2  }
0x236: {  	v44 =	vld [tilespmem:s0+$0xFFFFFE20];
	v1 =	vadd.f32 v37, v1  }
0x237: {  	v3 =	vld [tilespmem:s0+$0xFFFFFE00];
	v2 =	vadd.f32 v38, v2  }
0x238: {  	v45 =	vld [tilespmem:s0+$0xFFFFFE30];
	v1 =	vadd.f32 v39, v1  }
0x239: {  	v46 =	vld [tilespmem:s0+$0xFFFFFE40];
	v2 =	vadd.f32 v40, v2  }
0x23a: {  	v47 =	vld [tilespmem:s0+$0xFFFFFE50];
	v1 =	vadd.f32 v41, v1  }
0x23b: {  	v48 =	vld [tilespmem:s0+$0xFFFFFE60];
	v2 =	vadd.f32 v42, v2  }
0x23c: {  	v49 =	vld [tilespmem:s0+$0xFFFFFE70];
	v1 =	vadd.f32 v3, v1  }
0x23d: {  	v50 =	vld [tilespmem:s0+$0xFFFFFE90];
	v2 =	vadd.f32 v43, v2  }
0x23e: {  	v51 =	vld [tilespmem:s0+$0xFFFFFEA0];
	v1 =	vadd.f32 v44, v1  }
0x23f: {  	v3 =	vld [tilespmem:s0+$0xFFFFFE80];
	v2 =	vadd.f32 v45, v2  }
0x240: {  	v52 =	vld [tilespmem:s0+$0xFFFFFEB0];
	v1 =	vadd.f32 v46, v1  }
0x241: {  	v53 =	vld [tilespmem:s0+$0xFFFFFEC0];
	v2 =	vadd.f32 v47, v2  }
0x242: {  	v54 =	vld [tilespmem:s0+$0xFFFFFED0];
	v1 =	vadd.f32 v48, v1  }
0x243: {  	v55 =	vld [tilespmem:s0+$0xFFFFFEE0];
	v2 =	vadd.f32 v49, v2  }
0x244: {  	v56 =	vld [tilespmem:s0+$0xFFFFFEF0];
	v1 =	vadd.f32 v3, v1  }
0x245: {  	v57 =	vld [tilespmem:s0+$0xFFFFFF10];
	v2 =	vadd.f32 v50, v2  }
0x246: {  	v58 =	vld [tilespmem:s0+$0xFFFFFF20];
	v1 =	vadd.f32 v51, v1  }
0x247: {  	v3 =	vld [tilespmem:s0+$0xFFFFFF00];
	v2 =	vadd.f32 v52, v2  }
0x248: {  	v59 =	vld [tilespmem:s0+$0xFFFFFF30];
	v1 =	vadd.f32 v53, v1  }
0x249: {  	v60 =	vld [tilespmem:s0+$0xFFFFFF40];
	v2 =	vadd.f32 v54, v2  }
0x24a: {  	v61 =	vld [tilespmem:s0+$0xFFFFFF50];
	v1 =	vadd.f32 v55, v1  }
0x24b: {  	v62 =	vld [tilespmem:s0+$0xFFFFFF60];
	v2 =	vadd.f32 v56, v2  }
0x24c: {  	v63 =	vld [tilespmem:s0+$0xFFFFFF70];
	v1 =	vadd.f32 v3, v1  }
0x24d: {  	v12 =	vld [tilespmem:s0+$0xFFFFFF90];
	v2 =	vadd.f32 v57, v2  }
0x24e: {  	v13 =	vld [tilespmem:s0+$0xFFFFFFA0];
	v1 =	vadd.f32 v58, v1  }
0x24f: {  	v3 =	vld [tilespmem:s0+$0xFFFFFF80];
	v2 =	vadd.f32 v59, v2  }
0x250: {  	v14 =	vld [tilespmem:s0+$0xFFFFFFB0];
	v1 =	vadd.f32 v60, v1  }
0x251: {  	v15 =	vld [tilespmem:s0+$0xFFFFFFC0];
	v2 =	vadd.f32 v61, v2  }
0x252: {  	v16 =	vld [tilespmem:s0+$0xFFFFFFD0];
	v1 =	vadd.f32 v62, v1  }
0x253: {  	v17 =	vld [tilespmem:s0+$0xFFFFFFE0];
	v2 =	vadd.f32 v63, v2  }
0x254: {  	v18 =	vld [tilespmem:s0+$0xFFFFFFF0];
	v1 =	vadd.f32 v3, v1  }
0x255: {  	v19 =	vld [tilespmem:s0+$0x10];
	v2 =	vadd.f32 v12, v2  }
0x256: {  	v20 =	vld [tilespmem:s0+$0x20];
	v1 =	vadd.f32 v13, v1  }
0x257: {  	v3 =	vld [tilespmem:s0+$0x0];
	v2 =	vadd.f32 v14, v2  }
0x258: {  	v21 =	vld [tilespmem:s0+$0x30];
	v1 =	vadd.f32 v15, v1  }
0x259: {  	v22 =	vld [tilespmem:s0+$0x40];
	v2 =	vadd.f32 v16, v2  }
0x25a: {  	v23 =	vld [tilespmem:s0+$0x50];
	v1 =	vadd.f32 v17, v1  }
0x25b: {  	v24 =	vld [tilespmem:s0+$0x60];
	v2 =	vadd.f32 v18, v2  }
0x25c: {  	v25 =	vld [tilespmem:s0+$0x70];
	v1 =	vadd.f32 v3, v1  }
0x25d: {  	v26 =	vld [tilespmem:s0+$0x90];
	v2 =	vadd.f32 v19, v2  }
0x25e: {  	v27 =	vld [tilespmem:s0+$0xA0];
	v1 =	vadd.f32 v20, v1  }
0x25f: {  	v3 =	vld [tilespmem:s0+$0x80];
	v2 =	vadd.f32 v21, v2  }
0x260: {  	v28 =	vld [tilespmem:s0+$0xB0];
	v1 =	vadd.f32 v22, v1  }
0x261: {  	v29 =	vld [tilespmem:s0+$0xC0];
	v2 =	vadd.f32 v23, v2  }
0x262: {  	v30 =	vld [tilespmem:s0+$0xD0];
	v1 =	vadd.f32 v24, v1  }
0x263: {  	v31 =	vld [tilespmem:s0+$0xE0];
	v2 =	vadd.f32 v25, v2  }
0x264: {  	v32 =	vld [tilespmem:s0+$0xF0];
	v1 =	vadd.f32 v3, v1  }
0x265: {  	v33 =	vld [tilespmem:s0+$0x110];
	v2 =	vadd.f32 v26, v2  }
0x266: {  	v34 =	vld [tilespmem:s0+$0x120];
	v1 =	vadd.f32 v27, v1  }
0x267: {  	v3 =	vld [tilespmem:s0+$0x100];
	v2 =	vadd.f32 v28, v2  }
0x268: {  	v35 =	vld [tilespmem:s0+$0x130];
	v1 =	vadd.f32 v29, v1  }
0x269: {  	v36 =	vld [tilespmem:s0+$0x140];
	v2 =	vadd.f32 v30, v2  }
0x26a: {  	v37 =	vld [tilespmem:s0+$0x150];
	v1 =	vadd.f32 v31, v1  }
0x26b: {  	v38 =	vld [tilespmem:s0+$0x160];
	v2 =	vadd.f32 v32, v2  }
0x26c: {  	v39 =	vld [tilespmem:s0+$0x170];
	v1 =	vadd.f32 v3, v1  }
0x26d: {  	v40 =	vld [tilespmem:s0+$0x190];
	v2 =	vadd.f32 v33, v2  }
0x26e: {  	v41 =	vld [tilespmem:s0+$0x1A0];
	v1 =	vadd.f32 v34, v1  }
0x26f: {  	v3 =	vld [tilespmem:s0+$0x180];
	v2 =	vadd.f32 v35, v2  }
0x270: {  	v42 =	vld [tilespmem:s0+$0x1B0];
	v1 =	vadd.f32 v36, v1  }
0x271: {  	v43 =	vld [tilespmem:s0+$0x1C0];
	v2 =	vadd.f32 v37, v2  }
0x272: {  	v44 =	vld [tilespmem:s0+$0x1D0];
	v1 =	vadd.f32 v38, v1  }
0x273: {  	v45 =	vld [tilespmem:s0+$0x1E0];
	v2 =	vadd.f32 v39, v2  }
0x274: {  	v46 =	vld [tilespmem:s0+$0x1F0];
	v1 =	vadd.f32 v3, v1  }
0x275: {  	v47 =	vld [tilespmem:s0+$0x210];
	v2 =	vadd.f32 v40, v2  }
0x276: {  	v48 =	vld [tilespmem:s0+$0x220];
	v1 =	vadd.f32 v41, v1  }
0x277: {  	v3 =	vld [tilespmem:s0+$0x200];
	v2 =	vadd.f32 v42, v2  }
0x278: {  	v49 =	vld [tilespmem:s0+$0x230];
	v1 =	vadd.f32 v43, v1  }
0x279: {  	v50 =	vld [tilespmem:s0+$0x240];
	v2 =	vadd.f32 v44, v2  }
0x27a: {  	v51 =	vld [tilespmem:s0+$0x250];
	v1 =	vadd.f32 v45, v1  }
0x27b: {  	v52 =	vld [tilespmem:s0+$0x260];
	v2 =	vadd.f32 v46, v2  }
0x27c: {  	s18 =	sadd.s32 s25, s14;
	v53 =	vld [tilespmem:s0+$0x270];
	v1 =	vadd.f32 v3, v1  }
0x27d: {  	s18 =	smulhi.u32 $0x51EB851F, s18;
	v54 =	vld [tilespmem:s0+$0x290];
	v2 =	vadd.f32 v47, v2  }
0x27e: {  	v55 =	vld [tilespmem:s0+$0x2A0];
	v1 =	vadd.f32 v48, v1  }
0x27f: {  	s18 =	sshll.u32 s18, $0x1;
	v3 =	vld [tilespmem:s0+$0x280];
	v2 =	vadd.f32 v49, v2  }
0x280: {  	s18 =	sand.u32 $0xFFFFFFE0, s18;
	v56 =	vld [tilespmem:s0+$0x2B0];
	v1 =	vadd.f32 v50, v1  }
0x281: {  	s18 =	ssub.s32 s18, s10;
	v57 =	vld [tilespmem:s0+$0x2C0];
	v2 =	vadd.f32 v51, v2  }
0x282: {  	v59 =	vld [tilespmem:s18+$0x1BC80];
	v1 =	vadd.f32 v52, v1  }
0x283: {  	v58 =	vld [tilespmem:s0+$0x2D0];
	v2 =	vadd.f32 v53, v2  }
0x284: {  	v60 =	vld [tilespmem:s0+$0x2E0];
	v1 =	vadd.f32 v3, v1  }
0x285: {  	v61 =	vld [tilespmem:s0+$0x300];
	v2 =	vadd.f32 v54, v2  }
0x286: {  	v3 =	vld [tilespmem:s0+$0x2F0];
	v1 =	vadd.f32 v55, v1  }
0x287: {  	v62 =	vld [tilespmem:s0+$0x310];
	[tilespmem:s28+$0xFFFFFFE0] =	vst v59;
	v2 =	vadd.f32 v56, v2  }
0x288: {  	v63 =	vld [tilespmem:s18+$0x1BC90];
	v1 =	vadd.f32 v57, v1  }
0x289: {  	v2 =	vadd.f32 v58, v2  }
0x28a: {  	p0 =	sne.s32 s25, $0x1F;
	v1 =	vadd.f32 v60, v1  }
.Ltmp4:
0x28b: {  	v2 =	vadd.f32 v3, v2;
	(pc) =	sbr.rel @p0 .LBB2_11-.Ltmp4, $4  }
0x28c: {  	v1 =	vadd.f32 v61, v1  }
0x28d: {  	[tilespmem:s28+$0xFFFFFFF0] =	vst v63;
	v2 =	vadd.f32 v62, v2  }
0x28e: {  	[tilespmem:s28+$0x0] =	vst v1  }
0x28f: {  	s25 =	sadd.s32 $0x1, s25;
	s0 =	sadd.s32 $0x640, s0;
	[tilespmem:s28+$0x10] =	vst v2;
	s28 =	sadd.s32 $0x80, s28  }
0x290: {  	s0 =	sshll.u32 s23, $0x4;
	s21 =	sadd.s32 $0x1, s21  }
0x291: {  	s0 =	sand.u32 $0x1FFFFE00, s0;
	p0 =	sne.s32 s21, $0x19  }
.Ltmp5:
0x292: {  	s0 =	sadd.s32 s6, s0;
	(pc) =	sbr.rel @p0 .LBB2_6-.Ltmp5, $4  }
0x293: {  	[hbm4b:s0+s2] =	stream.linear.scatter [tilespmem:s8], [sflag:$0x3], $0x1000, $0x38;
	[tilespmem:$0x1C300] =	vst v63  }
0x294: {  	_ =	swait.ge [sflag:s16], $0x1000  }
0x295: {  	[sflag:s16] =	ssyncset.done $0x0  }
0x296: {  	s11 =	sadd.s32 $0x40, s11;
	s14 =	sadd.s32 $0x40, s14;
	[sflag:s16] =	ssyncadd.s32 $0xFFFFF000  }
0x297: {  	s11 =	rddreg [dreg:$0x9]  }
0x298: {  	s0 =	rddreg [dreg:$0x7];
	s11 =	sadd.s32 $0x1, s11  }
0x299: {  	p0 =	sne.s32 s11, s0  }
.Ltmp6:
0x29a: {  	_ = 	snop;
	(pc) =	sbr.rel @p0 .LBB2_1-.Ltmp6, $1  }
0x29b: {  	_ =	sdelay $0x3  }
0x29c: {  	_ =	sfence.sel $0x180000  }
0x29d: {  	[bflag:$0x0] =	sbarrier.arrive $0xFFFF  }
0x29e: {  	_ =	strace $0x90000047  }
0x29f: {  	s0 =	stileid.u32;
	[bflag:$0x2] =	sbarrier.arrive $0xFFFF  }
0x2a0: {  	p0 =	sne.s32 s0, $0x0;
	s0 =	rddreg [dreg:$0x2]  }
0x2a1: {  	s0 =	sadd.s32 @!p0 $0x100000, s0  }
0x2a2: {  	[sflag:s0] =	ssyncadd.tile.s32 @!p0 $0x1;
	_ =	shalt  }
.Lfunc_end2:
_tile_overlayer_lowered:
.L_overlay_start_2:
0x2a3: {  	(tag) =	ssettag $0x2  }
0x2a4: {  	s0 =	rddreg [dreg:$0x0];
	s2 =	stileid.u32  }
0x2a5: {  	s1 =	rddreg [dreg:$0x1];
	p0 =	sne.s32 s2, $0x0  }
0x2a6: {  	s3 =	rddreg [dreg:$0x2];
	[bflag:$0x3] =	sbarrier.arrive $0xFFFF;
	s2 =	simm.s32 @!p0 $0x1C03  }
0x2a7: {  	[timem:s3], [sflag:s2] =	dma.local @!p0 [hbm:s0], s1  }
0x2a8: {  	s0 =	simm.s32 @!p0 $0x3  }
0x2a9: {  	_ =	swait.ge @!p0 [sflag:s0], s1  }
0x2aa: {  	s1 =	ssub.s32 @!p0 $0x0, s1;
	[sflag:s0] =	ssyncset.done @!p0 $0x0  }
0x2ab: {  	[sflag:s0] =	ssyncadd.s32 @!p0 s1  }
0x2ac: {  	[bflag:$0x3] =	sbarrier.arrive $0xFFFF  }
0x2ad: {  	_ =	shalt  }

</sc_bundles>
